<compile_context>
chip_gen: v7x
topology: tpu7x:2x2x1
jax: 0.10.2.dev20260603
libtpu: 0.0.44.dev20260713+nightly
codegen_flags: <defaults>
</compile_context>

<pallas_src>
import functools

import jax
import jax.numpy as jnp
from jax import lax
from jax.experimental import pallas as pl
from jax.experimental.pallas import tpu as pltpu
from jax.experimental.pallas import tpu_sc as plsc

_INFO = plsc.get_sparse_core_info()
_NC = _INFO.num_cores
_NS = _INFO.num_subcores
_NW = _NC * _NS
_L = _INFO.num_lanes


@jax.jit
def _sc_gather_t(tok_t, pe_weight):
    S, B0 = tok_t.shape
    V, D = pe_weight.shape
    DT, DI = D // 8, 8
    BT, BI = B0 // 128, 128
    BW = BT // _NW
    TOK_W = BW * BI
    SB = 100
    NG = S // SB

    mesh = plsc.VectorSubcoreMesh(core_axis_name="c", subcore_axis_name="s")

    @functools.partial(
        pl.kernel,
        mesh=mesh,
        out_type=jax.ShapeDtypeStruct((S, DT, BT, DI, BI), jnp.float32),
        scratch_types=[
            pltpu.VMEM((SB, TOK_W), jnp.int32),
            pltpu.VMEM((2, TOK_W, D), jnp.float32),
            pltpu.VMEM((2, D, TOK_W + 1), jnp.float32),
            pltpu.SemaphoreType.DMA,
            pltpu.SemaphoreType.DMA,
            pltpu.SemaphoreType.DMA,
            pltpu.SemaphoreType.DMA,
        ],
        compiler_params=pltpu.CompilerParams(
            use_tc_tiling_on_sc=False, needs_layout_passes=False
        ),
    )
    def k(idx_hbm, table_hbm, out_hbm, idx_v, rows_v, trans_v, sg0, sg1,
          so0, so1):
        wid = lax.axis_index("s") * _NC + lax.axis_index("c")
        b0 = wid * TOK_W
        iota = lax.iota(jnp.int32, _L)
        sgs = (sg0, sg1)
        sos = (so0, so1)

        def gather(sl, p):
            return pltpu.make_async_copy(
                table_hbm.at[idx_v.at[sl]], rows_v.at[p], sgs[p]
            )

        def out_copies(s, p):
            return [
                pltpu.make_async_copy(
                    trans_v.at[p, pl.ds(dt * DI, DI), pl.ds(btl * BI, BI)],
                    out_hbm.at[s, dt, wid * BW + btl],
                    sos[p],
                )
                for dt in range(DT)
                for btl in range(BW)
            ]

        def transpose(p):
            rows = rows_v.at[p]
            tr = trans_v.at[p]
            dvs = [d0 + iota for d0 in range(0, D, _L)]

            @plsc.parallel_loop(0, TOK_W, unroll=4)
            def _(t):
                tok = jnp.full((_L,), t, jnp.int32)
                for h, dv in enumerate(dvs):
                    vec = rows[t, pl.ds(h * _L, _L)]
                    plsc.store_scatter(tr, [dv, tok], vec)

        def step(gi, sl, p):
            s = gi * SB + sl
            gather(sl, p).wait()

            @pl.when(s >= 2)
            def _():
                for c in out_copies(jnp.maximum(s - 2, 0), p):
                    c.wait()

            transpose(p)
            gather(jnp.minimum(sl + 2, SB - 1), p).start()
            for c in out_copies(s, p):
                c.start()

        def outer(gi, carry):
            pltpu.sync_copy(
                idx_hbm.at[pl.ds(gi * SB, SB), pl.ds(b0, TOK_W)], idx_v
            )
            gather(0, 0).start()
            gather(1, 1).start()

            def inner(si, c2):
                step(gi, 2 * si, 0)
                step(gi, 2 * si + 1, 1)
                return c2

            lax.fori_loop(0, SB // 2, inner, 0)
            gather(SB - 1, 0).wait()
            gather(SB - 1, 1).wait()
            return carry

        lax.fori_loop(0, NG, outer, 0)
        for p in range(2):
            for c in out_copies(S - 2 + p, p):
                c.wait()

    return k(tok_t, pe_weight)


def kernel(tok, pe_weight):
    B0, S = tok.shape
    V, D = pe_weight.shape
    out_lin = _sc_gather_t(tok.T, pe_weight)
    return out_lin.transpose(2, 4, 0, 1, 3).reshape(B0, S, D)

# --- scband reference (transcript-rebuilt; emitter-appended) ---
"""Pipeline reference for scband-non-continuous-positional-encoding-54322746360576 (READ-ONLY COPY).

The authoritative reference and input builder live on the scoring server;
editing this copy changes nothing except your own understanding.
"""

import jax, jax.numpy as jnp
import numpy as np

MAX_LEN = 100000
EMB_SIZE = 32

def setup_inputs(seed: int = 0) -> dict:
    key = jax.random.key(seed)
    k_tok, k_pe = jax.random.split(key)
    tok = jax.random.randint(k_tok, (16384, 200), 0, MAX_LEN, dtype=jnp.int64 if jax.config.read('jax_enable_x64') else jnp.int32)
    pe_weight = jax.random.normal(k_pe, (MAX_LEN, EMB_SIZE), dtype=jnp.float32)
    return {"tok": tok, "pe_weight": pe_weight}

def reference(tok, pe_weight):
    # nn.Embedding lookup: out = pe.weight[tok]
    out = jnp.take(pe_weight, tok, axis=0)
    return out

if __name__ == "__main__":
    import jax
    _d = setup_inputs()
    print(jax.jit(kernel)(*tuple(_d.values())))

</pallas_src>

<mosaic_0001>
#map = affine_map<(d0, d1) -> (0, 0)>
#map1 = affine_map<(d0, d1) -> (0, 0, 0, 0, 0)>
module attributes {stable_mosaic.version = 14 : i64} {
  func.func @k(%arg0: i32, %arg1: i32, %arg2: memref<200x16384xi32, #tpu.memory_space<hbm>>, %arg3: memref<100000x32xf32, #tpu.memory_space<hbm>>, %arg4: memref<200x4x128x8x128xf32, #tpu.memory_space<hbm>>, %arg5: memref<100x512xi32, #tpu.memory_space<vmem>>, %arg6: memref<2x512x32xf32, #tpu.memory_space<vmem>>, %arg7: memref<2x32x513xf32, #tpu.memory_space<vmem>>, %arg8: memref<!tpu.dma_semaphore, #tpu.memory_space<semaphore_mem>>, %arg9: memref<!tpu.dma_semaphore, #tpu.memory_space<semaphore_mem>>, %arg10: memref<!tpu.dma_semaphore, #tpu.memory_space<semaphore_mem>>, %arg11: memref<!tpu.dma_semaphore, #tpu.memory_space<semaphore_mem>>) attributes {dimension_semantics = [#tpu.dimension_semantics<core_parallel>, #tpu.dimension_semantics<subcore_parallel>], iteration_bounds = array<i64: 2, 16>, scalar_prefetch = 0 : i64, scratch_operands = 7 : i64, tpu.core_type = #tpu.core_type<sc_vector_subcore>, window_params = [{transform_indices = #map}, {transform_indices = #map}, {transform_indices = #map1}]} {
    %mul3A = arith.constant 2 : i32
    %mul3A_0 = arith.muli %arg1, %mul3A : i32
    %add3A = arith.addi %mul3A_0, %arg0 : i32
    %mul3A_1 = arith.constant 512 : i32
    %mul3A_2 = arith.muli %add3A, %mul3A_1 : i32
    %iota3A = tpu.iota {dimensions = array<i32: 0>} : vector<16xi32>
    %scan3A = arith.constant 0 : i32
    %scan3A_3 = arith.constant 0 : i32
    %scan3A_4 = arith.constant 2 : i32
    %scan3A_5 = arith.addi %scan3A_3, %scan3A_4 : i32
    %scan3A_6 = arith.constant 1 : i32
    scf.for %scan3A_743 = %scan3A_3 to %scan3A_5 step %scan3A_6  : i32 {
      %mul3A_744 = arith.constant 100 : i32
      %mul3A_745 = arith.muli %scan3A_743, %mul3A_744 : i32
      "tpu.region"() ({
        %run_scoped3A = tpu.sem_alloc : memref<!tpu.dma_semaphore, #tpu.memory_space<semaphore_mem>>
        %dma_start3A_799 = tpu.memref_slice %arg2[%mul3A_745, %mul3A_2] : memref<200x16384xi32, #tpu.memory_space<hbm>> -> memref<100x512xi32, #tpu.memory_space<hbm>>
        %dma_start3A_800 = tpu.memref_slice %arg2[%mul3A_745, %mul3A_2] : memref<200x16384xi32, #tpu.memory_space<hbm>> -> memref<100x512xi32, #tpu.memory_space<hbm>>
        tpu.enqueue_dma source(%dma_start3A_800 : memref<100x512xi32, #tpu.memory_space<hbm>>) target(%arg5 : memref<100x512xi32, #tpu.memory_space<vmem>>) target_semaphore(%run_scoped3A : memref<!tpu.dma_semaphore, #tpu.memory_space<semaphore_mem>>)
        %dma_wait3A_801 = tpu.memref_slice %arg2[%mul3A_745, %mul3A_2] : memref<200x16384xi32, #tpu.memory_space<hbm>> -> memref<100x512xi32, #tpu.memory_space<hbm>>
        %dma_wait3A_802 = tpu.memref_slice %arg2[%mul3A_745, %mul3A_2] : memref<200x16384xi32, #tpu.memory_space<hbm>> -> memref<100x512xi32, #tpu.memory_space<hbm>>
        tpu.wait_dma2 semaphore(%run_scoped3A : memref<!tpu.dma_semaphore, #tpu.memory_space<semaphore_mem>>) src(%dma_wait3A_802 : memref<100x512xi32, #tpu.memory_space<hbm>>) dst(%arg5 : memref<100x512xi32, #tpu.memory_space<vmem>>)
        tpu.yield
      }) : () -> ()
      %dma_start3A = arith.constant 0 : i32
      %dma_start3A_746 = arith.constant 0 : i32
      %dma_start3A_747 = arith.constant 0 : i32
      %dma_start3A_748 = arith.constant 0 : i32
      %dma_start3A_749 = tpu.memref_slice %arg6[%dma_start3A_746, %dma_start3A_747, %dma_start3A_748] : memref<2x512x32xf32, #tpu.memory_space<vmem>> -> memref<1x512x32xf32, #tpu.memory_space<vmem>>
      %dma_start3A_750 = tpu.memref_squeeze %dma_start3A_749 : memref<1x512x32xf32, #tpu.memory_space<vmem>> -> memref<512x32xf32, #tpu.memory_space<vmem>>
      %dma_start3A_751 = arith.constant 0 : i32
      %dma_start3A_752 = tpu.memref_slice %arg5[%dma_start3A, %dma_start3A_751] : memref<100x512xi32, #tpu.memory_space<vmem>> -> memref<1x512xi32, #tpu.memory_space<vmem>>
      %dma_start3A_753 = tpu.memref_squeeze %dma_start3A_752 : memref<1x512xi32, #tpu.memory_space<vmem>> -> memref<512xi32, #tpu.memory_space<vmem>>
      %dma_start3A_754 = arith.constant 0 : i32
      %dma_start3A_755 = arith.constant 0 : i32
      %dma_start3A_756 = tpu.memref_slice %arg3[%dma_start3A_754, %dma_start3A_755] : memref<100000x32xf32, #tpu.memory_space<hbm>> -> memref<100000x32xf32, #tpu.memory_space<hbm>>
      tpu.enqueue_indirect_dma source(%dma_start3A_756 : memref<100000x32xf32, #tpu.memory_space<hbm>>) target(%dma_start3A_750 : memref<512x32xf32, #tpu.memory_space<vmem>>) offsets(%dma_start3A_753 : memref<512xi32, #tpu.memory_space<vmem>>) semaphore(%arg8 : memref<!tpu.dma_semaphore, #tpu.memory_space<semaphore_mem>>)
      %dma_start3A_757 = arith.constant 1 : i32
      %dma_start3A_758 = arith.constant 1 : i32
      %dma_start3A_759 = arith.constant 0 : i32
      %dma_start3A_760 = arith.constant 0 : i32
      %dma_start3A_761 = tpu.memref_slice %arg6[%dma_start3A_758, %dma_start3A_759, %dma_start3A_760] : memref<2x512x32xf32, #tpu.memory_space<vmem>> -> memref<1x512x32xf32, #tpu.memory_space<vmem>>
      %dma_start3A_762 = tpu.memref_squeeze %dma_start3A_761 : memref<1x512x32xf32, #tpu.memory_space<vmem>> -> memref<512x32xf32, #tpu.memory_space<vmem>>
      %dma_start3A_763 = arith.constant 0 : i32
      %dma_start3A_764 = tpu.memref_slice %arg5[%dma_start3A_757, %dma_start3A_763] : memref<100x512xi32, #tpu.memory_space<vmem>> -> memref<1x512xi32, #tpu.memory_space<vmem>>
      %dma_start3A_765 = tpu.memref_squeeze %dma_start3A_764 : memref<1x512xi32, #tpu.memory_space<vmem>> -> memref<512xi32, #tpu.memory_space<vmem>>
      %dma_start3A_766 = arith.constant 0 : i32
      %dma_start3A_767 = arith.constant 0 : i32
      %dma_start3A_768 = tpu.memref_slice %arg3[%dma_start3A_766, %dma_start3A_767] : memref<100000x32xf32, #tpu.memory_space<hbm>> -> memref<100000x32xf32, #tpu.memory_space<hbm>>
      tpu.enqueue_indirect_dma source(%dma_start3A_768 : memref<100000x32xf32, #tpu.memory_space<hbm>>) target(%dma_start3A_762 : memref<512x32xf32, #tpu.memory_space<vmem>>) offsets(%dma_start3A_765 : memref<512xi32, #tpu.memory_space<vmem>>) semaphore(%arg9 : memref<!tpu.dma_semaphore, #tpu.memory_space<semaphore_mem>>)
      %scan3A_769 = arith.constant 0 : i32
      %scan3A_770 = arith.constant 0 : i32
      %scan3A_771 = arith.constant 50 : i32
      %scan3A_772 = arith.addi %scan3A_770, %scan3A_771 : i32
      %scan3A_773 = arith.constant 1 : i32
      scf.for %scan3A_799 = %scan3A_770 to %scan3A_772 step %scan3A_773  : i32 {
        %mul3A_800 = arith.constant 2 : i32
        %mul3A_801 = arith.muli %mul3A_800, %scan3A_799 : i32
        %mul3A_802 = arith.constant 100 : i32
        %mul3A_803 = arith.muli %scan3A_743, %mul3A_802 : i32
        %add3A_804 = arith.addi %mul3A_803, %mul3A_801 : i32
        %dma_wait3A_805 = arith.constant 0 : i32
        %dma_wait3A_806 = arith.constant 0 : i32
        %dma_wait3A_807 = arith.constant 0 : i32
        %dma_wait3A_808 = tpu.memref_slice %arg6[%dma_wait3A_805, %dma_wait3A_806, %dma_wait3A_807] : memref<2x512x32xf32, #tpu.memory_space<vmem>> -> memref<1x512x32xf32, #tpu.memory_space<vmem>>
        %dma_wait3A_809 = tpu.memref_squeeze %dma_wait3A_808 : memref<1x512x32xf32, #tpu.memory_space<vmem>> -> memref<512x32xf32, #tpu.memory_space<vmem>>
        %dma_wait3A_810 = arith.constant 0 : i32
        %dma_wait3A_811 = tpu.memref_slice %arg5[%mul3A_801, %dma_wait3A_810] : memref<100x512xi32, #tpu.memory_space<vmem>> -> memref<1x512xi32, #tpu.memory_space<vmem>>
        %dma_wait3A_812 = tpu.memref_squeeze %dma_wait3A_811 : memref<1x512xi32, #tpu.memory_space<vmem>> -> memref<512xi32, #tpu.memory_space<vmem>>
        %dma_wait3A_813 = arith.constant 0 : i32
        %dma_wait3A_814 = arith.constant 0 : i32
        %dma_wait3A_815 = tpu.memref_slice %arg3[%dma_wait3A_813, %dma_wait3A_814] : memref<100000x32xf32, #tpu.memory_space<hbm>> -> memref<100000x32xf32, #tpu.memory_space<hbm>>
        tpu.wait_indirect_dma semaphore(%arg8 : memref<!tpu.dma_semaphore, #tpu.memory_space<semaphore_mem>>) src(%dma_wait3A_815 : memref<100000x32xf32, #tpu.memory_space<hbm>>) dst(%dma_wait3A_809 : memref<512x32xf32, #tpu.memory_space<vmem>>)
        %ge3A = arith.constant 2 : i32
        %ge3A_816 = arith.cmpi sge, %add3A_804, %ge3A : i32
        %convert_element_type3A = arith.extui %ge3A_816 : i1 to i32
        %cond3A = arith.constant 0 : i32
        %cond3A_817 = arith.cmpi ne, %convert_element_type3A, %cond3A : i32
        scf.if %cond3A_817 {
          %sub3A = arith.constant 2 : i32
          %sub3A_1595 = arith.subi %add3A_804, %sub3A : i32
          %max3A = arith.constant 0 : i32
          %max3A_1596 = arith.maxsi %sub3A_1595, %max3A : i32
          %mul3A_1597 = arith.constant 4 : i32
          %mul3A_1598 = arith.muli %add3A, %mul3A_1597 : i32
          %add3A_1599 = arith.constant 0 : i32
          %add3A_1600 = arith.addi %mul3A_1598, %add3A_1599 : i32
          %mul3A_1601 = arith.constant 4 : i32
          %mul3A_1602 = arith.muli %add3A, %mul3A_1601 : i32
          %add3A_1603 = arith.constant 1 : i32
          %add3A_1604 = arith.addi %mul3A_1602, %add3A_1603 : i32
          %mul3A_1605 = arith.constant 4 : i32
          %mul3A_1606 = arith.muli %add3A, %mul3A_1605 : i32
          %add3A_1607 = arith.constant 2 : i32
          %add3A_1608 = arith.addi %mul3A_1606, %add3A_1607 : i32
          %mul3A_1609 = arith.constant 4 : i32
          %mul3A_1610 = arith.muli %add3A, %mul3A_1609 : i32
          %add3A_1611 = arith.constant 3 : i32
          %add3A_1612 = arith.addi %mul3A_1610, %add3A_1611 : i32
          %mul3A_1613 = arith.constant 4 : i32
          %mul3A_1614 = arith.muli %add3A, %mul3A_1613 : i32
          %add3A_1615 = arith.constant 0 : i32
          %add3A_1616 = arith.addi %mul3A_1614, %add3A_1615 : i32
          %mul3A_1617 = arith.constant 4 : i32
          %mul3A_1618 = arith.muli %add3A, %mul3A_1617 : i32
          %add3A_1619 = arith.constant 1 : i32
          %add3A_1620 = arith.addi %mul3A_1618, %add3A_1619 : i32
          %mul3A_1621 = arith.constant 4 : i32
          %mul3A_1622 = arith.muli %add3A, %mul3A_1621 : i32
          %add3A_1623 = arith.constant 2 : i32
          %add3A_1624 = arith.addi %mul3A_1622, %add3A_1623 : i32
          %mul3A_1625 = arith.constant 4 : i32
          %mul3A_1626 = arith.muli %add3A, %mul3A_1625 : i32
          %add3A_1627 = arith.constant 3 : i32
          %add3A_1628 = arith.addi %mul3A_1626, %add3A_1627 : i32
          %mul3A_1629 = arith.constant 4 : i32
          %mul3A_1630 = arith.muli %add3A, %mul3A_1629 : i32
          %add3A_1631 = arith.constant 0 : i32
          %add3A_1632 = arith.addi %mul3A_1630, %add3A_1631 : i32
          %mul3A_1633 = arith.constant 4 : i32
          %mul3A_1634 = arith.muli %add3A, %mul3A_1633 : i32
          %add3A_1635 = arith.constant 1 : i32
          %add3A_1636 = arith.addi %mul3A_1634, %add3A_1635 : i32
          %mul3A_1637 = arith.constant 4 : i32
          %mul3A_1638 = arith.muli %add3A, %mul3A_1637 : i32
          %add3A_1639 = arith.constant 2 : i32
          %add3A_1640 = arith.addi %mul3A_1638, %add3A_1639 : i32
          %mul3A_1641 = arith.constant 4 : i32
          %mul3A_1642 = arith.muli %add3A, %mul3A_1641 : i32
          %add3A_1643 = arith.constant 3 : i32
          %add3A_1644 = arith.addi %mul3A_1642, %add3A_1643 : i32
          %mul3A_1645 = arith.constant 4 : i32
          %mul3A_1646 = arith.muli %add3A, %mul3A_1645 : i32
          %add3A_1647 = arith.constant 0 : i32
          %add3A_1648 = arith.addi %mul3A_1646, %add3A_1647 : i32
          %mul3A_1649 = arith.constant 4 : i32
          %mul3A_1650 = arith.muli %add3A, %mul3A_1649 : i32
          %add3A_1651 = arith.constant 1 : i32
          %add3A_1652 = arith.addi %mul3A_1650, %add3A_1651 : i32
          %mul3A_1653 = arith.constant 4 : i32
          %mul3A_1654 = arith.muli %add3A, %mul3A_1653 : i32
          %add3A_1655 = arith.constant 2 : i32
          %add3A_1656 = arith.addi %mul3A_1654, %add3A_1655 : i32
          %mul3A_1657 = arith.constant 4 : i32
          %mul3A_1658 = arith.muli %add3A, %mul3A_1657 : i32
          %add3A_1659 = arith.constant 3 : i32
          %add3A_1660 = arith.addi %mul3A_1658, %add3A_1659 : i32
          %dma_wait3A_1661 = arith.constant 0 : i32
          %dma_wait3A_1662 = arith.constant 0 : i32
          %dma_wait3A_1663 = arith.constant 0 : i32
          %dma_wait3A_1664 = arith.constant 0 : i32
          %dma_wait3A_1665 = tpu.memref_slice %arg7[%dma_wait3A_1661, %dma_wait3A_1663, %dma_wait3A_1664] : memref<2x32x513xf32, #tpu.memory_space<vmem>> -> memref<1x8x128xf32, #tpu.memory_space<vmem>>
          %dma_wait3A_1666 = tpu.memref_squeeze %dma_wait3A_1665 : memref<1x8x128xf32, #tpu.memory_space<vmem>> -> memref<8x128xf32, #tpu.memory_space<vmem>>
          %dma_wait3A_1667 = arith.constant 0 : i32
          %dma_wait3A_1668 = arith.constant 0 : i32
          %dma_wait3A_1669 = tpu.memref_slice %arg4[%max3A_1596, %dma_wait3A_1662, %add3A_1600, %dma_wait3A_1667, %dma_wait3A_1668] : memref<200x4x128x8x128xf32, #tpu.memory_space<hbm>> -> memref<1x1x1x8x128xf32, #tpu.memory_space<hbm>>
          %dma_wait3A_1670 = tpu.memref_squeeze %dma_wait3A_1669 : memref<1x1x1x8x128xf32, #tpu.memory_space<hbm>> -> memref<8x128xf32, #tpu.memory_space<hbm>>
          %dma_wait3A_1671 = arith.constant 0 : i32
          %dma_wait3A_1672 = arith.constant 0 : i32
          %dma_wait3A_1673 = tpu.memref_slice %arg4[%max3A_1596, %dma_wait3A_1662, %add3A_1600, %dma_wait3A_1671, %dma_wait3A_1672] : memref<200x4x128x8x128xf32, #tpu.memory_space<hbm>> -> memref<1x1x1x8x128xf32, #tpu.memory_space<hbm>>
          %dma_wait3A_1674 = tpu.memref_squeeze %dma_wait3A_1673 : memref<1x1x1x8x128xf32, #tpu.memory_space<hbm>> -> memref<8x128xf32, #tpu.memory_space<hbm>>
          %dma_wait3A_1675 = arith.constant 0 : i32
          %dma_wait3A_1676 = arith.constant 0 : i32
          %dma_wait3A_1677 = tpu.memref_slice %arg7[%dma_wait3A_1661, %dma_wait3A_1675, %dma_wait3A_1676] : memref<2x32x513xf32, #tpu.memory_space<vmem>> -> memref<1x8x128xf32, #tpu.memory_space<vmem>>
          %dma_wait3A_1678 = tpu.memref_squeeze %dma_wait3A_1677 : memref<1x8x128xf32, #tpu.memory_space<vmem>> -> memref<8x128xf32, #tpu.memory_space<vmem>>
          tpu.wait_dma2 semaphore(%arg10 : memref<!tpu.dma_semaphore, #tpu.memory_space<semaphore_mem>>) src(%dma_wait3A_1678 : memref<8x128xf32, #tpu.memory_space<vmem>>) dst(%dma_wait3A_1674 : memref<8x128xf32, #tpu.memory_space<hbm>>)
          %dma_wait3A_1679 = arith.constant 0 : i32
          %dma_wait3A_1680 = arith.constant 0 : i32
          %dma_wait3A_1681 = arith.constant 0 : i32
          %dma_wait3A_1682 = arith.constant 128 : i32
          %dma_wait3A_1683 = tpu.memref_slice %arg7[%dma_wait3A_1679, %dma_wait3A_1681, %dma_wait3A_1682] : memref<2x32x513xf32, #tpu.memory_space<vmem>> -> memref<1x8x128xf32, #tpu.memory_space<vmem>>
          %dma_wait3A_1684 = tpu.memref_squeeze %dma_wait3A_1683 : memref<1x8x128xf32, #tpu.memory_space<vmem>> -> memref<8x128xf32, #tpu.memory_space<vmem>>
          %dma_wait3A_1685 = arith.constant 0 : i32
          %dma_wait3A_1686 = arith.constant 0 : i32
          %dma_wait3A_1687 = tpu.memref_slice %arg4[%max3A_1596, %dma_wait3A_1680, %add3A_1604, %dma_wait3A_1685, %dma_wait3A_1686] : memref<200x4x128x8x128xf32, #tpu.memory_space<hbm>> -> memref<1x1x1x8x128xf32, #tpu.memory_space<hbm>>
          %dma_wait3A_1688 = tpu.memref_squeeze %dma_wait3A_1687 : memref<1x1x1x8x128xf32, #tpu.memory_space<hbm>> -> memref<8x128xf32, #tpu.memory_space<hbm>>
          %dma_wait3A_1689 = arith.constant 0 : i32
          %dma_wait3A_1690 = arith.constant 0 : i32
          %dma_wait3A_1691 = tpu.memref_slice %arg4[%max3A_1596, %dma_wait3A_1680, %add3A_1604, %dma_wait3A_1689, %dma_wait3A_1690] : memref<200x4x128x8x128xf32, #tpu.memory_space<hbm>> -> memref<1x1x1x8x128xf32, #tpu.memory_space<hbm>>
          %dma_wait3A_1692 = tpu.memref_squeeze %dma_wait3A_1691 : memref<1x1x1x8x128xf32, #tpu.memory_space<hbm>> -> memref<8x128xf32, #tpu.memory_space<hbm>>
          %dma_wait3A_1693 = arith.constant 0 : i32
          %dma_wait3A_1694 = arith.constant 128 : i32
          %dma_wait3A_1695 = tpu.memref_slice %arg7[%dma_wait3A_1679, %dma_wait3A_1693, %dma_wait3A_1694] : memref<2x32x513xf32, #tpu.memory_space<vmem>> -> memref<1x8x128xf32, #tpu.memory_space<vmem>>
          %dma_wait3A_1696 = tpu.memref_squeeze %dma_wait3A_1695 : memref<1x8x128xf32, #tpu.memory_space<vmem>> -> memref<8x128xf32, #tpu.memory_space<vmem>>
          tpu.wait_dma2 semaphore(%arg10 : memref<!tpu.dma_semaphore, #tpu.memory_space<semaphore_mem>>) src(%dma_wait3A_1696 : memref<8x128xf32, #tpu.memory_space<vmem>>) dst(%dma_wait3A_1692 : memref<8x128xf32, #tpu.memory_space<hbm>>)
          %dma_wait3A_1697 = arith.constant 0 : i32
          %dma_wait3A_1698 = arith.constant 0 : i32
          %dma_wait3A_1699 = arith.constant 0 : i32
          %dma_wait3A_1700 = arith.constant 256 : i32
          %dma_wait3A_1701 = tpu.memref_slice %arg7[%dma_wait3A_1697, %dma_wait3A_1699, %dma_wait3A_1700] : memref<2x32x513xf32, #tpu.memory_space<vmem>> -> memref<1x8x128xf32, #tpu.memory_space<vmem>>
          %dma_wait3A_1702 = tpu.memref_squeeze %dma_wait3A_1701 : memref<1x8x128xf32, #tpu.memory_space<vmem>> -> memref<8x128xf32, #tpu.memory_space<vmem>>
          %dma_wait3A_1703 = arith.constant 0 : i32
          %dma_wait3A_1704 = arith.constant 0 : i32
          %dma_wait3A_1705 = tpu.memref_slice %arg4[%max3A_1596, %dma_wait3A_1698, %add3A_1608, %dma_wait3A_1703, %dma_wait3A_1704] : memref<200x4x128x8x128xf32, #tpu.memory_space<hbm>> -> memref<1x1x1x8x128xf32, #tpu.memory_space<hbm>>
          %dma_wait3A_1706 = tpu.memref_squeeze %dma_wait3A_1705 : memref<1x1x1x8x128xf32, #tpu.memory_space<hbm>> -> memref<8x128xf32, #tpu.memory_space<hbm>>
          %dma_wait3A_1707 = arith.constant 0 : i32
          %dma_wait3A_1708 = arith.constant 0 : i32
          %dma_wait3A_1709 = tpu.memref_slice %arg4[%max3A_1596, %dma_wait3A_1698, %add3A_1608, %dma_wait3A_1707, %dma_wait3A_1708] : memref<200x4x128x8x128xf32, #tpu.memory_space<hbm>> -> memref<1x1x1x8x128xf32, #tpu.memory_space<hbm>>
          %dma_wait3A_1710 = tpu.memref_squeeze %dma_wait3A_1709 : memref<1x1x1x8x128xf32, #tpu.memory_space<hbm>> -> memref<8x128xf32, #tpu.memory_space<hbm>>
          %dma_wait3A_1711 = arith.constant 0 : i32
          %dma_wait3A_1712 = arith.constant 256 : i32
          %dma_wait3A_1713 = tpu.memref_slice %arg7[%dma_wait3A_1697, %dma_wait3A_1711, %dma_wait3A_1712] : memref<2x32x513xf32, #tpu.memory_space<vmem>> -> memref<1x8x128xf32, #tpu.memory_space<vmem>>
          %dma_wait3A_1714 = tpu.memref_squeeze %dma_wait3A_1713 : memref<1x8x128xf32, #tpu.memory_space<vmem>> -> memref<8x128xf32, #tpu.memory_space<vmem>>
          tpu.wait_dma2 semaphore(%arg10 : memref<!tpu.dma_semaphore, #tpu.memory_space<semaphore_mem>>) src(%dma_wait3A_1714 : memref<8x128xf32, #tpu.memory_space<vmem>>) dst(%dma_wait3A_1710 : memref<8x128xf32, #tpu.memory_space<hbm>>)
          %dma_wait3A_1715 = arith.constant 0 : i32
          %dma_wait3A_1716 = arith.constant 0 : i32
          %dma_wait3A_1717 = arith.constant 0 : i32
          %dma_wait3A_1718 = arith.constant 384 : i32
          %dma_wait3A_1719 = tpu.memref_slice %arg7[%dma_wait3A_1715, %dma_wait3A_1717, %dma_wait3A_1718] : memref<2x32x513xf32, #tpu.memory_space<vmem>> -> memref<1x8x128xf32, #tpu.memory_space<vmem>>
          %dma_wait3A_1720 = tpu.memref_squeeze %dma_wait3A_1719 : memref<1x8x128xf32, #tpu.memory_space<vmem>> -> memref<8x128xf32, #tpu.memory_space<vmem>>
          %dma_wait3A_1721 = arith.constant 0 : i32
          %dma_wait3A_1722 = arith.constant 0 : i32
          %dma_wait3A_1723 = tpu.memref_slice %arg4[%max3A_1596, %dma_wait3A_1716, %add3A_1612, %dma_wait3A_1721, %dma_wait3A_1722] : memref<200x4x128x8x128xf32, #tpu.memory_space<hbm>> -> memref<1x1x1x8x128xf32, #tpu.memory_space<hbm>>
          %dma_wait3A_1724 = tpu.memref_squeeze %dma_wait3A_1723 : memref<1x1x1x8x128xf32, #tpu.memory_space<hbm>> -> memref<8x128xf32, #tpu.memory_space<hbm>>
          %dma_wait3A_1725 = arith.constant 0 : i32
          %dma_wait3A_1726 = arith.constant 0 : i32
          %dma_wait3A_1727 = tpu.memref_slice %arg4[%max3A_1596, %dma_wait3A_1716, %add3A_1612, %dma_wait3A_1725, %dma_wait3A_1726] : memref<200x4x128x8x128xf32, #tpu.memory_space<hbm>> -> memref<1x1x1x8x128xf32, #tpu.memory_space<hbm>>
          %dma_wait3A_1728 = tpu.memref_squeeze %dma_wait3A_1727 : memref<1x1x1x8x128xf32, #tpu.memory_space<hbm>> -> memref<8x128xf32, #tpu.memory_space<hbm>>
          %dma_wait3A_1729 = arith.constant 0 : i32
          %dma_wait3A_1730 = arith.constant 384 : i32
          %dma_wait3A_1731 = tpu.memref_slice %arg7[%dma_wait3A_1715, %dma_wait3A_1729, %dma_wait3A_1730] : memref<2x32x513xf32, #tpu.memory_space<vmem>> -> memref<1x8x128xf32, #tpu.memory_space<vmem>>
          %dma_wait3A_1732 = tpu.memref_squeeze %dma_wait3A_1731 : memref<1x8x128xf32, #tpu.memory_space<vmem>> -> memref<8x128xf32, #tpu.memory_space<vmem>>
          tpu.wait_dma2 semaphore(%arg10 : memref<!tpu.dma_semaphore, #tpu.memory_space<semaphore_mem>>) src(%dma_wait3A_1732 : memref<8x128xf32, #tpu.memory_space<vmem>>) dst(%dma_wait3A_1728 : memref<8x128xf32, #tpu.memory_space<hbm>>)
          %dma_wait3A_1733 = arith.constant 0 : i32
          %dma_wait3A_1734 = arith.constant 1 : i32
          %dma_wait3A_1735 = arith.constant 8 : i32
          %dma_wait3A_1736 = arith.constant 0 : i32
          %dma_wait3A_1737 = tpu.memref_slice %arg7[%dma_wait3A_1733, %dma_wait3A_1735, %dma_wait3A_1736] : memref<2x32x513xf32, #tpu.memory_space<vmem>> -> memref<1x8x128xf32, #tpu.memory_space<vmem>>
          %dma_wait3A_1738 = tpu.memref_squeeze %dma_wait3A_1737 : memref<1x8x128xf32, #tpu.memory_space<vmem>> -> memref<8x128xf32, #tpu.memory_space<vmem>>
          %dma_wait3A_1739 = arith.constant 0 : i32
          %dma_wait3A_1740 = arith.constant 0 : i32
          %dma_wait3A_1741 = tpu.memref_slice %arg4[%max3A_1596, %dma_wait3A_1734, %add3A_1616, %dma_wait3A_1739, %dma_wait3A_1740] : memref<200x4x128x8x128xf32, #tpu.memory_space<hbm>> -> memref<1x1x1x8x128xf32, #tpu.memory_space<hbm>>
          %dma_wait3A_1742 = tpu.memref_squeeze %dma_wait3A_1741 : memref<1x1x1x8x128xf32, #tpu.memory_space<hbm>> -> memref<8x128xf32, #tpu.memory_space<hbm>>
          %dma_wait3A_1743 = arith.constant 0 : i32
          %dma_wait3A_1744 = arith.constant 0 : i32
          %dma_wait3A_1745 = tpu.memref_slice %arg4[%max3A_1596, %dma_wait3A_1734, %add3A_1616, %dma_wait3A_1743, %dma_wait3A_1744] : memref<200x4x128x8x128xf32, #tpu.memory_space<hbm>> -> memref<1x1x1x8x128xf32, #tpu.memory_space<hbm>>
          %dma_wait3A_1746 = tpu.memref_squeeze %dma_wait3A_1745 : memref<1x1x1x8x128xf32, #tpu.memory_space<hbm>> -> memref<8x128xf32, #tpu.memory_space<hbm>>
          %dma_wait3A_1747 = arith.constant 8 : i32
          %dma_wait3A_1748 = arith.constant 0 : i32
          %dma_wait3A_1749 = tpu.memref_slice %arg7[%dma_wait3A_1733, %dma_wait3A_1747, %dma_wait3A_1748] : memref<2x32x513xf32, #tpu.memory_space<vmem>> -> memref<1x8x128xf32, #tpu.memory_space<vmem>>
          %dma_wait3A_1750 = tpu.memref_squeeze %dma_wait3A_1749 : memref<1x8x128xf32, #tpu.memory_space<vmem>> -> memref<8x128xf32, #tpu.memory_space<vmem>>
          tpu.wait_dma2 semaphore(%arg10 : memref<!tpu.dma_semaphore, #tpu.memory_space<semaphore_mem>>) src(%dma_wait3A_1750 : memref<8x128xf32, #tpu.memory_space<vmem>>) dst(%dma_wait3A_1746 : memref<8x128xf32, #tpu.memory_space<hbm>>)
          %dma_wait3A_1751 = arith.constant 0 : i32
          %dma_wait3A_1752 = arith.constant 1 : i32
          %dma_wait3A_1753 = arith.constant 8 : i32
          %dma_wait3A_1754 = arith.constant 128 : i32
          %dma_wait3A_1755 = tpu.memref_slice %arg7[%dma_wait3A_1751, %dma_wait3A_1753, %dma_wait3A_1754] : memref<2x32x513xf32, #tpu.memory_space<vmem>> -> memref<1x8x128xf32, #tpu.memory_space<vmem>>
          %dma_wait3A_1756 = tpu.memref_squeeze %dma_wait3A_1755 : memref<1x8x128xf32, #tpu.memory_space<vmem>> -> memref<8x128xf32, #tpu.memory_space<vmem>>
          %dma_wait3A_1757 = arith.constant 0 : i32
          %dma_wait3A_1758 = arith.constant 0 : i32
          %dma_wait3A_1759 = tpu.memref_slice %arg4[%max3A_1596, %dma_wait3A_1752, %add3A_1620, %dma_wait3A_1757, %dma_wait3A_1758] : memref<200x4x128x8x128xf32, #tpu.memory_space<hbm>> -> memref<1x1x1x8x128xf32, #tpu.memory_space<hbm>>
          %dma_wait3A_1760 = tpu.memref_squeeze %dma_wait3A_1759 : memref<1x1x1x8x128xf32, #tpu.memory_space<hbm>> -> memref<8x128xf32, #tpu.memory_space<hbm>>
          %dma_wait3A_1761 = arith.constant 0 : i32
          %dma_wait3A_1762 = arith.constant 0 : i32
          %dma_wait3A_1763 = tpu.memref_slice %arg4[%max3A_1596, %dma_wait3A_1752, %add3A_1620, %dma_wait3A_1761, %dma_wait3A_1762] : memref<200x4x128x8x128xf32, #tpu.memory_space<hbm>> -> memref<1x1x1x8x128xf32, #tpu.memory_space<hbm>>
          %dma_wait3A_1764 = tpu.memref_squeeze %dma_wait3A_1763 : memref<1x1x1x8x128xf32, #tpu.memory_space<hbm>> -> memref<8x128xf32, #tpu.memory_space<hbm>>
          %dma_wait3A_1765 = arith.constant 8 : i32
          %dma_wait3A_1766 = arith.constant 128 : i32
          %dma_wait3A_1767 = tpu.memref_slice %arg7[%dma_wait3A_1751, %dma_wait3A_1765, %dma_wait3A_1766] : memref<2x32x513xf32, #tpu.memory_space<vmem>> -> memref<1x8x128xf32, #tpu.memory_space<vmem>>
          %dma_wait3A_1768 = tpu.memref_squeeze %dma_wait3A_1767 : memref<1x8x128xf32, #tpu.memory_space<vmem>> -> memref<8x128xf32, #tpu.memory_space<vmem>>
          tpu.wait_dma2 semaphore(%arg10 : memref<!tpu.dma_semaphore, #tpu.memory_space<semaphore_mem>>) src(%dma_wait3A_1768 : memref<8x128xf32, #tpu.memory_space<vmem>>) dst(%dma_wait3A_1764 : memref<8x128xf32, #tpu.memory_space<hbm>>)
          %dma_wait3A_1769 = arith.constant 0 : i32
          %dma_wait3A_1770 = arith.constant 1 : i32
          %dma_wait3A_1771 = arith.constant 8 : i32
          %dma_wait3A_1772 = arith.constant 256 : i32
          %dma_wait3A_1773 = tpu.memref_slice %arg7[%dma_wait3A_1769, %dma_wait3A_1771, %dma_wait3A_1772] : memref<2x32x513xf32, #tpu.memory_space<vmem>> -> memref<1x8x128xf32, #tpu.memory_space<vmem>>
          %dma_wait3A_1774 = tpu.memref_squeeze %dma_wait3A_1773 : memref<1x8x128xf32, #tpu.memory_space<vmem>> -> memref<8x128xf32, #tpu.memory_space<vmem>>
          %dma_wait3A_1775 = arith.constant 0 : i32
          %dma_wait3A_1776 = arith.constant 0 : i32
          %dma_wait3A_1777 = tpu.memref_slice %arg4[%max3A_1596, %dma_wait3A_1770, %add3A_1624, %dma_wait3A_1775, %dma_wait3A_1776] : memref<200x4x128x8x128xf32, #tpu.memory_space<hbm>> -> memref<1x1x1x8x128xf32, #tpu.memory_space<hbm>>
          %dma_wait3A_1778 = tpu.memref_squeeze %dma_wait3A_1777 : memref<1x1x1x8x128xf32, #tpu.memory_space<hbm>> -> memref<8x128xf32, #tpu.memory_space<hbm>>
          %dma_wait3A_1779 = arith.constant 0 : i32
          %dma_wait3A_1780 = arith.constant 0 : i32
          %dma_wait3A_1781 = tpu.memref_slice %arg4[%max3A_1596, %dma_wait3A_1770, %add3A_1624, %dma_wait3A_1779, %dma_wait3A_1780] : memref<200x4x128x8x128xf32, #tpu.memory_space<hbm>> -> memref<1x1x1x8x128xf32, #tpu.memory_space<hbm>>
          %dma_wait3A_1782 = tpu.memref_squeeze %dma_wait3A_1781 : memref<1x1x1x8x128xf32, #tpu.memory_space<hbm>> -> memref<8x128xf32, #tpu.memory_space<hbm>>
          %dma_wait3A_1783 = arith.constant 8 : i32
          %dma_wait3A_1784 = arith.constant 256 : i32
          %dma_wait3A_1785 = tpu.memref_slice %arg7[%dma_wait3A_1769, %dma_wait3A_1783, %dma_wait3A_1784] : memref<2x32x513xf32, #tpu.memory_space<vmem>> -> memref<1x8x128xf32, #tpu.memory_space<vmem>>
          %dma_wait3A_1786 = tpu.memref_squeeze %dma_wait3A_1785 : memref<1x8x128xf32, #tpu.memory_space<vmem>> -> memref<8x128xf32, #tpu.memory_space<vmem>>
          tpu.wait_dma2 semaphore(%arg10 : memref<!tpu.dma_semaphore, #tpu.memory_space<semaphore_mem>>) src(%dma_wait3A_1786 : memref<8x128xf32, #tpu.memory_space<vmem>>) dst(%dma_wait3A_1782 : memref<8x128xf32, #tpu.memory_space<hbm>>)
          %dma_wait3A_1787 = arith.constant 0 : i32
          %dma_wait3A_1788 = arith.constant 1 : i32
          %dma_wait3A_1789 = arith.constant 8 : i32
          %dma_wait3A_1790 = arith.constant 384 : i32
          %dma_wait3A_1791 = tpu.memref_slice %arg7[%dma_wait3A_1787, %dma_wait3A_1789, %dma_wait3A_1790] : memref<2x32x513xf32, #tpu.memory_space<vmem>> -> memref<1x8x128xf32, #tpu.memory_space<vmem>>
          %dma_wait3A_1792 = tpu.memref_squeeze %dma_wait3A_1791 : memref<1x8x128xf32, #tpu.memory_space<vmem>> -> memref<8x128xf32, #tpu.memory_space<vmem>>
          %dma_wait3A_1793 = arith.constant 0 : i32
          %dma_wait3A_1794 = arith.constant 0 : i32
          %dma_wait3A_1795 = tpu.memref_slice %arg4[%max3A_1596, %dma_wait3A_1788, %add3A_1628, %dma_wait3A_1793, %dma_wait3A_1794] : memref<200x4x128x8x128xf32, #tpu.memory_space<hbm>> -> memref<1x1x1x8x128xf32, #tpu.memory_space<hbm>>
          %dma_wait3A_1796 = tpu.memref_squeeze %dma_wait3A_1795 : memref<1x1x1x8x128xf32, #tpu.memory_space<hbm>> -> memref<8x128xf32, #tpu.memory_space<hbm>>
          %dma_wait3A_1797 = arith.constant 0 : i32
          %dma_wait3A_1798 = arith.constant 0 : i32
          %dma_wait3A_1799 = tpu.memref_slice %arg4[%max3A_1596, %dma_wait3A_1788, %add3A_1628, %dma_wait3A_1797, %dma_wait3A_1798] : memref<200x4x128x8x128xf32, #tpu.memory_space<hbm>> -> memref<1x1x1x8x128xf32, #tpu.memory_space<hbm>>
          %dma_wait3A_1800 = tpu.memref_squeeze %dma_wait3A_1799 : memref<1x1x1x8x128xf32, #tpu.memory_space<hbm>> -> memref<8x128xf32, #tpu.memory_space<hbm>>
          %dma_wait3A_1801 = arith.constant 8 : i32
          %dma_wait3A_1802 = arith.constant 384 : i32
          %dma_wait3A_1803 = tpu.memref_slice %arg7[%dma_wait3A_1787, %dma_wait3A_1801, %dma_wait3A_1802] : memref<2x32x513xf32, #tpu.memory_space<vmem>> -> memref<1x8x128xf32, #tpu.memory_space<vmem>>
          %dma_wait3A_1804 = tpu.memref_squeeze %dma_wait3A_1803 : memref<1x8x128xf32, #tpu.memory_space<vmem>> -> memref<8x128xf32, #tpu.memory_space<vmem>>
          tpu.wait_dma2 semaphore(%arg10 : memref<!tpu.dma_semaphore, #tpu.memory_space<semaphore_mem>>) src(%dma_wait3A_1804 : memref<8x128xf32, #tpu.memory_space<vmem>>) dst(%dma_wait3A_1800 : memref<8x128xf32, #tpu.memory_space<hbm>>)
          %dma_wait3A_1805 = arith.constant 0 : i32
          %dma_wait3A_1806 = arith.constant 2 : i32
          %dma_wait3A_1807 = arith.constant 16 : i32
          %dma_wait3A_1808 = arith.constant 0 : i32
          %dma_wait3A_1809 = tpu.memref_slice %arg7[%dma_wait3A_1805, %dma_wait3A_1807, %dma_wait3A_1808] : memref<2x32x513xf32, #tpu.memory_space<vmem>> -> memref<1x8x128xf32, #tpu.memory_space<vmem>>
          %dma_wait3A_1810 = tpu.memref_squeeze %dma_wait3A_1809 : memref<1x8x128xf32, #tpu.memory_space<vmem>> -> memref<8x128xf32, #tpu.memory_space<vmem>>
          %dma_wait3A_1811 = arith.constant 0 : i32
          %dma_wait3A_1812 = arith.constant 0 : i32
          %dma_wait3A_1813 = tpu.memref_slice %arg4[%max3A_1596, %dma_wait3A_1806, %add3A_1632, %dma_wait3A_1811, %dma_wait3A_1812] : memref<200x4x128x8x128xf32, #tpu.memory_space<hbm>> -> memref<1x1x1x8x128xf32, #tpu.memory_space<hbm>>
          %dma_wait3A_1814 = tpu.memref_squeeze %dma_wait3A_1813 : memref<1x1x1x8x128xf32, #tpu.memory_space<hbm>> -> memref<8x128xf32, #tpu.memory_space<hbm>>
          %dma_wait3A_1815 = arith.constant 0 : i32
          %dma_wait3A_1816 = arith.constant 0 : i32
          %dma_wait3A_1817 = tpu.memref_slice %arg4[%max3A_1596, %dma_wait3A_1806, %add3A_1632, %dma_wait3A_1815, %dma_wait3A_1816] : memref<200x4x128x8x128xf32, #tpu.memory_space<hbm>> -> memref<1x1x1x8x128xf32, #tpu.memory_space<hbm>>
          %dma_wait3A_1818 = tpu.memref_squeeze %dma_wait3A_1817 : memref<1x1x1x8x128xf32, #tpu.memory_space<hbm>> -> memref<8x128xf32, #tpu.memory_space<hbm>>
          %dma_wait3A_1819 = arith.constant 16 : i32
          %dma_wait3A_1820 = arith.constant 0 : i32
          %dma_wait3A_1821 = tpu.memref_slice %arg7[%dma_wait3A_1805, %dma_wait3A_1819, %dma_wait3A_1820] : memref<2x32x513xf32, #tpu.memory_space<vmem>> -> memref<1x8x128xf32, #tpu.memory_space<vmem>>
          %dma_wait3A_1822 = tpu.memref_squeeze %dma_wait3A_1821 : memref<1x8x128xf32, #tpu.memory_space<vmem>> -> memref<8x128xf32, #tpu.memory_space<vmem>>
          tpu.wait_dma2 semaphore(%arg10 : memref<!tpu.dma_semaphore, #tpu.memory_space<semaphore_mem>>) src(%dma_wait3A_1822 : memref<8x128xf32, #tpu.memory_space<vmem>>) dst(%dma_wait3A_1818 : memref<8x128xf32, #tpu.memory_space<hbm>>)
          %dma_wait3A_1823 = arith.constant 0 : i32
          %dma_wait3A_1824 = arith.constant 2 : i32
          %dma_wait3A_1825 = arith.constant 16 : i32
          %dma_wait3A_1826 = arith.constant 128 : i32
          %dma_wait3A_1827 = tpu.memref_slice %arg7[%dma_wait3A_1823, %dma_wait3A_1825, %dma_wait3A_1826] : memref<2x32x513xf32, #tpu.memory_space<vmem>> -> memref<1x8x128xf32, #tpu.memory_space<vmem>>
          %dma_wait3A_1828 = tpu.memref_squeeze %dma_wait3A_1827 : memref<1x8x128xf32, #tpu.memory_space<vmem>> -> memref<8x128xf32, #tpu.memory_space<vmem>>
          %dma_wait3A_1829 = arith.constant 0 : i32
          %dma_wait3A_1830 = arith.constant 0 : i32
          %dma_wait3A_1831 = tpu.memref_slice %arg4[%max3A_1596, %dma_wait3A_1824, %add3A_1636, %dma_wait3A_1829, %dma_wait3A_1830] : memref<200x4x128x8x128xf32, #tpu.memory_space<hbm>> -> memref<1x1x1x8x128xf32, #tpu.memory_space<hbm>>
          %dma_wait3A_1832 = tpu.memref_squeeze %dma_wait3A_1831 : memref<1x1x1x8x128xf32, #tpu.memory_space<hbm>> -> memref<8x128xf32, #tpu.memory_space<hbm>>
          %dma_wait3A_1833 = arith.constant 0 : i32
          %dma_wait3A_1834 = arith.constant 0 : i32
          %dma_wait3A_1835 = tpu.memref_slice %arg4[%max3A_1596, %dma_wait3A_1824, %add3A_1636, %dma_wait3A_1833, %dma_wait3A_1834] : memref<200x4x128x8x128xf32, #tpu.memory_space<hbm>> -> memref<1x1x1x8x128xf32, #tpu.memory_space<hbm>>
          %dma_wait3A_1836 = tpu.memref_squeeze %dma_wait3A_1835 : memref<1x1x1x8x128xf32, #tpu.memory_space<hbm>> -> memref<8x128xf32, #tpu.memory_space<hbm>>
          %dma_wait3A_1837 = arith.constant 16 : i32
          %dma_wait3A_1838 = arith.constant 128 : i32
          %dma_wait3A_1839 = tpu.memref_slice %arg7[%dma_wait3A_1823, %dma_wait3A_1837, %dma_wait3A_1838] : memref<2x32x513xf32, #tpu.memory_space<vmem>> -> memref<1x8x128xf32, #tpu.memory_space<vmem>>
          %dma_wait3A_1840 = tpu.memref_squeeze %dma_wait3A_1839 : memref<1x8x128xf32, #tpu.memory_space<vmem>> -> memref<8x128xf32, #tpu.memory_space<vmem>>
          tpu.wait_dma2 semaphore(%arg10 : memref<!tpu.dma_semaphore, #tpu.memory_space<semaphore_mem>>) src(%dma_wait3A_1840 : memref<8x128xf32, #tpu.memory_space<vmem>>) dst(%dma_wait3A_1836 : memref<8x128xf32, #tpu.memory_space<hbm>>)
          %dma_wait3A_1841 = arith.constant 0 : i32
          %dma_wait3A_1842 = arith.constant 2 : i32
          %dma_wait3A_1843 = arith.constant 16 : i32
          %dma_wait3A_1844 = arith.constant 256 : i32
          %dma_wait3A_1845 = tpu.memref_slice %arg7[%dma_wait3A_1841, %dma_wait3A_1843, %dma_wait3A_1844] : memref<2x32x513xf32, #tpu.memory_space<vmem>> -> memref<1x8x128xf32, #tpu.memory_space<vmem>>
          %dma_wait3A_1846 = tpu.memref_squeeze %dma_wait3A_1845 : memref<1x8x128xf32, #tpu.memory_space<vmem>> -> memref<8x128xf32, #tpu.memory_space<vmem>>
          %dma_wait3A_1847 = arith.constant 0 : i32
          %dma_wait3A_1848 = arith.constant 0 : i32
          %dma_wait3A_1849 = tpu.memref_slice %arg4[%max3A_1596, %dma_wait3A_1842, %add3A_1640, %dma_wait3A_1847, %dma_wait3A_1848] : memref<200x4x128x8x128xf32, #tpu.memory_space<hbm>> -> memref<1x1x1x8x128xf32, #tpu.memory_space<hbm>>
          %dma_wait3A_1850 = tpu.memref_squeeze %dma_wait3A_1849 : memref<1x1x1x8x128xf32, #tpu.memory_space<hbm>> -> memref<8x128xf32, #tpu.memory_space<hbm>>
          %dma_wait3A_1851 = arith.constant 0 : i32
          %dma_wait3A_1852 = arith.constant 0 : i32
          %dma_wait3A_1853 = tpu.memref_slice %arg4[%max3A_1596, %dma_wait3A_1842, %add3A_1640, %dma_wait3A_1851, %dma_wait3A_1852] : memref<200x4x128x8x128xf32, #tpu.memory_space<hbm>> -> memref<1x1x1x8x128xf32, #tpu.memory_space<hbm>>
          %dma_wait3A_1854 = tpu.memref_squeeze %dma_wait3A_1853 : memref<1x1x1x8x128xf32, #tpu.memory_space<hbm>> -> memref<8x128xf32, #tpu.memory_space<hbm>>
          %dma_wait3A_1855 = arith.constant 16 : i32
          %dma_wait3A_1856 = arith.constant 256 : i32
          %dma_wait3A_1857 = tpu.memref_slice %arg7[%dma_wait3A_1841, %dma_wait3A_1855, %dma_wait3A_1856] : memref<2x32x513xf32, #tpu.memory_space<vmem>> -> memref<1x8x128xf32, #tpu.memory_space<vmem>>
          %dma_wait3A_1858 = tpu.memref_squeeze %dma_wait3A_1857 : memref<1x8x128xf32, #tpu.memory_space<vmem>> -> memref<8x128xf32, #tpu.memory_space<vmem>>
          tpu.wait_dma2 semaphore(%arg10 : memref<!tpu.dma_semaphore, #tpu.memory_space<semaphore_mem>>) src(%dma_wait3A_1858 : memref<8x128xf32, #tpu.memory_space<vmem>>) dst(%dma_wait3A_1854 : memref<8x128xf32, #tpu.memory_space<hbm>>)
          %dma_wait3A_1859 = arith.constant 0 : i32
          %dma_wait3A_1860 = arith.constant 2 : i32
          %dma_wait3A_1861 = arith.constant 16 : i32
          %dma_wait3A_1862 = arith.constant 384 : i32
          %dma_wait3A_1863 = tpu.memref_slice %arg7[%dma_wait3A_1859, %dma_wait3A_1861, %dma_wait3A_1862] : memref<2x32x513xf32, #tpu.memory_space<vmem>> -> memref<1x8x128xf32, #tpu.memory_space<vmem>>
          %dma_wait3A_1864 = tpu.memref_squeeze %dma_wait3A_1863 : memref<1x8x128xf32, #tpu.memory_space<vmem>> -> memref<8x128xf32, #tpu.memory_space<vmem>>
          %dma_wait3A_1865 = arith.constant 0 : i32
          %dma_wait3A_1866 = arith.constant 0 : i32
          %dma_wait3A_1867 = tpu.memref_slice %arg4[%max3A_1596, %dma_wait3A_1860, %add3A_1644, %dma_wait3A_1865, %dma_wait3A_1866] : memref<200x4x128x8x128xf32, #tpu.memory_space<hbm>> -> memref<1x1x1x8x128xf32, #tpu.memory_space<hbm>>
          %dma_wait3A_1868 = tpu.memref_squeeze %dma_wait3A_1867 : memref<1x1x1x8x128xf32, #tpu.memory_space<hbm>> -> memref<8x128xf32, #tpu.memory_space<hbm>>
          %dma_wait3A_1869 = arith.constant 0 : i32
          %dma_wait3A_1870 = arith.constant 0 : i32
          %dma_wait3A_1871 = tpu.memref_slice %arg4[%max3A_1596, %dma_wait3A_1860, %add3A_1644, %dma_wait3A_1869, %dma_wait3A_1870] : memref<200x4x128x8x128xf32, #tpu.memory_space<hbm>> -> memref<1x1x1x8x128xf32, #tpu.memory_space<hbm>>
          %dma_wait3A_1872 = tpu.memref_squeeze %dma_wait3A_1871 : memref<1x1x1x8x128xf32, #tpu.memory_space<hbm>> -> memref<8x128xf32, #tpu.memory_space<hbm>>
          %dma_wait3A_1873 = arith.constant 16 : i32
          %dma_wait3A_1874 = arith.constant 384 : i32
          %dma_wait3A_1875 = tpu.memref_slice %arg7[%dma_wait3A_1859, %dma_wait3A_1873, %dma_wait3A_1874] : memref<2x32x513xf32, #tpu.memory_space<vmem>> -> memref<1x8x128xf32, #tpu.memory_space<vmem>>
          %dma_wait3A_1876 = tpu.memref_squeeze %dma_wait3A_1875 : memref<1x8x128xf32, #tpu.memory_space<vmem>> -> memref<8x128xf32, #tpu.memory_space<vmem>>
          tpu.wait_dma2 semaphore(%arg10 : memref<!tpu.dma_semaphore, #tpu.memory_space<semaphore_mem>>) src(%dma_wait3A_1876 : memref<8x128xf32, #tpu.memory_space<vmem>>) dst(%dma_wait3A_1872 : memref<8x128xf32, #tpu.memory_space<hbm>>)
          %dma_wait3A_1877 = arith.constant 0 : i32
          %dma_wait3A_1878 = arith.constant 3 : i32
          %dma_wait3A_1879 = arith.constant 24 : i32
          %dma_wait3A_1880 = arith.constant 0 : i32
          %dma_wait3A_1881 = tpu.memref_slice %arg7[%dma_wait3A_1877, %dma_wait3A_1879, %dma_wait3A_1880] : memref<2x32x513xf32, #tpu.memory_space<vmem>> -> memref<1x8x128xf32, #tpu.memory_space<vmem>>
          %dma_wait3A_1882 = tpu.memref_squeeze %dma_wait3A_1881 : memref<1x8x128xf32, #tpu.memory_space<vmem>> -> memref<8x128xf32, #tpu.memory_space<vmem>>
          %dma_wait3A_1883 = arith.constant 0 : i32
          %dma_wait3A_1884 = arith.constant 0 : i32
          %dma_wait3A_1885 = tpu.memref_slice %arg4[%max3A_1596, %dma_wait3A_1878, %add3A_1648, %dma_wait3A_1883, %dma_wait3A_1884] : memref<200x4x128x8x128xf32, #tpu.memory_space<hbm>> -> memref<1x1x1x8x128xf32, #tpu.memory_space<hbm>>
          %dma_wait3A_1886 = tpu.memref_squeeze %dma_wait3A_1885 : memref<1x1x1x8x128xf32, #tpu.memory_space<hbm>> -> memref<8x128xf32, #tpu.memory_space<hbm>>
          %dma_wait3A_1887 = arith.constant 0 : i32
          %dma_wait3A_1888 = arith.constant 0 : i32
          %dma_wait3A_1889 = tpu.memref_slice %arg4[%max3A_1596, %dma_wait3A_1878, %add3A_1648, %dma_wait3A_1887, %dma_wait3A_1888] : memref<200x4x128x8x128xf32, #tpu.memory_space<hbm>> -> memref<1x1x1x8x128xf32, #tpu.memory_space<hbm>>
          %dma_wait3A_1890 = tpu.memref_squeeze %dma_wait3A_1889 : memref<1x1x1x8x128xf32, #tpu.memory_space<hbm>> -> memref<8x128xf32, #tpu.memory_space<hbm>>
          %dma_wait3A_1891 = arith.constant 24 : i32
          %dma_wait3A_1892 = arith.constant 0 : i32
          %dma_wait3A_1893 = tpu.memref_slice %arg7[%dma_wait3A_1877, %dma_wait3A_1891, %dma_wait3A_1892] : memref<2x32x513xf32, #tpu.memory_space<vmem>> -> memref<1x8x128xf32, #tpu.memory_space<vmem>>
          %dma_wait3A_1894 = tpu.memref_squeeze %dma_wait3A_1893 : memref<1x8x128xf32, #tpu.memory_space<vmem>> -> memref<8x128xf32, #tpu.memory_space<vmem>>
          tpu.wait_dma2 semaphore(%arg10 : memref<!tpu.dma_semaphore, #tpu.memory_space<semaphore_mem>>) src(%dma_wait3A_1894 : memref<8x128xf32, #tpu.memory_space<vmem>>) dst(%dma_wait3A_1890 : memref<8x128xf32, #tpu.memory_space<hbm>>)
          %dma_wait3A_1895 = arith.constant 0 : i32
          %dma_wait3A_1896 = arith.constant 3 : i32
          %dma_wait3A_1897 = arith.constant 24 : i32
          %dma_wait3A_1898 = arith.constant 128 : i32
          %dma_wait3A_1899 = tpu.memref_slice %arg7[%dma_wait3A_1895, %dma_wait3A_1897, %dma_wait3A_1898] : memref<2x32x513xf32, #tpu.memory_space<vmem>> -> memref<1x8x128xf32, #tpu.memory_space<vmem>>
          %dma_wait3A_1900 = tpu.memref_squeeze %dma_wait3A_1899 : memref<1x8x128xf32, #tpu.memory_space<vmem>> -> memref<8x128xf32, #tpu.memory_space<vmem>>
          %dma_wait3A_1901 = arith.constant 0 : i32
          %dma_wait3A_1902 = arith.constant 0 : i32
          %dma_wait3A_1903 = tpu.memref_slice %arg4[%max3A_1596, %dma_wait3A_1896, %add3A_1652, %dma_wait3A_1901, %dma_wait3A_1902] : memref<200x4x128x8x128xf32, #tpu.memory_space<hbm>> -> memref<1x1x1x8x128xf32, #tpu.memory_space<hbm>>
          %dma_wait3A_1904 = tpu.memref_squeeze %dma_wait3A_1903 : memref<1x1x1x8x128xf32, #tpu.memory_space<hbm>> -> memref<8x128xf32, #tpu.memory_space<hbm>>
          %dma_wait3A_1905 = arith.constant 0 : i32
          %dma_wait3A_1906 = arith.constant 0 : i32
          %dma_wait3A_1907 = tpu.memref_slice %arg4[%max3A_1596, %dma_wait3A_1896, %add3A_1652, %dma_wait3A_1905, %dma_wait3A_1906] : memref<200x4x128x8x128xf32, #tpu.memory_space<hbm>> -> memref<1x1x1x8x128xf32, #tpu.memory_space<hbm>>
          %dma_wait3A_1908 = tpu.memref_squeeze %dma_wait3A_1907 : memref<1x1x1x8x128xf32, #tpu.memory_space<hbm>> -> memref<8x128xf32, #tpu.memory_space<hbm>>
          %dma_wait3A_1909 = arith.constant 24 : i32
          %dma_wait3A_1910 = arith.constant 128 : i32
          %dma_wait3A_1911 = tpu.memref_slice %arg7[%dma_wait3A_1895, %dma_wait3A_1909, %dma_wait3A_1910] : memref<2x32x513xf32, #tpu.memory_space<vmem>> -> memref<1x8x128xf32, #tpu.memory_space<vmem>>
          %dma_wait3A_1912 = tpu.memref_squeeze %dma_wait3A_1911 : memref<1x8x128xf32, #tpu.memory_space<vmem>> -> memref<8x128xf32, #tpu.memory_space<vmem>>
          tpu.wait_dma2 semaphore(%arg10 : memref<!tpu.dma_semaphore, #tpu.memory_space<semaphore_mem>>) src(%dma_wait3A_1912 : memref<8x128xf32, #tpu.memory_space<vmem>>) dst(%dma_wait3A_1908 : memref<8x128xf32, #tpu.memory_space<hbm>>)
          %dma_wait3A_1913 = arith.constant 0 : i32
          %dma_wait3A_1914 = arith.constant 3 : i32
          %dma_wait3A_1915 = arith.constant 24 : i32
          %dma_wait3A_1916 = arith.constant 256 : i32
          %dma_wait3A_1917 = tpu.memref_slice %arg7[%dma_wait3A_1913, %dma_wait3A_1915, %dma_wait3A_1916] : memref<2x32x513xf32, #tpu.memory_space<vmem>> -> memref<1x8x128xf32, #tpu.memory_space<vmem>>
          %dma_wait3A_1918 = tpu.memref_squeeze %dma_wait3A_1917 : memref<1x8x128xf32, #tpu.memory_space<vmem>> -> memref<8x128xf32, #tpu.memory_space<vmem>>
          %dma_wait3A_1919 = arith.constant 0 : i32
          %dma_wait3A_1920 = arith.constant 0 : i32
          %dma_wait3A_1921 = tpu.memref_slice %arg4[%max3A_1596, %dma_wait3A_1914, %add3A_1656, %dma_wait3A_1919, %dma_wait3A_1920] : memref<200x4x128x8x128xf32, #tpu.memory_space<hbm>> -> memref<1x1x1x8x128xf32, #tpu.memory_space<hbm>>
          %dma_wait3A_1922 = tpu.memref_squeeze %dma_wait3A_1921 : memref<1x1x1x8x128xf32, #tpu.memory_space<hbm>> -> memref<8x128xf32, #tpu.memory_space<hbm>>
          %dma_wait3A_1923 = arith.constant 0 : i32
          %dma_wait3A_1924 = arith.constant 0 : i32
          %dma_wait3A_1925 = tpu.memref_slice %arg4[%max3A_1596, %dma_wait3A_1914, %add3A_1656, %dma_wait3A_1923, %dma_wait3A_1924] : memref<200x4x128x8x128xf32, #tpu.memory_space<hbm>> -> memref<1x1x1x8x128xf32, #tpu.memory_space<hbm>>
          %dma_wait3A_1926 = tpu.memref_squeeze %dma_wait3A_1925 : memref<1x1x1x8x128xf32, #tpu.memory_space<hbm>> -> memref<8x128xf32, #tpu.memory_space<hbm>>
          %dma_wait3A_1927 = arith.constant 24 : i32
          %dma_wait3A_1928 = arith.constant 256 : i32
          %dma_wait3A_1929 = tpu.memref_slice %arg7[%dma_wait3A_1913, %dma_wait3A_1927, %dma_wait3A_1928] : memref<2x32x513xf32, #tpu.memory_space<vmem>> -> memref<1x8x128xf32, #tpu.memory_space<vmem>>
          %dma_wait3A_1930 = tpu.memref_squeeze %dma_wait3A_1929 : memref<1x8x128xf32, #tpu.memory_space<vmem>> -> memref<8x128xf32, #tpu.memory_space<vmem>>
          tpu.wait_dma2 semaphore(%arg10 : memref<!tpu.dma_semaphore, #tpu.memory_space<semaphore_mem>>) src(%dma_wait3A_1930 : memref<8x128xf32, #tpu.memory_space<vmem>>) dst(%dma_wait3A_1926 : memref<8x128xf32, #tpu.memory_space<hbm>>)
          %dma_wait3A_1931 = arith.constant 0 : i32
          %dma_wait3A_1932 = arith.constant 3 : i32
          %dma_wait3A_1933 = arith.constant 24 : i32
          %dma_wait3A_1934 = arith.constant 384 : i32
          %dma_wait3A_1935 = tpu.memref_slice %arg7[%dma_wait3A_1931, %dma_wait3A_1933, %dma_wait3A_1934] : memref<2x32x513xf32, #tpu.memory_space<vmem>> -> memref<1x8x128xf32, #tpu.memory_space<vmem>>
          %dma_wait3A_1936 = tpu.memref_squeeze %dma_wait3A_1935 : memref<1x8x128xf32, #tpu.memory_space<vmem>> -> memref<8x128xf32, #tpu.memory_space<vmem>>
          %dma_wait3A_1937 = arith.constant 0 : i32
          %dma_wait3A_1938 = arith.constant 0 : i32
          %dma_wait3A_1939 = tpu.memref_slice %arg4[%max3A_1596, %dma_wait3A_1932, %add3A_1660, %dma_wait3A_1937, %dma_wait3A_1938] : memref<200x4x128x8x128xf32, #tpu.memory_space<hbm>> -> memref<1x1x1x8x128xf32, #tpu.memory_space<hbm>>
          %dma_wait3A_1940 = tpu.memref_squeeze %dma_wait3A_1939 : memref<1x1x1x8x128xf32, #tpu.memory_space<hbm>> -> memref<8x128xf32, #tpu.memory_space<hbm>>
          %dma_wait3A_1941 = arith.constant 0 : i32
          %dma_wait3A_1942 = arith.constant 0 : i32
          %dma_wait3A_1943 = tpu.memref_slice %arg4[%max3A_1596, %dma_wait3A_1932, %add3A_1660, %dma_wait3A_1941, %dma_wait3A_1942] : memref<200x4x128x8x128xf32, #tpu.memory_space<hbm>> -> memref<1x1x1x8x128xf32, #tpu.memory_space<hbm>>
          %dma_wait3A_1944 = tpu.memref_squeeze %dma_wait3A_1943 : memref<1x1x1x8x128xf32, #tpu.memory_space<hbm>> -> memref<8x128xf32, #tpu.memory_space<hbm>>
          %dma_wait3A_1945 = arith.constant 24 : i32
          %dma_wait3A_1946 = arith.constant 384 : i32
          %dma_wait3A_1947 = tpu.memref_slice %arg7[%dma_wait3A_1931, %dma_wait3A_1945, %dma_wait3A_1946] : memref<2x32x513xf32, #tpu.memory_space<vmem>> -> memref<1x8x128xf32, #tpu.memory_space<vmem>>
          %dma_wait3A_1948 = tpu.memref_squeeze %dma_wait3A_1947 : memref<1x8x128xf32, #tpu.memory_space<vmem>> -> memref<8x128xf32, #tpu.memory_space<vmem>>
          tpu.wait_dma2 semaphore(%arg10 : memref<!tpu.dma_semaphore, #tpu.memory_space<semaphore_mem>>) src(%dma_wait3A_1948 : memref<8x128xf32, #tpu.memory_space<vmem>>) dst(%dma_wait3A_1944 : memref<8x128xf32, #tpu.memory_space<hbm>>)
        } else {
        }
        %add3A_818 = arith.constant 0 : i32
        %add3A_819 = vector.broadcast %add3A_818 : i32 to vector<16xi32>
        %add3A_820 = arith.addi %add3A_819, %iota3A : vector<16xi32>
        %add3A_821 = arith.constant 16 : i32
        %add3A_822 = vector.broadcast %add3A_821 : i32 to vector<16xi32>
        %add3A_823 = arith.addi %add3A_822, %iota3A : vector<16xi32>
        %parallel_loop3A = arith.constant 0 : i32
        %parallel_loop3A_824 = arith.constant 512 : i32
        %parallel_loop3A_825 = arith.constant 1 : i32
        %parallel_loop3A_826 = arith.constant 0 : i32
        %parallel_loop3A_827 = arith.constant 0 : i32
        scf.for %parallel_loop3A_1595 = %parallel_loop3A to %parallel_loop3A_824 step %parallel_loop3A_825  : i32 {
          %parallel_loop3A_1596 = vector.broadcast %parallel_loop3A_1595 : i32 to vector<16xi32>
          %parallel_loop3A_1597 = arith.constant 0 : i32
          %parallel_loop3A_1598 = arith.constant 0 : i32
          %parallel_loop3A_1599 = tpu.memref_slice %arg6[%parallel_loop3A_826, %parallel_loop3A_1597, %parallel_loop3A_1598] : memref<2x512x32xf32, #tpu.memory_space<vmem>> -> memref<1x512x32xf32, #tpu.memory_space<vmem>>
          %parallel_loop3A_1600 = tpu.memref_squeeze %parallel_loop3A_1599 : memref<1x512x32xf32, #tpu.memory_space<vmem>> -> memref<512x32xf32, #tpu.memory_space<vmem>>
          %parallel_loop3A_1601 = arith.index_cast %parallel_loop3A_1595 : i32 to index
          %parallel_loop3A_1602 = arith.constant 0 : index
          %parallel_loop3A_1603 = tpu.vector_load %parallel_loop3A_1600[%parallel_loop3A_1601, %parallel_loop3A_1602] {strides = array<i32>} : memref<512x32xf32, #tpu.memory_space<vmem>>, vector<16xf32>,
          %parallel_loop3A_1604 = arith.constant 0 : i32
          %parallel_loop3A_1605 = arith.constant 0 : i32
          %parallel_loop3A_1606 = tpu.memref_slice %arg7[%parallel_loop3A_827, %parallel_loop3A_1604, %parallel_loop3A_1605] : memref<2x32x513xf32, #tpu.memory_space<vmem>> -> memref<1x32x513xf32, #tpu.memory_space<vmem>>
          %parallel_loop3A_1607 = tpu.memref_squeeze %parallel_loop3A_1606 : memref<1x32x513xf32, #tpu.memory_space<vmem>> -> memref<32x513xf32, #tpu.memory_space<vmem>>
          tpu.vector_store_idx %parallel_loop3A_1607[%add3A_820, %parallel_loop3A_1596], %parallel_loop3A_1603 : memref<32x513xf32, #tpu.memory_space<vmem>>[vector<16xi32>, vector<16xi32>], vector<16xf32>,
          %parallel_loop3A_1608 = arith.constant 0 : i32
          %parallel_loop3A_1609 = arith.constant 0 : i32
          %parallel_loop3A_1610 = tpu.memref_slice %arg6[%parallel_loop3A_826, %parallel_loop3A_1608, %parallel_loop3A_1609] : memref<2x512x32xf32, #tpu.memory_space<vmem>> -> memref<1x512x32xf32, #tpu.memory_space<vmem>>
          %parallel_loop3A_1611 = tpu.memref_squeeze %parallel_loop3A_1610 : memref<1x512x32xf32, #tpu.memory_space<vmem>> -> memref<512x32xf32, #tpu.memory_space<vmem>>
          %parallel_loop3A_1612 = arith.index_cast %parallel_loop3A_1595 : i32 to index
          %parallel_loop3A_1613 = arith.constant 16 : index
          %parallel_loop3A_1614 = tpu.vector_load %parallel_loop3A_1611[%parallel_loop3A_1612, %parallel_loop3A_1613] {strides = array<i32>} : memref<512x32xf32, #tpu.memory_space<vmem>>, vector<16xf32>,
          %parallel_loop3A_1615 = arith.constant 0 : i32
          %parallel_loop3A_1616 = arith.constant 0 : i32
          %parallel_loop3A_1617 = tpu.memref_slice %arg7[%parallel_loop3A_827, %parallel_loop3A_1615, %parallel_loop3A_1616] : memref<2x32x513xf32, #tpu.memory_space<vmem>> -> memref<1x32x513xf32, #tpu.memory_space<vmem>>
          %parallel_loop3A_1618 = tpu.memref_squeeze %parallel_loop3A_1617 : memref<1x32x513xf32, #tpu.memory_space<vmem>> -> memref<32x513xf32, #tpu.memory_space<vmem>>
          tpu.vector_store_idx %parallel_loop3A_1618[%add3A_823, %parallel_loop3A_1596], %parallel_loop3A_1614 : memref<32x513xf32, #tpu.memory_space<vmem>>[vector<16xi32>, vector<16xi32>], vector<16xf32>,
        } {sc.loop_unroll_factor = 4 : i64, sc.parallel_access}
        %add3A_828 = arith.constant 2 : i32
        %add3A_829 = arith.addi %mul3A_801, %add3A_828 : i32
        %min3A = arith.constant 99 : i32
        %min3A_830 = arith.minsi %add3A_829, %min3A : i32
        %dma_start3A_831 = arith.constant 0 : i32
        %dma_start3A_832 = arith.constant 0 : i32
        %dma_start3A_833 = arith.constant 0 : i32
        %dma_start3A_834 = tpu.memref_slice %arg6[%dma_start3A_831, %dma_start3A_832, %dma_start3A_833] : memref<2x512x32xf32, #tpu.memory_space<vmem>> -> memref<1x512x32xf32, #tpu.memory_space<vmem>>
        %dma_start3A_835 = tpu.memref_squeeze %dma_start3A_834 : memref<1x512x32xf32, #tpu.memory_space<vmem>> -> memref<512x32xf32, #tpu.memory_space<vmem>>
        %dma_start3A_836 = arith.constant 0 : i32
        %dma_start3A_837 = tpu.memref_slice %arg5[%min3A_830, %dma_start3A_836] : memref<100x512xi32, #tpu.memory_space<vmem>> -> memref<1x512xi32, #tpu.memory_space<vmem>>
        %dma_start3A_838 = tpu.memref_squeeze %dma_start3A_837 : memref<1x512xi32, #tpu.memory_space<vmem>> -> memref<512xi32, #tpu.memory_space<vmem>>
        %dma_start3A_839 = arith.constant 0 : i32
        %dma_start3A_840 = arith.constant 0 : i32
        %dma_start3A_841 = tpu.memref_slice %arg3[%dma_start3A_839, %dma_start3A_840] : memref<100000x32xf32, #tpu.memory_space<hbm>> -> memref<100000x32xf32, #tpu.memory_space<hbm>>
        tpu.enqueue_indirect_dma source(%dma_start3A_841 : memref<100000x32xf32, #tpu.memory_space<hbm>>) target(%dma_start3A_835 : memref<512x32xf32, #tpu.memory_space<vmem>>) offsets(%dma_start3A_838 : memref<512xi32, #tpu.memory_space<vmem>>) semaphore(%arg8 : memref<!tpu.dma_semaphore, #tpu.memory_space<semaphore_mem>>)
        %mul3A_842 = arith.constant 4 : i32
        %mul3A_843 = arith.muli %add3A, %mul3A_842 : i32
        %add3A_844 = arith.constant 0 : i32
        %add3A_845 = arith.addi %mul3A_843, %add3A_844 : i32
        %mul3A_846 = arith.constant 4 : i32
        %mul3A_847 = arith.muli %add3A, %mul3A_846 : i32
        %add3A_848 = arith.constant 1 : i32
        %add3A_849 = arith.addi %mul3A_847, %add3A_848 : i32
        %mul3A_850 = arith.constant 4 : i32
        %mul3A_851 = arith.muli %add3A, %mul3A_850 : i32
        %add3A_852 = arith.constant 2 : i32
        %add3A_853 = arith.addi %mul3A_851, %add3A_852 : i32
        %mul3A_854 = arith.constant 4 : i32
        %mul3A_855 = arith.muli %add3A, %mul3A_854 : i32
        %add3A_856 = arith.constant 3 : i32
        %add3A_857 = arith.addi %mul3A_855, %add3A_856 : i32
        %mul3A_858 = arith.constant 4 : i32
        %mul3A_859 = arith.muli %add3A, %mul3A_858 : i32
        %add3A_860 = arith.constant 0 : i32
        %add3A_861 = arith.addi %mul3A_859, %add3A_860 : i32
        %mul3A_862 = arith.constant 4 : i32
        %mul3A_863 = arith.muli %add3A, %mul3A_862 : i32
        %add3A_864 = arith.constant 1 : i32
        %add3A_865 = arith.addi %mul3A_863, %add3A_864 : i32
        %mul3A_866 = arith.constant 4 : i32
        %mul3A_867 = arith.muli %add3A, %mul3A_866 : i32
        %add3A_868 = arith.constant 2 : i32
        %add3A_869 = arith.addi %mul3A_867, %add3A_868 : i32
        %mul3A_870 = arith.constant 4 : i32
        %mul3A_871 = arith.muli %add3A, %mul3A_870 : i32
        %add3A_872 = arith.constant 3 : i32
        %add3A_873 = arith.addi %mul3A_871, %add3A_872 : i32
        %mul3A_874 = arith.constant 4 : i32
        %mul3A_875 = arith.muli %add3A, %mul3A_874 : i32
        %add3A_876 = arith.constant 0 : i32
        %add3A_877 = arith.addi %mul3A_875, %add3A_876 : i32
        %mul3A_878 = arith.constant 4 : i32
        %mul3A_879 = arith.muli %add3A, %mul3A_878 : i32
        %add3A_880 = arith.constant 1 : i32
        %add3A_881 = arith.addi %mul3A_879, %add3A_880 : i32
        %mul3A_882 = arith.constant 4 : i32
        %mul3A_883 = arith.muli %add3A, %mul3A_882 : i32
        %add3A_884 = arith.constant 2 : i32
        %add3A_885 = arith.addi %mul3A_883, %add3A_884 : i32
        %mul3A_886 = arith.constant 4 : i32
        %mul3A_887 = arith.muli %add3A, %mul3A_886 : i32
        %add3A_888 = arith.constant 3 : i32
        %add3A_889 = arith.addi %mul3A_887, %add3A_888 : i32
        %mul3A_890 = arith.constant 4 : i32
        %mul3A_891 = arith.muli %add3A, %mul3A_890 : i32
        %add3A_892 = arith.constant 0 : i32
        %add3A_893 = arith.addi %mul3A_891, %add3A_892 : i32
        %mul3A_894 = arith.constant 4 : i32
        %mul3A_895 = arith.muli %add3A, %mul3A_894 : i32
        %add3A_896 = arith.constant 1 : i32
        %add3A_897 = arith.addi %mul3A_895, %add3A_896 : i32
        %mul3A_898 = arith.constant 4 : i32
        %mul3A_899 = arith.muli %add3A, %mul3A_898 : i32
        %add3A_900 = arith.constant 2 : i32
        %add3A_901 = arith.addi %mul3A_899, %add3A_900 : i32
        %mul3A_902 = arith.constant 4 : i32
        %mul3A_903 = arith.muli %add3A, %mul3A_902 : i32
        %add3A_904 = arith.constant 3 : i32
        %add3A_905 = arith.addi %mul3A_903, %add3A_904 : i32
        %dma_start3A_906 = arith.constant 0 : i32
        %dma_start3A_907 = arith.constant 0 : i32
        %dma_start3A_908 = arith.constant 0 : i32
        %dma_start3A_909 = arith.constant 0 : i32
        %dma_start3A_910 = tpu.memref_slice %arg7[%dma_start3A_906, %dma_start3A_908, %dma_start3A_909] : memref<2x32x513xf32, #tpu.memory_space<vmem>> -> memref<1x8x128xf32, #tpu.memory_space<vmem>>
        %dma_start3A_911 = tpu.memref_squeeze %dma_start3A_910 : memref<1x8x128xf32, #tpu.memory_space<vmem>> -> memref<8x128xf32, #tpu.memory_space<vmem>>
        %dma_start3A_912 = arith.constant 0 : i32
        %dma_start3A_913 = arith.constant 0 : i32
        %dma_start3A_914 = tpu.memref_slice %arg4[%add3A_804, %dma_start3A_907, %add3A_845, %dma_start3A_912, %dma_start3A_913] : memref<200x4x128x8x128xf32, #tpu.memory_space<hbm>> -> memref<1x1x1x8x128xf32, #tpu.memory_space<hbm>>
        %dma_start3A_915 = tpu.memref_squeeze %dma_start3A_914 : memref<1x1x1x8x128xf32, #tpu.memory_space<hbm>> -> memref<8x128xf32, #tpu.memory_space<hbm>>
        %dma_start3A_916 = arith.constant 0 : i32
        %dma_start3A_917 = arith.constant 0 : i32
        %dma_start3A_918 = tpu.memref_slice %arg4[%add3A_804, %dma_start3A_907, %add3A_845, %dma_start3A_916, %dma_start3A_917] : memref<200x4x128x8x128xf32, #tpu.memory_space<hbm>> -> memref<1x1x1x8x128xf32, #tpu.memory_space<hbm>>
        %dma_start3A_919 = tpu.memref_squeeze %dma_start3A_918 : memref<1x1x1x8x128xf32, #tpu.memory_space<hbm>> -> memref<8x128xf32, #tpu.memory_space<hbm>>
        %dma_start3A_920 = arith.constant 0 : i32
        %dma_start3A_921 = arith.constant 0 : i32
        %dma_start3A_922 = tpu.memref_slice %arg7[%dma_start3A_906, %dma_start3A_920, %dma_start3A_921] : memref<2x32x513xf32, #tpu.memory_space<vmem>> -> memref<1x8x128xf32, #tpu.memory_space<vmem>>
        %dma_start3A_923 = tpu.memref_squeeze %dma_start3A_922 : memref<1x8x128xf32, #tpu.memory_space<vmem>> -> memref<8x128xf32, #tpu.memory_space<vmem>>
        tpu.enqueue_dma source(%dma_start3A_923 : memref<8x128xf32, #tpu.memory_space<vmem>>) target(%dma_start3A_919 : memref<8x128xf32, #tpu.memory_space<hbm>>) target_semaphore(%arg10 : memref<!tpu.dma_semaphore, #tpu.memory_space<semaphore_mem>>)
        %dma_start3A_924 = arith.constant 0 : i32
        %dma_start3A_925 = arith.constant 0 : i32
        %dma_start3A_926 = arith.constant 0 : i32
        %dma_start3A_927 = arith.constant 128 : i32
        %dma_start3A_928 = tpu.memref_slice %arg7[%dma_start3A_924, %dma_start3A_926, %dma_start3A_927] : memref<2x32x513xf32, #tpu.memory_space<vmem>> -> memref<1x8x128xf32, #tpu.memory_space<vmem>>
        %dma_start3A_929 = tpu.memref_squeeze %dma_start3A_928 : memref<1x8x128xf32, #tpu.memory_space<vmem>> -> memref<8x128xf32, #tpu.memory_space<vmem>>
        %dma_start3A_930 = arith.constant 0 : i32
        %dma_start3A_931 = arith.constant 0 : i32
        %dma_start3A_932 = tpu.memref_slice %arg4[%add3A_804, %dma_start3A_925, %add3A_849, %dma_start3A_930, %dma_start3A_931] : memref<200x4x128x8x128xf32, #tpu.memory_space<hbm>> -> memref<1x1x1x8x128xf32, #tpu.memory_space<hbm>>
        %dma_start3A_933 = tpu.memref_squeeze %dma_start3A_932 : memref<1x1x1x8x128xf32, #tpu.memory_space<hbm>> -> memref<8x128xf32, #tpu.memory_space<hbm>>
        %dma_start3A_934 = arith.constant 0 : i32
        %dma_start3A_935 = arith.constant 0 : i32
        %dma_start3A_936 = tpu.memref_slice %arg4[%add3A_804, %dma_start3A_925, %add3A_849, %dma_start3A_934, %dma_start3A_935] : memref<200x4x128x8x128xf32, #tpu.memory_space<hbm>> -> memref<1x1x1x8x128xf32, #tpu.memory_space<hbm>>
        %dma_start3A_937 = tpu.memref_squeeze %dma_start3A_936 : memref<1x1x1x8x128xf32, #tpu.memory_space<hbm>> -> memref<8x128xf32, #tpu.memory_space<hbm>>
        %dma_start3A_938 = arith.constant 0 : i32
        %dma_start3A_939 = arith.constant 128 : i32
        %dma_start3A_940 = tpu.memref_slice %arg7[%dma_start3A_924, %dma_start3A_938, %dma_start3A_939] : memref<2x32x513xf32, #tpu.memory_space<vmem>> -> memref<1x8x128xf32, #tpu.memory_space<vmem>>
        %dma_start3A_941 = tpu.memref_squeeze %dma_start3A_940 : memref<1x8x128xf32, #tpu.memory_space<vmem>> -> memref<8x128xf32, #tpu.memory_space<vmem>>
        tpu.enqueue_dma source(%dma_start3A_941 : memref<8x128xf32, #tpu.memory_space<vmem>>) target(%dma_start3A_937 : memref<8x128xf32, #tpu.memory_space<hbm>>) target_semaphore(%arg10 : memref<!tpu.dma_semaphore, #tpu.memory_space<semaphore_mem>>)
        %dma_start3A_942 = arith.constant 0 : i32
        %dma_start3A_943 = arith.constant 0 : i32
        %dma_start3A_944 = arith.constant 0 : i32
        %dma_start3A_945 = arith.constant 256 : i32
        %dma_start3A_946 = tpu.memref_slice %arg7[%dma_start3A_942, %dma_start3A_944, %dma_start3A_945] : memref<2x32x513xf32, #tpu.memory_space<vmem>> -> memref<1x8x128xf32, #tpu.memory_space<vmem>>
        %dma_start3A_947 = tpu.memref_squeeze %dma_start3A_946 : memref<1x8x128xf32, #tpu.memory_space<vmem>> -> memref<8x128xf32, #tpu.memory_space<vmem>>
        %dma_start3A_948 = arith.constant 0 : i32
        %dma_start3A_949 = arith.constant 0 : i32
        %dma_start3A_950 = tpu.memref_slice %arg4[%add3A_804, %dma_start3A_943, %add3A_853, %dma_start3A_948, %dma_start3A_949] : memref<200x4x128x8x128xf32, #tpu.memory_space<hbm>> -> memref<1x1x1x8x128xf32, #tpu.memory_space<hbm>>
        %dma_start3A_951 = tpu.memref_squeeze %dma_start3A_950 : memref<1x1x1x8x128xf32, #tpu.memory_space<hbm>> -> memref<8x128xf32, #tpu.memory_space<hbm>>
        %dma_start3A_952 = arith.constant 0 : i32
        %dma_start3A_953 = arith.constant 0 : i32
        %dma_start3A_954 = tpu.memref_slice %arg4[%add3A_804, %dma_start3A_943, %add3A_853, %dma_start3A_952, %dma_start3A_953] : memref<200x4x128x8x128xf32, #tpu.memory_space<hbm>> -> memref<1x1x1x8x128xf32, #tpu.memory_space<hbm>>
        %dma_start3A_955 = tpu.memref_squeeze %dma_start3A_954 : memref<1x1x1x8x128xf32, #tpu.memory_space<hbm>> -> memref<8x128xf32, #tpu.memory_space<hbm>>
        %dma_start3A_956 = arith.constant 0 : i32
        %dma_start3A_957 = arith.constant 256 : i32
        %dma_start3A_958 = tpu.memref_slice %arg7[%dma_start3A_942, %dma_start3A_956, %dma_start3A_957] : memref<2x32x513xf32, #tpu.memory_space<vmem>> -> memref<1x8x128xf32, #tpu.memory_space<vmem>>
        %dma_start3A_959 = tpu.memref_squeeze %dma_start3A_958 : memref<1x8x128xf32, #tpu.memory_space<vmem>> -> memref<8x128xf32, #tpu.memory_space<vmem>>
        tpu.enqueue_dma source(%dma_start3A_959 : memref<8x128xf32, #tpu.memory_space<vmem>>) target(%dma_start3A_955 : memref<8x128xf32, #tpu.memory_space<hbm>>) target_semaphore(%arg10 : memref<!tpu.dma_semaphore, #tpu.memory_space<semaphore_mem>>)
        %dma_start3A_960 = arith.constant 0 : i32
        %dma_start3A_961 = arith.constant 0 : i32
        %dma_start3A_962 = arith.constant 0 : i32
        %dma_start3A_963 = arith.constant 384 : i32
        %dma_start3A_964 = tpu.memref_slice %arg7[%dma_start3A_960, %dma_start3A_962, %dma_start3A_963] : memref<2x32x513xf32, #tpu.memory_space<vmem>> -> memref<1x8x128xf32, #tpu.memory_space<vmem>>
        %dma_start3A_965 = tpu.memref_squeeze %dma_start3A_964 : memref<1x8x128xf32, #tpu.memory_space<vmem>> -> memref<8x128xf32, #tpu.memory_space<vmem>>
        %dma_start3A_966 = arith.constant 0 : i32
        %dma_start3A_967 = arith.constant 0 : i32
        %dma_start3A_968 = tpu.memref_slice %arg4[%add3A_804, %dma_start3A_961, %add3A_857, %dma_start3A_966, %dma_start3A_967] : memref<200x4x128x8x128xf32, #tpu.memory_space<hbm>> -> memref<1x1x1x8x128xf32, #tpu.memory_space<hbm>>
        %dma_start3A_969 = tpu.memref_squeeze %dma_start3A_968 : memref<1x1x1x8x128xf32, #tpu.memory_space<hbm>> -> memref<8x128xf32, #tpu.memory_space<hbm>>
        %dma_start3A_970 = arith.constant 0 : i32
        %dma_start3A_971 = arith.constant 0 : i32
        %dma_start3A_972 = tpu.memref_slice %arg4[%add3A_804, %dma_start3A_961, %add3A_857, %dma_start3A_970, %dma_start3A_971] : memref<200x4x128x8x128xf32, #tpu.memory_space<hbm>> -> memref<1x1x1x8x128xf32, #tpu.memory_space<hbm>>
        %dma_start3A_973 = tpu.memref_squeeze %dma_start3A_972 : memref<1x1x1x8x128xf32, #tpu.memory_space<hbm>> -> memref<8x128xf32, #tpu.memory_space<hbm>>
        %dma_start3A_974 = arith.constant 0 : i32
        %dma_start3A_975 = arith.constant 384 : i32
        %dma_start3A_976 = tpu.memref_slice %arg7[%dma_start3A_960, %dma_start3A_974, %dma_start3A_975] : memref<2x32x513xf32, #tpu.memory_space<vmem>> -> memref<1x8x128xf32, #tpu.memory_space<vmem>>
        %dma_start3A_977 = tpu.memref_squeeze %dma_start3A_976 : memref<1x8x128xf32, #tpu.memory_space<vmem>> -> memref<8x128xf32, #tpu.memory_space<vmem>>
        tpu.enqueue_dma source(%dma_start3A_977 : memref<8x128xf32, #tpu.memory_space<vmem>>) target(%dma_start3A_973 : memref<8x128xf32, #tpu.memory_space<hbm>>) target_semaphore(%arg10 : memref<!tpu.dma_semaphore, #tpu.memory_space<semaphore_mem>>)
        %dma_start3A_978 = arith.constant 0 : i32
        %dma_start3A_979 = arith.constant 1 : i32
        %dma_start3A_980 = arith.constant 8 : i32
        %dma_start3A_981 = arith.constant 0 : i32
        %dma_start3A_982 = tpu.memref_slice %arg7[%dma_start3A_978, %dma_start3A_980, %dma_start3A_981] : memref<2x32x513xf32, #tpu.memory_space<vmem>> -> memref<1x8x128xf32, #tpu.memory_space<vmem>>
        %dma_start3A_983 = tpu.memref_squeeze %dma_start3A_982 : memref<1x8x128xf32, #tpu.memory_space<vmem>> -> memref<8x128xf32, #tpu.memory_space<vmem>>
        %dma_start3A_984 = arith.constant 0 : i32
        %dma_start3A_985 = arith.constant 0 : i32
        %dma_start3A_986 = tpu.memref_slice %arg4[%add3A_804, %dma_start3A_979, %add3A_861, %dma_start3A_984, %dma_start3A_985] : memref<200x4x128x8x128xf32, #tpu.memory_space<hbm>> -> memref<1x1x1x8x128xf32, #tpu.memory_space<hbm>>
        %dma_start3A_987 = tpu.memref_squeeze %dma_start3A_986 : memref<1x1x1x8x128xf32, #tpu.memory_space<hbm>> -> memref<8x128xf32, #tpu.memory_space<hbm>>
        %dma_start3A_988 = arith.constant 0 : i32
        %dma_start3A_989 = arith.constant 0 : i32
        %dma_start3A_990 = tpu.memref_slice %arg4[%add3A_804, %dma_start3A_979, %add3A_861, %dma_start3A_988, %dma_start3A_989] : memref<200x4x128x8x128xf32, #tpu.memory_space<hbm>> -> memref<1x1x1x8x128xf32, #tpu.memory_space<hbm>>
        %dma_start3A_991 = tpu.memref_squeeze %dma_start3A_990 : memref<1x1x1x8x128xf32, #tpu.memory_space<hbm>> -> memref<8x128xf32, #tpu.memory_space<hbm>>
        %dma_start3A_992 = arith.constant 8 : i32
        %dma_start3A_993 = arith.constant 0 : i32
        %dma_start3A_994 = tpu.memref_slice %arg7[%dma_start3A_978, %dma_start3A_992, %dma_start3A_993] : memref<2x32x513xf32, #tpu.memory_space<vmem>> -> memref<1x8x128xf32, #tpu.memory_space<vmem>>
        %dma_start3A_995 = tpu.memref_squeeze %dma_start3A_994 : memref<1x8x128xf32, #tpu.memory_space<vmem>> -> memref<8x128xf32, #tpu.memory_space<vmem>>
        tpu.enqueue_dma source(%dma_start3A_995 : memref<8x128xf32, #tpu.memory_space<vmem>>) target(%dma_start3A_991 : memref<8x128xf32, #tpu.memory_space<hbm>>) target_semaphore(%arg10 : memref<!tpu.dma_semaphore, #tpu.memory_space<semaphore_mem>>)
        %dma_start3A_996 = arith.constant 0 : i32
        %dma_start3A_997 = arith.constant 1 : i32
        %dma_start3A_998 = arith.constant 8 : i32
        %dma_start3A_999 = arith.constant 128 : i32
        %dma_start3A_1000 = tpu.memref_slice %arg7[%dma_start3A_996, %dma_start3A_998, %dma_start3A_999] : memref<2x32x513xf32, #tpu.memory_space<vmem>> -> memref<1x8x128xf32, #tpu.memory_space<vmem>>
        %dma_start3A_1001 = tpu.memref_squeeze %dma_start3A_1000 : memref<1x8x128xf32, #tpu.memory_space<vmem>> -> memref<8x128xf32, #tpu.memory_space<vmem>>
        %dma_start3A_1002 = arith.constant 0 : i32
        %dma_start3A_1003 = arith.constant 0 : i32
        %dma_start3A_1004 = tpu.memref_slice %arg4[%add3A_804, %dma_start3A_997, %add3A_865, %dma_start3A_1002, %dma_start3A_1003] : memref<200x4x128x8x128xf32, #tpu.memory_space<hbm>> -> memref<1x1x1x8x128xf32, #tpu.memory_space<hbm>>
        %dma_start3A_1005 = tpu.memref_squeeze %dma_start3A_1004 : memref<1x1x1x8x128xf32, #tpu.memory_space<hbm>> -> memref<8x128xf32, #tpu.memory_space<hbm>>
        %dma_start3A_1006 = arith.constant 0 : i32
        %dma_start3A_1007 = arith.constant 0 : i32
        %dma_start3A_1008 = tpu.memref_slice %arg4[%add3A_804, %dma_start3A_997, %add3A_865, %dma_start3A_1006, %dma_start3A_1007] : memref<200x4x128x8x128xf32, #tpu.memory_space<hbm>> -> memref<1x1x1x8x128xf32, #tpu.memory_space<hbm>>
        %dma_start3A_1009 = tpu.memref_squeeze %dma_start3A_1008 : memref<1x1x1x8x128xf32, #tpu.memory_space<hbm>> -> memref<8x128xf32, #tpu.memory_space<hbm>>
        %dma_start3A_1010 = arith.constant 8 : i32
        %dma_start3A_1011 = arith.constant 128 : i32
        %dma_start3A_1012 = tpu.memref_slice %arg7[%dma_start3A_996, %dma_start3A_1010, %dma_start3A_1011] : memref<2x32x513xf32, #tpu.memory_space<vmem>> -> memref<1x8x128xf32, #tpu.memory_space<vmem>>
        %dma_start3A_1013 = tpu.memref_squeeze %dma_start3A_1012 : memref<1x8x128xf32, #tpu.memory_space<vmem>> -> memref<8x128xf32, #tpu.memory_space<vmem>>
        tpu.enqueue_dma source(%dma_start3A_1013 : memref<8x128xf32, #tpu.memory_space<vmem>>) target(%dma_start3A_1009 : memref<8x128xf32, #tpu.memory_space<hbm>>) target_semaphore(%arg10 : memref<!tpu.dma_semaphore, #tpu.memory_space<semaphore_mem>>)
        %dma_start3A_1014 = arith.constant 0 : i32
        %dma_start3A_1015 = arith.constant 1 : i32
        %dma_start3A_1016 = arith.constant 8 : i32
        %dma_start3A_1017 = arith.constant 256 : i32
        %dma_start3A_1018 = tpu.memref_slice %arg7[%dma_start3A_1014, %dma_start3A_1016, %dma_start3A_1017] : memref<2x32x513xf32, #tpu.memory_space<vmem>> -> memref<1x8x128xf32, #tpu.memory_space<vmem>>
        %dma_start3A_1019 = tpu.memref_squeeze %dma_start3A_1018 : memref<1x8x128xf32, #tpu.memory_space<vmem>> -> memref<8x128xf32, #tpu.memory_space<vmem>>
        %dma_start3A_1020 = arith.constant 0 : i32
        %dma_start3A_1021 = arith.constant 0 : i32
        %dma_start3A_1022 = tpu.memref_slice %arg4[%add3A_804, %dma_start3A_1015, %add3A_869, %dma_start3A_1020, %dma_start3A_1021] : memref<200x4x128x8x128xf32, #tpu.memory_space<hbm>> -> memref<1x1x1x8x128xf32, #tpu.memory_space<hbm>>
        %dma_start3A_1023 = tpu.memref_squeeze %dma_start3A_1022 : memref<1x1x1x8x128xf32, #tpu.memory_space<hbm>> -> memref<8x128xf32, #tpu.memory_space<hbm>>
        %dma_start3A_1024 = arith.constant 0 : i32
        %dma_start3A_1025 = arith.constant 0 : i32
        %dma_start3A_1026 = tpu.memref_slice %arg4[%add3A_804, %dma_start3A_1015, %add3A_869, %dma_start3A_1024, %dma_start3A_1025] : memref<200x4x128x8x128xf32, #tpu.memory_space<hbm>> -> memref<1x1x1x8x128xf32, #tpu.memory_space<hbm>>
        %dma_start3A_1027 = tpu.memref_squeeze %dma_start3A_1026 : memref<1x1x1x8x128xf32, #tpu.memory_space<hbm>> -> memref<8x128xf32, #tpu.memory_space<hbm>>
        %dma_start3A_1028 = arith.constant 8 : i32
        %dma_start3A_1029 = arith.constant 256 : i32
        %dma_start3A_1030 = tpu.memref_slice %arg7[%dma_start3A_1014, %dma_start3A_1028, %dma_start3A_1029] : memref<2x32x513xf32, #tpu.memory_space<vmem>> -> memref<1x8x128xf32, #tpu.memory_space<vmem>>
        %dma_start3A_1031 = tpu.memref_squeeze %dma_start3A_1030 : memref<1x8x128xf32, #tpu.memory_space<vmem>> -> memref<8x128xf32, #tpu.memory_space<vmem>>
        tpu.enqueue_dma source(%dma_start3A_1031 : memref<8x128xf32, #tpu.memory_space<vmem>>) target(%dma_start3A_1027 : memref<8x128xf32, #tpu.memory_space<hbm>>) target_semaphore(%arg10 : memref<!tpu.dma_semaphore, #tpu.memory_space<semaphore_mem>>)
        %dma_start3A_1032 = arith.constant 0 : i32
        %dma_start3A_1033 = arith.constant 1 : i32
        %dma_start3A_1034 = arith.constant 8 : i32
        %dma_start3A_1035 = arith.constant 384 : i32
        %dma_start3A_1036 = tpu.memref_slice %arg7[%dma_start3A_1032, %dma_start3A_1034, %dma_start3A_1035] : memref<2x32x513xf32, #tpu.memory_space<vmem>> -> memref<1x8x128xf32, #tpu.memory_space<vmem>>
        %dma_start3A_1037 = tpu.memref_squeeze %dma_start3A_1036 : memref<1x8x128xf32, #tpu.memory_space<vmem>> -> memref<8x128xf32, #tpu.memory_space<vmem>>
        %dma_start3A_1038 = arith.constant 0 : i32
        %dma_start3A_1039 = arith.constant 0 : i32
        %dma_start3A_1040 = tpu.memref_slice %arg4[%add3A_804, %dma_start3A_1033, %add3A_873, %dma_start3A_1038, %dma_start3A_1039] : memref<200x4x128x8x128xf32, #tpu.memory_space<hbm>> -> memref<1x1x1x8x128xf32, #tpu.memory_space<hbm>>
        %dma_start3A_1041 = tpu.memref_squeeze %dma_start3A_1040 : memref<1x1x1x8x128xf32, #tpu.memory_space<hbm>> -> memref<8x128xf32, #tpu.memory_space<hbm>>
        %dma_start3A_1042 = arith.constant 0 : i32
        %dma_start3A_1043 = arith.constant 0 : i32
        %dma_start3A_1044 = tpu.memref_slice %arg4[%add3A_804, %dma_start3A_1033, %add3A_873, %dma_start3A_1042, %dma_start3A_1043] : memref<200x4x128x8x128xf32, #tpu.memory_space<hbm>> -> memref<1x1x1x8x128xf32, #tpu.memory_space<hbm>>
        %dma_start3A_1045 = tpu.memref_squeeze %dma_start3A_1044 : memref<1x1x1x8x128xf32, #tpu.memory_space<hbm>> -> memref<8x128xf32, #tpu.memory_space<hbm>>
        %dma_start3A_1046 = arith.constant 8 : i32
        %dma_start3A_1047 = arith.constant 384 : i32
        %dma_start3A_1048 = tpu.memref_slice %arg7[%dma_start3A_1032, %dma_start3A_1046, %dma_start3A_1047] : memref<2x32x513xf32, #tpu.memory_space<vmem>> -> memref<1x8x128xf32, #tpu.memory_space<vmem>>
        %dma_start3A_1049 = tpu.memref_squeeze %dma_start3A_1048 : memref<1x8x128xf32, #tpu.memory_space<vmem>> -> memref<8x128xf32, #tpu.memory_space<vmem>>
        tpu.enqueue_dma source(%dma_start3A_1049 : memref<8x128xf32, #tpu.memory_space<vmem>>) target(%dma_start3A_1045 : memref<8x128xf32, #tpu.memory_space<hbm>>) target_semaphore(%arg10 : memref<!tpu.dma_semaphore, #tpu.memory_space<semaphore_mem>>)
        %dma_start3A_1050 = arith.constant 0 : i32
        %dma_start3A_1051 = arith.constant 2 : i32
        %dma_start3A_1052 = arith.constant 16 : i32
        %dma_start3A_1053 = arith.constant 0 : i32
        %dma_start3A_1054 = tpu.memref_slice %arg7[%dma_start3A_1050, %dma_start3A_1052, %dma_start3A_1053] : memref<2x32x513xf32, #tpu.memory_space<vmem>> -> memref<1x8x128xf32, #tpu.memory_space<vmem>>
        %dma_start3A_1055 = tpu.memref_squeeze %dma_start3A_1054 : memref<1x8x128xf32, #tpu.memory_space<vmem>> -> memref<8x128xf32, #tpu.memory_space<vmem>>
        %dma_start3A_1056 = arith.constant 0 : i32
        %dma_start3A_1057 = arith.constant 0 : i32
        %dma_start3A_1058 = tpu.memref_slice %arg4[%add3A_804, %dma_start3A_1051, %add3A_877, %dma_start3A_1056, %dma_start3A_1057] : memref<200x4x128x8x128xf32, #tpu.memory_space<hbm>> -> memref<1x1x1x8x128xf32, #tpu.memory_space<hbm>>
        %dma_start3A_1059 = tpu.memref_squeeze %dma_start3A_1058 : memref<1x1x1x8x128xf32, #tpu.memory_space<hbm>> -> memref<8x128xf32, #tpu.memory_space<hbm>>
        %dma_start3A_1060 = arith.constant 0 : i32
        %dma_start3A_1061 = arith.constant 0 : i32
        %dma_start3A_1062 = tpu.memref_slice %arg4[%add3A_804, %dma_start3A_1051, %add3A_877, %dma_start3A_1060, %dma_start3A_1061] : memref<200x4x128x8x128xf32, #tpu.memory_space<hbm>> -> memref<1x1x1x8x128xf32, #tpu.memory_space<hbm>>
        %dma_start3A_1063 = tpu.memref_squeeze %dma_start3A_1062 : memref<1x1x1x8x128xf32, #tpu.memory_space<hbm>> -> memref<8x128xf32, #tpu.memory_space<hbm>>
        %dma_start3A_1064 = arith.constant 16 : i32
        %dma_start3A_1065 = arith.constant 0 : i32
        %dma_start3A_1066 = tpu.memref_slice %arg7[%dma_start3A_1050, %dma_start3A_1064, %dma_start3A_1065] : memref<2x32x513xf32, #tpu.memory_space<vmem>> -> memref<1x8x128xf32, #tpu.memory_space<vmem>>
        %dma_start3A_1067 = tpu.memref_squeeze %dma_start3A_1066 : memref<1x8x128xf32, #tpu.memory_space<vmem>> -> memref<8x128xf32, #tpu.memory_space<vmem>>
        tpu.enqueue_dma source(%dma_start3A_1067 : memref<8x128xf32, #tpu.memory_space<vmem>>) target(%dma_start3A_1063 : memref<8x128xf32, #tpu.memory_space<hbm>>) target_semaphore(%arg10 : memref<!tpu.dma_semaphore, #tpu.memory_space<semaphore_mem>>)
        %dma_start3A_1068 = arith.constant 0 : i32
        %dma_start3A_1069 = arith.constant 2 : i32
        %dma_start3A_1070 = arith.constant 16 : i32
        %dma_start3A_1071 = arith.constant 128 : i32
        %dma_start3A_1072 = tpu.memref_slice %arg7[%dma_start3A_1068, %dma_start3A_1070, %dma_start3A_1071] : memref<2x32x513xf32, #tpu.memory_space<vmem>> -> memref<1x8x128xf32, #tpu.memory_space<vmem>>
        %dma_start3A_1073 = tpu.memref_squeeze %dma_start3A_1072 : memref<1x8x128xf32, #tpu.memory_space<vmem>> -> memref<8x128xf32, #tpu.memory_space<vmem>>
        %dma_start3A_1074 = arith.constant 0 : i32
        %dma_start3A_1075 = arith.constant 0 : i32
        %dma_start3A_1076 = tpu.memref_slice %arg4[%add3A_804, %dma_start3A_1069, %add3A_881, %dma_start3A_1074, %dma_start3A_1075] : memref<200x4x128x8x128xf32, #tpu.memory_space<hbm>> -> memref<1x1x1x8x128xf32, #tpu.memory_space<hbm>>
        %dma_start3A_1077 = tpu.memref_squeeze %dma_start3A_1076 : memref<1x1x1x8x128xf32, #tpu.memory_space<hbm>> -> memref<8x128xf32, #tpu.memory_space<hbm>>
        %dma_start3A_1078 = arith.constant 0 : i32
        %dma_start3A_1079 = arith.constant 0 : i32
        %dma_start3A_1080 = tpu.memref_slice %arg4[%add3A_804, %dma_start3A_1069, %add3A_881, %dma_start3A_1078, %dma_start3A_1079] : memref<200x4x128x8x128xf32, #tpu.memory_space<hbm>> -> memref<1x1x1x8x128xf32, #tpu.memory_space<hbm>>
        %dma_start3A_1081 = tpu.memref_squeeze %dma_start3A_1080 : memref<1x1x1x8x128xf32, #tpu.memory_space<hbm>> -> memref<8x128xf32, #tpu.memory_space<hbm>>
        %dma_start3A_1082 = arith.constant 16 : i32
        %dma_start3A_1083 = arith.constant 128 : i32
        %dma_start3A_1084 = tpu.memref_slice %arg7[%dma_start3A_1068, %dma_start3A_1082, %dma_start3A_1083] : memref<2x32x513xf32, #tpu.memory_space<vmem>> -> memref<1x8x128xf32, #tpu.memory_space<vmem>>
        %dma_start3A_1085 = tpu.memref_squeeze %dma_start3A_1084 : memref<1x8x128xf32, #tpu.memory_space<vmem>> -> memref<8x128xf32, #tpu.memory_space<vmem>>
        tpu.enqueue_dma source(%dma_start3A_1085 : memref<8x128xf32, #tpu.memory_space<vmem>>) target(%dma_start3A_1081 : memref<8x128xf32, #tpu.memory_space<hbm>>) target_semaphore(%arg10 : memref<!tpu.dma_semaphore, #tpu.memory_space<semaphore_mem>>)
        %dma_start3A_1086 = arith.constant 0 : i32
        %dma_start3A_1087 = arith.constant 2 : i32
        %dma_start3A_1088 = arith.constant 16 : i32
        %dma_start3A_1089 = arith.constant 256 : i32
        %dma_start3A_1090 = tpu.memref_slice %arg7[%dma_start3A_1086, %dma_start3A_1088, %dma_start3A_1089] : memref<2x32x513xf32, #tpu.memory_space<vmem>> -> memref<1x8x128xf32, #tpu.memory_space<vmem>>
        %dma_start3A_1091 = tpu.memref_squeeze %dma_start3A_1090 : memref<1x8x128xf32, #tpu.memory_space<vmem>> -> memref<8x128xf32, #tpu.memory_space<vmem>>
        %dma_start3A_1092 = arith.constant 0 : i32
        %dma_start3A_1093 = arith.constant 0 : i32
        %dma_start3A_1094 = tpu.memref_slice %arg4[%add3A_804, %dma_start3A_1087, %add3A_885, %dma_start3A_1092, %dma_start3A_1093] : memref<200x4x128x8x128xf32, #tpu.memory_space<hbm>> -> memref<1x1x1x8x128xf32, #tpu.memory_space<hbm>>
        %dma_start3A_1095 = tpu.memref_squeeze %dma_start3A_1094 : memref<1x1x1x8x128xf32, #tpu.memory_space<hbm>> -> memref<8x128xf32, #tpu.memory_space<hbm>>
        %dma_start3A_1096 = arith.constant 0 : i32
        %dma_start3A_1097 = arith.constant 0 : i32
        %dma_start3A_1098 = tpu.memref_slice %arg4[%add3A_804, %dma_start3A_1087, %add3A_885, %dma_start3A_1096, %dma_start3A_1097] : memref<200x4x128x8x128xf32, #tpu.memory_space<hbm>> -> memref<1x1x1x8x128xf32, #tpu.memory_space<hbm>>
        %dma_start3A_1099 = tpu.memref_squeeze %dma_start3A_1098 : memref<1x1x1x8x128xf32, #tpu.memory_space<hbm>> -> memref<8x128xf32, #tpu.memory_space<hbm>>
        %dma_start3A_1100 = arith.constant 16 : i32
        %dma_start3A_1101 = arith.constant 256 : i32
        %dma_start3A_1102 = tpu.memref_slice %arg7[%dma_start3A_1086, %dma_start3A_1100, %dma_start3A_1101] : memref<2x32x513xf32, #tpu.memory_space<vmem>> -> memref<1x8x128xf32, #tpu.memory_space<vmem>>
        %dma_start3A_1103 = tpu.memref_squeeze %dma_start3A_1102 : memref<1x8x128xf32, #tpu.memory_space<vmem>> -> memref<8x128xf32, #tpu.memory_space<vmem>>
        tpu.enqueue_dma source(%dma_start3A_1103 : memref<8x128xf32, #tpu.memory_space<vmem>>) target(%dma_start3A_1099 : memref<8x128xf32, #tpu.memory_space<hbm>>) target_semaphore(%arg10 : memref<!tpu.dma_semaphore, #tpu.memory_space<semaphore_mem>>)
        %dma_start3A_1104 = arith.constant 0 : i32
        %dma_start3A_1105 = arith.constant 2 : i32
        %dma_start3A_1106 = arith.constant 16 : i32
        %dma_start3A_1107 = arith.constant 384 : i32
        %dma_start3A_1108 = tpu.memref_slice %arg7[%dma_start3A_1104, %dma_start3A_1106, %dma_start3A_1107] : memref<2x32x513xf32, #tpu.memory_space<vmem>> -> memref<1x8x128xf32, #tpu.memory_space<vmem>>
        %dma_start3A_1109 = tpu.memref_squeeze %dma_start3A_1108 : memref<1x8x128xf32, #tpu.memory_space<vmem>> -> memref<8x128xf32, #tpu.memory_space<vmem>>
        %dma_start3A_1110 = arith.constant 0 : i32
        %dma_start3A_1111 = arith.constant 0 : i32
        %dma_start3A_1112 = tpu.memref_slice %arg4[%add3A_804, %dma_start3A_1105, %add3A_889, %dma_start3A_1110, %dma_start3A_1111] : memref<200x4x128x8x128xf32, #tpu.memory_space<hbm>> -> memref<1x1x1x8x128xf32, #tpu.memory_space<hbm>>
        %dma_start3A_1113 = tpu.memref_squeeze %dma_start3A_1112 : memref<1x1x1x8x128xf32, #tpu.memory_space<hbm>> -> memref<8x128xf32, #tpu.memory_space<hbm>>
        %dma_start3A_1114 = arith.constant 0 : i32
        %dma_start3A_1115 = arith.constant 0 : i32
        %dma_start3A_1116 = tpu.memref_slice %arg4[%add3A_804, %dma_start3A_1105, %add3A_889, %dma_start3A_1114, %dma_start3A_1115] : memref<200x4x128x8x128xf32, #tpu.memory_space<hbm>> -> memref<1x1x1x8x128xf32, #tpu.memory_space<hbm>>
        %dma_start3A_1117 = tpu.memref_squeeze %dma_start3A_1116 : memref<1x1x1x8x128xf32, #tpu.memory_space<hbm>> -> memref<8x128xf32, #tpu.memory_space<hbm>>
        %dma_start3A_1118 = arith.constant 16 : i32
        %dma_start3A_1119 = arith.constant 384 : i32
        %dma_start3A_1120 = tpu.memref_slice %arg7[%dma_start3A_1104, %dma_start3A_1118, %dma_start3A_1119] : memref<2x32x513xf32, #tpu.memory_space<vmem>> -> memref<1x8x128xf32, #tpu.memory_space<vmem>>
        %dma_start3A_1121 = tpu.memref_squeeze %dma_start3A_1120 : memref<1x8x128xf32, #tpu.memory_space<vmem>> -> memref<8x128xf32, #tpu.memory_space<vmem>>
        tpu.enqueue_dma source(%dma_start3A_1121 : memref<8x128xf32, #tpu.memory_space<vmem>>) target(%dma_start3A_1117 : memref<8x128xf32, #tpu.memory_space<hbm>>) target_semaphore(%arg10 : memref<!tpu.dma_semaphore, #tpu.memory_space<semaphore_mem>>)
        %dma_start3A_1122 = arith.constant 0 : i32
        %dma_start3A_1123 = arith.constant 3 : i32
        %dma_start3A_1124 = arith.constant 24 : i32
        %dma_start3A_1125 = arith.constant 0 : i32
        %dma_start3A_1126 = tpu.memref_slice %arg7[%dma_start3A_1122, %dma_start3A_1124, %dma_start3A_1125] : memref<2x32x513xf32, #tpu.memory_space<vmem>> -> memref<1x8x128xf32, #tpu.memory_space<vmem>>
        %dma_start3A_1127 = tpu.memref_squeeze %dma_start3A_1126 : memref<1x8x128xf32, #tpu.memory_space<vmem>> -> memref<8x128xf32, #tpu.memory_space<vmem>>
        %dma_start3A_1128 = arith.constant 0 : i32
        %dma_start3A_1129 = arith.constant 0 : i32
        %dma_start3A_1130 = tpu.memref_slice %arg4[%add3A_804, %dma_start3A_1123, %add3A_893, %dma_start3A_1128, %dma_start3A_1129] : memref<200x4x128x8x128xf32, #tpu.memory_space<hbm>> -> memref<1x1x1x8x128xf32, #tpu.memory_space<hbm>>
        %dma_start3A_1131 = tpu.memref_squeeze %dma_start3A_1130 : memref<1x1x1x8x128xf32, #tpu.memory_space<hbm>> -> memref<8x128xf32, #tpu.memory_space<hbm>>
        %dma_start3A_1132 = arith.constant 0 : i32
        %dma_start3A_1133 = arith.constant 0 : i32
        %dma_start3A_1134 = tpu.memref_slice %arg4[%add3A_804, %dma_start3A_1123, %add3A_893, %dma_start3A_1132, %dma_start3A_1133] : memref<200x4x128x8x128xf32, #tpu.memory_space<hbm>> -> memref<1x1x1x8x128xf32, #tpu.memory_space<hbm>>
        %dma_start3A_1135 = tpu.memref_squeeze %dma_start3A_1134 : memref<1x1x1x8x128xf32, #tpu.memory_space<hbm>> -> memref<8x128xf32, #tpu.memory_space<hbm>>
        %dma_start3A_1136 = arith.constant 24 : i32
        %dma_start3A_1137 = arith.constant 0 : i32
        %dma_start3A_1138 = tpu.memref_slice %arg7[%dma_start3A_1122, %dma_start3A_1136, %dma_start3A_1137] : memref<2x32x513xf32, #tpu.memory_space<vmem>> -> memref<1x8x128xf32, #tpu.memory_space<vmem>>
        %dma_start3A_1139 = tpu.memref_squeeze %dma_start3A_1138 : memref<1x8x128xf32, #tpu.memory_space<vmem>> -> memref<8x128xf32, #tpu.memory_space<vmem>>
        tpu.enqueue_dma source(%dma_start3A_1139 : memref<8x128xf32, #tpu.memory_space<vmem>>) target(%dma_start3A_1135 : memref<8x128xf32, #tpu.memory_space<hbm>>) target_semaphore(%arg10 : memref<!tpu.dma_semaphore, #tpu.memory_space<semaphore_mem>>)
        %dma_start3A_1140 = arith.constant 0 : i32
        %dma_start3A_1141 = arith.constant 3 : i32
        %dma_start3A_1142 = arith.constant 24 : i32
        %dma_start3A_1143 = arith.constant 128 : i32
        %dma_start3A_1144 = tpu.memref_slice %arg7[%dma_start3A_1140, %dma_start3A_1142, %dma_start3A_1143] : memref<2x32x513xf32, #tpu.memory_space<vmem>> -> memref<1x8x128xf32, #tpu.memory_space<vmem>>
        %dma_start3A_1145 = tpu.memref_squeeze %dma_start3A_1144 : memref<1x8x128xf32, #tpu.memory_space<vmem>> -> memref<8x128xf32, #tpu.memory_space<vmem>>
        %dma_start3A_1146 = arith.constant 0 : i32
        %dma_start3A_1147 = arith.constant 0 : i32
        %dma_start3A_1148 = tpu.memref_slice %arg4[%add3A_804, %dma_start3A_1141, %add3A_897, %dma_start3A_1146, %dma_start3A_1147] : memref<200x4x128x8x128xf32, #tpu.memory_space<hbm>> -> memref<1x1x1x8x128xf32, #tpu.memory_space<hbm>>
        %dma_start3A_1149 = tpu.memref_squeeze %dma_start3A_1148 : memref<1x1x1x8x128xf32, #tpu.memory_space<hbm>> -> memref<8x128xf32, #tpu.memory_space<hbm>>
        %dma_start3A_1150 = arith.constant 0 : i32
        %dma_start3A_1151 = arith.constant 0 : i32
        %dma_start3A_1152 = tpu.memref_slice %arg4[%add3A_804, %dma_start3A_1141, %add3A_897, %dma_start3A_1150, %dma_start3A_1151] : memref<200x4x128x8x128xf32, #tpu.memory_space<hbm>> -> memref<1x1x1x8x128xf32, #tpu.memory_space<hbm>>
        %dma_start3A_1153 = tpu.memref_squeeze %dma_start3A_1152 : memref<1x1x1x8x128xf32, #tpu.memory_space<hbm>> -> memref<8x128xf32, #tpu.memory_space<hbm>>
        %dma_start3A_1154 = arith.constant 24 : i32
        %dma_start3A_1155 = arith.constant 128 : i32
        %dma_start3A_1156 = tpu.memref_slice %arg7[%dma_start3A_1140, %dma_start3A_1154, %dma_start3A_1155] : memref<2x32x513xf32, #tpu.memory_space<vmem>> -> memref<1x8x128xf32, #tpu.memory_space<vmem>>
        %dma_start3A_1157 = tpu.memref_squeeze %dma_start3A_1156 : memref<1x8x128xf32, #tpu.memory_space<vmem>> -> memref<8x128xf32, #tpu.memory_space<vmem>>
        tpu.enqueue_dma source(%dma_start3A_1157 : memref<8x128xf32, #tpu.memory_space<vmem>>) target(%dma_start3A_1153 : memref<8x128xf32, #tpu.memory_space<hbm>>) target_semaphore(%arg10 : memref<!tpu.dma_semaphore, #tpu.memory_space<semaphore_mem>>)
        %dma_start3A_1158 = arith.constant 0 : i32
        %dma_start3A_1159 = arith.constant 3 : i32
        %dma_start3A_1160 = arith.constant 24 : i32
        %dma_start3A_1161 = arith.constant 256 : i32
        %dma_start3A_1162 = tpu.memref_slice %arg7[%dma_start3A_1158, %dma_start3A_1160, %dma_start3A_1161] : memref<2x32x513xf32, #tpu.memory_space<vmem>> -> memref<1x8x128xf32, #tpu.memory_space<vmem>>
        %dma_start3A_1163 = tpu.memref_squeeze %dma_start3A_1162 : memref<1x8x128xf32, #tpu.memory_space<vmem>> -> memref<8x128xf32, #tpu.memory_space<vmem>>
        %dma_start3A_1164 = arith.constant 0 : i32
        %dma_start3A_1165 = arith.constant 0 : i32
        %dma_start3A_1166 = tpu.memref_slice %arg4[%add3A_804, %dma_start3A_1159, %add3A_901, %dma_start3A_1164, %dma_start3A_1165] : memref<200x4x128x8x128xf32, #tpu.memory_space<hbm>> -> memref<1x1x1x8x128xf32, #tpu.memory_space<hbm>>
        %dma_start3A_1167 = tpu.memref_squeeze %dma_start3A_1166 : memref<1x1x1x8x128xf32, #tpu.memory_space<hbm>> -> memref<8x128xf32, #tpu.memory_space<hbm>>
        %dma_start3A_1168 = arith.constant 0 : i32
        %dma_start3A_1169 = arith.constant 0 : i32
        %dma_start3A_1170 = tpu.memref_slice %arg4[%add3A_804, %dma_start3A_1159, %add3A_901, %dma_start3A_1168, %dma_start3A_1169] : memref<200x4x128x8x128xf32, #tpu.memory_space<hbm>> -> memref<1x1x1x8x128xf32, #tpu.memory_space<hbm>>
        %dma_start3A_1171 = tpu.memref_squeeze %dma_start3A_1170 : memref<1x1x1x8x128xf32, #tpu.memory_space<hbm>> -> memref<8x128xf32, #tpu.memory_space<hbm>>
        %dma_start3A_1172 = arith.constant 24 : i32
        %dma_start3A_1173 = arith.constant 256 : i32
        %dma_start3A_1174 = tpu.memref_slice %arg7[%dma_start3A_1158, %dma_start3A_1172, %dma_start3A_1173] : memref<2x32x513xf32, #tpu.memory_space<vmem>> -> memref<1x8x128xf32, #tpu.memory_space<vmem>>
        %dma_start3A_1175 = tpu.memref_squeeze %dma_start3A_1174 : memref<1x8x128xf32, #tpu.memory_space<vmem>> -> memref<8x128xf32, #tpu.memory_space<vmem>>
        tpu.enqueue_dma source(%dma_start3A_1175 : memref<8x128xf32, #tpu.memory_space<vmem>>) target(%dma_start3A_1171 : memref<8x128xf32, #tpu.memory_space<hbm>>) target_semaphore(%arg10 : memref<!tpu.dma_semaphore, #tpu.memory_space<semaphore_mem>>)
        %dma_start3A_1176 = arith.constant 0 : i32
        %dma_start3A_1177 = arith.constant 3 : i32
        %dma_start3A_1178 = arith.constant 24 : i32
        %dma_start3A_1179 = arith.constant 384 : i32
        %dma_start3A_1180 = tpu.memref_slice %arg7[%dma_start3A_1176, %dma_start3A_1178, %dma_start3A_1179] : memref<2x32x513xf32, #tpu.memory_space<vmem>> -> memref<1x8x128xf32, #tpu.memory_space<vmem>>
        %dma_start3A_1181 = tpu.memref_squeeze %dma_start3A_1180 : memref<1x8x128xf32, #tpu.memory_space<vmem>> -> memref<8x128xf32, #tpu.memory_space<vmem>>
        %dma_start3A_1182 = arith.constant 0 : i32
        %dma_start3A_1183 = arith.constant 0 : i32
        %dma_start3A_1184 = tpu.memref_slice %arg4[%add3A_804, %dma_start3A_1177, %add3A_905, %dma_start3A_1182, %dma_start3A_1183] : memref<200x4x128x8x128xf32, #tpu.memory_space<hbm>> -> memref<1x1x1x8x128xf32, #tpu.memory_space<hbm>>
        %dma_start3A_1185 = tpu.memref_squeeze %dma_start3A_1184 : memref<1x1x1x8x128xf32, #tpu.memory_space<hbm>> -> memref<8x128xf32, #tpu.memory_space<hbm>>
        %dma_start3A_1186 = arith.constant 0 : i32
        %dma_start3A_1187 = arith.constant 0 : i32
        %dma_start3A_1188 = tpu.memref_slice %arg4[%add3A_804, %dma_start3A_1177, %add3A_905, %dma_start3A_1186, %dma_start3A_1187] : memref<200x4x128x8x128xf32, #tpu.memory_space<hbm>> -> memref<1x1x1x8x128xf32, #tpu.memory_space<hbm>>
        %dma_start3A_1189 = tpu.memref_squeeze %dma_start3A_1188 : memref<1x1x1x8x128xf32, #tpu.memory_space<hbm>> -> memref<8x128xf32, #tpu.memory_space<hbm>>
        %dma_start3A_1190 = arith.constant 24 : i32
        %dma_start3A_1191 = arith.constant 384 : i32
        %dma_start3A_1192 = tpu.memref_slice %arg7[%dma_start3A_1176, %dma_start3A_1190, %dma_start3A_1191] : memref<2x32x513xf32, #tpu.memory_space<vmem>> -> memref<1x8x128xf32, #tpu.memory_space<vmem>>
        %dma_start3A_1193 = tpu.memref_squeeze %dma_start3A_1192 : memref<1x8x128xf32, #tpu.memory_space<vmem>> -> memref<8x128xf32, #tpu.memory_space<vmem>>
        tpu.enqueue_dma source(%dma_start3A_1193 : memref<8x128xf32, #tpu.memory_space<vmem>>) target(%dma_start3A_1189 : memref<8x128xf32, #tpu.memory_space<hbm>>) target_semaphore(%arg10 : memref<!tpu.dma_semaphore, #tpu.memory_space<semaphore_mem>>)
        %mul3A_1194 = arith.constant 2 : i32
        %mul3A_1195 = arith.muli %mul3A_1194, %scan3A_799 : i32
        %add3A_1196 = arith.constant 1 : i32
        %add3A_1197 = arith.addi %mul3A_1195, %add3A_1196 : i32
        %mul3A_1198 = arith.constant 100 : i32
        %mul3A_1199 = arith.muli %scan3A_743, %mul3A_1198 : i32
        %add3A_1200 = arith.addi %mul3A_1199, %add3A_1197 : i32
        %dma_wait3A_1201 = arith.constant 1 : i32
        %dma_wait3A_1202 = arith.constant 0 : i32
        %dma_wait3A_1203 = arith.constant 0 : i32
        %dma_wait3A_1204 = tpu.memref_slice %arg6[%dma_wait3A_1201, %dma_wait3A_1202, %dma_wait3A_1203] : memref<2x512x32xf32, #tpu.memory_space<vmem>> -> memref<1x512x32xf32, #tpu.memory_space<vmem>>
        %dma_wait3A_1205 = tpu.memref_squeeze %dma_wait3A_1204 : memref<1x512x32xf32, #tpu.memory_space<vmem>> -> memref<512x32xf32, #tpu.memory_space<vmem>>
        %dma_wait3A_1206 = arith.constant 0 : i32
        %dma_wait3A_1207 = tpu.memref_slice %arg5[%add3A_1197, %dma_wait3A_1206] : memref<100x512xi32, #tpu.memory_space<vmem>> -> memref<1x512xi32, #tpu.memory_space<vmem>>
        %dma_wait3A_1208 = tpu.memref_squeeze %dma_wait3A_1207 : memref<1x512xi32, #tpu.memory_space<vmem>> -> memref<512xi32, #tpu.memory_space<vmem>>
        %dma_wait3A_1209 = arith.constant 0 : i32
        %dma_wait3A_1210 = arith.constant 0 : i32
        %dma_wait3A_1211 = tpu.memref_slice %arg3[%dma_wait3A_1209, %dma_wait3A_1210] : memref<100000x32xf32, #tpu.memory_space<hbm>> -> memref<100000x32xf32, #tpu.memory_space<hbm>>
        tpu.wait_indirect_dma semaphore(%arg9 : memref<!tpu.dma_semaphore, #tpu.memory_space<semaphore_mem>>) src(%dma_wait3A_1211 : memref<100000x32xf32, #tpu.memory_space<hbm>>) dst(%dma_wait3A_1205 : memref<512x32xf32, #tpu.memory_space<vmem>>)
        %ge3A_1212 = arith.constant 2 : i32
        %ge3A_1213 = arith.cmpi sge, %add3A_1200, %ge3A_1212 : i32
        %convert_element_type3A_1214 = arith.extui %ge3A_1213 : i1 to i32
        %cond3A_1215 = arith.constant 0 : i32
        %cond3A_1216 = arith.cmpi ne, %convert_element_type3A_1214, %cond3A_1215 : i32
        scf.if %cond3A_1216 {
          %sub3A = arith.constant 2 : i32
          %sub3A_1595 = arith.subi %add3A_1200, %sub3A : i32
          %max3A = arith.constant 0 : i32
          %max3A_1596 = arith.maxsi %sub3A_1595, %max3A : i32
          %mul3A_1597 = arith.constant 4 : i32
          %mul3A_1598 = arith.muli %add3A, %mul3A_1597 : i32
          %add3A_1599 = arith.constant 0 : i32
          %add3A_1600 = arith.addi %mul3A_1598, %add3A_1599 : i32
          %mul3A_1601 = arith.constant 4 : i32
          %mul3A_1602 = arith.muli %add3A, %mul3A_1601 : i32
          %add3A_1603 = arith.constant 1 : i32
          %add3A_1604 = arith.addi %mul3A_1602, %add3A_1603 : i32
          %mul3A_1605 = arith.constant 4 : i32
          %mul3A_1606 = arith.muli %add3A, %mul3A_1605 : i32
          %add3A_1607 = arith.constant 2 : i32
          %add3A_1608 = arith.addi %mul3A_1606, %add3A_1607 : i32
          %mul3A_1609 = arith.constant 4 : i32
          %mul3A_1610 = arith.muli %add3A, %mul3A_1609 : i32
          %add3A_1611 = arith.constant 3 : i32
          %add3A_1612 = arith.addi %mul3A_1610, %add3A_1611 : i32
          %mul3A_1613 = arith.constant 4 : i32
          %mul3A_1614 = arith.muli %add3A, %mul3A_1613 : i32
          %add3A_1615 = arith.constant 0 : i32
          %add3A_1616 = arith.addi %mul3A_1614, %add3A_1615 : i32
          %mul3A_1617 = arith.constant 4 : i32
          %mul3A_1618 = arith.muli %add3A, %mul3A_1617 : i32
          %add3A_1619 = arith.constant 1 : i32
          %add3A_1620 = arith.addi %mul3A_1618, %add3A_1619 : i32
          %mul3A_1621 = arith.constant 4 : i32
          %mul3A_1622 = arith.muli %add3A, %mul3A_1621 : i32
          %add3A_1623 = arith.constant 2 : i32
          %add3A_1624 = arith.addi %mul3A_1622, %add3A_1623 : i32
          %mul3A_1625 = arith.constant 4 : i32
          %mul3A_1626 = arith.muli %add3A, %mul3A_1625 : i32
          %add3A_1627 = arith.constant 3 : i32
          %add3A_1628 = arith.addi %mul3A_1626, %add3A_1627 : i32
          %mul3A_1629 = arith.constant 4 : i32
          %mul3A_1630 = arith.muli %add3A, %mul3A_1629 : i32
          %add3A_1631 = arith.constant 0 : i32
          %add3A_1632 = arith.addi %mul3A_1630, %add3A_1631 : i32
          %mul3A_1633 = arith.constant 4 : i32
          %mul3A_1634 = arith.muli %add3A, %mul3A_1633 : i32
          %add3A_1635 = arith.constant 1 : i32
          %add3A_1636 = arith.addi %mul3A_1634, %add3A_1635 : i32
          %mul3A_1637 = arith.constant 4 : i32
          %mul3A_1638 = arith.muli %add3A, %mul3A_1637 : i32
          %add3A_1639 = arith.constant 2 : i32
          %add3A_1640 = arith.addi %mul3A_1638, %add3A_1639 : i32
          %mul3A_1641 = arith.constant 4 : i32
          %mul3A_1642 = arith.muli %add3A, %mul3A_1641 : i32
          %add3A_1643 = arith.constant 3 : i32
          %add3A_1644 = arith.addi %mul3A_1642, %add3A_1643 : i32
          %mul3A_1645 = arith.constant 4 : i32
          %mul3A_1646 = arith.muli %add3A, %mul3A_1645 : i32
          %add3A_1647 = arith.constant 0 : i32
          %add3A_1648 = arith.addi %mul3A_1646, %add3A_1647 : i32
          %mul3A_1649 = arith.constant 4 : i32
          %mul3A_1650 = arith.muli %add3A, %mul3A_1649 : i32
          %add3A_1651 = arith.constant 1 : i32
          %add3A_1652 = arith.addi %mul3A_1650, %add3A_1651 : i32
          %mul3A_1653 = arith.constant 4 : i32
          %mul3A_1654 = arith.muli %add3A, %mul3A_1653 : i32
          %add3A_1655 = arith.constant 2 : i32
          %add3A_1656 = arith.addi %mul3A_1654, %add3A_1655 : i32
          %mul3A_1657 = arith.constant 4 : i32
          %mul3A_1658 = arith.muli %add3A, %mul3A_1657 : i32
          %add3A_1659 = arith.constant 3 : i32
          %add3A_1660 = arith.addi %mul3A_1658, %add3A_1659 : i32
          %dma_wait3A_1661 = arith.constant 1 : i32
          %dma_wait3A_1662 = arith.constant 0 : i32
          %dma_wait3A_1663 = arith.constant 0 : i32
          %dma_wait3A_1664 = arith.constant 0 : i32
          %dma_wait3A_1665 = tpu.memref_slice %arg7[%dma_wait3A_1661, %dma_wait3A_1663, %dma_wait3A_1664] : memref<2x32x513xf32, #tpu.memory_space<vmem>> -> memref<1x8x128xf32, #tpu.memory_space<vmem>>
          %dma_wait3A_1666 = tpu.memref_squeeze %dma_wait3A_1665 : memref<1x8x128xf32, #tpu.memory_space<vmem>> -> memref<8x128xf32, #tpu.memory_space<vmem>>
          %dma_wait3A_1667 = arith.constant 0 : i32
          %dma_wait3A_1668 = arith.constant 0 : i32
          %dma_wait3A_1669 = tpu.memref_slice %arg4[%max3A_1596, %dma_wait3A_1662, %add3A_1600, %dma_wait3A_1667, %dma_wait3A_1668] : memref<200x4x128x8x128xf32, #tpu.memory_space<hbm>> -> memref<1x1x1x8x128xf32, #tpu.memory_space<hbm>>
          %dma_wait3A_1670 = tpu.memref_squeeze %dma_wait3A_1669 : memref<1x1x1x8x128xf32, #tpu.memory_space<hbm>> -> memref<8x128xf32, #tpu.memory_space<hbm>>
          %dma_wait3A_1671 = arith.constant 0 : i32
          %dma_wait3A_1672 = arith.constant 0 : i32
          %dma_wait3A_1673 = tpu.memref_slice %arg4[%max3A_1596, %dma_wait3A_1662, %add3A_1600, %dma_wait3A_1671, %dma_wait3A_1672] : memref<200x4x128x8x128xf32, #tpu.memory_space<hbm>> -> memref<1x1x1x8x128xf32, #tpu.memory_space<hbm>>
          %dma_wait3A_1674 = tpu.memref_squeeze %dma_wait3A_1673 : memref<1x1x1x8x128xf32, #tpu.memory_space<hbm>> -> memref<8x128xf32, #tpu.memory_space<hbm>>
          %dma_wait3A_1675 = arith.constant 0 : i32
          %dma_wait3A_1676 = arith.constant 0 : i32
          %dma_wait3A_1677 = tpu.memref_slice %arg7[%dma_wait3A_1661, %dma_wait3A_1675, %dma_wait3A_1676] : memref<2x32x513xf32, #tpu.memory_space<vmem>> -> memref<1x8x128xf32, #tpu.memory_space<vmem>>
          %dma_wait3A_1678 = tpu.memref_squeeze %dma_wait3A_1677 : memref<1x8x128xf32, #tpu.memory_space<vmem>> -> memref<8x128xf32, #tpu.memory_space<vmem>>
          tpu.wait_dma2 semaphore(%arg11 : memref<!tpu.dma_semaphore, #tpu.memory_space<semaphore_mem>>) src(%dma_wait3A_1678 : memref<8x128xf32, #tpu.memory_space<vmem>>) dst(%dma_wait3A_1674 : memref<8x128xf32, #tpu.memory_space<hbm>>)
          %dma_wait3A_1679 = arith.constant 1 : i32
          %dma_wait3A_1680 = arith.constant 0 : i32
          %dma_wait3A_1681 = arith.constant 0 : i32
          %dma_wait3A_1682 = arith.constant 128 : i32
          %dma_wait3A_1683 = tpu.memref_slice %arg7[%dma_wait3A_1679, %dma_wait3A_1681, %dma_wait3A_1682] : memref<2x32x513xf32, #tpu.memory_space<vmem>> -> memref<1x8x128xf32, #tpu.memory_space<vmem>>
          %dma_wait3A_1684 = tpu.memref_squeeze %dma_wait3A_1683 : memref<1x8x128xf32, #tpu.memory_space<vmem>> -> memref<8x128xf32, #tpu.memory_space<vmem>>
          %dma_wait3A_1685 = arith.constant 0 : i32
          %dma_wait3A_1686 = arith.constant 0 : i32
          %dma_wait3A_1687 = tpu.memref_slice %arg4[%max3A_1596, %dma_wait3A_1680, %add3A_1604, %dma_wait3A_1685, %dma_wait3A_1686] : memref<200x4x128x8x128xf32, #tpu.memory_space<hbm>> -> memref<1x1x1x8x128xf32, #tpu.memory_space<hbm>>
          %dma_wait3A_1688 = tpu.memref_squeeze %dma_wait3A_1687 : memref<1x1x1x8x128xf32, #tpu.memory_space<hbm>> -> memref<8x128xf32, #tpu.memory_space<hbm>>
          %dma_wait3A_1689 = arith.constant 0 : i32
          %dma_wait3A_1690 = arith.constant 0 : i32
          %dma_wait3A_1691 = tpu.memref_slice %arg4[%max3A_1596, %dma_wait3A_1680, %add3A_1604, %dma_wait3A_1689, %dma_wait3A_1690] : memref<200x4x128x8x128xf32, #tpu.memory_space<hbm>> -> memref<1x1x1x8x128xf32, #tpu.memory_space<hbm>>
          %dma_wait3A_1692 = tpu.memref_squeeze %dma_wait3A_1691 : memref<1x1x1x8x128xf32, #tpu.memory_space<hbm>> -> memref<8x128xf32, #tpu.memory_space<hbm>>
          %dma_wait3A_1693 = arith.constant 0 : i32
          %dma_wait3A_1694 = arith.constant 128 : i32
          %dma_wait3A_1695 = tpu.memref_slice %arg7[%dma_wait3A_1679, %dma_wait3A_1693, %dma_wait3A_1694] : memref<2x32x513xf32, #tpu.memory_space<vmem>> -> memref<1x8x128xf32, #tpu.memory_space<vmem>>
          %dma_wait3A_1696 = tpu.memref_squeeze %dma_wait3A_1695 : memref<1x8x128xf32, #tpu.memory_space<vmem>> -> memref<8x128xf32, #tpu.memory_space<vmem>>
          tpu.wait_dma2 semaphore(%arg11 : memref<!tpu.dma_semaphore, #tpu.memory_space<semaphore_mem>>) src(%dma_wait3A_1696 : memref<8x128xf32, #tpu.memory_space<vmem>>) dst(%dma_wait3A_1692 : memref<8x128xf32, #tpu.memory_space<hbm>>)
          %dma_wait3A_1697 = arith.constant 1 : i32
          %dma_wait3A_1698 = arith.constant 0 : i32
          %dma_wait3A_1699 = arith.constant 0 : i32
          %dma_wait3A_1700 = arith.constant 256 : i32
          %dma_wait3A_1701 = tpu.memref_slice %arg7[%dma_wait3A_1697, %dma_wait3A_1699, %dma_wait3A_1700] : memref<2x32x513xf32, #tpu.memory_space<vmem>> -> memref<1x8x128xf32, #tpu.memory_space<vmem>>
          %dma_wait3A_1702 = tpu.memref_squeeze %dma_wait3A_1701 : memref<1x8x128xf32, #tpu.memory_space<vmem>> -> memref<8x128xf32, #tpu.memory_space<vmem>>
          %dma_wait3A_1703 = arith.constant 0 : i32
          %dma_wait3A_1704 = arith.constant 0 : i32
          %dma_wait3A_1705 = tpu.memref_slice %arg4[%max3A_1596, %dma_wait3A_1698, %add3A_1608, %dma_wait3A_1703, %dma_wait3A_1704] : memref<200x4x128x8x128xf32, #tpu.memory_space<hbm>> -> memref<1x1x1x8x128xf32, #tpu.memory_space<hbm>>
          %dma_wait3A_1706 = tpu.memref_squeeze %dma_wait3A_1705 : memref<1x1x1x8x128xf32, #tpu.memory_space<hbm>> -> memref<8x128xf32, #tpu.memory_space<hbm>>
          %dma_wait3A_1707 = arith.constant 0 : i32
          %dma_wait3A_1708 = arith.constant 0 : i32
          %dma_wait3A_1709 = tpu.memref_slice %arg4[%max3A_1596, %dma_wait3A_1698, %add3A_1608, %dma_wait3A_1707, %dma_wait3A_1708] : memref<200x4x128x8x128xf32, #tpu.memory_space<hbm>> -> memref<1x1x1x8x128xf32, #tpu.memory_space<hbm>>
          %dma_wait3A_1710 = tpu.memref_squeeze %dma_wait3A_1709 : memref<1x1x1x8x128xf32, #tpu.memory_space<hbm>> -> memref<8x128xf32, #tpu.memory_space<hbm>>
          %dma_wait3A_1711 = arith.constant 0 : i32
          %dma_wait3A_1712 = arith.constant 256 : i32
          %dma_wait3A_1713 = tpu.memref_slice %arg7[%dma_wait3A_1697, %dma_wait3A_1711, %dma_wait3A_1712] : memref<2x32x513xf32, #tpu.memory_space<vmem>> -> memref<1x8x128xf32, #tpu.memory_space<vmem>>
          %dma_wait3A_1714 = tpu.memref_squeeze %dma_wait3A_1713 : memref<1x8x128xf32, #tpu.memory_space<vmem>> -> memref<8x128xf32, #tpu.memory_space<vmem>>
          tpu.wait_dma2 semaphore(%arg11 : memref<!tpu.dma_semaphore, #tpu.memory_space<semaphore_mem>>) src(%dma_wait3A_1714 : memref<8x128xf32, #tpu.memory_space<vmem>>) dst(%dma_wait3A_1710 : memref<8x128xf32, #tpu.memory_space<hbm>>)
          %dma_wait3A_1715 = arith.constant 1 : i32
          %dma_wait3A_1716 = arith.constant 0 : i32
          %dma_wait3A_1717 = arith.constant 0 : i32
          %dma_wait3A_1718 = arith.constant 384 : i32
          %dma_wait3A_1719 = tpu.memref_slice %arg7[%dma_wait3A_1715, %dma_wait3A_1717, %dma_wait3A_1718] : memref<2x32x513xf32, #tpu.memory_space<vmem>> -> memref<1x8x128xf32, #tpu.memory_space<vmem>>
          %dma_wait3A_1720 = tpu.memref_squeeze %dma_wait3A_1719 : memref<1x8x128xf32, #tpu.memory_space<vmem>> -> memref<8x128xf32, #tpu.memory_space<vmem>>
          %dma_wait3A_1721 = arith.constant 0 : i32
          %dma_wait3A_1722 = arith.constant 0 : i32
          %dma_wait3A_1723 = tpu.memref_slice %arg4[%max3A_1596, %dma_wait3A_1716, %add3A_1612, %dma_wait3A_1721, %dma_wait3A_1722] : memref<200x4x128x8x128xf32, #tpu.memory_space<hbm>> -> memref<1x1x1x8x128xf32, #tpu.memory_space<hbm>>
          %dma_wait3A_1724 = tpu.memref_squeeze %dma_wait3A_1723 : memref<1x1x1x8x128xf32, #tpu.memory_space<hbm>> -> memref<8x128xf32, #tpu.memory_space<hbm>>
          %dma_wait3A_1725 = arith.constant 0 : i32
          %dma_wait3A_1726 = arith.constant 0 : i32
          %dma_wait3A_1727 = tpu.memref_slice %arg4[%max3A_1596, %dma_wait3A_1716, %add3A_1612, %dma_wait3A_1725, %dma_wait3A_1726] : memref<200x4x128x8x128xf32, #tpu.memory_space<hbm>> -> memref<1x1x1x8x128xf32, #tpu.memory_space<hbm>>
          %dma_wait3A_1728 = tpu.memref_squeeze %dma_wait3A_1727 : memref<1x1x1x8x128xf32, #tpu.memory_space<hbm>> -> memref<8x128xf32, #tpu.memory_space<hbm>>
          %dma_wait3A_1729 = arith.constant 0 : i32
          %dma_wait3A_1730 = arith.constant 384 : i32
          %dma_wait3A_1731 = tpu.memref_slice %arg7[%dma_wait3A_1715, %dma_wait3A_1729, %dma_wait3A_1730] : memref<2x32x513xf32, #tpu.memory_space<vmem>> -> memref<1x8x128xf32, #tpu.memory_space<vmem>>
          %dma_wait3A_1732 = tpu.memref_squeeze %dma_wait3A_1731 : memref<1x8x128xf32, #tpu.memory_space<vmem>> -> memref<8x128xf32, #tpu.memory_space<vmem>>
          tpu.wait_dma2 semaphore(%arg11 : memref<!tpu.dma_semaphore, #tpu.memory_space<semaphore_mem>>) src(%dma_wait3A_1732 : memref<8x128xf32, #tpu.memory_space<vmem>>) dst(%dma_wait3A_1728 : memref<8x128xf32, #tpu.memory_space<hbm>>)
          %dma_wait3A_1733 = arith.constant 1 : i32
          %dma_wait3A_1734 = arith.constant 1 : i32
          %dma_wait3A_1735 = arith.constant 8 : i32
          %dma_wait3A_1736 = arith.constant 0 : i32
          %dma_wait3A_1737 = tpu.memref_slice %arg7[%dma_wait3A_1733, %dma_wait3A_1735, %dma_wait3A_1736] : memref<2x32x513xf32, #tpu.memory_space<vmem>> -> memref<1x8x128xf32, #tpu.memory_space<vmem>>
          %dma_wait3A_1738 = tpu.memref_squeeze %dma_wait3A_1737 : memref<1x8x128xf32, #tpu.memory_space<vmem>> -> memref<8x128xf32, #tpu.memory_space<vmem>>
          %dma_wait3A_1739 = arith.constant 0 : i32
          %dma_wait3A_1740 = arith.constant 0 : i32
          %dma_wait3A_1741 = tpu.memref_slice %arg4[%max3A_1596, %dma_wait3A_1734, %add3A_1616, %dma_wait3A_1739, %dma_wait3A_1740] : memref<200x4x128x8x128xf32, #tpu.memory_space<hbm>> -> memref<1x1x1x8x128xf32, #tpu.memory_space<hbm>>
          %dma_wait3A_1742 = tpu.memref_squeeze %dma_wait3A_1741 : memref<1x1x1x8x128xf32, #tpu.memory_space<hbm>> -> memref<8x128xf32, #tpu.memory_space<hbm>>
          %dma_wait3A_1743 = arith.constant 0 : i32
          %dma_wait3A_1744 = arith.constant 0 : i32
          %dma_wait3A_1745 = tpu.memref_slice %arg4[%max3A_1596, %dma_wait3A_1734, %add3A_1616, %dma_wait3A_1743, %dma_wait3A_1744] : memref<200x4x128x8x128xf32, #tpu.memory_space<hbm>> -> memref<1x1x1x8x128xf32, #tpu.memory_space<hbm>>
          %dma_wait3A_1746 = tpu.memref_squeeze %dma_wait3A_1745 : memref<1x1x1x8x128xf32, #tpu.memory_space<hbm>> -> memref<8x128xf32, #tpu.memory_space<hbm>>
          %dma_wait3A_1747 = arith.constant 8 : i32
          %dma_wait3A_1748 = arith.constant 0 : i32
          %dma_wait3A_1749 = tpu.memref_slice %arg7[%dma_wait3A_1733, %dma_wait3A_1747, %dma_wait3A_1748] : memref<2x32x513xf32, #tpu.memory_space<vmem>> -> memref<1x8x128xf32, #tpu.memory_space<vmem>>
          %dma_wait3A_1750 = tpu.memref_squeeze %dma_wait3A_1749 : memref<1x8x128xf32, #tpu.memory_space<vmem>> -> memref<8x128xf32, #tpu.memory_space<vmem>>
          tpu.wait_dma2 semaphore(%arg11 : memref<!tpu.dma_semaphore, #tpu.memory_space<semaphore_mem>>) src(%dma_wait3A_1750 : memref<8x128xf32, #tpu.memory_space<vmem>>) dst(%dma_wait3A_1746 : memref<8x128xf32, #tpu.memory_space<hbm>>)
          %dma_wait3A_1751 = arith.constant 1 : i32
          %dma_wait3A_1752 = arith.constant 1 : i32
          %dma_wait3A_1753 = arith.constant 8 : i32
          %dma_wait3A_1754 = arith.constant 128 : i32
          %dma_wait3A_1755 = tpu.memref_slice %arg7[%dma_wait3A_1751, %dma_wait3A_1753, %dma_wait3A_1754] : memref<2x32x513xf32, #tpu.memory_space<vmem>> -> memref<1x8x128xf32, #tpu.memory_space<vmem>>
          %dma_wait3A_1756 = tpu.memref_squeeze %dma_wait3A_1755 : memref<1x8x128xf32, #tpu.memory_space<vmem>> -> memref<8x128xf32, #tpu.memory_space<vmem>>
          %dma_wait3A_1757 = arith.constant 0 : i32
          %dma_wait3A_1758 = arith.constant 0 : i32
          %dma_wait3A_1759 = tpu.memref_slice %arg4[%max3A_1596, %dma_wait3A_1752, %add3A_1620, %dma_wait3A_1757, %dma_wait3A_1758] : memref<200x4x128x8x128xf32, #tpu.memory_space<hbm>> -> memref<1x1x1x8x128xf32, #tpu.memory_space<hbm>>
          %dma_wait3A_1760 = tpu.memref_squeeze %dma_wait3A_1759 : memref<1x1x1x8x128xf32, #tpu.memory_space<hbm>> -> memref<8x128xf32, #tpu.memory_space<hbm>>
          %dma_wait3A_1761 = arith.constant 0 : i32
          %dma_wait3A_1762 = arith.constant 0 : i32
          %dma_wait3A_1763 = tpu.memref_slice %arg4[%max3A_1596, %dma_wait3A_1752, %add3A_1620, %dma_wait3A_1761, %dma_wait3A_1762] : memref<200x4x128x8x128xf32, #tpu.memory_space<hbm>> -> memref<1x1x1x8x128xf32, #tpu.memory_space<hbm>>
          %dma_wait3A_1764 = tpu.memref_squeeze %dma_wait3A_1763 : memref<1x1x1x8x128xf32, #tpu.memory_space<hbm>> -> memref<8x128xf32, #tpu.memory_space<hbm>>
          %dma_wait3A_1765 = arith.constant 8 : i32
          %dma_wait3A_1766 = arith.constant 128 : i32
          %dma_wait3A_1767 = tpu.memref_slice %arg7[%dma_wait3A_1751, %dma_wait3A_1765, %dma_wait3A_1766] : memref<2x32x513xf32, #tpu.memory_space<vmem>> -> memref<1x8x128xf32, #tpu.memory_space<vmem>>
          %dma_wait3A_1768 = tpu.memref_squeeze %dma_wait3A_1767 : memref<1x8x128xf32, #tpu.memory_space<vmem>> -> memref<8x128xf32, #tpu.memory_space<vmem>>
          tpu.wait_dma2 semaphore(%arg11 : memref<!tpu.dma_semaphore, #tpu.memory_space<semaphore_mem>>) src(%dma_wait3A_1768 : memref<8x128xf32, #tpu.memory_space<vmem>>) dst(%dma_wait3A_1764 : memref<8x128xf32, #tpu.memory_space<hbm>>)
          %dma_wait3A_1769 = arith.constant 1 : i32
          %dma_wait3A_1770 = arith.constant 1 : i32
          %dma_wait3A_1771 = arith.constant 8 : i32
          %dma_wait3A_1772 = arith.constant 256 : i32
          %dma_wait3A_1773 = tpu.memref_slice %arg7[%dma_wait3A_1769, %dma_wait3A_1771, %dma_wait3A_1772] : memref<2x32x513xf32, #tpu.memory_space<vmem>> -> memref<1x8x128xf32, #tpu.memory_space<vmem>>
          %dma_wait3A_1774 = tpu.memref_squeeze %dma_wait3A_1773 : memref<1x8x128xf32, #tpu.memory_space<vmem>> -> memref<8x128xf32, #tpu.memory_space<vmem>>
          %dma_wait3A_1775 = arith.constant 0 : i32
          %dma_wait3A_1776 = arith.constant 0 : i32
          %dma_wait3A_1777 = tpu.memref_slice %arg4[%max3A_1596, %dma_wait3A_1770, %add3A_1624, %dma_wait3A_1775, %dma_wait3A_1776] : memref<200x4x128x8x128xf32, #tpu.memory_space<hbm>> -> memref<1x1x1x8x128xf32, #tpu.memory_space<hbm>>
          %dma_wait3A_1778 = tpu.memref_squeeze %dma_wait3A_1777 : memref<1x1x1x8x128xf32, #tpu.memory_space<hbm>> -> memref<8x128xf32, #tpu.memory_space<hbm>>
          %dma_wait3A_1779 = arith.constant 0 : i32
          %dma_wait3A_1780 = arith.constant 0 : i32
          %dma_wait3A_1781 = tpu.memref_slice %arg4[%max3A_1596, %dma_wait3A_1770, %add3A_1624, %dma_wait3A_1779, %dma_wait3A_1780] : memref<200x4x128x8x128xf32, #tpu.memory_space<hbm>> -> memref<1x1x1x8x128xf32, #tpu.memory_space<hbm>>
          %dma_wait3A_1782 = tpu.memref_squeeze %dma_wait3A_1781 : memref<1x1x1x8x128xf32, #tpu.memory_space<hbm>> -> memref<8x128xf32, #tpu.memory_space<hbm>>
          %dma_wait3A_1783 = arith.constant 8 : i32
          %dma_wait3A_1784 = arith.constant 256 : i32
          %dma_wait3A_1785 = tpu.memref_slice %arg7[%dma_wait3A_1769, %dma_wait3A_1783, %dma_wait3A_1784] : memref<2x32x513xf32, #tpu.memory_space<vmem>> -> memref<1x8x128xf32, #tpu.memory_space<vmem>>
          %dma_wait3A_1786 = tpu.memref_squeeze %dma_wait3A_1785 : memref<1x8x128xf32, #tpu.memory_space<vmem>> -> memref<8x128xf32, #tpu.memory_space<vmem>>
          tpu.wait_dma2 semaphore(%arg11 : memref<!tpu.dma_semaphore, #tpu.memory_space<semaphore_mem>>) src(%dma_wait3A_1786 : memref<8x128xf32, #tpu.memory_space<vmem>>) dst(%dma_wait3A_1782 : memref<8x128xf32, #tpu.memory_space<hbm>>)
          %dma_wait3A_1787 = arith.constant 1 : i32
          %dma_wait3A_1788 = arith.constant 1 : i32
          %dma_wait3A_1789 = arith.constant 8 : i32
          %dma_wait3A_1790 = arith.constant 384 : i32
          %dma_wait3A_1791 = tpu.memref_slice %arg7[%dma_wait3A_1787, %dma_wait3A_1789, %dma_wait3A_1790] : memref<2x32x513xf32, #tpu.memory_space<vmem>> -> memref<1x8x128xf32, #tpu.memory_space<vmem>>
          %dma_wait3A_1792 = tpu.memref_squeeze %dma_wait3A_1791 : memref<1x8x128xf32, #tpu.memory_space<vmem>> -> memref<8x128xf32, #tpu.memory_space<vmem>>
          %dma_wait3A_1793 = arith.constant 0 : i32
          %dma_wait3A_1794 = arith.constant 0 : i32
          %dma_wait3A_1795 = tpu.memref_slice %arg4[%max3A_1596, %dma_wait3A_1788, %add3A_1628, %dma_wait3A_1793, %dma_wait3A_1794] : memref<200x4x128x8x128xf32, #tpu.memory_space<hbm>> -> memref<1x1x1x8x128xf32, #tpu.memory_space<hbm>>
          %dma_wait3A_1796 = tpu.memref_squeeze %dma_wait3A_1795 : memref<1x1x1x8x128xf32, #tpu.memory_space<hbm>> -> memref<8x128xf32, #tpu.memory_space<hbm>>
          %dma_wait3A_1797 = arith.constant 0 : i32
          %dma_wait3A_1798 = arith.constant 0 : i32
          %dma_wait3A_1799 = tpu.memref_slice %arg4[%max3A_1596, %dma_wait3A_1788, %add3A_1628, %dma_wait3A_1797, %dma_wait3A_1798] : memref<200x4x128x8x128xf32, #tpu.memory_space<hbm>> -> memref<1x1x1x8x128xf32, #tpu.memory_space<hbm>>
          %dma_wait3A_1800 = tpu.memref_squeeze %dma_wait3A_1799 : memref<1x1x1x8x128xf32, #tpu.memory_space<hbm>> -> memref<8x128xf32, #tpu.memory_space<hbm>>
          %dma_wait3A_1801 = arith.constant 8 : i32
          %dma_wait3A_1802 = arith.constant 384 : i32
          %dma_wait3A_1803 = tpu.memref_slice %arg7[%dma_wait3A_1787, %dma_wait3A_1801, %dma_wait3A_1802] : memref<2x32x513xf32, #tpu.memory_space<vmem>> -> memref<1x8x128xf32, #tpu.memory_space<vmem>>
          %dma_wait3A_1804 = tpu.memref_squeeze %dma_wait3A_1803 : memref<1x8x128xf32, #tpu.memory_space<vmem>> -> memref<8x128xf32, #tpu.memory_space<vmem>>
          tpu.wait_dma2 semaphore(%arg11 : memref<!tpu.dma_semaphore, #tpu.memory_space<semaphore_mem>>) src(%dma_wait3A_1804 : memref<8x128xf32, #tpu.memory_space<vmem>>) dst(%dma_wait3A_1800 : memref<8x128xf32, #tpu.memory_space<hbm>>)
          %dma_wait3A_1805 = arith.constant 1 : i32
          %dma_wait3A_1806 = arith.constant 2 : i32
          %dma_wait3A_1807 = arith.constant 16 : i32
          %dma_wait3A_1808 = arith.constant 0 : i32
          %dma_wait3A_1809 = tpu.memref_slice %arg7[%dma_wait3A_1805, %dma_wait3A_1807, %dma_wait3A_1808] : memref<2x32x513xf32, #tpu.memory_space<vmem>> -> memref<1x8x128xf32, #tpu.memory_space<vmem>>
          %dma_wait3A_1810 = tpu.memref_squeeze %dma_wait3A_1809 : memref<1x8x128xf32, #tpu.memory_space<vmem>> -> memref<8x128xf32, #tpu.memory_space<vmem>>
          %dma_wait3A_1811 = arith.constant 0 : i32
          %dma_wait3A_1812 = arith.constant 0 : i32
          %dma_wait3A_1813 = tpu.memref_slice %arg4[%max3A_1596, %dma_wait3A_1806, %add3A_1632, %dma_wait3A_1811, %dma_wait3A_1812] : memref<200x4x128x8x128xf32, #tpu.memory_space<hbm>> -> memref<1x1x1x8x128xf32, #tpu.memory_space<hbm>>
          %dma_wait3A_1814 = tpu.memref_squeeze %dma_wait3A_1813 : memref<1x1x1x8x128xf32, #tpu.memory_space<hbm>> -> memref<8x128xf32, #tpu.memory_space<hbm>>
          %dma_wait3A_1815 = arith.constant 0 : i32
          %dma_wait3A_1816 = arith.constant 0 : i32
          %dma_wait3A_1817 = tpu.memref_slice %arg4[%max3A_1596, %dma_wait3A_1806, %add3A_1632, %dma_wait3A_1815, %dma_wait3A_1816] : memref<200x4x128x8x128xf32, #tpu.memory_space<hbm>> -> memref<1x1x1x8x128xf32, #tpu.memory_space<hbm>>
          %dma_wait3A_1818 = tpu.memref_squeeze %dma_wait3A_1817 : memref<1x1x1x8x128xf32, #tpu.memory_space<hbm>> -> memref<8x128xf32, #tpu.memory_space<hbm>>
          %dma_wait3A_1819 = arith.constant 16 : i32
          %dma_wait3A_1820 = arith.constant 0 : i32
          %dma_wait3A_1821 = tpu.memref_slice %arg7[%dma_wait3A_1805, %dma_wait3A_1819, %dma_wait3A_1820] : memref<2x32x513xf32, #tpu.memory_space<vmem>> -> memref<1x8x128xf32, #tpu.memory_space<vmem>>
          %dma_wait3A_1822 = tpu.memref_squeeze %dma_wait3A_1821 : memref<1x8x128xf32, #tpu.memory_space<vmem>> -> memref<8x128xf32, #tpu.memory_space<vmem>>
          tpu.wait_dma2 semaphore(%arg11 : memref<!tpu.dma_semaphore, #tpu.memory_space<semaphore_mem>>) src(%dma_wait3A_1822 : memref<8x128xf32, #tpu.memory_space<vmem>>) dst(%dma_wait3A_1818 : memref<8x128xf32, #tpu.memory_space<hbm>>)
          %dma_wait3A_1823 = arith.constant 1 : i32
          %dma_wait3A_1824 = arith.constant 2 : i32
          %dma_wait3A_1825 = arith.constant 16 : i32
          %dma_wait3A_1826 = arith.constant 128 : i32
          %dma_wait3A_1827 = tpu.memref_slice %arg7[%dma_wait3A_1823, %dma_wait3A_1825, %dma_wait3A_1826] : memref<2x32x513xf32, #tpu.memory_space<vmem>> -> memref<1x8x128xf32, #tpu.memory_space<vmem>>
          %dma_wait3A_1828 = tpu.memref_squeeze %dma_wait3A_1827 : memref<1x8x128xf32, #tpu.memory_space<vmem>> -> memref<8x128xf32, #tpu.memory_space<vmem>>
          %dma_wait3A_1829 = arith.constant 0 : i32
          %dma_wait3A_1830 = arith.constant 0 : i32
          %dma_wait3A_1831 = tpu.memref_slice %arg4[%max3A_1596, %dma_wait3A_1824, %add3A_1636, %dma_wait3A_1829, %dma_wait3A_1830] : memref<200x4x128x8x128xf32, #tpu.memory_space<hbm>> -> memref<1x1x1x8x128xf32, #tpu.memory_space<hbm>>
          %dma_wait3A_1832 = tpu.memref_squeeze %dma_wait3A_1831 : memref<1x1x1x8x128xf32, #tpu.memory_space<hbm>> -> memref<8x128xf32, #tpu.memory_space<hbm>>
          %dma_wait3A_1833 = arith.constant 0 : i32
          %dma_wait3A_1834 = arith.constant 0 : i32
          %dma_wait3A_1835 = tpu.memref_slice %arg4[%max3A_1596, %dma_wait3A_1824, %add3A_1636, %dma_wait3A_1833, %dma_wait3A_1834] : memref<200x4x128x8x128xf32, #tpu.memory_space<hbm>> -> memref<1x1x1x8x128xf32, #tpu.memory_space<hbm>>
          %dma_wait3A_1836 = tpu.memref_squeeze %dma_wait3A_1835 : memref<1x1x1x8x128xf32, #tpu.memory_space<hbm>> -> memref<8x128xf32, #tpu.memory_space<hbm>>
          %dma_wait3A_1837 = arith.constant 16 : i32
          %dma_wait3A_1838 = arith.constant 128 : i32
          %dma_wait3A_1839 = tpu.memref_slice %arg7[%dma_wait3A_1823, %dma_wait3A_1837, %dma_wait3A_1838] : memref<2x32x513xf32, #tpu.memory_space<vmem>> -> memref<1x8x128xf32, #tpu.memory_space<vmem>>
          %dma_wait3A_1840 = tpu.memref_squeeze %dma_wait3A_1839 : memref<1x8x128xf32, #tpu.memory_space<vmem>> -> memref<8x128xf32, #tpu.memory_space<vmem>>
          tpu.wait_dma2 semaphore(%arg11 : memref<!tpu.dma_semaphore, #tpu.memory_space<semaphore_mem>>) src(%dma_wait3A_1840 : memref<8x128xf32, #tpu.memory_space<vmem>>) dst(%dma_wait3A_1836 : memref<8x128xf32, #tpu.memory_space<hbm>>)
          %dma_wait3A_1841 = arith.constant 1 : i32
          %dma_wait3A_1842 = arith.constant 2 : i32
          %dma_wait3A_1843 = arith.constant 16 : i32
          %dma_wait3A_1844 = arith.constant 256 : i32
          %dma_wait3A_1845 = tpu.memref_slice %arg7[%dma_wait3A_1841, %dma_wait3A_1843, %dma_wait3A_1844] : memref<2x32x513xf32, #tpu.memory_space<vmem>> -> memref<1x8x128xf32, #tpu.memory_space<vmem>>
          %dma_wait3A_1846 = tpu.memref_squeeze %dma_wait3A_1845 : memref<1x8x128xf32, #tpu.memory_space<vmem>> -> memref<8x128xf32, #tpu.memory_space<vmem>>
          %dma_wait3A_1847 = arith.constant 0 : i32
          %dma_wait3A_1848 = arith.constant 0 : i32
          %dma_wait3A_1849 = tpu.memref_slice %arg4[%max3A_1596, %dma_wait3A_1842, %add3A_1640, %dma_wait3A_1847, %dma_wait3A_1848] : memref<200x4x128x8x128xf32, #tpu.memory_space<hbm>> -> memref<1x1x1x8x128xf32, #tpu.memory_space<hbm>>
          %dma_wait3A_1850 = tpu.memref_squeeze %dma_wait3A_1849 : memref<1x1x1x8x128xf32, #tpu.memory_space<hbm>> -> memref<8x128xf32, #tpu.memory_space<hbm>>
          %dma_wait3A_1851 = arith.constant 0 : i32
          %dma_wait3A_1852 = arith.constant 0 : i32
          %dma_wait3A_1853 = tpu.memref_slice %arg4[%max3A_1596, %dma_wait3A_1842, %add3A_1640, %dma_wait3A_1851, %dma_wait3A_1852] : memref<200x4x128x8x128xf32, #tpu.memory_space<hbm>> -> memref<1x1x1x8x128xf32, #tpu.memory_space<hbm>>
          %dma_wait3A_1854 = tpu.memref_squeeze %dma_wait3A_1853 : memref<1x1x1x8x128xf32, #tpu.memory_space<hbm>> -> memref<8x128xf32, #tpu.memory_space<hbm>>
          %dma_wait3A_1855 = arith.constant 16 : i32
          %dma_wait3A_1856 = arith.constant 256 : i32
          %dma_wait3A_1857 = tpu.memref_slice %arg7[%dma_wait3A_1841, %dma_wait3A_1855, %dma_wait3A_1856] : memref<2x32x513xf32, #tpu.memory_space<vmem>> -> memref<1x8x128xf32, #tpu.memory_space<vmem>>
          %dma_wait3A_1858 = tpu.memref_squeeze %dma_wait3A_1857 : memref<1x8x128xf32, #tpu.memory_space<vmem>> -> memref<8x128xf32, #tpu.memory_space<vmem>>
          tpu.wait_dma2 semaphore(%arg11 : memref<!tpu.dma_semaphore, #tpu.memory_space<semaphore_mem>>) src(%dma_wait3A_1858 : memref<8x128xf32, #tpu.memory_space<vmem>>) dst(%dma_wait3A_1854 : memref<8x128xf32, #tpu.memory_space<hbm>>)
          %dma_wait3A_1859 = arith.constant 1 : i32
          %dma_wait3A_1860 = arith.constant 2 : i32
          %dma_wait3A_1861 = arith.constant 16 : i32
          %dma_wait3A_1862 = arith.constant 384 : i32
          %dma_wait3A_1863 = tpu.memref_slice %arg7[%dma_wait3A_1859, %dma_wait3A_1861, %dma_wait3A_1862] : memref<2x32x513xf32, #tpu.memory_space<vmem>> -> memref<1x8x128xf32, #tpu.memory_space<vmem>>
          %dma_wait3A_1864 = tpu.memref_squeeze %dma_wait3A_1863 : memref<1x8x128xf32, #tpu.memory_space<vmem>> -> memref<8x128xf32, #tpu.memory_space<vmem>>
          %dma_wait3A_1865 = arith.constant 0 : i32
          %dma_wait3A_1866 = arith.constant 0 : i32
          %dma_wait3A_1867 = tpu.memref_slice %arg4[%max3A_1596, %dma_wait3A_1860, %add3A_1644, %dma_wait3A_1865, %dma_wait3A_1866] : memref<200x4x128x8x128xf32, #tpu.memory_space<hbm>> -> memref<1x1x1x8x128xf32, #tpu.memory_space<hbm>>
          %dma_wait3A_1868 = tpu.memref_squeeze %dma_wait3A_1867 : memref<1x1x1x8x128xf32, #tpu.memory_space<hbm>> -> memref<8x128xf32, #tpu.memory_space<hbm>>
          %dma_wait3A_1869 = arith.constant 0 : i32
          %dma_wait3A_1870 = arith.constant 0 : i32
          %dma_wait3A_1871 = tpu.memref_slice %arg4[%max3A_1596, %dma_wait3A_1860, %add3A_1644, %dma_wait3A_1869, %dma_wait3A_1870] : memref<200x4x128x8x128xf32, #tpu.memory_space<hbm>> -> memref<1x1x1x8x128xf32, #tpu.memory_space<hbm>>
          %dma_wait3A_1872 = tpu.memref_squeeze %dma_wait3A_1871 : memref<1x1x1x8x128xf32, #tpu.memory_space<hbm>> -> memref<8x128xf32, #tpu.memory_space<hbm>>
          %dma_wait3A_1873 = arith.constant 16 : i32
          %dma_wait3A_1874 = arith.constant 384 : i32
          %dma_wait3A_1875 = tpu.memref_slice %arg7[%dma_wait3A_1859, %dma_wait3A_1873, %dma_wait3A_1874] : memref<2x32x513xf32, #tpu.memory_space<vmem>> -> memref<1x8x128xf32, #tpu.memory_space<vmem>>
          %dma_wait3A_1876 = tpu.memref_squeeze %dma_wait3A_1875 : memref<1x8x128xf32, #tpu.memory_space<vmem>> -> memref<8x128xf32, #tpu.memory_space<vmem>>
          tpu.wait_dma2 semaphore(%arg11 : memref<!tpu.dma_semaphore, #tpu.memory_space<semaphore_mem>>) src(%dma_wait3A_1876 : memref<8x128xf32, #tpu.memory_space<vmem>>) dst(%dma_wait3A_1872 : memref<8x128xf32, #tpu.memory_space<hbm>>)
          %dma_wait3A_1877 = arith.constant 1 : i32
          %dma_wait3A_1878 = arith.constant 3 : i32
          %dma_wait3A_1879 = arith.constant 24 : i32
          %dma_wait3A_1880 = arith.constant 0 : i32
          %dma_wait3A_1881 = tpu.memref_slice %arg7[%dma_wait3A_1877, %dma_wait3A_1879, %dma_wait3A_1880] : memref<2x32x513xf32, #tpu.memory_space<vmem>> -> memref<1x8x128xf32, #tpu.memory_space<vmem>>
          %dma_wait3A_1882 = tpu.memref_squeeze %dma_wait3A_1881 : memref<1x8x128xf32, #tpu.memory_space<vmem>> -> memref<8x128xf32, #tpu.memory_space<vmem>>
          %dma_wait3A_1883 = arith.constant 0 : i32
          %dma_wait3A_1884 = arith.constant 0 : i32
          %dma_wait3A_1885 = tpu.memref_slice %arg4[%max3A_1596, %dma_wait3A_1878, %add3A_1648, %dma_wait3A_1883, %dma_wait3A_1884] : memref<200x4x128x8x128xf32, #tpu.memory_space<hbm>> -> memref<1x1x1x8x128xf32, #tpu.memory_space<hbm>>
          %dma_wait3A_1886 = tpu.memref_squeeze %dma_wait3A_1885 : memref<1x1x1x8x128xf32, #tpu.memory_space<hbm>> -> memref<8x128xf32, #tpu.memory_space<hbm>>
          %dma_wait3A_1887 = arith.constant 0 : i32
          %dma_wait3A_1888 = arith.constant 0 : i32
          %dma_wait3A_1889 = tpu.memref_slice %arg4[%max3A_1596, %dma_wait3A_1878, %add3A_1648, %dma_wait3A_1887, %dma_wait3A_1888] : memref<200x4x128x8x128xf32, #tpu.memory_space<hbm>> -> memref<1x1x1x8x128xf32, #tpu.memory_space<hbm>>
          %dma_wait3A_1890 = tpu.memref_squeeze %dma_wait3A_1889 : memref<1x1x1x8x128xf32, #tpu.memory_space<hbm>> -> memref<8x128xf32, #tpu.memory_space<hbm>>
          %dma_wait3A_1891 = arith.constant 24 : i32
          %dma_wait3A_1892 = arith.constant 0 : i32
          %dma_wait3A_1893 = tpu.memref_slice %arg7[%dma_wait3A_1877, %dma_wait3A_1891, %dma_wait3A_1892] : memref<2x32x513xf32, #tpu.memory_space<vmem>> -> memref<1x8x128xf32, #tpu.memory_space<vmem>>
          %dma_wait3A_1894 = tpu.memref_squeeze %dma_wait3A_1893 : memref<1x8x128xf32, #tpu.memory_space<vmem>> -> memref<8x128xf32, #tpu.memory_space<vmem>>
          tpu.wait_dma2 semaphore(%arg11 : memref<!tpu.dma_semaphore, #tpu.memory_space<semaphore_mem>>) src(%dma_wait3A_1894 : memref<8x128xf32, #tpu.memory_space<vmem>>) dst(%dma_wait3A_1890 : memref<8x128xf32, #tpu.memory_space<hbm>>)
          %dma_wait3A_1895 = arith.constant 1 : i32
          %dma_wait3A_1896 = arith.constant 3 : i32
          %dma_wait3A_1897 = arith.constant 24 : i32
          %dma_wait3A_1898 = arith.constant 128 : i32
          %dma_wait3A_1899 = tpu.memref_slice %arg7[%dma_wait3A_1895, %dma_wait3A_1897, %dma_wait3A_1898] : memref<2x32x513xf32, #tpu.memory_space<vmem>> -> memref<1x8x128xf32, #tpu.memory_space<vmem>>
          %dma_wait3A_1900 = tpu.memref_squeeze %dma_wait3A_1899 : memref<1x8x128xf32, #tpu.memory_space<vmem>> -> memref<8x128xf32, #tpu.memory_space<vmem>>
          %dma_wait3A_1901 = arith.constant 0 : i32
          %dma_wait3A_1902 = arith.constant 0 : i32
          %dma_wait3A_1903 = tpu.memref_slice %arg4[%max3A_1596, %dma_wait3A_1896, %add3A_1652, %dma_wait3A_1901, %dma_wait3A_1902] : memref<200x4x128x8x128xf32, #tpu.memory_space<hbm>> -> memref<1x1x1x8x128xf32, #tpu.memory_space<hbm>>
          %dma_wait3A_1904 = tpu.memref_squeeze %dma_wait3A_1903 : memref<1x1x1x8x128xf32, #tpu.memory_space<hbm>> -> memref<8x128xf32, #tpu.memory_space<hbm>>
          %dma_wait3A_1905 = arith.constant 0 : i32
          %dma_wait3A_1906 = arith.constant 0 : i32
          %dma_wait3A_1907 = tpu.memref_slice %arg4[%max3A_1596, %dma_wait3A_1896, %add3A_1652, %dma_wait3A_1905, %dma_wait3A_1906] : memref<200x4x128x8x128xf32, #tpu.memory_space<hbm>> -> memref<1x1x1x8x128xf32, #tpu.memory_space<hbm>>
          %dma_wait3A_1908 = tpu.memref_squeeze %dma_wait3A_1907 : memref<1x1x1x8x128xf32, #tpu.memory_space<hbm>> -> memref<8x128xf32, #tpu.memory_space<hbm>>
          %dma_wait3A_1909 = arith.constant 24 : i32
          %dma_wait3A_1910 = arith.constant 128 : i32
          %dma_wait3A_1911 = tpu.memref_slice %arg7[%dma_wait3A_1895, %dma_wait3A_1909, %dma_wait3A_1910] : memref<2x32x513xf32, #tpu.memory_space<vmem>> -> memref<1x8x128xf32, #tpu.memory_space<vmem>>
          %dma_wait3A_1912 = tpu.memref_squeeze %dma_wait3A_1911 : memref<1x8x128xf32, #tpu.memory_space<vmem>> -> memref<8x128xf32, #tpu.memory_space<vmem>>
          tpu.wait_dma2 semaphore(%arg11 : memref<!tpu.dma_semaphore, #tpu.memory_space<semaphore_mem>>) src(%dma_wait3A_1912 : memref<8x128xf32, #tpu.memory_space<vmem>>) dst(%dma_wait3A_1908 : memref<8x128xf32, #tpu.memory_space<hbm>>)
          %dma_wait3A_1913 = arith.constant 1 : i32
          %dma_wait3A_1914 = arith.constant 3 : i32
          %dma_wait3A_1915 = arith.constant 24 : i32
          %dma_wait3A_1916 = arith.constant 256 : i32
          %dma_wait3A_1917 = tpu.memref_slice %arg7[%dma_wait3A_1913, %dma_wait3A_1915, %dma_wait3A_1916] : memref<2x32x513xf32, #tpu.memory_space<vmem>> -> memref<1x8x128xf32, #tpu.memory_space<vmem>>
          %dma_wait3A_1918 = tpu.memref_squeeze %dma_wait3A_1917 : memref<1x8x128xf32, #tpu.memory_space<vmem>> -> memref<8x128xf32, #tpu.memory_space<vmem>>
          %dma_wait3A_1919 = arith.constant 0 : i32
          %dma_wait3A_1920 = arith.constant 0 : i32
          %dma_wait3A_1921 = tpu.memref_slice %arg4[%max3A_1596, %dma_wait3A_1914, %add3A_1656, %dma_wait3A_1919, %dma_wait3A_1920] : memref<200x4x128x8x128xf32, #tpu.memory_space<hbm>> -> memref<1x1x1x8x128xf32, #tpu.memory_space<hbm>>
          %dma_wait3A_1922 = tpu.memref_squeeze %dma_wait3A_1921 : memref<1x1x1x8x128xf32, #tpu.memory_space<hbm>> -> memref<8x128xf32, #tpu.memory_space<hbm>>
          %dma_wait3A_1923 = arith.constant 0 : i32
          %dma_wait3A_1924 = arith.constant 0 : i32
          %dma_wait3A_1925 = tpu.memref_slice %arg4[%max3A_1596, %dma_wait3A_1914, %add3A_1656, %dma_wait3A_1923, %dma_wait3A_1924] : memref<200x4x128x8x128xf32, #tpu.memory_space<hbm>> -> memref<1x1x1x8x128xf32, #tpu.memory_space<hbm>>
          %dma_wait3A_1926 = tpu.memref_squeeze %dma_wait3A_1925 : memref<1x1x1x8x128xf32, #tpu.memory_space<hbm>> -> memref<8x128xf32, #tpu.memory_space<hbm>>
          %dma_wait3A_1927 = arith.constant 24 : i32
          %dma_wait3A_1928 = arith.constant 256 : i32
          %dma_wait3A_1929 = tpu.memref_slice %arg7[%dma_wait3A_1913, %dma_wait3A_1927, %dma_wait3A_1928] : memref<2x32x513xf32, #tpu.memory_space<vmem>> -> memref<1x8x128xf32, #tpu.memory_space<vmem>>
          %dma_wait3A_1930 = tpu.memref_squeeze %dma_wait3A_1929 : memref<1x8x128xf32, #tpu.memory_space<vmem>> -> memref<8x128xf32, #tpu.memory_space<vmem>>
          tpu.wait_dma2 semaphore(%arg11 : memref<!tpu.dma_semaphore, #tpu.memory_space<semaphore_mem>>) src(%dma_wait3A_1930 : memref<8x128xf32, #tpu.memory_space<vmem>>) dst(%dma_wait3A_1926 : memref<8x128xf32, #tpu.memory_space<hbm>>)
          %dma_wait3A_1931 = arith.constant 1 : i32
          %dma_wait3A_1932 = arith.constant 3 : i32
          %dma_wait3A_1933 = arith.constant 24 : i32
          %dma_wait3A_1934 = arith.constant 384 : i32
          %dma_wait3A_1935 = tpu.memref_slice %arg7[%dma_wait3A_1931, %dma_wait3A_1933, %dma_wait3A_1934] : memref<2x32x513xf32, #tpu.memory_space<vmem>> -> memref<1x8x128xf32, #tpu.memory_space<vmem>>
          %dma_wait3A_1936 = tpu.memref_squeeze %dma_wait3A_1935 : memref<1x8x128xf32, #tpu.memory_space<vmem>> -> memref<8x128xf32, #tpu.memory_space<vmem>>
          %dma_wait3A_1937 = arith.constant 0 : i32
          %dma_wait3A_1938 = arith.constant 0 : i32
          %dma_wait3A_1939 = tpu.memref_slice %arg4[%max3A_1596, %dma_wait3A_1932, %add3A_1660, %dma_wait3A_1937, %dma_wait3A_1938] : memref<200x4x128x8x128xf32, #tpu.memory_space<hbm>> -> memref<1x1x1x8x128xf32, #tpu.memory_space<hbm>>
          %dma_wait3A_1940 = tpu.memref_squeeze %dma_wait3A_1939 : memref<1x1x1x8x128xf32, #tpu.memory_space<hbm>> -> memref<8x128xf32, #tpu.memory_space<hbm>>
          %dma_wait3A_1941 = arith.constant 0 : i32
          %dma_wait3A_1942 = arith.constant 0 : i32
          %dma_wait3A_1943 = tpu.memref_slice %arg4[%max3A_1596, %dma_wait3A_1932, %add3A_1660, %dma_wait3A_1941, %dma_wait3A_1942] : memref<200x4x128x8x128xf32, #tpu.memory_space<hbm>> -> memref<1x1x1x8x128xf32, #tpu.memory_space<hbm>>
          %dma_wait3A_1944 = tpu.memref_squeeze %dma_wait3A_1943 : memref<1x1x1x8x128xf32, #tpu.memory_space<hbm>> -> memref<8x128xf32, #tpu.memory_space<hbm>>
          %dma_wait3A_1945 = arith.constant 24 : i32
          %dma_wait3A_1946 = arith.constant 384 : i32
          %dma_wait3A_1947 = tpu.memref_slice %arg7[%dma_wait3A_1931, %dma_wait3A_1945, %dma_wait3A_1946] : memref<2x32x513xf32, #tpu.memory_space<vmem>> -> memref<1x8x128xf32, #tpu.memory_space<vmem>>
          %dma_wait3A_1948 = tpu.memref_squeeze %dma_wait3A_1947 : memref<1x8x128xf32, #tpu.memory_space<vmem>> -> memref<8x128xf32, #tpu.memory_space<vmem>>
          tpu.wait_dma2 semaphore(%arg11 : memref<!tpu.dma_semaphore, #tpu.memory_space<semaphore_mem>>) src(%dma_wait3A_1948 : memref<8x128xf32, #tpu.memory_space<vmem>>) dst(%dma_wait3A_1944 : memref<8x128xf32, #tpu.memory_space<hbm>>)
        } else {
        }
        %add3A_1217 = arith.constant 0 : i32
        %add3A_1218 = vector.broadcast %add3A_1217 : i32 to vector<16xi32>
        %add3A_1219 = arith.addi %add3A_1218, %iota3A : vector<16xi32>
        %add3A_1220 = arith.constant 16 : i32
        %add3A_1221 = vector.broadcast %add3A_1220 : i32 to vector<16xi32>
        %add3A_1222 = arith.addi %add3A_1221, %iota3A : vector<16xi32>
        %parallel_loop3A_1223 = arith.constant 0 : i32
        %parallel_loop3A_1224 = arith.constant 512 : i32
        %parallel_loop3A_1225 = arith.constant 1 : i32
        %parallel_loop3A_1226 = arith.constant 1 : i32
        %parallel_loop3A_1227 = arith.constant 1 : i32
        scf.for %parallel_loop3A_1595 = %parallel_loop3A_1223 to %parallel_loop3A_1224 step %parallel_loop3A_1225  : i32 {
          %parallel_loop3A_1596 = vector.broadcast %parallel_loop3A_1595 : i32 to vector<16xi32>
          %parallel_loop3A_1597 = arith.constant 0 : i32
          %parallel_loop3A_1598 = arith.constant 0 : i32
          %parallel_loop3A_1599 = tpu.memref_slice %arg6[%parallel_loop3A_1226, %parallel_loop3A_1597, %parallel_loop3A_1598] : memref<2x512x32xf32, #tpu.memory_space<vmem>> -> memref<1x512x32xf32, #tpu.memory_space<vmem>>
          %parallel_loop3A_1600 = tpu.memref_squeeze %parallel_loop3A_1599 : memref<1x512x32xf32, #tpu.memory_space<vmem>> -> memref<512x32xf32, #tpu.memory_space<vmem>>
          %parallel_loop3A_1601 = arith.index_cast %parallel_loop3A_1595 : i32 to index
          %parallel_loop3A_1602 = arith.constant 0 : index
          %parallel_loop3A_1603 = tpu.vector_load %parallel_loop3A_1600[%parallel_loop3A_1601, %parallel_loop3A_1602] {strides = array<i32>} : memref<512x32xf32, #tpu.memory_space<vmem>>, vector<16xf32>,
          %parallel_loop3A_1604 = arith.constant 0 : i32
          %parallel_loop3A_1605 = arith.constant 0 : i32
          %parallel_loop3A_1606 = tpu.memref_slice %arg7[%parallel_loop3A_1227, %parallel_loop3A_1604, %parallel_loop3A_1605] : memref<2x32x513xf32, #tpu.memory_space<vmem>> -> memref<1x32x513xf32, #tpu.memory_space<vmem>>
          %parallel_loop3A_1607 = tpu.memref_squeeze %parallel_loop3A_1606 : memref<1x32x513xf32, #tpu.memory_space<vmem>> -> memref<32x513xf32, #tpu.memory_space<vmem>>
          tpu.vector_store_idx %parallel_loop3A_1607[%add3A_1219, %parallel_loop3A_1596], %parallel_loop3A_1603 : memref<32x513xf32, #tpu.memory_space<vmem>>[vector<16xi32>, vector<16xi32>], vector<16xf32>,
          %parallel_loop3A_1608 = arith.constant 0 : i32
          %parallel_loop3A_1609 = arith.constant 0 : i32
          %parallel_loop3A_1610 = tpu.memref_slice %arg6[%parallel_loop3A_1226, %parallel_loop3A_1608, %parallel_loop3A_1609] : memref<2x512x32xf32, #tpu.memory_space<vmem>> -> memref<1x512x32xf32, #tpu.memory_space<vmem>>
          %parallel_loop3A_1611 = tpu.memref_squeeze %parallel_loop3A_1610 : memref<1x512x32xf32, #tpu.memory_space<vmem>> -> memref<512x32xf32, #tpu.memory_space<vmem>>
          %parallel_loop3A_1612 = arith.index_cast %parallel_loop3A_1595 : i32 to index
          %parallel_loop3A_1613 = arith.constant 16 : index
          %parallel_loop3A_1614 = tpu.vector_load %parallel_loop3A_1611[%parallel_loop3A_1612, %parallel_loop3A_1613] {strides = array<i32>} : memref<512x32xf32, #tpu.memory_space<vmem>>, vector<16xf32>,
          %parallel_loop3A_1615 = arith.constant 0 : i32
          %parallel_loop3A_1616 = arith.constant 0 : i32
          %parallel_loop3A_1617 = tpu.memref_slice %arg7[%parallel_loop3A_1227, %parallel_loop3A_1615, %parallel_loop3A_1616] : memref<2x32x513xf32, #tpu.memory_space<vmem>> -> memref<1x32x513xf32, #tpu.memory_space<vmem>>
          %parallel_loop3A_1618 = tpu.memref_squeeze %parallel_loop3A_1617 : memref<1x32x513xf32, #tpu.memory_space<vmem>> -> memref<32x513xf32, #tpu.memory_space<vmem>>
          tpu.vector_store_idx %parallel_loop3A_1618[%add3A_1222, %parallel_loop3A_1596], %parallel_loop3A_1614 : memref<32x513xf32, #tpu.memory_space<vmem>>[vector<16xi32>, vector<16xi32>], vector<16xf32>,
        } {sc.loop_unroll_factor = 4 : i64, sc.parallel_access}
        %add3A_1228 = arith.constant 2 : i32
        %add3A_1229 = arith.addi %add3A_1197, %add3A_1228 : i32
        %min3A_1230 = arith.constant 99 : i32
        %min3A_1231 = arith.minsi %add3A_1229, %min3A_1230 : i32
        %dma_start3A_1232 = arith.constant 1 : i32
        %dma_start3A_1233 = arith.constant 0 : i32
        %dma_start3A_1234 = arith.constant 0 : i32
        %dma_start3A_1235 = tpu.memref_slice %arg6[%dma_start3A_1232, %dma_start3A_1233, %dma_start3A_1234] : memref<2x512x32xf32, #tpu.memory_space<vmem>> -> memref<1x512x32xf32, #tpu.memory_space<vmem>>
        %dma_start3A_1236 = tpu.memref_squeeze %dma_start3A_1235 : memref<1x512x32xf32, #tpu.memory_space<vmem>> -> memref<512x32xf32, #tpu.memory_space<vmem>>
        %dma_start3A_1237 = arith.constant 0 : i32
        %dma_start3A_1238 = tpu.memref_slice %arg5[%min3A_1231, %dma_start3A_1237] : memref<100x512xi32, #tpu.memory_space<vmem>> -> memref<1x512xi32, #tpu.memory_space<vmem>>
        %dma_start3A_1239 = tpu.memref_squeeze %dma_start3A_1238 : memref<1x512xi32, #tpu.memory_space<vmem>> -> memref<512xi32, #tpu.memory_space<vmem>>
        %dma_start3A_1240 = arith.constant 0 : i32
        %dma_start3A_1241 = arith.constant 0 : i32
        %dma_start3A_1242 = tpu.memref_slice %arg3[%dma_start3A_1240, %dma_start3A_1241] : memref<100000x32xf32, #tpu.memory_space<hbm>> -> memref<100000x32xf32, #tpu.memory_space<hbm>>
        tpu.enqueue_indirect_dma source(%dma_start3A_1242 : memref<100000x32xf32, #tpu.memory_space<hbm>>) target(%dma_start3A_1236 : memref<512x32xf32, #tpu.memory_space<vmem>>) offsets(%dma_start3A_1239 : memref<512xi32, #tpu.memory_space<vmem>>) semaphore(%arg9 : memref<!tpu.dma_semaphore, #tpu.memory_space<semaphore_mem>>)
        %mul3A_1243 = arith.constant 4 : i32
        %mul3A_1244 = arith.muli %add3A, %mul3A_1243 : i32
        %add3A_1245 = arith.constant 0 : i32
        %add3A_1246 = arith.addi %mul3A_1244, %add3A_1245 : i32
        %mul3A_1247 = arith.constant 4 : i32
        %mul3A_1248 = arith.muli %add3A, %mul3A_1247 : i32
        %add3A_1249 = arith.constant 1 : i32
        %add3A_1250 = arith.addi %mul3A_1248, %add3A_1249 : i32
        %mul3A_1251 = arith.constant 4 : i32
        %mul3A_1252 = arith.muli %add3A, %mul3A_1251 : i32
        %add3A_1253 = arith.constant 2 : i32
        %add3A_1254 = arith.addi %mul3A_1252, %add3A_1253 : i32
        %mul3A_1255 = arith.constant 4 : i32
        %mul3A_1256 = arith.muli %add3A, %mul3A_1255 : i32
        %add3A_1257 = arith.constant 3 : i32
        %add3A_1258 = arith.addi %mul3A_1256, %add3A_1257 : i32
        %mul3A_1259 = arith.constant 4 : i32
        %mul3A_1260 = arith.muli %add3A, %mul3A_1259 : i32
        %add3A_1261 = arith.constant 0 : i32
        %add3A_1262 = arith.addi %mul3A_1260, %add3A_1261 : i32
        %mul3A_1263 = arith.constant 4 : i32
        %mul3A_1264 = arith.muli %add3A, %mul3A_1263 : i32
        %add3A_1265 = arith.constant 1 : i32
        %add3A_1266 = arith.addi %mul3A_1264, %add3A_1265 : i32
        %mul3A_1267 = arith.constant 4 : i32
        %mul3A_1268 = arith.muli %add3A, %mul3A_1267 : i32
        %add3A_1269 = arith.constant 2 : i32
        %add3A_1270 = arith.addi %mul3A_1268, %add3A_1269 : i32
        %mul3A_1271 = arith.constant 4 : i32
        %mul3A_1272 = arith.muli %add3A, %mul3A_1271 : i32
        %add3A_1273 = arith.constant 3 : i32
        %add3A_1274 = arith.addi %mul3A_1272, %add3A_1273 : i32
        %mul3A_1275 = arith.constant 4 : i32
        %mul3A_1276 = arith.muli %add3A, %mul3A_1275 : i32
        %add3A_1277 = arith.constant 0 : i32
        %add3A_1278 = arith.addi %mul3A_1276, %add3A_1277 : i32
        %mul3A_1279 = arith.constant 4 : i32
        %mul3A_1280 = arith.muli %add3A, %mul3A_1279 : i32
        %add3A_1281 = arith.constant 1 : i32
        %add3A_1282 = arith.addi %mul3A_1280, %add3A_1281 : i32
        %mul3A_1283 = arith.constant 4 : i32
        %mul3A_1284 = arith.muli %add3A, %mul3A_1283 : i32
        %add3A_1285 = arith.constant 2 : i32
        %add3A_1286 = arith.addi %mul3A_1284, %add3A_1285 : i32
        %mul3A_1287 = arith.constant 4 : i32
        %mul3A_1288 = arith.muli %add3A, %mul3A_1287 : i32
        %add3A_1289 = arith.constant 3 : i32
        %add3A_1290 = arith.addi %mul3A_1288, %add3A_1289 : i32
        %mul3A_1291 = arith.constant 4 : i32
        %mul3A_1292 = arith.muli %add3A, %mul3A_1291 : i32
        %add3A_1293 = arith.constant 0 : i32
        %add3A_1294 = arith.addi %mul3A_1292, %add3A_1293 : i32
        %mul3A_1295 = arith.constant 4 : i32
        %mul3A_1296 = arith.muli %add3A, %mul3A_1295 : i32
        %add3A_1297 = arith.constant 1 : i32
        %add3A_1298 = arith.addi %mul3A_1296, %add3A_1297 : i32
        %mul3A_1299 = arith.constant 4 : i32
        %mul3A_1300 = arith.muli %add3A, %mul3A_1299 : i32
        %add3A_1301 = arith.constant 2 : i32
        %add3A_1302 = arith.addi %mul3A_1300, %add3A_1301 : i32
        %mul3A_1303 = arith.constant 4 : i32
        %mul3A_1304 = arith.muli %add3A, %mul3A_1303 : i32
        %add3A_1305 = arith.constant 3 : i32
        %add3A_1306 = arith.addi %mul3A_1304, %add3A_1305 : i32
        %dma_start3A_1307 = arith.constant 1 : i32
        %dma_start3A_1308 = arith.constant 0 : i32
        %dma_start3A_1309 = arith.constant 0 : i32
        %dma_start3A_1310 = arith.constant 0 : i32
        %dma_start3A_1311 = tpu.memref_slice %arg7[%dma_start3A_1307, %dma_start3A_1309, %dma_start3A_1310] : memref<2x32x513xf32, #tpu.memory_space<vmem>> -> memref<1x8x128xf32, #tpu.memory_space<vmem>>
        %dma_start3A_1312 = tpu.memref_squeeze %dma_start3A_1311 : memref<1x8x128xf32, #tpu.memory_space<vmem>> -> memref<8x128xf32, #tpu.memory_space<vmem>>
        %dma_start3A_1313 = arith.constant 0 : i32
        %dma_start3A_1314 = arith.constant 0 : i32
        %dma_start3A_1315 = tpu.memref_slice %arg4[%add3A_1200, %dma_start3A_1308, %add3A_1246, %dma_start3A_1313, %dma_start3A_1314] : memref<200x4x128x8x128xf32, #tpu.memory_space<hbm>> -> memref<1x1x1x8x128xf32, #tpu.memory_space<hbm>>
        %dma_start3A_1316 = tpu.memref_squeeze %dma_start3A_1315 : memref<1x1x1x8x128xf32, #tpu.memory_space<hbm>> -> memref<8x128xf32, #tpu.memory_space<hbm>>
        %dma_start3A_1317 = arith.constant 0 : i32
        %dma_start3A_1318 = arith.constant 0 : i32
        %dma_start3A_1319 = tpu.memref_slice %arg4[%add3A_1200, %dma_start3A_1308, %add3A_1246, %dma_start3A_1317, %dma_start3A_1318] : memref<200x4x128x8x128xf32, #tpu.memory_space<hbm>> -> memref<1x1x1x8x128xf32, #tpu.memory_space<hbm>>
        %dma_start3A_1320 = tpu.memref_squeeze %dma_start3A_1319 : memref<1x1x1x8x128xf32, #tpu.memory_space<hbm>> -> memref<8x128xf32, #tpu.memory_space<hbm>>
        %dma_start3A_1321 = arith.constant 0 : i32
        %dma_start3A_1322 = arith.constant 0 : i32
        %dma_start3A_1323 = tpu.memref_slice %arg7[%dma_start3A_1307, %dma_start3A_1321, %dma_start3A_1322] : memref<2x32x513xf32, #tpu.memory_space<vmem>> -> memref<1x8x128xf32, #tpu.memory_space<vmem>>
        %dma_start3A_1324 = tpu.memref_squeeze %dma_start3A_1323 : memref<1x8x128xf32, #tpu.memory_space<vmem>> -> memref<8x128xf32, #tpu.memory_space<vmem>>
        tpu.enqueue_dma source(%dma_start3A_1324 : memref<8x128xf32, #tpu.memory_space<vmem>>) target(%dma_start3A_1320 : memref<8x128xf32, #tpu.memory_space<hbm>>) target_semaphore(%arg11 : memref<!tpu.dma_semaphore, #tpu.memory_space<semaphore_mem>>)
        %dma_start3A_1325 = arith.constant 1 : i32
        %dma_start3A_1326 = arith.constant 0 : i32
        %dma_start3A_1327 = arith.constant 0 : i32
        %dma_start3A_1328 = arith.constant 128 : i32
        %dma_start3A_1329 = tpu.memref_slice %arg7[%dma_start3A_1325, %dma_start3A_1327, %dma_start3A_1328] : memref<2x32x513xf32, #tpu.memory_space<vmem>> -> memref<1x8x128xf32, #tpu.memory_space<vmem>>
        %dma_start3A_1330 = tpu.memref_squeeze %dma_start3A_1329 : memref<1x8x128xf32, #tpu.memory_space<vmem>> -> memref<8x128xf32, #tpu.memory_space<vmem>>
        %dma_start3A_1331 = arith.constant 0 : i32
        %dma_start3A_1332 = arith.constant 0 : i32
        %dma_start3A_1333 = tpu.memref_slice %arg4[%add3A_1200, %dma_start3A_1326, %add3A_1250, %dma_start3A_1331, %dma_start3A_1332] : memref<200x4x128x8x128xf32, #tpu.memory_space<hbm>> -> memref<1x1x1x8x128xf32, #tpu.memory_space<hbm>>
        %dma_start3A_1334 = tpu.memref_squeeze %dma_start3A_1333 : memref<1x1x1x8x128xf32, #tpu.memory_space<hbm>> -> memref<8x128xf32, #tpu.memory_space<hbm>>
        %dma_start3A_1335 = arith.constant 0 : i32
        %dma_start3A_1336 = arith.constant 0 : i32
        %dma_start3A_1337 = tpu.memref_slice %arg4[%add3A_1200, %dma_start3A_1326, %add3A_1250, %dma_start3A_1335, %dma_start3A_1336] : memref<200x4x128x8x128xf32, #tpu.memory_space<hbm>> -> memref<1x1x1x8x128xf32, #tpu.memory_space<hbm>>
        %dma_start3A_1338 = tpu.memref_squeeze %dma_start3A_1337 : memref<1x1x1x8x128xf32, #tpu.memory_space<hbm>> -> memref<8x128xf32, #tpu.memory_space<hbm>>
        %dma_start3A_1339 = arith.constant 0 : i32
        %dma_start3A_1340 = arith.constant 128 : i32
        %dma_start3A_1341 = tpu.memref_slice %arg7[%dma_start3A_1325, %dma_start3A_1339, %dma_start3A_1340] : memref<2x32x513xf32, #tpu.memory_space<vmem>> -> memref<1x8x128xf32, #tpu.memory_space<vmem>>
        %dma_start3A_1342 = tpu.memref_squeeze %dma_start3A_1341 : memref<1x8x128xf32, #tpu.memory_space<vmem>> -> memref<8x128xf32, #tpu.memory_space<vmem>>
        tpu.enqueue_dma source(%dma_start3A_1342 : memref<8x128xf32, #tpu.memory_space<vmem>>) target(%dma_start3A_1338 : memref<8x128xf32, #tpu.memory_space<hbm>>) target_semaphore(%arg11 : memref<!tpu.dma_semaphore, #tpu.memory_space<semaphore_mem>>)
        %dma_start3A_1343 = arith.constant 1 : i32
        %dma_start3A_1344 = arith.constant 0 : i32
        %dma_start3A_1345 = arith.constant 0 : i32
        %dma_start3A_1346 = arith.constant 256 : i32
        %dma_start3A_1347 = tpu.memref_slice %arg7[%dma_start3A_1343, %dma_start3A_1345, %dma_start3A_1346] : memref<2x32x513xf32, #tpu.memory_space<vmem>> -> memref<1x8x128xf32, #tpu.memory_space<vmem>>
        %dma_start3A_1348 = tpu.memref_squeeze %dma_start3A_1347 : memref<1x8x128xf32, #tpu.memory_space<vmem>> -> memref<8x128xf32, #tpu.memory_space<vmem>>
        %dma_start3A_1349 = arith.constant 0 : i32
        %dma_start3A_1350 = arith.constant 0 : i32
        %dma_start3A_1351 = tpu.memref_slice %arg4[%add3A_1200, %dma_start3A_1344, %add3A_1254, %dma_start3A_1349, %dma_start3A_1350] : memref<200x4x128x8x128xf32, #tpu.memory_space<hbm>> -> memref<1x1x1x8x128xf32, #tpu.memory_space<hbm>>
        %dma_start3A_1352 = tpu.memref_squeeze %dma_start3A_1351 : memref<1x1x1x8x128xf32, #tpu.memory_space<hbm>> -> memref<8x128xf32, #tpu.memory_space<hbm>>
        %dma_start3A_1353 = arith.constant 0 : i32
        %dma_start3A_1354 = arith.constant 0 : i32
        %dma_start3A_1355 = tpu.memref_slice %arg4[%add3A_1200, %dma_start3A_1344, %add3A_1254, %dma_start3A_1353, %dma_start3A_1354] : memref<200x4x128x8x128xf32, #tpu.memory_space<hbm>> -> memref<1x1x1x8x128xf32, #tpu.memory_space<hbm>>
        %dma_start3A_1356 = tpu.memref_squeeze %dma_start3A_1355 : memref<1x1x1x8x128xf32, #tpu.memory_space<hbm>> -> memref<8x128xf32, #tpu.memory_space<hbm>>
        %dma_start3A_1357 = arith.constant 0 : i32
        %dma_start3A_1358 = arith.constant 256 : i32
        %dma_start3A_1359 = tpu.memref_slice %arg7[%dma_start3A_1343, %dma_start3A_1357, %dma_start3A_1358] : memref<2x32x513xf32, #tpu.memory_space<vmem>> -> memref<1x8x128xf32, #tpu.memory_space<vmem>>
        %dma_start3A_1360 = tpu.memref_squeeze %dma_start3A_1359 : memref<1x8x128xf32, #tpu.memory_space<vmem>> -> memref<8x128xf32, #tpu.memory_space<vmem>>
        tpu.enqueue_dma source(%dma_start3A_1360 : memref<8x128xf32, #tpu.memory_space<vmem>>) target(%dma_start3A_1356 : memref<8x128xf32, #tpu.memory_space<hbm>>) target_semaphore(%arg11 : memref<!tpu.dma_semaphore, #tpu.memory_space<semaphore_mem>>)
        %dma_start3A_1361 = arith.constant 1 : i32
        %dma_start3A_1362 = arith.constant 0 : i32
        %dma_start3A_1363 = arith.constant 0 : i32
        %dma_start3A_1364 = arith.constant 384 : i32
        %dma_start3A_1365 = tpu.memref_slice %arg7[%dma_start3A_1361, %dma_start3A_1363, %dma_start3A_1364] : memref<2x32x513xf32, #tpu.memory_space<vmem>> -> memref<1x8x128xf32, #tpu.memory_space<vmem>>
        %dma_start3A_1366 = tpu.memref_squeeze %dma_start3A_1365 : memref<1x8x128xf32, #tpu.memory_space<vmem>> -> memref<8x128xf32, #tpu.memory_space<vmem>>
        %dma_start3A_1367 = arith.constant 0 : i32
        %dma_start3A_1368 = arith.constant 0 : i32
        %dma_start3A_1369 = tpu.memref_slice %arg4[%add3A_1200, %dma_start3A_1362, %add3A_1258, %dma_start3A_1367, %dma_start3A_1368] : memref<200x4x128x8x128xf32, #tpu.memory_space<hbm>> -> memref<1x1x1x8x128xf32, #tpu.memory_space<hbm>>
        %dma_start3A_1370 = tpu.memref_squeeze %dma_start3A_1369 : memref<1x1x1x8x128xf32, #tpu.memory_space<hbm>> -> memref<8x128xf32, #tpu.memory_space<hbm>>
        %dma_start3A_1371 = arith.constant 0 : i32
        %dma_start3A_1372 = arith.constant 0 : i32
        %dma_start3A_1373 = tpu.memref_slice %arg4[%add3A_1200, %dma_start3A_1362, %add3A_1258, %dma_start3A_1371, %dma_start3A_1372] : memref<200x4x128x8x128xf32, #tpu.memory_space<hbm>> -> memref<1x1x1x8x128xf32, #tpu.memory_space<hbm>>
        %dma_start3A_1374 = tpu.memref_squeeze %dma_start3A_1373 : memref<1x1x1x8x128xf32, #tpu.memory_space<hbm>> -> memref<8x128xf32, #tpu.memory_space<hbm>>
        %dma_start3A_1375 = arith.constant 0 : i32
        %dma_start3A_1376 = arith.constant 384 : i32
        %dma_start3A_1377 = tpu.memref_slice %arg7[%dma_start3A_1361, %dma_start3A_1375, %dma_start3A_1376] : memref<2x32x513xf32, #tpu.memory_space<vmem>> -> memref<1x8x128xf32, #tpu.memory_space<vmem>>
        %dma_start3A_1378 = tpu.memref_squeeze %dma_start3A_1377 : memref<1x8x128xf32, #tpu.memory_space<vmem>> -> memref<8x128xf32, #tpu.memory_space<vmem>>
        tpu.enqueue_dma source(%dma_start3A_1378 : memref<8x128xf32, #tpu.memory_space<vmem>>) target(%dma_start3A_1374 : memref<8x128xf32, #tpu.memory_space<hbm>>) target_semaphore(%arg11 : memref<!tpu.dma_semaphore, #tpu.memory_space<semaphore_mem>>)
        %dma_start3A_1379 = arith.constant 1 : i32
        %dma_start3A_1380 = arith.constant 1 : i32
        %dma_start3A_1381 = arith.constant 8 : i32
        %dma_start3A_1382 = arith.constant 0 : i32
        %dma_start3A_1383 = tpu.memref_slice %arg7[%dma_start3A_1379, %dma_start3A_1381, %dma_start3A_1382] : memref<2x32x513xf32, #tpu.memory_space<vmem>> -> memref<1x8x128xf32, #tpu.memory_space<vmem>>
        %dma_start3A_1384 = tpu.memref_squeeze %dma_start3A_1383 : memref<1x8x128xf32, #tpu.memory_space<vmem>> -> memref<8x128xf32, #tpu.memory_space<vmem>>
        %dma_start3A_1385 = arith.constant 0 : i32
        %dma_start3A_1386 = arith.constant 0 : i32
        %dma_start3A_1387 = tpu.memref_slice %arg4[%add3A_1200, %dma_start3A_1380, %add3A_1262, %dma_start3A_1385, %dma_start3A_1386] : memref<200x4x128x8x128xf32, #tpu.memory_space<hbm>> -> memref<1x1x1x8x128xf32, #tpu.memory_space<hbm>>
        %dma_start3A_1388 = tpu.memref_squeeze %dma_start3A_1387 : memref<1x1x1x8x128xf32, #tpu.memory_space<hbm>> -> memref<8x128xf32, #tpu.memory_space<hbm>>
        %dma_start3A_1389 = arith.constant 0 : i32
        %dma_start3A_1390 = arith.constant 0 : i32
        %dma_start3A_1391 = tpu.memref_slice %arg4[%add3A_1200, %dma_start3A_1380, %add3A_1262, %dma_start3A_1389, %dma_start3A_1390] : memref<200x4x128x8x128xf32, #tpu.memory_space<hbm>> -> memref<1x1x1x8x128xf32, #tpu.memory_space<hbm>>
        %dma_start3A_1392 = tpu.memref_squeeze %dma_start3A_1391 : memref<1x1x1x8x128xf32, #tpu.memory_space<hbm>> -> memref<8x128xf32, #tpu.memory_space<hbm>>
        %dma_start3A_1393 = arith.constant 8 : i32
        %dma_start3A_1394 = arith.constant 0 : i32
        %dma_start3A_1395 = tpu.memref_slice %arg7[%dma_start3A_1379, %dma_start3A_1393, %dma_start3A_1394] : memref<2x32x513xf32, #tpu.memory_space<vmem>> -> memref<1x8x128xf32, #tpu.memory_space<vmem>>
        %dma_start3A_1396 = tpu.memref_squeeze %dma_start3A_1395 : memref<1x8x128xf32, #tpu.memory_space<vmem>> -> memref<8x128xf32, #tpu.memory_space<vmem>>
        tpu.enqueue_dma source(%dma_start3A_1396 : memref<8x128xf32, #tpu.memory_space<vmem>>) target(%dma_start3A_1392 : memref<8x128xf32, #tpu.memory_space<hbm>>) target_semaphore(%arg11 : memref<!tpu.dma_semaphore, #tpu.memory_space<semaphore_mem>>)
        %dma_start3A_1397 = arith.constant 1 : i32
        %dma_start3A_1398 = arith.constant 1 : i32
        %dma_start3A_1399 = arith.constant 8 : i32
        %dma_start3A_1400 = arith.constant 128 : i32
        %dma_start3A_1401 = tpu.memref_slice %arg7[%dma_start3A_1397, %dma_start3A_1399, %dma_start3A_1400] : memref<2x32x513xf32, #tpu.memory_space<vmem>> -> memref<1x8x128xf32, #tpu.memory_space<vmem>>
        %dma_start3A_1402 = tpu.memref_squeeze %dma_start3A_1401 : memref<1x8x128xf32, #tpu.memory_space<vmem>> -> memref<8x128xf32, #tpu.memory_space<vmem>>
        %dma_start3A_1403 = arith.constant 0 : i32
        %dma_start3A_1404 = arith.constant 0 : i32
        %dma_start3A_1405 = tpu.memref_slice %arg4[%add3A_1200, %dma_start3A_1398, %add3A_1266, %dma_start3A_1403, %dma_start3A_1404] : memref<200x4x128x8x128xf32, #tpu.memory_space<hbm>> -> memref<1x1x1x8x128xf32, #tpu.memory_space<hbm>>
        %dma_start3A_1406 = tpu.memref_squeeze %dma_start3A_1405 : memref<1x1x1x8x128xf32, #tpu.memory_space<hbm>> -> memref<8x128xf32, #tpu.memory_space<hbm>>
        %dma_start3A_1407 = arith.constant 0 : i32
        %dma_start3A_1408 = arith.constant 0 : i32
        %dma_start3A_1409 = tpu.memref_slice %arg4[%add3A_1200, %dma_start3A_1398, %add3A_1266, %dma_start3A_1407, %dma_start3A_1408] : memref<200x4x128x8x128xf32, #tpu.memory_space<hbm>> -> memref<1x1x1x8x128xf32, #tpu.memory_space<hbm>>
        %dma_start3A_1410 = tpu.memref_squeeze %dma_start3A_1409 : memref<1x1x1x8x128xf32, #tpu.memory_space<hbm>> -> memref<8x128xf32, #tpu.memory_space<hbm>>
        %dma_start3A_1411 = arith.constant 8 : i32
        %dma_start3A_1412 = arith.constant 128 : i32
        %dma_start3A_1413 = tpu.memref_slice %arg7[%dma_start3A_1397, %dma_start3A_1411, %dma_start3A_1412] : memref<2x32x513xf32, #tpu.memory_space<vmem>> -> memref<1x8x128xf32, #tpu.memory_space<vmem>>
        %dma_start3A_1414 = tpu.memref_squeeze %dma_start3A_1413 : memref<1x8x128xf32, #tpu.memory_space<vmem>> -> memref<8x128xf32, #tpu.memory_space<vmem>>
        tpu.enqueue_dma source(%dma_start3A_1414 : memref<8x128xf32, #tpu.memory_space<vmem>>) target(%dma_start3A_1410 : memref<8x128xf32, #tpu.memory_space<hbm>>) target_semaphore(%arg11 : memref<!tpu.dma_semaphore, #tpu.memory_space<semaphore_mem>>)
        %dma_start3A_1415 = arith.constant 1 : i32
        %dma_start3A_1416 = arith.constant 1 : i32
        %dma_start3A_1417 = arith.constant 8 : i32
        %dma_start3A_1418 = arith.constant 256 : i32
        %dma_start3A_1419 = tpu.memref_slice %arg7[%dma_start3A_1415, %dma_start3A_1417, %dma_start3A_1418] : memref<2x32x513xf32, #tpu.memory_space<vmem>> -> memref<1x8x128xf32, #tpu.memory_space<vmem>>
        %dma_start3A_1420 = tpu.memref_squeeze %dma_start3A_1419 : memref<1x8x128xf32, #tpu.memory_space<vmem>> -> memref<8x128xf32, #tpu.memory_space<vmem>>
        %dma_start3A_1421 = arith.constant 0 : i32
        %dma_start3A_1422 = arith.constant 0 : i32
        %dma_start3A_1423 = tpu.memref_slice %arg4[%add3A_1200, %dma_start3A_1416, %add3A_1270, %dma_start3A_1421, %dma_start3A_1422] : memref<200x4x128x8x128xf32, #tpu.memory_space<hbm>> -> memref<1x1x1x8x128xf32, #tpu.memory_space<hbm>>
        %dma_start3A_1424 = tpu.memref_squeeze %dma_start3A_1423 : memref<1x1x1x8x128xf32, #tpu.memory_space<hbm>> -> memref<8x128xf32, #tpu.memory_space<hbm>>
        %dma_start3A_1425 = arith.constant 0 : i32
        %dma_start3A_1426 = arith.constant 0 : i32
        %dma_start3A_1427 = tpu.memref_slice %arg4[%add3A_1200, %dma_start3A_1416, %add3A_1270, %dma_start3A_1425, %dma_start3A_1426] : memref<200x4x128x8x128xf32, #tpu.memory_space<hbm>> -> memref<1x1x1x8x128xf32, #tpu.memory_space<hbm>>
        %dma_start3A_1428 = tpu.memref_squeeze %dma_start3A_1427 : memref<1x1x1x8x128xf32, #tpu.memory_space<hbm>> -> memref<8x128xf32, #tpu.memory_space<hbm>>
        %dma_start3A_1429 = arith.constant 8 : i32
        %dma_start3A_1430 = arith.constant 256 : i32
        %dma_start3A_1431 = tpu.memref_slice %arg7[%dma_start3A_1415, %dma_start3A_1429, %dma_start3A_1430] : memref<2x32x513xf32, #tpu.memory_space<vmem>> -> memref<1x8x128xf32, #tpu.memory_space<vmem>>
        %dma_start3A_1432 = tpu.memref_squeeze %dma_start3A_1431 : memref<1x8x128xf32, #tpu.memory_space<vmem>> -> memref<8x128xf32, #tpu.memory_space<vmem>>
        tpu.enqueue_dma source(%dma_start3A_1432 : memref<8x128xf32, #tpu.memory_space<vmem>>) target(%dma_start3A_1428 : memref<8x128xf32, #tpu.memory_space<hbm>>) target_semaphore(%arg11 : memref<!tpu.dma_semaphore, #tpu.memory_space<semaphore_mem>>)
        %dma_start3A_1433 = arith.constant 1 : i32
        %dma_start3A_1434 = arith.constant 1 : i32
        %dma_start3A_1435 = arith.constant 8 : i32
        %dma_start3A_1436 = arith.constant 384 : i32
        %dma_start3A_1437 = tpu.memref_slice %arg7[%dma_start3A_1433, %dma_start3A_1435, %dma_start3A_1436] : memref<2x32x513xf32, #tpu.memory_space<vmem>> -> memref<1x8x128xf32, #tpu.memory_space<vmem>>
        %dma_start3A_1438 = tpu.memref_squeeze %dma_start3A_1437 : memref<1x8x128xf32, #tpu.memory_space<vmem>> -> memref<8x128xf32, #tpu.memory_space<vmem>>
        %dma_start3A_1439 = arith.constant 0 : i32
        %dma_start3A_1440 = arith.constant 0 : i32
        %dma_start3A_1441 = tpu.memref_slice %arg4[%add3A_1200, %dma_start3A_1434, %add3A_1274, %dma_start3A_1439, %dma_start3A_1440] : memref<200x4x128x8x128xf32, #tpu.memory_space<hbm>> -> memref<1x1x1x8x128xf32, #tpu.memory_space<hbm>>
        %dma_start3A_1442 = tpu.memref_squeeze %dma_start3A_1441 : memref<1x1x1x8x128xf32, #tpu.memory_space<hbm>> -> memref<8x128xf32, #tpu.memory_space<hbm>>
        %dma_start3A_1443 = arith.constant 0 : i32
        %dma_start3A_1444 = arith.constant 0 : i32
        %dma_start3A_1445 = tpu.memref_slice %arg4[%add3A_1200, %dma_start3A_1434, %add3A_1274, %dma_start3A_1443, %dma_start3A_1444] : memref<200x4x128x8x128xf32, #tpu.memory_space<hbm>> -> memref<1x1x1x8x128xf32, #tpu.memory_space<hbm>>
        %dma_start3A_1446 = tpu.memref_squeeze %dma_start3A_1445 : memref<1x1x1x8x128xf32, #tpu.memory_space<hbm>> -> memref<8x128xf32, #tpu.memory_space<hbm>>
        %dma_start3A_1447 = arith.constant 8 : i32
        %dma_start3A_1448 = arith.constant 384 : i32
        %dma_start3A_1449 = tpu.memref_slice %arg7[%dma_start3A_1433, %dma_start3A_1447, %dma_start3A_1448] : memref<2x32x513xf32, #tpu.memory_space<vmem>> -> memref<1x8x128xf32, #tpu.memory_space<vmem>>
        %dma_start3A_1450 = tpu.memref_squeeze %dma_start3A_1449 : memref<1x8x128xf32, #tpu.memory_space<vmem>> -> memref<8x128xf32, #tpu.memory_space<vmem>>
        tpu.enqueue_dma source(%dma_start3A_1450 : memref<8x128xf32, #tpu.memory_space<vmem>>) target(%dma_start3A_1446 : memref<8x128xf32, #tpu.memory_space<hbm>>) target_semaphore(%arg11 : memref<!tpu.dma_semaphore, #tpu.memory_space<semaphore_mem>>)
        %dma_start3A_1451 = arith.constant 1 : i32
        %dma_start3A_1452 = arith.constant 2 : i32
        %dma_start3A_1453 = arith.constant 16 : i32
        %dma_start3A_1454 = arith.constant 0 : i32
        %dma_start3A_1455 = tpu.memref_slice %arg7[%dma_start3A_1451, %dma_start3A_1453, %dma_start3A_1454] : memref<2x32x513xf32, #tpu.memory_space<vmem>> -> memref<1x8x128xf32, #tpu.memory_space<vmem>>
        %dma_start3A_1456 = tpu.memref_squeeze %dma_start3A_1455 : memref<1x8x128xf32, #tpu.memory_space<vmem>> -> memref<8x128xf32, #tpu.memory_space<vmem>>
        %dma_start3A_1457 = arith.constant 0 : i32
        %dma_start3A_1458 = arith.constant 0 : i32
        %dma_start3A_1459 = tpu.memref_slice %arg4[%add3A_1200, %dma_start3A_1452, %add3A_1278, %dma_start3A_1457, %dma_start3A_1458] : memref<200x4x128x8x128xf32, #tpu.memory_space<hbm>> -> memref<1x1x1x8x128xf32, #tpu.memory_space<hbm>>
        %dma_start3A_1460 = tpu.memref_squeeze %dma_start3A_1459 : memref<1x1x1x8x128xf32, #tpu.memory_space<hbm>> -> memref<8x128xf32, #tpu.memory_space<hbm>>
        %dma_start3A_1461 = arith.constant 0 : i32
        %dma_start3A_1462 = arith.constant 0 : i32
        %dma_start3A_1463 = tpu.memref_slice %arg4[%add3A_1200, %dma_start3A_1452, %add3A_1278, %dma_start3A_1461, %dma_start3A_1462] : memref<200x4x128x8x128xf32, #tpu.memory_space<hbm>> -> memref<1x1x1x8x128xf32, #tpu.memory_space<hbm>>
        %dma_start3A_1464 = tpu.memref_squeeze %dma_start3A_1463 : memref<1x1x1x8x128xf32, #tpu.memory_space<hbm>> -> memref<8x128xf32, #tpu.memory_space<hbm>>
        %dma_start3A_1465 = arith.constant 16 : i32
        %dma_start3A_1466 = arith.constant 0 : i32
        %dma_start3A_1467 = tpu.memref_slice %arg7[%dma_start3A_1451, %dma_start3A_1465, %dma_start3A_1466] : memref<2x32x513xf32, #tpu.memory_space<vmem>> -> memref<1x8x128xf32, #tpu.memory_space<vmem>>
        %dma_start3A_1468 = tpu.memref_squeeze %dma_start3A_1467 : memref<1x8x128xf32, #tpu.memory_space<vmem>> -> memref<8x128xf32, #tpu.memory_space<vmem>>
        tpu.enqueue_dma source(%dma_start3A_1468 : memref<8x128xf32, #tpu.memory_space<vmem>>) target(%dma_start3A_1464 : memref<8x128xf32, #tpu.memory_space<hbm>>) target_semaphore(%arg11 : memref<!tpu.dma_semaphore, #tpu.memory_space<semaphore_mem>>)
        %dma_start3A_1469 = arith.constant 1 : i32
        %dma_start3A_1470 = arith.constant 2 : i32
        %dma_start3A_1471 = arith.constant 16 : i32
        %dma_start3A_1472 = arith.constant 128 : i32
        %dma_start3A_1473 = tpu.memref_slice %arg7[%dma_start3A_1469, %dma_start3A_1471, %dma_start3A_1472] : memref<2x32x513xf32, #tpu.memory_space<vmem>> -> memref<1x8x128xf32, #tpu.memory_space<vmem>>
        %dma_start3A_1474 = tpu.memref_squeeze %dma_start3A_1473 : memref<1x8x128xf32, #tpu.memory_space<vmem>> -> memref<8x128xf32, #tpu.memory_space<vmem>>
        %dma_start3A_1475 = arith.constant 0 : i32
        %dma_start3A_1476 = arith.constant 0 : i32
        %dma_start3A_1477 = tpu.memref_slice %arg4[%add3A_1200, %dma_start3A_1470, %add3A_1282, %dma_start3A_1475, %dma_start3A_1476] : memref<200x4x128x8x128xf32, #tpu.memory_space<hbm>> -> memref<1x1x1x8x128xf32, #tpu.memory_space<hbm>>
        %dma_start3A_1478 = tpu.memref_squeeze %dma_start3A_1477 : memref<1x1x1x8x128xf32, #tpu.memory_space<hbm>> -> memref<8x128xf32, #tpu.memory_space<hbm>>
        %dma_start3A_1479 = arith.constant 0 : i32
        %dma_start3A_1480 = arith.constant 0 : i32
        %dma_start3A_1481 = tpu.memref_slice %arg4[%add3A_1200, %dma_start3A_1470, %add3A_1282, %dma_start3A_1479, %dma_start3A_1480] : memref<200x4x128x8x128xf32, #tpu.memory_space<hbm>> -> memref<1x1x1x8x128xf32, #tpu.memory_space<hbm>>
        %dma_start3A_1482 = tpu.memref_squeeze %dma_start3A_1481 : memref<1x1x1x8x128xf32, #tpu.memory_space<hbm>> -> memref<8x128xf32, #tpu.memory_space<hbm>>
        %dma_start3A_1483 = arith.constant 16 : i32
        %dma_start3A_1484 = arith.constant 128 : i32
        %dma_start3A_1485 = tpu.memref_slice %arg7[%dma_start3A_1469, %dma_start3A_1483, %dma_start3A_1484] : memref<2x32x513xf32, #tpu.memory_space<vmem>> -> memref<1x8x128xf32, #tpu.memory_space<vmem>>
        %dma_start3A_1486 = tpu.memref_squeeze %dma_start3A_1485 : memref<1x8x128xf32, #tpu.memory_space<vmem>> -> memref<8x128xf32, #tpu.memory_space<vmem>>
        tpu.enqueue_dma source(%dma_start3A_1486 : memref<8x128xf32, #tpu.memory_space<vmem>>) target(%dma_start3A_1482 : memref<8x128xf32, #tpu.memory_space<hbm>>) target_semaphore(%arg11 : memref<!tpu.dma_semaphore, #tpu.memory_space<semaphore_mem>>)
        %dma_start3A_1487 = arith.constant 1 : i32
        %dma_start3A_1488 = arith.constant 2 : i32
        %dma_start3A_1489 = arith.constant 16 : i32
        %dma_start3A_1490 = arith.constant 256 : i32
        %dma_start3A_1491 = tpu.memref_slice %arg7[%dma_start3A_1487, %dma_start3A_1489, %dma_start3A_1490] : memref<2x32x513xf32, #tpu.memory_space<vmem>> -> memref<1x8x128xf32, #tpu.memory_space<vmem>>
        %dma_start3A_1492 = tpu.memref_squeeze %dma_start3A_1491 : memref<1x8x128xf32, #tpu.memory_space<vmem>> -> memref<8x128xf32, #tpu.memory_space<vmem>>
        %dma_start3A_1493 = arith.constant 0 : i32
        %dma_start3A_1494 = arith.constant 0 : i32
        %dma_start3A_1495 = tpu.memref_slice %arg4[%add3A_1200, %dma_start3A_1488, %add3A_1286, %dma_start3A_1493, %dma_start3A_1494] : memref<200x4x128x8x128xf32, #tpu.memory_space<hbm>> -> memref<1x1x1x8x128xf32, #tpu.memory_space<hbm>>
        %dma_start3A_1496 = tpu.memref_squeeze %dma_start3A_1495 : memref<1x1x1x8x128xf32, #tpu.memory_space<hbm>> -> memref<8x128xf32, #tpu.memory_space<hbm>>
        %dma_start3A_1497 = arith.constant 0 : i32
        %dma_start3A_1498 = arith.constant 0 : i32
        %dma_start3A_1499 = tpu.memref_slice %arg4[%add3A_1200, %dma_start3A_1488, %add3A_1286, %dma_start3A_1497, %dma_start3A_1498] : memref<200x4x128x8x128xf32, #tpu.memory_space<hbm>> -> memref<1x1x1x8x128xf32, #tpu.memory_space<hbm>>
        %dma_start3A_1500 = tpu.memref_squeeze %dma_start3A_1499 : memref<1x1x1x8x128xf32, #tpu.memory_space<hbm>> -> memref<8x128xf32, #tpu.memory_space<hbm>>
        %dma_start3A_1501 = arith.constant 16 : i32
        %dma_start3A_1502 = arith.constant 256 : i32
        %dma_start3A_1503 = tpu.memref_slice %arg7[%dma_start3A_1487, %dma_start3A_1501, %dma_start3A_1502] : memref<2x32x513xf32, #tpu.memory_space<vmem>> -> memref<1x8x128xf32, #tpu.memory_space<vmem>>
        %dma_start3A_1504 = tpu.memref_squeeze %dma_start3A_1503 : memref<1x8x128xf32, #tpu.memory_space<vmem>> -> memref<8x128xf32, #tpu.memory_space<vmem>>
        tpu.enqueue_dma source(%dma_start3A_1504 : memref<8x128xf32, #tpu.memory_space<vmem>>) target(%dma_start3A_1500 : memref<8x128xf32, #tpu.memory_space<hbm>>) target_semaphore(%arg11 : memref<!tpu.dma_semaphore, #tpu.memory_space<semaphore_mem>>)
        %dma_start3A_1505 = arith.constant 1 : i32
        %dma_start3A_1506 = arith.constant 2 : i32
        %dma_start3A_1507 = arith.constant 16 : i32
        %dma_start3A_1508 = arith.constant 384 : i32
        %dma_start3A_1509 = tpu.memref_slice %arg7[%dma_start3A_1505, %dma_start3A_1507, %dma_start3A_1508] : memref<2x32x513xf32, #tpu.memory_space<vmem>> -> memref<1x8x128xf32, #tpu.memory_space<vmem>>
        %dma_start3A_1510 = tpu.memref_squeeze %dma_start3A_1509 : memref<1x8x128xf32, #tpu.memory_space<vmem>> -> memref<8x128xf32, #tpu.memory_space<vmem>>
        %dma_start3A_1511 = arith.constant 0 : i32
        %dma_start3A_1512 = arith.constant 0 : i32
        %dma_start3A_1513 = tpu.memref_slice %arg4[%add3A_1200, %dma_start3A_1506, %add3A_1290, %dma_start3A_1511, %dma_start3A_1512] : memref<200x4x128x8x128xf32, #tpu.memory_space<hbm>> -> memref<1x1x1x8x128xf32, #tpu.memory_space<hbm>>
        %dma_start3A_1514 = tpu.memref_squeeze %dma_start3A_1513 : memref<1x1x1x8x128xf32, #tpu.memory_space<hbm>> -> memref<8x128xf32, #tpu.memory_space<hbm>>
        %dma_start3A_1515 = arith.constant 0 : i32
        %dma_start3A_1516 = arith.constant 0 : i32
        %dma_start3A_1517 = tpu.memref_slice %arg4[%add3A_1200, %dma_start3A_1506, %add3A_1290, %dma_start3A_1515, %dma_start3A_1516] : memref<200x4x128x8x128xf32, #tpu.memory_space<hbm>> -> memref<1x1x1x8x128xf32, #tpu.memory_space<hbm>>
        %dma_start3A_1518 = tpu.memref_squeeze %dma_start3A_1517 : memref<1x1x1x8x128xf32, #tpu.memory_space<hbm>> -> memref<8x128xf32, #tpu.memory_space<hbm>>
        %dma_start3A_1519 = arith.constant 16 : i32
        %dma_start3A_1520 = arith.constant 384 : i32
        %dma_start3A_1521 = tpu.memref_slice %arg7[%dma_start3A_1505, %dma_start3A_1519, %dma_start3A_1520] : memref<2x32x513xf32, #tpu.memory_space<vmem>> -> memref<1x8x128xf32, #tpu.memory_space<vmem>>
        %dma_start3A_1522 = tpu.memref_squeeze %dma_start3A_1521 : memref<1x8x128xf32, #tpu.memory_space<vmem>> -> memref<8x128xf32, #tpu.memory_space<vmem>>
        tpu.enqueue_dma source(%dma_start3A_1522 : memref<8x128xf32, #tpu.memory_space<vmem>>) target(%dma_start3A_1518 : memref<8x128xf32, #tpu.memory_space<hbm>>) target_semaphore(%arg11 : memref<!tpu.dma_semaphore, #tpu.memory_space<semaphore_mem>>)
        %dma_start3A_1523 = arith.constant 1 : i32
        %dma_start3A_1524 = arith.constant 3 : i32
        %dma_start3A_1525 = arith.constant 24 : i32
        %dma_start3A_1526 = arith.constant 0 : i32
        %dma_start3A_1527 = tpu.memref_slice %arg7[%dma_start3A_1523, %dma_start3A_1525, %dma_start3A_1526] : memref<2x32x513xf32, #tpu.memory_space<vmem>> -> memref<1x8x128xf32, #tpu.memory_space<vmem>>
        %dma_start3A_1528 = tpu.memref_squeeze %dma_start3A_1527 : memref<1x8x128xf32, #tpu.memory_space<vmem>> -> memref<8x128xf32, #tpu.memory_space<vmem>>
        %dma_start3A_1529 = arith.constant 0 : i32
        %dma_start3A_1530 = arith.constant 0 : i32
        %dma_start3A_1531 = tpu.memref_slice %arg4[%add3A_1200, %dma_start3A_1524, %add3A_1294, %dma_start3A_1529, %dma_start3A_1530] : memref<200x4x128x8x128xf32, #tpu.memory_space<hbm>> -> memref<1x1x1x8x128xf32, #tpu.memory_space<hbm>>
        %dma_start3A_1532 = tpu.memref_squeeze %dma_start3A_1531 : memref<1x1x1x8x128xf32, #tpu.memory_space<hbm>> -> memref<8x128xf32, #tpu.memory_space<hbm>>
        %dma_start3A_1533 = arith.constant 0 : i32
        %dma_start3A_1534 = arith.constant 0 : i32
        %dma_start3A_1535 = tpu.memref_slice %arg4[%add3A_1200, %dma_start3A_1524, %add3A_1294, %dma_start3A_1533, %dma_start3A_1534] : memref<200x4x128x8x128xf32, #tpu.memory_space<hbm>> -> memref<1x1x1x8x128xf32, #tpu.memory_space<hbm>>
        %dma_start3A_1536 = tpu.memref_squeeze %dma_start3A_1535 : memref<1x1x1x8x128xf32, #tpu.memory_space<hbm>> -> memref<8x128xf32, #tpu.memory_space<hbm>>
        %dma_start3A_1537 = arith.constant 24 : i32
        %dma_start3A_1538 = arith.constant 0 : i32
        %dma_start3A_1539 = tpu.memref_slice %arg7[%dma_start3A_1523, %dma_start3A_1537, %dma_start3A_1538] : memref<2x32x513xf32, #tpu.memory_space<vmem>> -> memref<1x8x128xf32, #tpu.memory_space<vmem>>
        %dma_start3A_1540 = tpu.memref_squeeze %dma_start3A_1539 : memref<1x8x128xf32, #tpu.memory_space<vmem>> -> memref<8x128xf32, #tpu.memory_space<vmem>>
        tpu.enqueue_dma source(%dma_start3A_1540 : memref<8x128xf32, #tpu.memory_space<vmem>>) target(%dma_start3A_1536 : memref<8x128xf32, #tpu.memory_space<hbm>>) target_semaphore(%arg11 : memref<!tpu.dma_semaphore, #tpu.memory_space<semaphore_mem>>)
        %dma_start3A_1541 = arith.constant 1 : i32
        %dma_start3A_1542 = arith.constant 3 : i32
        %dma_start3A_1543 = arith.constant 24 : i32
        %dma_start3A_1544 = arith.constant 128 : i32
        %dma_start3A_1545 = tpu.memref_slice %arg7[%dma_start3A_1541, %dma_start3A_1543, %dma_start3A_1544] : memref<2x32x513xf32, #tpu.memory_space<vmem>> -> memref<1x8x128xf32, #tpu.memory_space<vmem>>
        %dma_start3A_1546 = tpu.memref_squeeze %dma_start3A_1545 : memref<1x8x128xf32, #tpu.memory_space<vmem>> -> memref<8x128xf32, #tpu.memory_space<vmem>>
        %dma_start3A_1547 = arith.constant 0 : i32
        %dma_start3A_1548 = arith.constant 0 : i32
        %dma_start3A_1549 = tpu.memref_slice %arg4[%add3A_1200, %dma_start3A_1542, %add3A_1298, %dma_start3A_1547, %dma_start3A_1548] : memref<200x4x128x8x128xf32, #tpu.memory_space<hbm>> -> memref<1x1x1x8x128xf32, #tpu.memory_space<hbm>>
        %dma_start3A_1550 = tpu.memref_squeeze %dma_start3A_1549 : memref<1x1x1x8x128xf32, #tpu.memory_space<hbm>> -> memref<8x128xf32, #tpu.memory_space<hbm>>
        %dma_start3A_1551 = arith.constant 0 : i32
        %dma_start3A_1552 = arith.constant 0 : i32
        %dma_start3A_1553 = tpu.memref_slice %arg4[%add3A_1200, %dma_start3A_1542, %add3A_1298, %dma_start3A_1551, %dma_start3A_1552] : memref<200x4x128x8x128xf32, #tpu.memory_space<hbm>> -> memref<1x1x1x8x128xf32, #tpu.memory_space<hbm>>
        %dma_start3A_1554 = tpu.memref_squeeze %dma_start3A_1553 : memref<1x1x1x8x128xf32, #tpu.memory_space<hbm>> -> memref<8x128xf32, #tpu.memory_space<hbm>>
        %dma_start3A_1555 = arith.constant 24 : i32
        %dma_start3A_1556 = arith.constant 128 : i32
        %dma_start3A_1557 = tpu.memref_slice %arg7[%dma_start3A_1541, %dma_start3A_1555, %dma_start3A_1556] : memref<2x32x513xf32, #tpu.memory_space<vmem>> -> memref<1x8x128xf32, #tpu.memory_space<vmem>>
        %dma_start3A_1558 = tpu.memref_squeeze %dma_start3A_1557 : memref<1x8x128xf32, #tpu.memory_space<vmem>> -> memref<8x128xf32, #tpu.memory_space<vmem>>
        tpu.enqueue_dma source(%dma_start3A_1558 : memref<8x128xf32, #tpu.memory_space<vmem>>) target(%dma_start3A_1554 : memref<8x128xf32, #tpu.memory_space<hbm>>) target_semaphore(%arg11 : memref<!tpu.dma_semaphore, #tpu.memory_space<semaphore_mem>>)
        %dma_start3A_1559 = arith.constant 1 : i32
        %dma_start3A_1560 = arith.constant 3 : i32
        %dma_start3A_1561 = arith.constant 24 : i32
        %dma_start3A_1562 = arith.constant 256 : i32
        %dma_start3A_1563 = tpu.memref_slice %arg7[%dma_start3A_1559, %dma_start3A_1561, %dma_start3A_1562] : memref<2x32x513xf32, #tpu.memory_space<vmem>> -> memref<1x8x128xf32, #tpu.memory_space<vmem>>
        %dma_start3A_1564 = tpu.memref_squeeze %dma_start3A_1563 : memref<1x8x128xf32, #tpu.memory_space<vmem>> -> memref<8x128xf32, #tpu.memory_space<vmem>>
        %dma_start3A_1565 = arith.constant 0 : i32
        %dma_start3A_1566 = arith.constant 0 : i32
        %dma_start3A_1567 = tpu.memref_slice %arg4[%add3A_1200, %dma_start3A_1560, %add3A_1302, %dma_start3A_1565, %dma_start3A_1566] : memref<200x4x128x8x128xf32, #tpu.memory_space<hbm>> -> memref<1x1x1x8x128xf32, #tpu.memory_space<hbm>>
        %dma_start3A_1568 = tpu.memref_squeeze %dma_start3A_1567 : memref<1x1x1x8x128xf32, #tpu.memory_space<hbm>> -> memref<8x128xf32, #tpu.memory_space<hbm>>
        %dma_start3A_1569 = arith.constant 0 : i32
        %dma_start3A_1570 = arith.constant 0 : i32
        %dma_start3A_1571 = tpu.memref_slice %arg4[%add3A_1200, %dma_start3A_1560, %add3A_1302, %dma_start3A_1569, %dma_start3A_1570] : memref<200x4x128x8x128xf32, #tpu.memory_space<hbm>> -> memref<1x1x1x8x128xf32, #tpu.memory_space<hbm>>
        %dma_start3A_1572 = tpu.memref_squeeze %dma_start3A_1571 : memref<1x1x1x8x128xf32, #tpu.memory_space<hbm>> -> memref<8x128xf32, #tpu.memory_space<hbm>>
        %dma_start3A_1573 = arith.constant 24 : i32
        %dma_start3A_1574 = arith.constant 256 : i32
        %dma_start3A_1575 = tpu.memref_slice %arg7[%dma_start3A_1559, %dma_start3A_1573, %dma_start3A_1574] : memref<2x32x513xf32, #tpu.memory_space<vmem>> -> memref<1x8x128xf32, #tpu.memory_space<vmem>>
        %dma_start3A_1576 = tpu.memref_squeeze %dma_start3A_1575 : memref<1x8x128xf32, #tpu.memory_space<vmem>> -> memref<8x128xf32, #tpu.memory_space<vmem>>
        tpu.enqueue_dma source(%dma_start3A_1576 : memref<8x128xf32, #tpu.memory_space<vmem>>) target(%dma_start3A_1572 : memref<8x128xf32, #tpu.memory_space<hbm>>) target_semaphore(%arg11 : memref<!tpu.dma_semaphore, #tpu.memory_space<semaphore_mem>>)
        %dma_start3A_1577 = arith.constant 1 : i32
        %dma_start3A_1578 = arith.constant 3 : i32
        %dma_start3A_1579 = arith.constant 24 : i32
        %dma_start3A_1580 = arith.constant 384 : i32
        %dma_start3A_1581 = tpu.memref_slice %arg7[%dma_start3A_1577, %dma_start3A_1579, %dma_start3A_1580] : memref<2x32x513xf32, #tpu.memory_space<vmem>> -> memref<1x8x128xf32, #tpu.memory_space<vmem>>
        %dma_start3A_1582 = tpu.memref_squeeze %dma_start3A_1581 : memref<1x8x128xf32, #tpu.memory_space<vmem>> -> memref<8x128xf32, #tpu.memory_space<vmem>>
        %dma_start3A_1583 = arith.constant 0 : i32
        %dma_start3A_1584 = arith.constant 0 : i32
        %dma_start3A_1585 = tpu.memref_slice %arg4[%add3A_1200, %dma_start3A_1578, %add3A_1306, %dma_start3A_1583, %dma_start3A_1584] : memref<200x4x128x8x128xf32, #tpu.memory_space<hbm>> -> memref<1x1x1x8x128xf32, #tpu.memory_space<hbm>>
        %dma_start3A_1586 = tpu.memref_squeeze %dma_start3A_1585 : memref<1x1x1x8x128xf32, #tpu.memory_space<hbm>> -> memref<8x128xf32, #tpu.memory_space<hbm>>
        %dma_start3A_1587 = arith.constant 0 : i32
        %dma_start3A_1588 = arith.constant 0 : i32
        %dma_start3A_1589 = tpu.memref_slice %arg4[%add3A_1200, %dma_start3A_1578, %add3A_1306, %dma_start3A_1587, %dma_start3A_1588] : memref<200x4x128x8x128xf32, #tpu.memory_space<hbm>> -> memref<1x1x1x8x128xf32, #tpu.memory_space<hbm>>
        %dma_start3A_1590 = tpu.memref_squeeze %dma_start3A_1589 : memref<1x1x1x8x128xf32, #tpu.memory_space<hbm>> -> memref<8x128xf32, #tpu.memory_space<hbm>>
        %dma_start3A_1591 = arith.constant 24 : i32
        %dma_start3A_1592 = arith.constant 384 : i32
        %dma_start3A_1593 = tpu.memref_slice %arg7[%dma_start3A_1577, %dma_start3A_1591, %dma_start3A_1592] : memref<2x32x513xf32, #tpu.memory_space<vmem>> -> memref<1x8x128xf32, #tpu.memory_space<vmem>>
        %dma_start3A_1594 = tpu.memref_squeeze %dma_start3A_1593 : memref<1x8x128xf32, #tpu.memory_space<vmem>> -> memref<8x128xf32, #tpu.memory_space<vmem>>
        tpu.enqueue_dma source(%dma_start3A_1594 : memref<8x128xf32, #tpu.memory_space<vmem>>) target(%dma_start3A_1590 : memref<8x128xf32, #tpu.memory_space<hbm>>) target_semaphore(%arg11 : memref<!tpu.dma_semaphore, #tpu.memory_space<semaphore_mem>>)
      }
      %scan3A_774 = arith.constant 50 : i32
      %dma_wait3A_775 = arith.constant 99 : i32
      %dma_wait3A_776 = arith.constant 0 : i32
      %dma_wait3A_777 = arith.constant 0 : i32
      %dma_wait3A_778 = arith.constant 0 : i32
      %dma_wait3A_779 = tpu.memref_slice %arg6[%dma_wait3A_776, %dma_wait3A_777, %dma_wait3A_778] : memref<2x512x32xf32, #tpu.memory_space<vmem>> -> memref<1x512x32xf32, #tpu.memory_space<vmem>>
      %dma_wait3A_780 = tpu.memref_squeeze %dma_wait3A_779 : memref<1x512x32xf32, #tpu.memory_space<vmem>> -> memref<512x32xf32, #tpu.memory_space<vmem>>
      %dma_wait3A_781 = arith.constant 0 : i32
      %dma_wait3A_782 = tpu.memref_slice %arg5[%dma_wait3A_775, %dma_wait3A_781] : memref<100x512xi32, #tpu.memory_space<vmem>> -> memref<1x512xi32, #tpu.memory_space<vmem>>
      %dma_wait3A_783 = tpu.memref_squeeze %dma_wait3A_782 : memref<1x512xi32, #tpu.memory_space<vmem>> -> memref<512xi32, #tpu.memory_space<vmem>>
      %dma_wait3A_784 = arith.constant 0 : i32
      %dma_wait3A_785 = arith.constant 0 : i32
      %dma_wait3A_786 = tpu.memref_slice %arg3[%dma_wait3A_784, %dma_wait3A_785] : memref<100000x32xf32, #tpu.memory_space<hbm>> -> memref<100000x32xf32, #tpu.memory_space<hbm>>
      tpu.wait_indirect_dma semaphore(%arg8 : memref<!tpu.dma_semaphore, #tpu.memory_space<semaphore_mem>>) src(%dma_wait3A_786 : memref<100000x32xf32, #tpu.memory_space<hbm>>) dst(%dma_wait3A_780 : memref<512x32xf32, #tpu.memory_space<vmem>>)
      %dma_wait3A_787 = arith.constant 99 : i32
      %dma_wait3A_788 = arith.constant 1 : i32
      %dma_wait3A_789 = arith.constant 0 : i32
      %dma_wait3A_790 = arith.constant 0 : i32
      %dma_wait3A_791 = tpu.memref_slice %arg6[%dma_wait3A_788, %dma_wait3A_789, %dma_wait3A_790] : memref<2x512x32xf32, #tpu.memory_space<vmem>> -> memref<1x512x32xf32, #tpu.memory_space<vmem>>
      %dma_wait3A_792 = tpu.memref_squeeze %dma_wait3A_791 : memref<1x512x32xf32, #tpu.memory_space<vmem>> -> memref<512x32xf32, #tpu.memory_space<vmem>>
      %dma_wait3A_793 = arith.constant 0 : i32
      %dma_wait3A_794 = tpu.memref_slice %arg5[%dma_wait3A_787, %dma_wait3A_793] : memref<100x512xi32, #tpu.memory_space<vmem>> -> memref<1x512xi32, #tpu.memory_space<vmem>>
      %dma_wait3A_795 = tpu.memref_squeeze %dma_wait3A_794 : memref<1x512xi32, #tpu.memory_space<vmem>> -> memref<512xi32, #tpu.memory_space<vmem>>
      %dma_wait3A_796 = arith.constant 0 : i32
      %dma_wait3A_797 = arith.constant 0 : i32
      %dma_wait3A_798 = tpu.memref_slice %arg3[%dma_wait3A_796, %dma_wait3A_797] : memref<100000x32xf32, #tpu.memory_space<hbm>> -> memref<100000x32xf32, #tpu.memory_space<hbm>>
      tpu.wait_indirect_dma semaphore(%arg9 : memref<!tpu.dma_semaphore, #tpu.memory_space<semaphore_mem>>) src(%dma_wait3A_798 : memref<100000x32xf32, #tpu.memory_space<hbm>>) dst(%dma_wait3A_792 : memref<512x32xf32, #tpu.memory_space<vmem>>)
    }
    %scan3A_7 = arith.constant 2 : i32
    %mul3A_8 = arith.constant 4 : i32
    %mul3A_9 = arith.muli %add3A, %mul3A_8 : i32
    %add3A_10 = arith.constant 0 : i32
    %add3A_11 = arith.addi %mul3A_9, %add3A_10 : i32
    %mul3A_12 = arith.constant 4 : i32
    %mul3A_13 = arith.muli %add3A, %mul3A_12 : i32
    %add3A_14 = arith.constant 1 : i32
    %add3A_15 = arith.addi %mul3A_13, %add3A_14 : i32
    %mul3A_16 = arith.constant 4 : i32
    %mul3A_17 = arith.muli %add3A, %mul3A_16 : i32
    %add3A_18 = arith.constant 2 : i32
    %add3A_19 = arith.addi %mul3A_17, %add3A_18 : i32
    %mul3A_20 = arith.constant 4 : i32
    %mul3A_21 = arith.muli %add3A, %mul3A_20 : i32
    %add3A_22 = arith.constant 3 : i32
    %add3A_23 = arith.addi %mul3A_21, %add3A_22 : i32
    %mul3A_24 = arith.constant 4 : i32
    %mul3A_25 = arith.muli %add3A, %mul3A_24 : i32
    %add3A_26 = arith.constant 0 : i32
    %add3A_27 = arith.addi %mul3A_25, %add3A_26 : i32
    %mul3A_28 = arith.constant 4 : i32
    %mul3A_29 = arith.muli %add3A, %mul3A_28 : i32
    %add3A_30 = arith.constant 1 : i32
    %add3A_31 = arith.addi %mul3A_29, %add3A_30 : i32
    %mul3A_32 = arith.constant 4 : i32
    %mul3A_33 = arith.muli %add3A, %mul3A_32 : i32
    %add3A_34 = arith.constant 2 : i32
    %add3A_35 = arith.addi %mul3A_33, %add3A_34 : i32
    %mul3A_36 = arith.constant 4 : i32
    %mul3A_37 = arith.muli %add3A, %mul3A_36 : i32
    %add3A_38 = arith.constant 3 : i32
    %add3A_39 = arith.addi %mul3A_37, %add3A_38 : i32
    %mul3A_40 = arith.constant 4 : i32
    %mul3A_41 = arith.muli %add3A, %mul3A_40 : i32
    %add3A_42 = arith.constant 0 : i32
    %add3A_43 = arith.addi %mul3A_41, %add3A_42 : i32
    %mul3A_44 = arith.constant 4 : i32
    %mul3A_45 = arith.muli %add3A, %mul3A_44 : i32
    %add3A_46 = arith.constant 1 : i32
    %add3A_47 = arith.addi %mul3A_45, %add3A_46 : i32
    %mul3A_48 = arith.constant 4 : i32
    %mul3A_49 = arith.muli %add3A, %mul3A_48 : i32
    %add3A_50 = arith.constant 2 : i32
    %add3A_51 = arith.addi %mul3A_49, %add3A_50 : i32
    %mul3A_52 = arith.constant 4 : i32
    %mul3A_53 = arith.muli %add3A, %mul3A_52 : i32
    %add3A_54 = arith.constant 3 : i32
    %add3A_55 = arith.addi %mul3A_53, %add3A_54 : i32
    %mul3A_56 = arith.constant 4 : i32
    %mul3A_57 = arith.muli %add3A, %mul3A_56 : i32
    %add3A_58 = arith.constant 0 : i32
    %add3A_59 = arith.addi %mul3A_57, %add3A_58 : i32
    %mul3A_60 = arith.constant 4 : i32
    %mul3A_61 = arith.muli %add3A, %mul3A_60 : i32
    %add3A_62 = arith.constant 1 : i32
    %add3A_63 = arith.addi %mul3A_61, %add3A_62 : i32
    %mul3A_64 = arith.constant 4 : i32
    %mul3A_65 = arith.muli %add3A, %mul3A_64 : i32
    %add3A_66 = arith.constant 2 : i32
    %add3A_67 = arith.addi %mul3A_65, %add3A_66 : i32
    %mul3A_68 = arith.constant 4 : i32
    %mul3A_69 = arith.muli %add3A, %mul3A_68 : i32
    %add3A_70 = arith.constant 3 : i32
    %add3A_71 = arith.addi %mul3A_69, %add3A_70 : i32
    %dma_wait3A = arith.constant 0 : i32
    %dma_wait3A_72 = arith.constant 198 : i32
    %dma_wait3A_73 = arith.constant 0 : i32
    %dma_wait3A_74 = arith.constant 0 : i32
    %dma_wait3A_75 = arith.constant 0 : i32
    %dma_wait3A_76 = tpu.memref_slice %arg7[%dma_wait3A, %dma_wait3A_74, %dma_wait3A_75] : memref<2x32x513xf32, #tpu.memory_space<vmem>> -> memref<1x8x128xf32, #tpu.memory_space<vmem>>
    %dma_wait3A_77 = tpu.memref_squeeze %dma_wait3A_76 : memref<1x8x128xf32, #tpu.memory_space<vmem>> -> memref<8x128xf32, #tpu.memory_space<vmem>>
    %dma_wait3A_78 = arith.constant 0 : i32
    %dma_wait3A_79 = arith.constant 0 : i32
    %dma_wait3A_80 = tpu.memref_slice %arg4[%dma_wait3A_72, %dma_wait3A_73, %add3A_11, %dma_wait3A_78, %dma_wait3A_79] : memref<200x4x128x8x128xf32, #tpu.memory_space<hbm>> -> memref<1x1x1x8x128xf32, #tpu.memory_space<hbm>>
    %dma_wait3A_81 = tpu.memref_squeeze %dma_wait3A_80 : memref<1x1x1x8x128xf32, #tpu.memory_space<hbm>> -> memref<8x128xf32, #tpu.memory_space<hbm>>
    %dma_wait3A_82 = arith.constant 0 : i32
    %dma_wait3A_83 = arith.constant 0 : i32
    %dma_wait3A_84 = tpu.memref_slice %arg4[%dma_wait3A_72, %dma_wait3A_73, %add3A_11, %dma_wait3A_82, %dma_wait3A_83] : memref<200x4x128x8x128xf32, #tpu.memory_space<hbm>> -> memref<1x1x1x8x128xf32, #tpu.memory_space<hbm>>
    %dma_wait3A_85 = tpu.memref_squeeze %dma_wait3A_84 : memref<1x1x1x8x128xf32, #tpu.memory_space<hbm>> -> memref<8x128xf32, #tpu.memory_space<hbm>>
    %dma_wait3A_86 = arith.constant 0 : i32
    %dma_wait3A_87 = arith.constant 0 : i32
    %dma_wait3A_88 = tpu.memref_slice %arg7[%dma_wait3A, %dma_wait3A_86, %dma_wait3A_87] : memref<2x32x513xf32, #tpu.memory_space<vmem>> -> memref<1x8x128xf32, #tpu.memory_space<vmem>>
    %dma_wait3A_89 = tpu.memref_squeeze %dma_wait3A_88 : memref<1x8x128xf32, #tpu.memory_space<vmem>> -> memref<8x128xf32, #tpu.memory_space<vmem>>
    tpu.wait_dma2 semaphore(%arg10 : memref<!tpu.dma_semaphore, #tpu.memory_space<semaphore_mem>>) src(%dma_wait3A_89 : memref<8x128xf32, #tpu.memory_space<vmem>>) dst(%dma_wait3A_85 : memref<8x128xf32, #tpu.memory_space<hbm>>)
    %dma_wait3A_90 = arith.constant 0 : i32
    %dma_wait3A_91 = arith.constant 198 : i32
    %dma_wait3A_92 = arith.constant 0 : i32
    %dma_wait3A_93 = arith.constant 0 : i32
    %dma_wait3A_94 = arith.constant 128 : i32
    %dma_wait3A_95 = tpu.memref_slice %arg7[%dma_wait3A_90, %dma_wait3A_93, %dma_wait3A_94] : memref<2x32x513xf32, #tpu.memory_space<vmem>> -> memref<1x8x128xf32, #tpu.memory_space<vmem>>
    %dma_wait3A_96 = tpu.memref_squeeze %dma_wait3A_95 : memref<1x8x128xf32, #tpu.memory_space<vmem>> -> memref<8x128xf32, #tpu.memory_space<vmem>>
    %dma_wait3A_97 = arith.constant 0 : i32
    %dma_wait3A_98 = arith.constant 0 : i32
    %dma_wait3A_99 = tpu.memref_slice %arg4[%dma_wait3A_91, %dma_wait3A_92, %add3A_15, %dma_wait3A_97, %dma_wait3A_98] : memref<200x4x128x8x128xf32, #tpu.memory_space<hbm>> -> memref<1x1x1x8x128xf32, #tpu.memory_space<hbm>>
    %dma_wait3A_100 = tpu.memref_squeeze %dma_wait3A_99 : memref<1x1x1x8x128xf32, #tpu.memory_space<hbm>> -> memref<8x128xf32, #tpu.memory_space<hbm>>
    %dma_wait3A_101 = arith.constant 0 : i32
    %dma_wait3A_102 = arith.constant 0 : i32
    %dma_wait3A_103 = tpu.memref_slice %arg4[%dma_wait3A_91, %dma_wait3A_92, %add3A_15, %dma_wait3A_101, %dma_wait3A_102] : memref<200x4x128x8x128xf32, #tpu.memory_space<hbm>> -> memref<1x1x1x8x128xf32, #tpu.memory_space<hbm>>
    %dma_wait3A_104 = tpu.memref_squeeze %dma_wait3A_103 : memref<1x1x1x8x128xf32, #tpu.memory_space<hbm>> -> memref<8x128xf32, #tpu.memory_space<hbm>>
    %dma_wait3A_105 = arith.constant 0 : i32
    %dma_wait3A_106 = arith.constant 128 : i32
    %dma_wait3A_107 = tpu.memref_slice %arg7[%dma_wait3A_90, %dma_wait3A_105, %dma_wait3A_106] : memref<2x32x513xf32, #tpu.memory_space<vmem>> -> memref<1x8x128xf32, #tpu.memory_space<vmem>>
    %dma_wait3A_108 = tpu.memref_squeeze %dma_wait3A_107 : memref<1x8x128xf32, #tpu.memory_space<vmem>> -> memref<8x128xf32, #tpu.memory_space<vmem>>
    tpu.wait_dma2 semaphore(%arg10 : memref<!tpu.dma_semaphore, #tpu.memory_space<semaphore_mem>>) src(%dma_wait3A_108 : memref<8x128xf32, #tpu.memory_space<vmem>>) dst(%dma_wait3A_104 : memref<8x128xf32, #tpu.memory_space<hbm>>)
    %dma_wait3A_109 = arith.constant 0 : i32
    %dma_wait3A_110 = arith.constant 198 : i32
    %dma_wait3A_111 = arith.constant 0 : i32
    %dma_wait3A_112 = arith.constant 0 : i32
    %dma_wait3A_113 = arith.constant 256 : i32
    %dma_wait3A_114 = tpu.memref_slice %arg7[%dma_wait3A_109, %dma_wait3A_112, %dma_wait3A_113] : memref<2x32x513xf32, #tpu.memory_space<vmem>> -> memref<1x8x128xf32, #tpu.memory_space<vmem>>
    %dma_wait3A_115 = tpu.memref_squeeze %dma_wait3A_114 : memref<1x8x128xf32, #tpu.memory_space<vmem>> -> memref<8x128xf32, #tpu.memory_space<vmem>>
    %dma_wait3A_116 = arith.constant 0 : i32
    %dma_wait3A_117 = arith.constant 0 : i32
    %dma_wait3A_118 = tpu.memref_slice %arg4[%dma_wait3A_110, %dma_wait3A_111, %add3A_19, %dma_wait3A_116, %dma_wait3A_117] : memref<200x4x128x8x128xf32, #tpu.memory_space<hbm>> -> memref<1x1x1x8x128xf32, #tpu.memory_space<hbm>>
    %dma_wait3A_119 = tpu.memref_squeeze %dma_wait3A_118 : memref<1x1x1x8x128xf32, #tpu.memory_space<hbm>> -> memref<8x128xf32, #tpu.memory_space<hbm>>
    %dma_wait3A_120 = arith.constant 0 : i32
    %dma_wait3A_121 = arith.constant 0 : i32
    %dma_wait3A_122 = tpu.memref_slice %arg4[%dma_wait3A_110, %dma_wait3A_111, %add3A_19, %dma_wait3A_120, %dma_wait3A_121] : memref<200x4x128x8x128xf32, #tpu.memory_space<hbm>> -> memref<1x1x1x8x128xf32, #tpu.memory_space<hbm>>
    %dma_wait3A_123 = tpu.memref_squeeze %dma_wait3A_122 : memref<1x1x1x8x128xf32, #tpu.memory_space<hbm>> -> memref<8x128xf32, #tpu.memory_space<hbm>>
    %dma_wait3A_124 = arith.constant 0 : i32
    %dma_wait3A_125 = arith.constant 256 : i32
    %dma_wait3A_126 = tpu.memref_slice %arg7[%dma_wait3A_109, %dma_wait3A_124, %dma_wait3A_125] : memref<2x32x513xf32, #tpu.memory_space<vmem>> -> memref<1x8x128xf32, #tpu.memory_space<vmem>>
    %dma_wait3A_127 = tpu.memref_squeeze %dma_wait3A_126 : memref<1x8x128xf32, #tpu.memory_space<vmem>> -> memref<8x128xf32, #tpu.memory_space<vmem>>
    tpu.wait_dma2 semaphore(%arg10 : memref<!tpu.dma_semaphore, #tpu.memory_space<semaphore_mem>>) src(%dma_wait3A_127 : memref<8x128xf32, #tpu.memory_space<vmem>>) dst(%dma_wait3A_123 : memref<8x128xf32, #tpu.memory_space<hbm>>)
    %dma_wait3A_128 = arith.constant 0 : i32
    %dma_wait3A_129 = arith.constant 198 : i32
    %dma_wait3A_130 = arith.constant 0 : i32
    %dma_wait3A_131 = arith.constant 0 : i32
    %dma_wait3A_132 = arith.constant 384 : i32
    %dma_wait3A_133 = tpu.memref_slice %arg7[%dma_wait3A_128, %dma_wait3A_131, %dma_wait3A_132] : memref<2x32x513xf32, #tpu.memory_space<vmem>> -> memref<1x8x128xf32, #tpu.memory_space<vmem>>
    %dma_wait3A_134 = tpu.memref_squeeze %dma_wait3A_133 : memref<1x8x128xf32, #tpu.memory_space<vmem>> -> memref<8x128xf32, #tpu.memory_space<vmem>>
    %dma_wait3A_135 = arith.constant 0 : i32
    %dma_wait3A_136 = arith.constant 0 : i32
    %dma_wait3A_137 = tpu.memref_slice %arg4[%dma_wait3A_129, %dma_wait3A_130, %add3A_23, %dma_wait3A_135, %dma_wait3A_136] : memref<200x4x128x8x128xf32, #tpu.memory_space<hbm>> -> memref<1x1x1x8x128xf32, #tpu.memory_space<hbm>>
    %dma_wait3A_138 = tpu.memref_squeeze %dma_wait3A_137 : memref<1x1x1x8x128xf32, #tpu.memory_space<hbm>> -> memref<8x128xf32, #tpu.memory_space<hbm>>
    %dma_wait3A_139 = arith.constant 0 : i32
    %dma_wait3A_140 = arith.constant 0 : i32
    %dma_wait3A_141 = tpu.memref_slice %arg4[%dma_wait3A_129, %dma_wait3A_130, %add3A_23, %dma_wait3A_139, %dma_wait3A_140] : memref<200x4x128x8x128xf32, #tpu.memory_space<hbm>> -> memref<1x1x1x8x128xf32, #tpu.memory_space<hbm>>
    %dma_wait3A_142 = tpu.memref_squeeze %dma_wait3A_141 : memref<1x1x1x8x128xf32, #tpu.memory_space<hbm>> -> memref<8x128xf32, #tpu.memory_space<hbm>>
    %dma_wait3A_143 = arith.constant 0 : i32
    %dma_wait3A_144 = arith.constant 384 : i32
    %dma_wait3A_145 = tpu.memref_slice %arg7[%dma_wait3A_128, %dma_wait3A_143, %dma_wait3A_144] : memref<2x32x513xf32, #tpu.memory_space<vmem>> -> memref<1x8x128xf32, #tpu.memory_space<vmem>>
    %dma_wait3A_146 = tpu.memref_squeeze %dma_wait3A_145 : memref<1x8x128xf32, #tpu.memory_space<vmem>> -> memref<8x128xf32, #tpu.memory_space<vmem>>
    tpu.wait_dma2 semaphore(%arg10 : memref<!tpu.dma_semaphore, #tpu.memory_space<semaphore_mem>>) src(%dma_wait3A_146 : memref<8x128xf32, #tpu.memory_space<vmem>>) dst(%dma_wait3A_142 : memref<8x128xf32, #tpu.memory_space<hbm>>)
    %dma_wait3A_147 = arith.constant 0 : i32
    %dma_wait3A_148 = arith.constant 198 : i32
    %dma_wait3A_149 = arith.constant 1 : i32
    %dma_wait3A_150 = arith.constant 8 : i32
    %dma_wait3A_151 = arith.constant 0 : i32
    %dma_wait3A_152 = tpu.memref_slice %arg7[%dma_wait3A_147, %dma_wait3A_150, %dma_wait3A_151] : memref<2x32x513xf32, #tpu.memory_space<vmem>> -> memref<1x8x128xf32, #tpu.memory_space<vmem>>
    %dma_wait3A_153 = tpu.memref_squeeze %dma_wait3A_152 : memref<1x8x128xf32, #tpu.memory_space<vmem>> -> memref<8x128xf32, #tpu.memory_space<vmem>>
    %dma_wait3A_154 = arith.constant 0 : i32
    %dma_wait3A_155 = arith.constant 0 : i32
    %dma_wait3A_156 = tpu.memref_slice %arg4[%dma_wait3A_148, %dma_wait3A_149, %add3A_27, %dma_wait3A_154, %dma_wait3A_155] : memref<200x4x128x8x128xf32, #tpu.memory_space<hbm>> -> memref<1x1x1x8x128xf32, #tpu.memory_space<hbm>>
    %dma_wait3A_157 = tpu.memref_squeeze %dma_wait3A_156 : memref<1x1x1x8x128xf32, #tpu.memory_space<hbm>> -> memref<8x128xf32, #tpu.memory_space<hbm>>
    %dma_wait3A_158 = arith.constant 0 : i32
    %dma_wait3A_159 = arith.constant 0 : i32
    %dma_wait3A_160 = tpu.memref_slice %arg4[%dma_wait3A_148, %dma_wait3A_149, %add3A_27, %dma_wait3A_158, %dma_wait3A_159] : memref<200x4x128x8x128xf32, #tpu.memory_space<hbm>> -> memref<1x1x1x8x128xf32, #tpu.memory_space<hbm>>
    %dma_wait3A_161 = tpu.memref_squeeze %dma_wait3A_160 : memref<1x1x1x8x128xf32, #tpu.memory_space<hbm>> -> memref<8x128xf32, #tpu.memory_space<hbm>>
    %dma_wait3A_162 = arith.constant 8 : i32
    %dma_wait3A_163 = arith.constant 0 : i32
    %dma_wait3A_164 = tpu.memref_slice %arg7[%dma_wait3A_147, %dma_wait3A_162, %dma_wait3A_163] : memref<2x32x513xf32, #tpu.memory_space<vmem>> -> memref<1x8x128xf32, #tpu.memory_space<vmem>>
    %dma_wait3A_165 = tpu.memref_squeeze %dma_wait3A_164 : memref<1x8x128xf32, #tpu.memory_space<vmem>> -> memref<8x128xf32, #tpu.memory_space<vmem>>
    tpu.wait_dma2 semaphore(%arg10 : memref<!tpu.dma_semaphore, #tpu.memory_space<semaphore_mem>>) src(%dma_wait3A_165 : memref<8x128xf32, #tpu.memory_space<vmem>>) dst(%dma_wait3A_161 : memref<8x128xf32, #tpu.memory_space<hbm>>)
    %dma_wait3A_166 = arith.constant 0 : i32
    %dma_wait3A_167 = arith.constant 198 : i32
    %dma_wait3A_168 = arith.constant 1 : i32
    %dma_wait3A_169 = arith.constant 8 : i32
    %dma_wait3A_170 = arith.constant 128 : i32
    %dma_wait3A_171 = tpu.memref_slice %arg7[%dma_wait3A_166, %dma_wait3A_169, %dma_wait3A_170] : memref<2x32x513xf32, #tpu.memory_space<vmem>> -> memref<1x8x128xf32, #tpu.memory_space<vmem>>
    %dma_wait3A_172 = tpu.memref_squeeze %dma_wait3A_171 : memref<1x8x128xf32, #tpu.memory_space<vmem>> -> memref<8x128xf32, #tpu.memory_space<vmem>>
    %dma_wait3A_173 = arith.constant 0 : i32
    %dma_wait3A_174 = arith.constant 0 : i32
    %dma_wait3A_175 = tpu.memref_slice %arg4[%dma_wait3A_167, %dma_wait3A_168, %add3A_31, %dma_wait3A_173, %dma_wait3A_174] : memref<200x4x128x8x128xf32, #tpu.memory_space<hbm>> -> memref<1x1x1x8x128xf32, #tpu.memory_space<hbm>>
    %dma_wait3A_176 = tpu.memref_squeeze %dma_wait3A_175 : memref<1x1x1x8x128xf32, #tpu.memory_space<hbm>> -> memref<8x128xf32, #tpu.memory_space<hbm>>
    %dma_wait3A_177 = arith.constant 0 : i32
    %dma_wait3A_178 = arith.constant 0 : i32
    %dma_wait3A_179 = tpu.memref_slice %arg4[%dma_wait3A_167, %dma_wait3A_168, %add3A_31, %dma_wait3A_177, %dma_wait3A_178] : memref<200x4x128x8x128xf32, #tpu.memory_space<hbm>> -> memref<1x1x1x8x128xf32, #tpu.memory_space<hbm>>
    %dma_wait3A_180 = tpu.memref_squeeze %dma_wait3A_179 : memref<1x1x1x8x128xf32, #tpu.memory_space<hbm>> -> memref<8x128xf32, #tpu.memory_space<hbm>>
    %dma_wait3A_181 = arith.constant 8 : i32
    %dma_wait3A_182 = arith.constant 128 : i32
    %dma_wait3A_183 = tpu.memref_slice %arg7[%dma_wait3A_166, %dma_wait3A_181, %dma_wait3A_182] : memref<2x32x513xf32, #tpu.memory_space<vmem>> -> memref<1x8x128xf32, #tpu.memory_space<vmem>>
    %dma_wait3A_184 = tpu.memref_squeeze %dma_wait3A_183 : memref<1x8x128xf32, #tpu.memory_space<vmem>> -> memref<8x128xf32, #tpu.memory_space<vmem>>
    tpu.wait_dma2 semaphore(%arg10 : memref<!tpu.dma_semaphore, #tpu.memory_space<semaphore_mem>>) src(%dma_wait3A_184 : memref<8x128xf32, #tpu.memory_space<vmem>>) dst(%dma_wait3A_180 : memref<8x128xf32, #tpu.memory_space<hbm>>)
    %dma_wait3A_185 = arith.constant 0 : i32
    %dma_wait3A_186 = arith.constant 198 : i32
    %dma_wait3A_187 = arith.constant 1 : i32
    %dma_wait3A_188 = arith.constant 8 : i32
    %dma_wait3A_189 = arith.constant 256 : i32
    %dma_wait3A_190 = tpu.memref_slice %arg7[%dma_wait3A_185, %dma_wait3A_188, %dma_wait3A_189] : memref<2x32x513xf32, #tpu.memory_space<vmem>> -> memref<1x8x128xf32, #tpu.memory_space<vmem>>
    %dma_wait3A_191 = tpu.memref_squeeze %dma_wait3A_190 : memref<1x8x128xf32, #tpu.memory_space<vmem>> -> memref<8x128xf32, #tpu.memory_space<vmem>>
    %dma_wait3A_192 = arith.constant 0 : i32
    %dma_wait3A_193 = arith.constant 0 : i32
    %dma_wait3A_194 = tpu.memref_slice %arg4[%dma_wait3A_186, %dma_wait3A_187, %add3A_35, %dma_wait3A_192, %dma_wait3A_193] : memref<200x4x128x8x128xf32, #tpu.memory_space<hbm>> -> memref<1x1x1x8x128xf32, #tpu.memory_space<hbm>>
    %dma_wait3A_195 = tpu.memref_squeeze %dma_wait3A_194 : memref<1x1x1x8x128xf32, #tpu.memory_space<hbm>> -> memref<8x128xf32, #tpu.memory_space<hbm>>
    %dma_wait3A_196 = arith.constant 0 : i32
    %dma_wait3A_197 = arith.constant 0 : i32
    %dma_wait3A_198 = tpu.memref_slice %arg4[%dma_wait3A_186, %dma_wait3A_187, %add3A_35, %dma_wait3A_196, %dma_wait3A_197] : memref<200x4x128x8x128xf32, #tpu.memory_space<hbm>> -> memref<1x1x1x8x128xf32, #tpu.memory_space<hbm>>
    %dma_wait3A_199 = tpu.memref_squeeze %dma_wait3A_198 : memref<1x1x1x8x128xf32, #tpu.memory_space<hbm>> -> memref<8x128xf32, #tpu.memory_space<hbm>>
    %dma_wait3A_200 = arith.constant 8 : i32
    %dma_wait3A_201 = arith.constant 256 : i32
    %dma_wait3A_202 = tpu.memref_slice %arg7[%dma_wait3A_185, %dma_wait3A_200, %dma_wait3A_201] : memref<2x32x513xf32, #tpu.memory_space<vmem>> -> memref<1x8x128xf32, #tpu.memory_space<vmem>>
    %dma_wait3A_203 = tpu.memref_squeeze %dma_wait3A_202 : memref<1x8x128xf32, #tpu.memory_space<vmem>> -> memref<8x128xf32, #tpu.memory_space<vmem>>
    tpu.wait_dma2 semaphore(%arg10 : memref<!tpu.dma_semaphore, #tpu.memory_space<semaphore_mem>>) src(%dma_wait3A_203 : memref<8x128xf32, #tpu.memory_space<vmem>>) dst(%dma_wait3A_199 : memref<8x128xf32, #tpu.memory_space<hbm>>)
    %dma_wait3A_204 = arith.constant 0 : i32
    %dma_wait3A_205 = arith.constant 198 : i32
    %dma_wait3A_206 = arith.constant 1 : i32
    %dma_wait3A_207 = arith.constant 8 : i32
    %dma_wait3A_208 = arith.constant 384 : i32
    %dma_wait3A_209 = tpu.memref_slice %arg7[%dma_wait3A_204, %dma_wait3A_207, %dma_wait3A_208] : memref<2x32x513xf32, #tpu.memory_space<vmem>> -> memref<1x8x128xf32, #tpu.memory_space<vmem>>
    %dma_wait3A_210 = tpu.memref_squeeze %dma_wait3A_209 : memref<1x8x128xf32, #tpu.memory_space<vmem>> -> memref<8x128xf32, #tpu.memory_space<vmem>>
    %dma_wait3A_211 = arith.constant 0 : i32
    %dma_wait3A_212 = arith.constant 0 : i32
    %dma_wait3A_213 = tpu.memref_slice %arg4[%dma_wait3A_205, %dma_wait3A_206, %add3A_39, %dma_wait3A_211, %dma_wait3A_212] : memref<200x4x128x8x128xf32, #tpu.memory_space<hbm>> -> memref<1x1x1x8x128xf32, #tpu.memory_space<hbm>>
    %dma_wait3A_214 = tpu.memref_squeeze %dma_wait3A_213 : memref<1x1x1x8x128xf32, #tpu.memory_space<hbm>> -> memref<8x128xf32, #tpu.memory_space<hbm>>
    %dma_wait3A_215 = arith.constant 0 : i32
    %dma_wait3A_216 = arith.constant 0 : i32
    %dma_wait3A_217 = tpu.memref_slice %arg4[%dma_wait3A_205, %dma_wait3A_206, %add3A_39, %dma_wait3A_215, %dma_wait3A_216] : memref<200x4x128x8x128xf32, #tpu.memory_space<hbm>> -> memref<1x1x1x8x128xf32, #tpu.memory_space<hbm>>
    %dma_wait3A_218 = tpu.memref_squeeze %dma_wait3A_217 : memref<1x1x1x8x128xf32, #tpu.memory_space<hbm>> -> memref<8x128xf32, #tpu.memory_space<hbm>>
    %dma_wait3A_219 = arith.constant 8 : i32
    %dma_wait3A_220 = arith.constant 384 : i32
    %dma_wait3A_221 = tpu.memref_slice %arg7[%dma_wait3A_204, %dma_wait3A_219, %dma_wait3A_220] : memref<2x32x513xf32, #tpu.memory_space<vmem>> -> memref<1x8x128xf32, #tpu.memory_space<vmem>>
    %dma_wait3A_222 = tpu.memref_squeeze %dma_wait3A_221 : memref<1x8x128xf32, #tpu.memory_space<vmem>> -> memref<8x128xf32, #tpu.memory_space<vmem>>
    tpu.wait_dma2 semaphore(%arg10 : memref<!tpu.dma_semaphore, #tpu.memory_space<semaphore_mem>>) src(%dma_wait3A_222 : memref<8x128xf32, #tpu.memory_space<vmem>>) dst(%dma_wait3A_218 : memref<8x128xf32, #tpu.memory_space<hbm>>)
    %dma_wait3A_223 = arith.constant 0 : i32
    %dma_wait3A_224 = arith.constant 198 : i32
    %dma_wait3A_225 = arith.constant 2 : i32
    %dma_wait3A_226 = arith.constant 16 : i32
    %dma_wait3A_227 = arith.constant 0 : i32
    %dma_wait3A_228 = tpu.memref_slice %arg7[%dma_wait3A_223, %dma_wait3A_226, %dma_wait3A_227] : memref<2x32x513xf32, #tpu.memory_space<vmem>> -> memref<1x8x128xf32, #tpu.memory_space<vmem>>
    %dma_wait3A_229 = tpu.memref_squeeze %dma_wait3A_228 : memref<1x8x128xf32, #tpu.memory_space<vmem>> -> memref<8x128xf32, #tpu.memory_space<vmem>>
    %dma_wait3A_230 = arith.constant 0 : i32
    %dma_wait3A_231 = arith.constant 0 : i32
    %dma_wait3A_232 = tpu.memref_slice %arg4[%dma_wait3A_224, %dma_wait3A_225, %add3A_43, %dma_wait3A_230, %dma_wait3A_231] : memref<200x4x128x8x128xf32, #tpu.memory_space<hbm>> -> memref<1x1x1x8x128xf32, #tpu.memory_space<hbm>>
    %dma_wait3A_233 = tpu.memref_squeeze %dma_wait3A_232 : memref<1x1x1x8x128xf32, #tpu.memory_space<hbm>> -> memref<8x128xf32, #tpu.memory_space<hbm>>
    %dma_wait3A_234 = arith.constant 0 : i32
    %dma_wait3A_235 = arith.constant 0 : i32
    %dma_wait3A_236 = tpu.memref_slice %arg4[%dma_wait3A_224, %dma_wait3A_225, %add3A_43, %dma_wait3A_234, %dma_wait3A_235] : memref<200x4x128x8x128xf32, #tpu.memory_space<hbm>> -> memref<1x1x1x8x128xf32, #tpu.memory_space<hbm>>
    %dma_wait3A_237 = tpu.memref_squeeze %dma_wait3A_236 : memref<1x1x1x8x128xf32, #tpu.memory_space<hbm>> -> memref<8x128xf32, #tpu.memory_space<hbm>>
    %dma_wait3A_238 = arith.constant 16 : i32
    %dma_wait3A_239 = arith.constant 0 : i32
    %dma_wait3A_240 = tpu.memref_slice %arg7[%dma_wait3A_223, %dma_wait3A_238, %dma_wait3A_239] : memref<2x32x513xf32, #tpu.memory_space<vmem>> -> memref<1x8x128xf32, #tpu.memory_space<vmem>>
    %dma_wait3A_241 = tpu.memref_squeeze %dma_wait3A_240 : memref<1x8x128xf32, #tpu.memory_space<vmem>> -> memref<8x128xf32, #tpu.memory_space<vmem>>
    tpu.wait_dma2 semaphore(%arg10 : memref<!tpu.dma_semaphore, #tpu.memory_space<semaphore_mem>>) src(%dma_wait3A_241 : memref<8x128xf32, #tpu.memory_space<vmem>>) dst(%dma_wait3A_237 : memref<8x128xf32, #tpu.memory_space<hbm>>)
    %dma_wait3A_242 = arith.constant 0 : i32
    %dma_wait3A_243 = arith.constant 198 : i32
    %dma_wait3A_244 = arith.constant 2 : i32
    %dma_wait3A_245 = arith.constant 16 : i32
    %dma_wait3A_246 = arith.constant 128 : i32
    %dma_wait3A_247 = tpu.memref_slice %arg7[%dma_wait3A_242, %dma_wait3A_245, %dma_wait3A_246] : memref<2x32x513xf32, #tpu.memory_space<vmem>> -> memref<1x8x128xf32, #tpu.memory_space<vmem>>
    %dma_wait3A_248 = tpu.memref_squeeze %dma_wait3A_247 : memref<1x8x128xf32, #tpu.memory_space<vmem>> -> memref<8x128xf32, #tpu.memory_space<vmem>>
    %dma_wait3A_249 = arith.constant 0 : i32
    %dma_wait3A_250 = arith.constant 0 : i32
    %dma_wait3A_251 = tpu.memref_slice %arg4[%dma_wait3A_243, %dma_wait3A_244, %add3A_47, %dma_wait3A_249, %dma_wait3A_250] : memref<200x4x128x8x128xf32, #tpu.memory_space<hbm>> -> memref<1x1x1x8x128xf32, #tpu.memory_space<hbm>>
    %dma_wait3A_252 = tpu.memref_squeeze %dma_wait3A_251 : memref<1x1x1x8x128xf32, #tpu.memory_space<hbm>> -> memref<8x128xf32, #tpu.memory_space<hbm>>
    %dma_wait3A_253 = arith.constant 0 : i32
    %dma_wait3A_254 = arith.constant 0 : i32
    %dma_wait3A_255 = tpu.memref_slice %arg4[%dma_wait3A_243, %dma_wait3A_244, %add3A_47, %dma_wait3A_253, %dma_wait3A_254] : memref<200x4x128x8x128xf32, #tpu.memory_space<hbm>> -> memref<1x1x1x8x128xf32, #tpu.memory_space<hbm>>
    %dma_wait3A_256 = tpu.memref_squeeze %dma_wait3A_255 : memref<1x1x1x8x128xf32, #tpu.memory_space<hbm>> -> memref<8x128xf32, #tpu.memory_space<hbm>>
    %dma_wait3A_257 = arith.constant 16 : i32
    %dma_wait3A_258 = arith.constant 128 : i32
    %dma_wait3A_259 = tpu.memref_slice %arg7[%dma_wait3A_242, %dma_wait3A_257, %dma_wait3A_258] : memref<2x32x513xf32, #tpu.memory_space<vmem>> -> memref<1x8x128xf32, #tpu.memory_space<vmem>>
    %dma_wait3A_260 = tpu.memref_squeeze %dma_wait3A_259 : memref<1x8x128xf32, #tpu.memory_space<vmem>> -> memref<8x128xf32, #tpu.memory_space<vmem>>
    tpu.wait_dma2 semaphore(%arg10 : memref<!tpu.dma_semaphore, #tpu.memory_space<semaphore_mem>>) src(%dma_wait3A_260 : memref<8x128xf32, #tpu.memory_space<vmem>>) dst(%dma_wait3A_256 : memref<8x128xf32, #tpu.memory_space<hbm>>)
    %dma_wait3A_261 = arith.constant 0 : i32
    %dma_wait3A_262 = arith.constant 198 : i32
    %dma_wait3A_263 = arith.constant 2 : i32
    %dma_wait3A_264 = arith.constant 16 : i32
    %dma_wait3A_265 = arith.constant 256 : i32
    %dma_wait3A_266 = tpu.memref_slice %arg7[%dma_wait3A_261, %dma_wait3A_264, %dma_wait3A_265] : memref<2x32x513xf32, #tpu.memory_space<vmem>> -> memref<1x8x128xf32, #tpu.memory_space<vmem>>
    %dma_wait3A_267 = tpu.memref_squeeze %dma_wait3A_266 : memref<1x8x128xf32, #tpu.memory_space<vmem>> -> memref<8x128xf32, #tpu.memory_space<vmem>>
    %dma_wait3A_268 = arith.constant 0 : i32
    %dma_wait3A_269 = arith.constant 0 : i32
    %dma_wait3A_270 = tpu.memref_slice %arg4[%dma_wait3A_262, %dma_wait3A_263, %add3A_51, %dma_wait3A_268, %dma_wait3A_269] : memref<200x4x128x8x128xf32, #tpu.memory_space<hbm>> -> memref<1x1x1x8x128xf32, #tpu.memory_space<hbm>>
    %dma_wait3A_271 = tpu.memref_squeeze %dma_wait3A_270 : memref<1x1x1x8x128xf32, #tpu.memory_space<hbm>> -> memref<8x128xf32, #tpu.memory_space<hbm>>
    %dma_wait3A_272 = arith.constant 0 : i32
    %dma_wait3A_273 = arith.constant 0 : i32
    %dma_wait3A_274 = tpu.memref_slice %arg4[%dma_wait3A_262, %dma_wait3A_263, %add3A_51, %dma_wait3A_272, %dma_wait3A_273] : memref<200x4x128x8x128xf32, #tpu.memory_space<hbm>> -> memref<1x1x1x8x128xf32, #tpu.memory_space<hbm>>
    %dma_wait3A_275 = tpu.memref_squeeze %dma_wait3A_274 : memref<1x1x1x8x128xf32, #tpu.memory_space<hbm>> -> memref<8x128xf32, #tpu.memory_space<hbm>>
    %dma_wait3A_276 = arith.constant 16 : i32
    %dma_wait3A_277 = arith.constant 256 : i32
    %dma_wait3A_278 = tpu.memref_slice %arg7[%dma_wait3A_261, %dma_wait3A_276, %dma_wait3A_277] : memref<2x32x513xf32, #tpu.memory_space<vmem>> -> memref<1x8x128xf32, #tpu.memory_space<vmem>>
    %dma_wait3A_279 = tpu.memref_squeeze %dma_wait3A_278 : memref<1x8x128xf32, #tpu.memory_space<vmem>> -> memref<8x128xf32, #tpu.memory_space<vmem>>
    tpu.wait_dma2 semaphore(%arg10 : memref<!tpu.dma_semaphore, #tpu.memory_space<semaphore_mem>>) src(%dma_wait3A_279 : memref<8x128xf32, #tpu.memory_space<vmem>>) dst(%dma_wait3A_275 : memref<8x128xf32, #tpu.memory_space<hbm>>)
    %dma_wait3A_280 = arith.constant 0 : i32
    %dma_wait3A_281 = arith.constant 198 : i32
    %dma_wait3A_282 = arith.constant 2 : i32
    %dma_wait3A_283 = arith.constant 16 : i32
    %dma_wait3A_284 = arith.constant 384 : i32
    %dma_wait3A_285 = tpu.memref_slice %arg7[%dma_wait3A_280, %dma_wait3A_283, %dma_wait3A_284] : memref<2x32x513xf32, #tpu.memory_space<vmem>> -> memref<1x8x128xf32, #tpu.memory_space<vmem>>
    %dma_wait3A_286 = tpu.memref_squeeze %dma_wait3A_285 : memref<1x8x128xf32, #tpu.memory_space<vmem>> -> memref<8x128xf32, #tpu.memory_space<vmem>>
    %dma_wait3A_287 = arith.constant 0 : i32
    %dma_wait3A_288 = arith.constant 0 : i32
    %dma_wait3A_289 = tpu.memref_slice %arg4[%dma_wait3A_281, %dma_wait3A_282, %add3A_55, %dma_wait3A_287, %dma_wait3A_288] : memref<200x4x128x8x128xf32, #tpu.memory_space<hbm>> -> memref<1x1x1x8x128xf32, #tpu.memory_space<hbm>>
    %dma_wait3A_290 = tpu.memref_squeeze %dma_wait3A_289 : memref<1x1x1x8x128xf32, #tpu.memory_space<hbm>> -> memref<8x128xf32, #tpu.memory_space<hbm>>
    %dma_wait3A_291 = arith.constant 0 : i32
    %dma_wait3A_292 = arith.constant 0 : i32
    %dma_wait3A_293 = tpu.memref_slice %arg4[%dma_wait3A_281, %dma_wait3A_282, %add3A_55, %dma_wait3A_291, %dma_wait3A_292] : memref<200x4x128x8x128xf32, #tpu.memory_space<hbm>> -> memref<1x1x1x8x128xf32, #tpu.memory_space<hbm>>
    %dma_wait3A_294 = tpu.memref_squeeze %dma_wait3A_293 : memref<1x1x1x8x128xf32, #tpu.memory_space<hbm>> -> memref<8x128xf32, #tpu.memory_space<hbm>>
    %dma_wait3A_295 = arith.constant 16 : i32
    %dma_wait3A_296 = arith.constant 384 : i32
    %dma_wait3A_297 = tpu.memref_slice %arg7[%dma_wait3A_280, %dma_wait3A_295, %dma_wait3A_296] : memref<2x32x513xf32, #tpu.memory_space<vmem>> -> memref<1x8x128xf32, #tpu.memory_space<vmem>>
    %dma_wait3A_298 = tpu.memref_squeeze %dma_wait3A_297 : memref<1x8x128xf32, #tpu.memory_space<vmem>> -> memref<8x128xf32, #tpu.memory_space<vmem>>
    tpu.wait_dma2 semaphore(%arg10 : memref<!tpu.dma_semaphore, #tpu.memory_space<semaphore_mem>>) src(%dma_wait3A_298 : memref<8x128xf32, #tpu.memory_space<vmem>>) dst(%dma_wait3A_294 : memref<8x128xf32, #tpu.memory_space<hbm>>)
    %dma_wait3A_299 = arith.constant 0 : i32
    %dma_wait3A_300 = arith.constant 198 : i32
    %dma_wait3A_301 = arith.constant 3 : i32
    %dma_wait3A_302 = arith.constant 24 : i32
    %dma_wait3A_303 = arith.constant 0 : i32
    %dma_wait3A_304 = tpu.memref_slice %arg7[%dma_wait3A_299, %dma_wait3A_302, %dma_wait3A_303] : memref<2x32x513xf32, #tpu.memory_space<vmem>> -> memref<1x8x128xf32, #tpu.memory_space<vmem>>
    %dma_wait3A_305 = tpu.memref_squeeze %dma_wait3A_304 : memref<1x8x128xf32, #tpu.memory_space<vmem>> -> memref<8x128xf32, #tpu.memory_space<vmem>>
    %dma_wait3A_306 = arith.constant 0 : i32
    %dma_wait3A_307 = arith.constant 0 : i32
    %dma_wait3A_308 = tpu.memref_slice %arg4[%dma_wait3A_300, %dma_wait3A_301, %add3A_59, %dma_wait3A_306, %dma_wait3A_307] : memref<200x4x128x8x128xf32, #tpu.memory_space<hbm>> -> memref<1x1x1x8x128xf32, #tpu.memory_space<hbm>>
    %dma_wait3A_309 = tpu.memref_squeeze %dma_wait3A_308 : memref<1x1x1x8x128xf32, #tpu.memory_space<hbm>> -> memref<8x128xf32, #tpu.memory_space<hbm>>
    %dma_wait3A_310 = arith.constant 0 : i32
    %dma_wait3A_311 = arith.constant 0 : i32
    %dma_wait3A_312 = tpu.memref_slice %arg4[%dma_wait3A_300, %dma_wait3A_301, %add3A_59, %dma_wait3A_310, %dma_wait3A_311] : memref<200x4x128x8x128xf32, #tpu.memory_space<hbm>> -> memref<1x1x1x8x128xf32, #tpu.memory_space<hbm>>
    %dma_wait3A_313 = tpu.memref_squeeze %dma_wait3A_312 : memref<1x1x1x8x128xf32, #tpu.memory_space<hbm>> -> memref<8x128xf32, #tpu.memory_space<hbm>>
    %dma_wait3A_314 = arith.constant 24 : i32
    %dma_wait3A_315 = arith.constant 0 : i32
    %dma_wait3A_316 = tpu.memref_slice %arg7[%dma_wait3A_299, %dma_wait3A_314, %dma_wait3A_315] : memref<2x32x513xf32, #tpu.memory_space<vmem>> -> memref<1x8x128xf32, #tpu.memory_space<vmem>>
    %dma_wait3A_317 = tpu.memref_squeeze %dma_wait3A_316 : memref<1x8x128xf32, #tpu.memory_space<vmem>> -> memref<8x128xf32, #tpu.memory_space<vmem>>
    tpu.wait_dma2 semaphore(%arg10 : memref<!tpu.dma_semaphore, #tpu.memory_space<semaphore_mem>>) src(%dma_wait3A_317 : memref<8x128xf32, #tpu.memory_space<vmem>>) dst(%dma_wait3A_313 : memref<8x128xf32, #tpu.memory_space<hbm>>)
    %dma_wait3A_318 = arith.constant 0 : i32
    %dma_wait3A_319 = arith.constant 198 : i32
    %dma_wait3A_320 = arith.constant 3 : i32
    %dma_wait3A_321 = arith.constant 24 : i32
    %dma_wait3A_322 = arith.constant 128 : i32
    %dma_wait3A_323 = tpu.memref_slice %arg7[%dma_wait3A_318, %dma_wait3A_321, %dma_wait3A_322] : memref<2x32x513xf32, #tpu.memory_space<vmem>> -> memref<1x8x128xf32, #tpu.memory_space<vmem>>
    %dma_wait3A_324 = tpu.memref_squeeze %dma_wait3A_323 : memref<1x8x128xf32, #tpu.memory_space<vmem>> -> memref<8x128xf32, #tpu.memory_space<vmem>>
    %dma_wait3A_325 = arith.constant 0 : i32
    %dma_wait3A_326 = arith.constant 0 : i32
    %dma_wait3A_327 = tpu.memref_slice %arg4[%dma_wait3A_319, %dma_wait3A_320, %add3A_63, %dma_wait3A_325, %dma_wait3A_326] : memref<200x4x128x8x128xf32, #tpu.memory_space<hbm>> -> memref<1x1x1x8x128xf32, #tpu.memory_space<hbm>>
    %dma_wait3A_328 = tpu.memref_squeeze %dma_wait3A_327 : memref<1x1x1x8x128xf32, #tpu.memory_space<hbm>> -> memref<8x128xf32, #tpu.memory_space<hbm>>
    %dma_wait3A_329 = arith.constant 0 : i32
    %dma_wait3A_330 = arith.constant 0 : i32
    %dma_wait3A_331 = tpu.memref_slice %arg4[%dma_wait3A_319, %dma_wait3A_320, %add3A_63, %dma_wait3A_329, %dma_wait3A_330] : memref<200x4x128x8x128xf32, #tpu.memory_space<hbm>> -> memref<1x1x1x8x128xf32, #tpu.memory_space<hbm>>
    %dma_wait3A_332 = tpu.memref_squeeze %dma_wait3A_331 : memref<1x1x1x8x128xf32, #tpu.memory_space<hbm>> -> memref<8x128xf32, #tpu.memory_space<hbm>>
    %dma_wait3A_333 = arith.constant 24 : i32
    %dma_wait3A_334 = arith.constant 128 : i32
    %dma_wait3A_335 = tpu.memref_slice %arg7[%dma_wait3A_318, %dma_wait3A_333, %dma_wait3A_334] : memref<2x32x513xf32, #tpu.memory_space<vmem>> -> memref<1x8x128xf32, #tpu.memory_space<vmem>>
    %dma_wait3A_336 = tpu.memref_squeeze %dma_wait3A_335 : memref<1x8x128xf32, #tpu.memory_space<vmem>> -> memref<8x128xf32, #tpu.memory_space<vmem>>
    tpu.wait_dma2 semaphore(%arg10 : memref<!tpu.dma_semaphore, #tpu.memory_space<semaphore_mem>>) src(%dma_wait3A_336 : memref<8x128xf32, #tpu.memory_space<vmem>>) dst(%dma_wait3A_332 : memref<8x128xf32, #tpu.memory_space<hbm>>)
    %dma_wait3A_337 = arith.constant 0 : i32
    %dma_wait3A_338 = arith.constant 198 : i32
    %dma_wait3A_339 = arith.constant 3 : i32
    %dma_wait3A_340 = arith.constant 24 : i32
    %dma_wait3A_341 = arith.constant 256 : i32
    %dma_wait3A_342 = tpu.memref_slice %arg7[%dma_wait3A_337, %dma_wait3A_340, %dma_wait3A_341] : memref<2x32x513xf32, #tpu.memory_space<vmem>> -> memref<1x8x128xf32, #tpu.memory_space<vmem>>
    %dma_wait3A_343 = tpu.memref_squeeze %dma_wait3A_342 : memref<1x8x128xf32, #tpu.memory_space<vmem>> -> memref<8x128xf32, #tpu.memory_space<vmem>>
    %dma_wait3A_344 = arith.constant 0 : i32
    %dma_wait3A_345 = arith.constant 0 : i32
    %dma_wait3A_346 = tpu.memref_slice %arg4[%dma_wait3A_338, %dma_wait3A_339, %add3A_67, %dma_wait3A_344, %dma_wait3A_345] : memref<200x4x128x8x128xf32, #tpu.memory_space<hbm>> -> memref<1x1x1x8x128xf32, #tpu.memory_space<hbm>>
    %dma_wait3A_347 = tpu.memref_squeeze %dma_wait3A_346 : memref<1x1x1x8x128xf32, #tpu.memory_space<hbm>> -> memref<8x128xf32, #tpu.memory_space<hbm>>
    %dma_wait3A_348 = arith.constant 0 : i32
    %dma_wait3A_349 = arith.constant 0 : i32
    %dma_wait3A_350 = tpu.memref_slice %arg4[%dma_wait3A_338, %dma_wait3A_339, %add3A_67, %dma_wait3A_348, %dma_wait3A_349] : memref<200x4x128x8x128xf32, #tpu.memory_space<hbm>> -> memref<1x1x1x8x128xf32, #tpu.memory_space<hbm>>
    %dma_wait3A_351 = tpu.memref_squeeze %dma_wait3A_350 : memref<1x1x1x8x128xf32, #tpu.memory_space<hbm>> -> memref<8x128xf32, #tpu.memory_space<hbm>>
    %dma_wait3A_352 = arith.constant 24 : i32
    %dma_wait3A_353 = arith.constant 256 : i32
    %dma_wait3A_354 = tpu.memref_slice %arg7[%dma_wait3A_337, %dma_wait3A_352, %dma_wait3A_353] : memref<2x32x513xf32, #tpu.memory_space<vmem>> -> memref<1x8x128xf32, #tpu.memory_space<vmem>>
    %dma_wait3A_355 = tpu.memref_squeeze %dma_wait3A_354 : memref<1x8x128xf32, #tpu.memory_space<vmem>> -> memref<8x128xf32, #tpu.memory_space<vmem>>
    tpu.wait_dma2 semaphore(%arg10 : memref<!tpu.dma_semaphore, #tpu.memory_space<semaphore_mem>>) src(%dma_wait3A_355 : memref<8x128xf32, #tpu.memory_space<vmem>>) dst(%dma_wait3A_351 : memref<8x128xf32, #tpu.memory_space<hbm>>)
    %dma_wait3A_356 = arith.constant 0 : i32
    %dma_wait3A_357 = arith.constant 198 : i32
    %dma_wait3A_358 = arith.constant 3 : i32
    %dma_wait3A_359 = arith.constant 24 : i32
    %dma_wait3A_360 = arith.constant 384 : i32
    %dma_wait3A_361 = tpu.memref_slice %arg7[%dma_wait3A_356, %dma_wait3A_359, %dma_wait3A_360] : memref<2x32x513xf32, #tpu.memory_space<vmem>> -> memref<1x8x128xf32, #tpu.memory_space<vmem>>
    %dma_wait3A_362 = tpu.memref_squeeze %dma_wait3A_361 : memref<1x8x128xf32, #tpu.memory_space<vmem>> -> memref<8x128xf32, #tpu.memory_space<vmem>>
    %dma_wait3A_363 = arith.constant 0 : i32
    %dma_wait3A_364 = arith.constant 0 : i32
    %dma_wait3A_365 = tpu.memref_slice %arg4[%dma_wait3A_357, %dma_wait3A_358, %add3A_71, %dma_wait3A_363, %dma_wait3A_364] : memref<200x4x128x8x128xf32, #tpu.memory_space<hbm>> -> memref<1x1x1x8x128xf32, #tpu.memory_space<hbm>>
    %dma_wait3A_366 = tpu.memref_squeeze %dma_wait3A_365 : memref<1x1x1x8x128xf32, #tpu.memory_space<hbm>> -> memref<8x128xf32, #tpu.memory_space<hbm>>
    %dma_wait3A_367 = arith.constant 0 : i32
    %dma_wait3A_368 = arith.constant 0 : i32
    %dma_wait3A_369 = tpu.memref_slice %arg4[%dma_wait3A_357, %dma_wait3A_358, %add3A_71, %dma_wait3A_367, %dma_wait3A_368] : memref<200x4x128x8x128xf32, #tpu.memory_space<hbm>> -> memref<1x1x1x8x128xf32, #tpu.memory_space<hbm>>
    %dma_wait3A_370 = tpu.memref_squeeze %dma_wait3A_369 : memref<1x1x1x8x128xf32, #tpu.memory_space<hbm>> -> memref<8x128xf32, #tpu.memory_space<hbm>>
    %dma_wait3A_371 = arith.constant 24 : i32
    %dma_wait3A_372 = arith.constant 384 : i32
    %dma_wait3A_373 = tpu.memref_slice %arg7[%dma_wait3A_356, %dma_wait3A_371, %dma_wait3A_372] : memref<2x32x513xf32, #tpu.memory_space<vmem>> -> memref<1x8x128xf32, #tpu.memory_space<vmem>>
    %dma_wait3A_374 = tpu.memref_squeeze %dma_wait3A_373 : memref<1x8x128xf32, #tpu.memory_space<vmem>> -> memref<8x128xf32, #tpu.memory_space<vmem>>
    tpu.wait_dma2 semaphore(%arg10 : memref<!tpu.dma_semaphore, #tpu.memory_space<semaphore_mem>>) src(%dma_wait3A_374 : memref<8x128xf32, #tpu.memory_space<vmem>>) dst(%dma_wait3A_370 : memref<8x128xf32, #tpu.memory_space<hbm>>)
    %mul3A_375 = arith.constant 4 : i32
    %mul3A_376 = arith.muli %add3A, %mul3A_375 : i32
    %add3A_377 = arith.constant 0 : i32
    %add3A_378 = arith.addi %mul3A_376, %add3A_377 : i32
    %mul3A_379 = arith.constant 4 : i32
    %mul3A_380 = arith.muli %add3A, %mul3A_379 : i32
    %add3A_381 = arith.constant 1 : i32
    %add3A_382 = arith.addi %mul3A_380, %add3A_381 : i32
    %mul3A_383 = arith.constant 4 : i32
    %mul3A_384 = arith.muli %add3A, %mul3A_383 : i32
    %add3A_385 = arith.constant 2 : i32
    %add3A_386 = arith.addi %mul3A_384, %add3A_385 : i32
    %mul3A_387 = arith.constant 4 : i32
    %mul3A_388 = arith.muli %add3A, %mul3A_387 : i32
    %add3A_389 = arith.constant 3 : i32
    %add3A_390 = arith.addi %mul3A_388, %add3A_389 : i32
    %mul3A_391 = arith.constant 4 : i32
    %mul3A_392 = arith.muli %add3A, %mul3A_391 : i32
    %add3A_393 = arith.constant 0 : i32
    %add3A_394 = arith.addi %mul3A_392, %add3A_393 : i32
    %mul3A_395 = arith.constant 4 : i32
    %mul3A_396 = arith.muli %add3A, %mul3A_395 : i32
    %add3A_397 = arith.constant 1 : i32
    %add3A_398 = arith.addi %mul3A_396, %add3A_397 : i32
    %mul3A_399 = arith.constant 4 : i32
    %mul3A_400 = arith.muli %add3A, %mul3A_399 : i32
    %add3A_401 = arith.constant 2 : i32
    %add3A_402 = arith.addi %mul3A_400, %add3A_401 : i32
    %mul3A_403 = arith.constant 4 : i32
    %mul3A_404 = arith.muli %add3A, %mul3A_403 : i32
    %add3A_405 = arith.constant 3 : i32
    %add3A_406 = arith.addi %mul3A_404, %add3A_405 : i32
    %mul3A_407 = arith.constant 4 : i32
    %mul3A_408 = arith.muli %add3A, %mul3A_407 : i32
    %add3A_409 = arith.constant 0 : i32
    %add3A_410 = arith.addi %mul3A_408, %add3A_409 : i32
    %mul3A_411 = arith.constant 4 : i32
    %mul3A_412 = arith.muli %add3A, %mul3A_411 : i32
    %add3A_413 = arith.constant 1 : i32
    %add3A_414 = arith.addi %mul3A_412, %add3A_413 : i32
    %mul3A_415 = arith.constant 4 : i32
    %mul3A_416 = arith.muli %add3A, %mul3A_415 : i32
    %add3A_417 = arith.constant 2 : i32
    %add3A_418 = arith.addi %mul3A_416, %add3A_417 : i32
    %mul3A_419 = arith.constant 4 : i32
    %mul3A_420 = arith.muli %add3A, %mul3A_419 : i32
    %add3A_421 = arith.constant 3 : i32
    %add3A_422 = arith.addi %mul3A_420, %add3A_421 : i32
    %mul3A_423 = arith.constant 4 : i32
    %mul3A_424 = arith.muli %add3A, %mul3A_423 : i32
    %add3A_425 = arith.constant 0 : i32
    %add3A_426 = arith.addi %mul3A_424, %add3A_425 : i32
    %mul3A_427 = arith.constant 4 : i32
    %mul3A_428 = arith.muli %add3A, %mul3A_427 : i32
    %add3A_429 = arith.constant 1 : i32
    %add3A_430 = arith.addi %mul3A_428, %add3A_429 : i32
    %mul3A_431 = arith.constant 4 : i32
    %mul3A_432 = arith.muli %add3A, %mul3A_431 : i32
    %add3A_433 = arith.constant 2 : i32
    %add3A_434 = arith.addi %mul3A_432, %add3A_433 : i32
    %mul3A_435 = arith.constant 4 : i32
    %mul3A_436 = arith.muli %add3A, %mul3A_435 : i32
    %add3A_437 = arith.constant 3 : i32
    %add3A_438 = arith.addi %mul3A_436, %add3A_437 : i32
    %dma_wait3A_439 = arith.constant 1 : i32
    %dma_wait3A_440 = arith.constant 199 : i32
    %dma_wait3A_441 = arith.constant 0 : i32
    %dma_wait3A_442 = arith.constant 0 : i32
    %dma_wait3A_443 = arith.constant 0 : i32
    %dma_wait3A_444 = tpu.memref_slice %arg7[%dma_wait3A_439, %dma_wait3A_442, %dma_wait3A_443] : memref<2x32x513xf32, #tpu.memory_space<vmem>> -> memref<1x8x128xf32, #tpu.memory_space<vmem>>
    %dma_wait3A_445 = tpu.memref_squeeze %dma_wait3A_444 : memref<1x8x128xf32, #tpu.memory_space<vmem>> -> memref<8x128xf32, #tpu.memory_space<vmem>>
    %dma_wait3A_446 = arith.constant 0 : i32
    %dma_wait3A_447 = arith.constant 0 : i32
    %dma_wait3A_448 = tpu.memref_slice %arg4[%dma_wait3A_440, %dma_wait3A_441, %add3A_378, %dma_wait3A_446, %dma_wait3A_447] : memref<200x4x128x8x128xf32, #tpu.memory_space<hbm>> -> memref<1x1x1x8x128xf32, #tpu.memory_space<hbm>>
    %dma_wait3A_449 = tpu.memref_squeeze %dma_wait3A_448 : memref<1x1x1x8x128xf32, #tpu.memory_space<hbm>> -> memref<8x128xf32, #tpu.memory_space<hbm>>
    %dma_wait3A_450 = arith.constant 0 : i32
    %dma_wait3A_451 = arith.constant 0 : i32
    %dma_wait3A_452 = tpu.memref_slice %arg4[%dma_wait3A_440, %dma_wait3A_441, %add3A_378, %dma_wait3A_450, %dma_wait3A_451] : memref<200x4x128x8x128xf32, #tpu.memory_space<hbm>> -> memref<1x1x1x8x128xf32, #tpu.memory_space<hbm>>
    %dma_wait3A_453 = tpu.memref_squeeze %dma_wait3A_452 : memref<1x1x1x8x128xf32, #tpu.memory_space<hbm>> -> memref<8x128xf32, #tpu.memory_space<hbm>>
    %dma_wait3A_454 = arith.constant 0 : i32
    %dma_wait3A_455 = arith.constant 0 : i32
    %dma_wait3A_456 = tpu.memref_slice %arg7[%dma_wait3A_439, %dma_wait3A_454, %dma_wait3A_455] : memref<2x32x513xf32, #tpu.memory_space<vmem>> -> memref<1x8x128xf32, #tpu.memory_space<vmem>>
    %dma_wait3A_457 = tpu.memref_squeeze %dma_wait3A_456 : memref<1x8x128xf32, #tpu.memory_space<vmem>> -> memref<8x128xf32, #tpu.memory_space<vmem>>
    tpu.wait_dma2 semaphore(%arg11 : memref<!tpu.dma_semaphore, #tpu.memory_space<semaphore_mem>>) src(%dma_wait3A_457 : memref<8x128xf32, #tpu.memory_space<vmem>>) dst(%dma_wait3A_453 : memref<8x128xf32, #tpu.memory_space<hbm>>)
    %dma_wait3A_458 = arith.constant 1 : i32
    %dma_wait3A_459 = arith.constant 199 : i32
    %dma_wait3A_460 = arith.constant 0 : i32
    %dma_wait3A_461 = arith.constant 0 : i32
    %dma_wait3A_462 = arith.constant 128 : i32
    %dma_wait3A_463 = tpu.memref_slice %arg7[%dma_wait3A_458, %dma_wait3A_461, %dma_wait3A_462] : memref<2x32x513xf32, #tpu.memory_space<vmem>> -> memref<1x8x128xf32, #tpu.memory_space<vmem>>
    %dma_wait3A_464 = tpu.memref_squeeze %dma_wait3A_463 : memref<1x8x128xf32, #tpu.memory_space<vmem>> -> memref<8x128xf32, #tpu.memory_space<vmem>>
    %dma_wait3A_465 = arith.constant 0 : i32
    %dma_wait3A_466 = arith.constant 0 : i32
    %dma_wait3A_467 = tpu.memref_slice %arg4[%dma_wait3A_459, %dma_wait3A_460, %add3A_382, %dma_wait3A_465, %dma_wait3A_466] : memref<200x4x128x8x128xf32, #tpu.memory_space<hbm>> -> memref<1x1x1x8x128xf32, #tpu.memory_space<hbm>>
    %dma_wait3A_468 = tpu.memref_squeeze %dma_wait3A_467 : memref<1x1x1x8x128xf32, #tpu.memory_space<hbm>> -> memref<8x128xf32, #tpu.memory_space<hbm>>
    %dma_wait3A_469 = arith.constant 0 : i32
    %dma_wait3A_470 = arith.constant 0 : i32
    %dma_wait3A_471 = tpu.memref_slice %arg4[%dma_wait3A_459, %dma_wait3A_460, %add3A_382, %dma_wait3A_469, %dma_wait3A_470] : memref<200x4x128x8x128xf32, #tpu.memory_space<hbm>> -> memref<1x1x1x8x128xf32, #tpu.memory_space<hbm>>
    %dma_wait3A_472 = tpu.memref_squeeze %dma_wait3A_471 : memref<1x1x1x8x128xf32, #tpu.memory_space<hbm>> -> memref<8x128xf32, #tpu.memory_space<hbm>>
    %dma_wait3A_473 = arith.constant 0 : i32
    %dma_wait3A_474 = arith.constant 128 : i32
    %dma_wait3A_475 = tpu.memref_slice %arg7[%dma_wait3A_458, %dma_wait3A_473, %dma_wait3A_474] : memref<2x32x513xf32, #tpu.memory_space<vmem>> -> memref<1x8x128xf32, #tpu.memory_space<vmem>>
    %dma_wait3A_476 = tpu.memref_squeeze %dma_wait3A_475 : memref<1x8x128xf32, #tpu.memory_space<vmem>> -> memref<8x128xf32, #tpu.memory_space<vmem>>
    tpu.wait_dma2 semaphore(%arg11 : memref<!tpu.dma_semaphore, #tpu.memory_space<semaphore_mem>>) src(%dma_wait3A_476 : memref<8x128xf32, #tpu.memory_space<vmem>>) dst(%dma_wait3A_472 : memref<8x128xf32, #tpu.memory_space<hbm>>)
    %dma_wait3A_477 = arith.constant 1 : i32
    %dma_wait3A_478 = arith.constant 199 : i32
    %dma_wait3A_479 = arith.constant 0 : i32
    %dma_wait3A_480 = arith.constant 0 : i32
    %dma_wait3A_481 = arith.constant 256 : i32
    %dma_wait3A_482 = tpu.memref_slice %arg7[%dma_wait3A_477, %dma_wait3A_480, %dma_wait3A_481] : memref<2x32x513xf32, #tpu.memory_space<vmem>> -> memref<1x8x128xf32, #tpu.memory_space<vmem>>
    %dma_wait3A_483 = tpu.memref_squeeze %dma_wait3A_482 : memref<1x8x128xf32, #tpu.memory_space<vmem>> -> memref<8x128xf32, #tpu.memory_space<vmem>>
    %dma_wait3A_484 = arith.constant 0 : i32
    %dma_wait3A_485 = arith.constant 0 : i32
    %dma_wait3A_486 = tpu.memref_slice %arg4[%dma_wait3A_478, %dma_wait3A_479, %add3A_386, %dma_wait3A_484, %dma_wait3A_485] : memref<200x4x128x8x128xf32, #tpu.memory_space<hbm>> -> memref<1x1x1x8x128xf32, #tpu.memory_space<hbm>>
    %dma_wait3A_487 = tpu.memref_squeeze %dma_wait3A_486 : memref<1x1x1x8x128xf32, #tpu.memory_space<hbm>> -> memref<8x128xf32, #tpu.memory_space<hbm>>
    %dma_wait3A_488 = arith.constant 0 : i32
    %dma_wait3A_489 = arith.constant 0 : i32
    %dma_wait3A_490 = tpu.memref_slice %arg4[%dma_wait3A_478, %dma_wait3A_479, %add3A_386, %dma_wait3A_488, %dma_wait3A_489] : memref<200x4x128x8x128xf32, #tpu.memory_space<hbm>> -> memref<1x1x1x8x128xf32, #tpu.memory_space<hbm>>
    %dma_wait3A_491 = tpu.memref_squeeze %dma_wait3A_490 : memref<1x1x1x8x128xf32, #tpu.memory_space<hbm>> -> memref<8x128xf32, #tpu.memory_space<hbm>>
    %dma_wait3A_492 = arith.constant 0 : i32
    %dma_wait3A_493 = arith.constant 256 : i32
    %dma_wait3A_494 = tpu.memref_slice %arg7[%dma_wait3A_477, %dma_wait3A_492, %dma_wait3A_493] : memref<2x32x513xf32, #tpu.memory_space<vmem>> -> memref<1x8x128xf32, #tpu.memory_space<vmem>>
    %dma_wait3A_495 = tpu.memref_squeeze %dma_wait3A_494 : memref<1x8x128xf32, #tpu.memory_space<vmem>> -> memref<8x128xf32, #tpu.memory_space<vmem>>
    tpu.wait_dma2 semaphore(%arg11 : memref<!tpu.dma_semaphore, #tpu.memory_space<semaphore_mem>>) src(%dma_wait3A_495 : memref<8x128xf32, #tpu.memory_space<vmem>>) dst(%dma_wait3A_491 : memref<8x128xf32, #tpu.memory_space<hbm>>)
    %dma_wait3A_496 = arith.constant 1 : i32
    %dma_wait3A_497 = arith.constant 199 : i32
    %dma_wait3A_498 = arith.constant 0 : i32
    %dma_wait3A_499 = arith.constant 0 : i32
    %dma_wait3A_500 = arith.constant 384 : i32
    %dma_wait3A_501 = tpu.memref_slice %arg7[%dma_wait3A_496, %dma_wait3A_499, %dma_wait3A_500] : memref<2x32x513xf32, #tpu.memory_space<vmem>> -> memref<1x8x128xf32, #tpu.memory_space<vmem>>
    %dma_wait3A_502 = tpu.memref_squeeze %dma_wait3A_501 : memref<1x8x128xf32, #tpu.memory_space<vmem>> -> memref<8x128xf32, #tpu.memory_space<vmem>>
    %dma_wait3A_503 = arith.constant 0 : i32
    %dma_wait3A_504 = arith.constant 0 : i32
    %dma_wait3A_505 = tpu.memref_slice %arg4[%dma_wait3A_497, %dma_wait3A_498, %add3A_390, %dma_wait3A_503, %dma_wait3A_504] : memref<200x4x128x8x128xf32, #tpu.memory_space<hbm>> -> memref<1x1x1x8x128xf32, #tpu.memory_space<hbm>>
    %dma_wait3A_506 = tpu.memref_squeeze %dma_wait3A_505 : memref<1x1x1x8x128xf32, #tpu.memory_space<hbm>> -> memref<8x128xf32, #tpu.memory_space<hbm>>
    %dma_wait3A_507 = arith.constant 0 : i32
    %dma_wait3A_508 = arith.constant 0 : i32
    %dma_wait3A_509 = tpu.memref_slice %arg4[%dma_wait3A_497, %dma_wait3A_498, %add3A_390, %dma_wait3A_507, %dma_wait3A_508] : memref<200x4x128x8x128xf32, #tpu.memory_space<hbm>> -> memref<1x1x1x8x128xf32, #tpu.memory_space<hbm>>
    %dma_wait3A_510 = tpu.memref_squeeze %dma_wait3A_509 : memref<1x1x1x8x128xf32, #tpu.memory_space<hbm>> -> memref<8x128xf32, #tpu.memory_space<hbm>>
    %dma_wait3A_511 = arith.constant 0 : i32
    %dma_wait3A_512 = arith.constant 384 : i32
    %dma_wait3A_513 = tpu.memref_slice %arg7[%dma_wait3A_496, %dma_wait3A_511, %dma_wait3A_512] : memref<2x32x513xf32, #tpu.memory_space<vmem>> -> memref<1x8x128xf32, #tpu.memory_space<vmem>>
    %dma_wait3A_514 = tpu.memref_squeeze %dma_wait3A_513 : memref<1x8x128xf32, #tpu.memory_space<vmem>> -> memref<8x128xf32, #tpu.memory_space<vmem>>
    tpu.wait_dma2 semaphore(%arg11 : memref<!tpu.dma_semaphore, #tpu.memory_space<semaphore_mem>>) src(%dma_wait3A_514 : memref<8x128xf32, #tpu.memory_space<vmem>>) dst(%dma_wait3A_510 : memref<8x128xf32, #tpu.memory_space<hbm>>)
    %dma_wait3A_515 = arith.constant 1 : i32
    %dma_wait3A_516 = arith.constant 199 : i32
    %dma_wait3A_517 = arith.constant 1 : i32
    %dma_wait3A_518 = arith.constant 8 : i32
    %dma_wait3A_519 = arith.constant 0 : i32
    %dma_wait3A_520 = tpu.memref_slice %arg7[%dma_wait3A_515, %dma_wait3A_518, %dma_wait3A_519] : memref<2x32x513xf32, #tpu.memory_space<vmem>> -> memref<1x8x128xf32, #tpu.memory_space<vmem>>
    %dma_wait3A_521 = tpu.memref_squeeze %dma_wait3A_520 : memref<1x8x128xf32, #tpu.memory_space<vmem>> -> memref<8x128xf32, #tpu.memory_space<vmem>>
    %dma_wait3A_522 = arith.constant 0 : i32
    %dma_wait3A_523 = arith.constant 0 : i32
    %dma_wait3A_524 = tpu.memref_slice %arg4[%dma_wait3A_516, %dma_wait3A_517, %add3A_394, %dma_wait3A_522, %dma_wait3A_523] : memref<200x4x128x8x128xf32, #tpu.memory_space<hbm>> -> memref<1x1x1x8x128xf32, #tpu.memory_space<hbm>>
    %dma_wait3A_525 = tpu.memref_squeeze %dma_wait3A_524 : memref<1x1x1x8x128xf32, #tpu.memory_space<hbm>> -> memref<8x128xf32, #tpu.memory_space<hbm>>
    %dma_wait3A_526 = arith.constant 0 : i32
    %dma_wait3A_527 = arith.constant 0 : i32
    %dma_wait3A_528 = tpu.memref_slice %arg4[%dma_wait3A_516, %dma_wait3A_517, %add3A_394, %dma_wait3A_526, %dma_wait3A_527] : memref<200x4x128x8x128xf32, #tpu.memory_space<hbm>> -> memref<1x1x1x8x128xf32, #tpu.memory_space<hbm>>
    %dma_wait3A_529 = tpu.memref_squeeze %dma_wait3A_528 : memref<1x1x1x8x128xf32, #tpu.memory_space<hbm>> -> memref<8x128xf32, #tpu.memory_space<hbm>>
    %dma_wait3A_530 = arith.constant 8 : i32
    %dma_wait3A_531 = arith.constant 0 : i32
    %dma_wait3A_532 = tpu.memref_slice %arg7[%dma_wait3A_515, %dma_wait3A_530, %dma_wait3A_531] : memref<2x32x513xf32, #tpu.memory_space<vmem>> -> memref<1x8x128xf32, #tpu.memory_space<vmem>>
    %dma_wait3A_533 = tpu.memref_squeeze %dma_wait3A_532 : memref<1x8x128xf32, #tpu.memory_space<vmem>> -> memref<8x128xf32, #tpu.memory_space<vmem>>
    tpu.wait_dma2 semaphore(%arg11 : memref<!tpu.dma_semaphore, #tpu.memory_space<semaphore_mem>>) src(%dma_wait3A_533 : memref<8x128xf32, #tpu.memory_space<vmem>>) dst(%dma_wait3A_529 : memref<8x128xf32, #tpu.memory_space<hbm>>)
    %dma_wait3A_534 = arith.constant 1 : i32
    %dma_wait3A_535 = arith.constant 199 : i32
    %dma_wait3A_536 = arith.constant 1 : i32
    %dma_wait3A_537 = arith.constant 8 : i32
    %dma_wait3A_538 = arith.constant 128 : i32
    %dma_wait3A_539 = tpu.memref_slice %arg7[%dma_wait3A_534, %dma_wait3A_537, %dma_wait3A_538] : memref<2x32x513xf32, #tpu.memory_space<vmem>> -> memref<1x8x128xf32, #tpu.memory_space<vmem>>
    %dma_wait3A_540 = tpu.memref_squeeze %dma_wait3A_539 : memref<1x8x128xf32, #tpu.memory_space<vmem>> -> memref<8x128xf32, #tpu.memory_space<vmem>>
    %dma_wait3A_541 = arith.constant 0 : i32
    %dma_wait3A_542 = arith.constant 0 : i32
    %dma_wait3A_543 = tpu.memref_slice %arg4[%dma_wait3A_535, %dma_wait3A_536, %add3A_398, %dma_wait3A_541, %dma_wait3A_542] : memref<200x4x128x8x128xf32, #tpu.memory_space<hbm>> -> memref<1x1x1x8x128xf32, #tpu.memory_space<hbm>>
    %dma_wait3A_544 = tpu.memref_squeeze %dma_wait3A_543 : memref<1x1x1x8x128xf32, #tpu.memory_space<hbm>> -> memref<8x128xf32, #tpu.memory_space<hbm>>
    %dma_wait3A_545 = arith.constant 0 : i32
    %dma_wait3A_546 = arith.constant 0 : i32
    %dma_wait3A_547 = tpu.memref_slice %arg4[%dma_wait3A_535, %dma_wait3A_536, %add3A_398, %dma_wait3A_545, %dma_wait3A_546] : memref<200x4x128x8x128xf32, #tpu.memory_space<hbm>> -> memref<1x1x1x8x128xf32, #tpu.memory_space<hbm>>
    %dma_wait3A_548 = tpu.memref_squeeze %dma_wait3A_547 : memref<1x1x1x8x128xf32, #tpu.memory_space<hbm>> -> memref<8x128xf32, #tpu.memory_space<hbm>>
    %dma_wait3A_549 = arith.constant 8 : i32
    %dma_wait3A_550 = arith.constant 128 : i32
    %dma_wait3A_551 = tpu.memref_slice %arg7[%dma_wait3A_534, %dma_wait3A_549, %dma_wait3A_550] : memref<2x32x513xf32, #tpu.memory_space<vmem>> -> memref<1x8x128xf32, #tpu.memory_space<vmem>>
    %dma_wait3A_552 = tpu.memref_squeeze %dma_wait3A_551 : memref<1x8x128xf32, #tpu.memory_space<vmem>> -> memref<8x128xf32, #tpu.memory_space<vmem>>
    tpu.wait_dma2 semaphore(%arg11 : memref<!tpu.dma_semaphore, #tpu.memory_space<semaphore_mem>>) src(%dma_wait3A_552 : memref<8x128xf32, #tpu.memory_space<vmem>>) dst(%dma_wait3A_548 : memref<8x128xf32, #tpu.memory_space<hbm>>)
    %dma_wait3A_553 = arith.constant 1 : i32
    %dma_wait3A_554 = arith.constant 199 : i32
    %dma_wait3A_555 = arith.constant 1 : i32
    %dma_wait3A_556 = arith.constant 8 : i32
    %dma_wait3A_557 = arith.constant 256 : i32
    %dma_wait3A_558 = tpu.memref_slice %arg7[%dma_wait3A_553, %dma_wait3A_556, %dma_wait3A_557] : memref<2x32x513xf32, #tpu.memory_space<vmem>> -> memref<1x8x128xf32, #tpu.memory_space<vmem>>
    %dma_wait3A_559 = tpu.memref_squeeze %dma_wait3A_558 : memref<1x8x128xf32, #tpu.memory_space<vmem>> -> memref<8x128xf32, #tpu.memory_space<vmem>>
    %dma_wait3A_560 = arith.constant 0 : i32
    %dma_wait3A_561 = arith.constant 0 : i32
    %dma_wait3A_562 = tpu.memref_slice %arg4[%dma_wait3A_554, %dma_wait3A_555, %add3A_402, %dma_wait3A_560, %dma_wait3A_561] : memref<200x4x128x8x128xf32, #tpu.memory_space<hbm>> -> memref<1x1x1x8x128xf32, #tpu.memory_space<hbm>>
    %dma_wait3A_563 = tpu.memref_squeeze %dma_wait3A_562 : memref<1x1x1x8x128xf32, #tpu.memory_space<hbm>> -> memref<8x128xf32, #tpu.memory_space<hbm>>
    %dma_wait3A_564 = arith.constant 0 : i32
    %dma_wait3A_565 = arith.constant 0 : i32
    %dma_wait3A_566 = tpu.memref_slice %arg4[%dma_wait3A_554, %dma_wait3A_555, %add3A_402, %dma_wait3A_564, %dma_wait3A_565] : memref<200x4x128x8x128xf32, #tpu.memory_space<hbm>> -> memref<1x1x1x8x128xf32, #tpu.memory_space<hbm>>
    %dma_wait3A_567 = tpu.memref_squeeze %dma_wait3A_566 : memref<1x1x1x8x128xf32, #tpu.memory_space<hbm>> -> memref<8x128xf32, #tpu.memory_space<hbm>>
    %dma_wait3A_568 = arith.constant 8 : i32
    %dma_wait3A_569 = arith.constant 256 : i32
    %dma_wait3A_570 = tpu.memref_slice %arg7[%dma_wait3A_553, %dma_wait3A_568, %dma_wait3A_569] : memref<2x32x513xf32, #tpu.memory_space<vmem>> -> memref<1x8x128xf32, #tpu.memory_space<vmem>>
    %dma_wait3A_571 = tpu.memref_squeeze %dma_wait3A_570 : memref<1x8x128xf32, #tpu.memory_space<vmem>> -> memref<8x128xf32, #tpu.memory_space<vmem>>
    tpu.wait_dma2 semaphore(%arg11 : memref<!tpu.dma_semaphore, #tpu.memory_space<semaphore_mem>>) src(%dma_wait3A_571 : memref<8x128xf32, #tpu.memory_space<vmem>>) dst(%dma_wait3A_567 : memref<8x128xf32, #tpu.memory_space<hbm>>)
    %dma_wait3A_572 = arith.constant 1 : i32
    %dma_wait3A_573 = arith.constant 199 : i32
    %dma_wait3A_574 = arith.constant 1 : i32
    %dma_wait3A_575 = arith.constant 8 : i32
    %dma_wait3A_576 = arith.constant 384 : i32
    %dma_wait3A_577 = tpu.memref_slice %arg7[%dma_wait3A_572, %dma_wait3A_575, %dma_wait3A_576] : memref<2x32x513xf32, #tpu.memory_space<vmem>> -> memref<1x8x128xf32, #tpu.memory_space<vmem>>
    %dma_wait3A_578 = tpu.memref_squeeze %dma_wait3A_577 : memref<1x8x128xf32, #tpu.memory_space<vmem>> -> memref<8x128xf32, #tpu.memory_space<vmem>>
    %dma_wait3A_579 = arith.constant 0 : i32
    %dma_wait3A_580 = arith.constant 0 : i32
    %dma_wait3A_581 = tpu.memref_slice %arg4[%dma_wait3A_573, %dma_wait3A_574, %add3A_406, %dma_wait3A_579, %dma_wait3A_580] : memref<200x4x128x8x128xf32, #tpu.memory_space<hbm>> -> memref<1x1x1x8x128xf32, #tpu.memory_space<hbm>>
    %dma_wait3A_582 = tpu.memref_squeeze %dma_wait3A_581 : memref<1x1x1x8x128xf32, #tpu.memory_space<hbm>> -> memref<8x128xf32, #tpu.memory_space<hbm>>
    %dma_wait3A_583 = arith.constant 0 : i32
    %dma_wait3A_584 = arith.constant 0 : i32
    %dma_wait3A_585 = tpu.memref_slice %arg4[%dma_wait3A_573, %dma_wait3A_574, %add3A_406, %dma_wait3A_583, %dma_wait3A_584] : memref<200x4x128x8x128xf32, #tpu.memory_space<hbm>> -> memref<1x1x1x8x128xf32, #tpu.memory_space<hbm>>
    %dma_wait3A_586 = tpu.memref_squeeze %dma_wait3A_585 : memref<1x1x1x8x128xf32, #tpu.memory_space<hbm>> -> memref<8x128xf32, #tpu.memory_space<hbm>>
    %dma_wait3A_587 = arith.constant 8 : i32
    %dma_wait3A_588 = arith.constant 384 : i32
    %dma_wait3A_589 = tpu.memref_slice %arg7[%dma_wait3A_572, %dma_wait3A_587, %dma_wait3A_588] : memref<2x32x513xf32, #tpu.memory_space<vmem>> -> memref<1x8x128xf32, #tpu.memory_space<vmem>>
    %dma_wait3A_590 = tpu.memref_squeeze %dma_wait3A_589 : memref<1x8x128xf32, #tpu.memory_space<vmem>> -> memref<8x128xf32, #tpu.memory_space<vmem>>
    tpu.wait_dma2 semaphore(%arg11 : memref<!tpu.dma_semaphore, #tpu.memory_space<semaphore_mem>>) src(%dma_wait3A_590 : memref<8x128xf32, #tpu.memory_space<vmem>>) dst(%dma_wait3A_586 : memref<8x128xf32, #tpu.memory_space<hbm>>)
    %dma_wait3A_591 = arith.constant 1 : i32
    %dma_wait3A_592 = arith.constant 199 : i32
    %dma_wait3A_593 = arith.constant 2 : i32
    %dma_wait3A_594 = arith.constant 16 : i32
    %dma_wait3A_595 = arith.constant 0 : i32
    %dma_wait3A_596 = tpu.memref_slice %arg7[%dma_wait3A_591, %dma_wait3A_594, %dma_wait3A_595] : memref<2x32x513xf32, #tpu.memory_space<vmem>> -> memref<1x8x128xf32, #tpu.memory_space<vmem>>
    %dma_wait3A_597 = tpu.memref_squeeze %dma_wait3A_596 : memref<1x8x128xf32, #tpu.memory_space<vmem>> -> memref<8x128xf32, #tpu.memory_space<vmem>>
    %dma_wait3A_598 = arith.constant 0 : i32
    %dma_wait3A_599 = arith.constant 0 : i32
    %dma_wait3A_600 = tpu.memref_slice %arg4[%dma_wait3A_592, %dma_wait3A_593, %add3A_410, %dma_wait3A_598, %dma_wait3A_599] : memref<200x4x128x8x128xf32, #tpu.memory_space<hbm>> -> memref<1x1x1x8x128xf32, #tpu.memory_space<hbm>>
    %dma_wait3A_601 = tpu.memref_squeeze %dma_wait3A_600 : memref<1x1x1x8x128xf32, #tpu.memory_space<hbm>> -> memref<8x128xf32, #tpu.memory_space<hbm>>
    %dma_wait3A_602 = arith.constant 0 : i32
    %dma_wait3A_603 = arith.constant 0 : i32
    %dma_wait3A_604 = tpu.memref_slice %arg4[%dma_wait3A_592, %dma_wait3A_593, %add3A_410, %dma_wait3A_602, %dma_wait3A_603] : memref<200x4x128x8x128xf32, #tpu.memory_space<hbm>> -> memref<1x1x1x8x128xf32, #tpu.memory_space<hbm>>
    %dma_wait3A_605 = tpu.memref_squeeze %dma_wait3A_604 : memref<1x1x1x8x128xf32, #tpu.memory_space<hbm>> -> memref<8x128xf32, #tpu.memory_space<hbm>>
    %dma_wait3A_606 = arith.constant 16 : i32
    %dma_wait3A_607 = arith.constant 0 : i32
    %dma_wait3A_608 = tpu.memref_slice %arg7[%dma_wait3A_591, %dma_wait3A_606, %dma_wait3A_607] : memref<2x32x513xf32, #tpu.memory_space<vmem>> -> memref<1x8x128xf32, #tpu.memory_space<vmem>>
    %dma_wait3A_609 = tpu.memref_squeeze %dma_wait3A_608 : memref<1x8x128xf32, #tpu.memory_space<vmem>> -> memref<8x128xf32, #tpu.memory_space<vmem>>
    tpu.wait_dma2 semaphore(%arg11 : memref<!tpu.dma_semaphore, #tpu.memory_space<semaphore_mem>>) src(%dma_wait3A_609 : memref<8x128xf32, #tpu.memory_space<vmem>>) dst(%dma_wait3A_605 : memref<8x128xf32, #tpu.memory_space<hbm>>)
    %dma_wait3A_610 = arith.constant 1 : i32
    %dma_wait3A_611 = arith.constant 199 : i32
    %dma_wait3A_612 = arith.constant 2 : i32
    %dma_wait3A_613 = arith.constant 16 : i32
    %dma_wait3A_614 = arith.constant 128 : i32
    %dma_wait3A_615 = tpu.memref_slice %arg7[%dma_wait3A_610, %dma_wait3A_613, %dma_wait3A_614] : memref<2x32x513xf32, #tpu.memory_space<vmem>> -> memref<1x8x128xf32, #tpu.memory_space<vmem>>
    %dma_wait3A_616 = tpu.memref_squeeze %dma_wait3A_615 : memref<1x8x128xf32, #tpu.memory_space<vmem>> -> memref<8x128xf32, #tpu.memory_space<vmem>>
    %dma_wait3A_617 = arith.constant 0 : i32
    %dma_wait3A_618 = arith.constant 0 : i32
    %dma_wait3A_619 = tpu.memref_slice %arg4[%dma_wait3A_611, %dma_wait3A_612, %add3A_414, %dma_wait3A_617, %dma_wait3A_618] : memref<200x4x128x8x128xf32, #tpu.memory_space<hbm>> -> memref<1x1x1x8x128xf32, #tpu.memory_space<hbm>>
    %dma_wait3A_620 = tpu.memref_squeeze %dma_wait3A_619 : memref<1x1x1x8x128xf32, #tpu.memory_space<hbm>> -> memref<8x128xf32, #tpu.memory_space<hbm>>
    %dma_wait3A_621 = arith.constant 0 : i32
    %dma_wait3A_622 = arith.constant 0 : i32
    %dma_wait3A_623 = tpu.memref_slice %arg4[%dma_wait3A_611, %dma_wait3A_612, %add3A_414, %dma_wait3A_621, %dma_wait3A_622] : memref<200x4x128x8x128xf32, #tpu.memory_space<hbm>> -> memref<1x1x1x8x128xf32, #tpu.memory_space<hbm>>
    %dma_wait3A_624 = tpu.memref_squeeze %dma_wait3A_623 : memref<1x1x1x8x128xf32, #tpu.memory_space<hbm>> -> memref<8x128xf32, #tpu.memory_space<hbm>>
    %dma_wait3A_625 = arith.constant 16 : i32
    %dma_wait3A_626 = arith.constant 128 : i32
    %dma_wait3A_627 = tpu.memref_slice %arg7[%dma_wait3A_610, %dma_wait3A_625, %dma_wait3A_626] : memref<2x32x513xf32, #tpu.memory_space<vmem>> -> memref<1x8x128xf32, #tpu.memory_space<vmem>>
    %dma_wait3A_628 = tpu.memref_squeeze %dma_wait3A_627 : memref<1x8x128xf32, #tpu.memory_space<vmem>> -> memref<8x128xf32, #tpu.memory_space<vmem>>
    tpu.wait_dma2 semaphore(%arg11 : memref<!tpu.dma_semaphore, #tpu.memory_space<semaphore_mem>>) src(%dma_wait3A_628 : memref<8x128xf32, #tpu.memory_space<vmem>>) dst(%dma_wait3A_624 : memref<8x128xf32, #tpu.memory_space<hbm>>)
    %dma_wait3A_629 = arith.constant 1 : i32
    %dma_wait3A_630 = arith.constant 199 : i32
    %dma_wait3A_631 = arith.constant 2 : i32
    %dma_wait3A_632 = arith.constant 16 : i32
    %dma_wait3A_633 = arith.constant 256 : i32
    %dma_wait3A_634 = tpu.memref_slice %arg7[%dma_wait3A_629, %dma_wait3A_632, %dma_wait3A_633] : memref<2x32x513xf32, #tpu.memory_space<vmem>> -> memref<1x8x128xf32, #tpu.memory_space<vmem>>
    %dma_wait3A_635 = tpu.memref_squeeze %dma_wait3A_634 : memref<1x8x128xf32, #tpu.memory_space<vmem>> -> memref<8x128xf32, #tpu.memory_space<vmem>>
    %dma_wait3A_636 = arith.constant 0 : i32
    %dma_wait3A_637 = arith.constant 0 : i32
    %dma_wait3A_638 = tpu.memref_slice %arg4[%dma_wait3A_630, %dma_wait3A_631, %add3A_418, %dma_wait3A_636, %dma_wait3A_637] : memref<200x4x128x8x128xf32, #tpu.memory_space<hbm>> -> memref<1x1x1x8x128xf32, #tpu.memory_space<hbm>>
    %dma_wait3A_639 = tpu.memref_squeeze %dma_wait3A_638 : memref<1x1x1x8x128xf32, #tpu.memory_space<hbm>> -> memref<8x128xf32, #tpu.memory_space<hbm>>
    %dma_wait3A_640 = arith.constant 0 : i32
    %dma_wait3A_641 = arith.constant 0 : i32
    %dma_wait3A_642 = tpu.memref_slice %arg4[%dma_wait3A_630, %dma_wait3A_631, %add3A_418, %dma_wait3A_640, %dma_wait3A_641] : memref<200x4x128x8x128xf32, #tpu.memory_space<hbm>> -> memref<1x1x1x8x128xf32, #tpu.memory_space<hbm>>
    %dma_wait3A_643 = tpu.memref_squeeze %dma_wait3A_642 : memref<1x1x1x8x128xf32, #tpu.memory_space<hbm>> -> memref<8x128xf32, #tpu.memory_space<hbm>>
    %dma_wait3A_644 = arith.constant 16 : i32
    %dma_wait3A_645 = arith.constant 256 : i32
    %dma_wait3A_646 = tpu.memref_slice %arg7[%dma_wait3A_629, %dma_wait3A_644, %dma_wait3A_645] : memref<2x32x513xf32, #tpu.memory_space<vmem>> -> memref<1x8x128xf32, #tpu.memory_space<vmem>>
    %dma_wait3A_647 = tpu.memref_squeeze %dma_wait3A_646 : memref<1x8x128xf32, #tpu.memory_space<vmem>> -> memref<8x128xf32, #tpu.memory_space<vmem>>
    tpu.wait_dma2 semaphore(%arg11 : memref<!tpu.dma_semaphore, #tpu.memory_space<semaphore_mem>>) src(%dma_wait3A_647 : memref<8x128xf32, #tpu.memory_space<vmem>>) dst(%dma_wait3A_643 : memref<8x128xf32, #tpu.memory_space<hbm>>)
    %dma_wait3A_648 = arith.constant 1 : i32
    %dma_wait3A_649 = arith.constant 199 : i32
    %dma_wait3A_650 = arith.constant 2 : i32
    %dma_wait3A_651 = arith.constant 16 : i32
    %dma_wait3A_652 = arith.constant 384 : i32
    %dma_wait3A_653 = tpu.memref_slice %arg7[%dma_wait3A_648, %dma_wait3A_651, %dma_wait3A_652] : memref<2x32x513xf32, #tpu.memory_space<vmem>> -> memref<1x8x128xf32, #tpu.memory_space<vmem>>
    %dma_wait3A_654 = tpu.memref_squeeze %dma_wait3A_653 : memref<1x8x128xf32, #tpu.memory_space<vmem>> -> memref<8x128xf32, #tpu.memory_space<vmem>>
    %dma_wait3A_655 = arith.constant 0 : i32
    %dma_wait3A_656 = arith.constant 0 : i32
    %dma_wait3A_657 = tpu.memref_slice %arg4[%dma_wait3A_649, %dma_wait3A_650, %add3A_422, %dma_wait3A_655, %dma_wait3A_656] : memref<200x4x128x8x128xf32, #tpu.memory_space<hbm>> -> memref<1x1x1x8x128xf32, #tpu.memory_space<hbm>>
    %dma_wait3A_658 = tpu.memref_squeeze %dma_wait3A_657 : memref<1x1x1x8x128xf32, #tpu.memory_space<hbm>> -> memref<8x128xf32, #tpu.memory_space<hbm>>
    %dma_wait3A_659 = arith.constant 0 : i32
    %dma_wait3A_660 = arith.constant 0 : i32
    %dma_wait3A_661 = tpu.memref_slice %arg4[%dma_wait3A_649, %dma_wait3A_650, %add3A_422, %dma_wait3A_659, %dma_wait3A_660] : memref<200x4x128x8x128xf32, #tpu.memory_space<hbm>> -> memref<1x1x1x8x128xf32, #tpu.memory_space<hbm>>
    %dma_wait3A_662 = tpu.memref_squeeze %dma_wait3A_661 : memref<1x1x1x8x128xf32, #tpu.memory_space<hbm>> -> memref<8x128xf32, #tpu.memory_space<hbm>>
    %dma_wait3A_663 = arith.constant 16 : i32
    %dma_wait3A_664 = arith.constant 384 : i32
    %dma_wait3A_665 = tpu.memref_slice %arg7[%dma_wait3A_648, %dma_wait3A_663, %dma_wait3A_664] : memref<2x32x513xf32, #tpu.memory_space<vmem>> -> memref<1x8x128xf32, #tpu.memory_space<vmem>>
    %dma_wait3A_666 = tpu.memref_squeeze %dma_wait3A_665 : memref<1x8x128xf32, #tpu.memory_space<vmem>> -> memref<8x128xf32, #tpu.memory_space<vmem>>
    tpu.wait_dma2 semaphore(%arg11 : memref<!tpu.dma_semaphore, #tpu.memory_space<semaphore_mem>>) src(%dma_wait3A_666 : memref<8x128xf32, #tpu.memory_space<vmem>>) dst(%dma_wait3A_662 : memref<8x128xf32, #tpu.memory_space<hbm>>)
    %dma_wait3A_667 = arith.constant 1 : i32
    %dma_wait3A_668 = arith.constant 199 : i32
    %dma_wait3A_669 = arith.constant 3 : i32
    %dma_wait3A_670 = arith.constant 24 : i32
    %dma_wait3A_671 = arith.constant 0 : i32
    %dma_wait3A_672 = tpu.memref_slice %arg7[%dma_wait3A_667, %dma_wait3A_670, %dma_wait3A_671] : memref<2x32x513xf32, #tpu.memory_space<vmem>> -> memref<1x8x128xf32, #tpu.memory_space<vmem>>
    %dma_wait3A_673 = tpu.memref_squeeze %dma_wait3A_672 : memref<1x8x128xf32, #tpu.memory_space<vmem>> -> memref<8x128xf32, #tpu.memory_space<vmem>>
    %dma_wait3A_674 = arith.constant 0 : i32
    %dma_wait3A_675 = arith.constant 0 : i32
    %dma_wait3A_676 = tpu.memref_slice %arg4[%dma_wait3A_668, %dma_wait3A_669, %add3A_426, %dma_wait3A_674, %dma_wait3A_675] : memref<200x4x128x8x128xf32, #tpu.memory_space<hbm>> -> memref<1x1x1x8x128xf32, #tpu.memory_space<hbm>>
    %dma_wait3A_677 = tpu.memref_squeeze %dma_wait3A_676 : memref<1x1x1x8x128xf32, #tpu.memory_space<hbm>> -> memref<8x128xf32, #tpu.memory_space<hbm>>
    %dma_wait3A_678 = arith.constant 0 : i32
    %dma_wait3A_679 = arith.constant 0 : i32
    %dma_wait3A_680 = tpu.memref_slice %arg4[%dma_wait3A_668, %dma_wait3A_669, %add3A_426, %dma_wait3A_678, %dma_wait3A_679] : memref<200x4x128x8x128xf32, #tpu.memory_space<hbm>> -> memref<1x1x1x8x128xf32, #tpu.memory_space<hbm>>
    %dma_wait3A_681 = tpu.memref_squeeze %dma_wait3A_680 : memref<1x1x1x8x128xf32, #tpu.memory_space<hbm>> -> memref<8x128xf32, #tpu.memory_space<hbm>>
    %dma_wait3A_682 = arith.constant 24 : i32
    %dma_wait3A_683 = arith.constant 0 : i32
    %dma_wait3A_684 = tpu.memref_slice %arg7[%dma_wait3A_667, %dma_wait3A_682, %dma_wait3A_683] : memref<2x32x513xf32, #tpu.memory_space<vmem>> -> memref<1x8x128xf32, #tpu.memory_space<vmem>>
    %dma_wait3A_685 = tpu.memref_squeeze %dma_wait3A_684 : memref<1x8x128xf32, #tpu.memory_space<vmem>> -> memref<8x128xf32, #tpu.memory_space<vmem>>
    tpu.wait_dma2 semaphore(%arg11 : memref<!tpu.dma_semaphore, #tpu.memory_space<semaphore_mem>>) src(%dma_wait3A_685 : memref<8x128xf32, #tpu.memory_space<vmem>>) dst(%dma_wait3A_681 : memref<8x128xf32, #tpu.memory_space<hbm>>)
    %dma_wait3A_686 = arith.constant 1 : i32
    %dma_wait3A_687 = arith.constant 199 : i32
    %dma_wait3A_688 = arith.constant 3 : i32
    %dma_wait3A_689 = arith.constant 24 : i32
    %dma_wait3A_690 = arith.constant 128 : i32
    %dma_wait3A_691 = tpu.memref_slice %arg7[%dma_wait3A_686, %dma_wait3A_689, %dma_wait3A_690] : memref<2x32x513xf32, #tpu.memory_space<vmem>> -> memref<1x8x128xf32, #tpu.memory_space<vmem>>
    %dma_wait3A_692 = tpu.memref_squeeze %dma_wait3A_691 : memref<1x8x128xf32, #tpu.memory_space<vmem>> -> memref<8x128xf32, #tpu.memory_space<vmem>>
    %dma_wait3A_693 = arith.constant 0 : i32
    %dma_wait3A_694 = arith.constant 0 : i32
    %dma_wait3A_695 = tpu.memref_slice %arg4[%dma_wait3A_687, %dma_wait3A_688, %add3A_430, %dma_wait3A_693, %dma_wait3A_694] : memref<200x4x128x8x128xf32, #tpu.memory_space<hbm>> -> memref<1x1x1x8x128xf32, #tpu.memory_space<hbm>>
    %dma_wait3A_696 = tpu.memref_squeeze %dma_wait3A_695 : memref<1x1x1x8x128xf32, #tpu.memory_space<hbm>> -> memref<8x128xf32, #tpu.memory_space<hbm>>
    %dma_wait3A_697 = arith.constant 0 : i32
    %dma_wait3A_698 = arith.constant 0 : i32
    %dma_wait3A_699 = tpu.memref_slice %arg4[%dma_wait3A_687, %dma_wait3A_688, %add3A_430, %dma_wait3A_697, %dma_wait3A_698] : memref<200x4x128x8x128xf32, #tpu.memory_space<hbm>> -> memref<1x1x1x8x128xf32, #tpu.memory_space<hbm>>
    %dma_wait3A_700 = tpu.memref_squeeze %dma_wait3A_699 : memref<1x1x1x8x128xf32, #tpu.memory_space<hbm>> -> memref<8x128xf32, #tpu.memory_space<hbm>>
    %dma_wait3A_701 = arith.constant 24 : i32
    %dma_wait3A_702 = arith.constant 128 : i32
    %dma_wait3A_703 = tpu.memref_slice %arg7[%dma_wait3A_686, %dma_wait3A_701, %dma_wait3A_702] : memref<2x32x513xf32, #tpu.memory_space<vmem>> -> memref<1x8x128xf32, #tpu.memory_space<vmem>>
    %dma_wait3A_704 = tpu.memref_squeeze %dma_wait3A_703 : memref<1x8x128xf32, #tpu.memory_space<vmem>> -> memref<8x128xf32, #tpu.memory_space<vmem>>
    tpu.wait_dma2 semaphore(%arg11 : memref<!tpu.dma_semaphore, #tpu.memory_space<semaphore_mem>>) src(%dma_wait3A_704 : memref<8x128xf32, #tpu.memory_space<vmem>>) dst(%dma_wait3A_700 : memref<8x128xf32, #tpu.memory_space<hbm>>)
    %dma_wait3A_705 = arith.constant 1 : i32
    %dma_wait3A_706 = arith.constant 199 : i32
    %dma_wait3A_707 = arith.constant 3 : i32
    %dma_wait3A_708 = arith.constant 24 : i32
    %dma_wait3A_709 = arith.constant 256 : i32
    %dma_wait3A_710 = tpu.memref_slice %arg7[%dma_wait3A_705, %dma_wait3A_708, %dma_wait3A_709] : memref<2x32x513xf32, #tpu.memory_space<vmem>> -> memref<1x8x128xf32, #tpu.memory_space<vmem>>
    %dma_wait3A_711 = tpu.memref_squeeze %dma_wait3A_710 : memref<1x8x128xf32, #tpu.memory_space<vmem>> -> memref<8x128xf32, #tpu.memory_space<vmem>>
    %dma_wait3A_712 = arith.constant 0 : i32
    %dma_wait3A_713 = arith.constant 0 : i32
    %dma_wait3A_714 = tpu.memref_slice %arg4[%dma_wait3A_706, %dma_wait3A_707, %add3A_434, %dma_wait3A_712, %dma_wait3A_713] : memref<200x4x128x8x128xf32, #tpu.memory_space<hbm>> -> memref<1x1x1x8x128xf32, #tpu.memory_space<hbm>>
    %dma_wait3A_715 = tpu.memref_squeeze %dma_wait3A_714 : memref<1x1x1x8x128xf32, #tpu.memory_space<hbm>> -> memref<8x128xf32, #tpu.memory_space<hbm>>
    %dma_wait3A_716 = arith.constant 0 : i32
    %dma_wait3A_717 = arith.constant 0 : i32
    %dma_wait3A_718 = tpu.memref_slice %arg4[%dma_wait3A_706, %dma_wait3A_707, %add3A_434, %dma_wait3A_716, %dma_wait3A_717] : memref<200x4x128x8x128xf32, #tpu.memory_space<hbm>> -> memref<1x1x1x8x128xf32, #tpu.memory_space<hbm>>
    %dma_wait3A_719 = tpu.memref_squeeze %dma_wait3A_718 : memref<1x1x1x8x128xf32, #tpu.memory_space<hbm>> -> memref<8x128xf32, #tpu.memory_space<hbm>>
    %dma_wait3A_720 = arith.constant 24 : i32
    %dma_wait3A_721 = arith.constant 256 : i32
    %dma_wait3A_722 = tpu.memref_slice %arg7[%dma_wait3A_705, %dma_wait3A_720, %dma_wait3A_721] : memref<2x32x513xf32, #tpu.memory_space<vmem>> -> memref<1x8x128xf32, #tpu.memory_space<vmem>>
    %dma_wait3A_723 = tpu.memref_squeeze %dma_wait3A_722 : memref<1x8x128xf32, #tpu.memory_space<vmem>> -> memref<8x128xf32, #tpu.memory_space<vmem>>
    tpu.wait_dma2 semaphore(%arg11 : memref<!tpu.dma_semaphore, #tpu.memory_space<semaphore_mem>>) src(%dma_wait3A_723 : memref<8x128xf32, #tpu.memory_space<vmem>>) dst(%dma_wait3A_719 : memref<8x128xf32, #tpu.memory_space<hbm>>)
    %dma_wait3A_724 = arith.constant 1 : i32
    %dma_wait3A_725 = arith.constant 199 : i32
    %dma_wait3A_726 = arith.constant 3 : i32
    %dma_wait3A_727 = arith.constant 24 : i32
    %dma_wait3A_728 = arith.constant 384 : i32
    %dma_wait3A_729 = tpu.memref_slice %arg7[%dma_wait3A_724, %dma_wait3A_727, %dma_wait3A_728] : memref<2x32x513xf32, #tpu.memory_space<vmem>> -> memref<1x8x128xf32, #tpu.memory_space<vmem>>
    %dma_wait3A_730 = tpu.memref_squeeze %dma_wait3A_729 : memref<1x8x128xf32, #tpu.memory_space<vmem>> -> memref<8x128xf32, #tpu.memory_space<vmem>>
    %dma_wait3A_731 = arith.constant 0 : i32
    %dma_wait3A_732 = arith.constant 0 : i32
    %dma_wait3A_733 = tpu.memref_slice %arg4[%dma_wait3A_725, %dma_wait3A_726, %add3A_438, %dma_wait3A_731, %dma_wait3A_732] : memref<200x4x128x8x128xf32, #tpu.memory_space<hbm>> -> memref<1x1x1x8x128xf32, #tpu.memory_space<hbm>>
    %dma_wait3A_734 = tpu.memref_squeeze %dma_wait3A_733 : memref<1x1x1x8x128xf32, #tpu.memory_space<hbm>> -> memref<8x128xf32, #tpu.memory_space<hbm>>
    %dma_wait3A_735 = arith.constant 0 : i32
    %dma_wait3A_736 = arith.constant 0 : i32
    %dma_wait3A_737 = tpu.memref_slice %arg4[%dma_wait3A_725, %dma_wait3A_726, %add3A_438, %dma_wait3A_735, %dma_wait3A_736] : memref<200x4x128x8x128xf32, #tpu.memory_space<hbm>> -> memref<1x1x1x8x128xf32, #tpu.memory_space<hbm>>
    %dma_wait3A_738 = tpu.memref_squeeze %dma_wait3A_737 : memref<1x1x1x8x128xf32, #tpu.memory_space<hbm>> -> memref<8x128xf32, #tpu.memory_space<hbm>>
    %dma_wait3A_739 = arith.constant 24 : i32
    %dma_wait3A_740 = arith.constant 384 : i32
    %dma_wait3A_741 = tpu.memref_slice %arg7[%dma_wait3A_724, %dma_wait3A_739, %dma_wait3A_740] : memref<2x32x513xf32, #tpu.memory_space<vmem>> -> memref<1x8x128xf32, #tpu.memory_space<vmem>>
    %dma_wait3A_742 = tpu.memref_squeeze %dma_wait3A_741 : memref<1x8x128xf32, #tpu.memory_space<vmem>> -> memref<8x128xf32, #tpu.memory_space<vmem>>
    tpu.wait_dma2 semaphore(%arg11 : memref<!tpu.dma_semaphore, #tpu.memory_space<semaphore_mem>>) src(%dma_wait3A_742 : memref<8x128xf32, #tpu.memory_space<vmem>>) dst(%dma_wait3A_738 : memref<8x128xf32, #tpu.memory_space<hbm>>)
    return
  }
}

</mosaic_0001>

<sc_bundles>
// kernel: _sc_gather_t.3.cloned.1.call-start
scs
__scs_entry_jumppad:
0x0: {  	(pc) =	sbr.rel $0x88, $3  }
0x1: {  	(tag) =	ssettag $0x0;
	lr =	simm.s32 $0x1  }
0x2: {  	[smem:$0x3F9F] =	sst lr;
	_ =	strace $0xD0000000  }
0x3: {  	_ = 	snop  }
0x4: {  	_ = 	snop  }
0x5: {  	_ = 	snop  }
0x6: {  	_ = 	snop  }
0x7: {  	_ = 	snop  }
__scs_overlays_trampoline_lowered:
0x8: {  	[smem:$0x3FAE] =	sst s0  }
0x9: {  	[smem:$0x3FAF] =	sst s1  }
0xa: {  	[smem:$0x3FB0] =	sst s2  }
0xb: {  	[smem:$0x3FB1] =	sst s3  }
0xc: {  	[smem:$0x3FB2] =	sst s4  }
0xd: {  	[smem:$0x3FB3] =	sst s5  }
0xe: {  	[smem:$0x3FB4] =	sst s6  }
0xf: {  	[smem:$0x3FB5] =	sst s7  }
0x10: {  	[smem:$0x3FB6] =	sst s8  }
0x11: {  	[smem:$0x3FB7] =	sst s9;
	s0 =	simm.s32 @!p0 $0x0  }
0x12: {  	s1 =	sld [smem:$0x3F9D];
	s0 =	simm.s32 @p0 $0x1  }
0x13: {  	[smem:$0x3FB8] =	sst s0;
	s0 =	simm.s32 @!p1 $0x0  }
0x14: {  	s2 =	sld [smem:$0x3F9C];
	s0 =	simm.s32 @p1 $0x1  }
0x15: {  	[smem:$0x3FB9] =	sst s0;
	s0 =	simm.s32 @!p2 $0x0  }
0x16: {  	s3 =	sld [smem:$0x3FDB];
	s0 =	simm.s32 @p2 $0x1  }
0x17: {  	s4 =	simm.s32 $0x1BF5;
	[smem:$0x3FBB] =	sst s0  }
0x18: {  	s0 =	sld [smem:$0x3F9E];
	_ =	swait.ge [sflag:s4], $0x0  }
0x19: {  	s7 =	sld [smem:$0x3F9F]  }
0x1a: {  	s8 =	sadd.s32 $0xFFFFE003, lr  }
0x1b: {  	s9 =	sadd.s32 $0xFFFFFEF7, lr;
	s5 =	simm.s32 $0xFFFFFFFF;
	p2 =	slt.u32 s8, $0xFFFFF086  }
0x1c: {  	p1 =	slt.u32 s9, $0xF7A;
	s5 =	simm.s32 @!p2 $0x0  }
0x1d: {  	s5 =	simm.s32 @p1 $0x1;
	p0 =	seq.s32 s7, s2  }
0x1e: {  	s7 =	smul.u32 @!p0 $0xF7A, s2;
	p2 =	seq.s32 @!p0 s5, $0x0  }
0x1f: {  	s9 =	smul.u32 $0xF7A, s1;
	s8 =	simm.s32 @!p0 $0x1BF5;
	p2 =	por !p2, p0  }
0x20: {  	[sflag:s8] =	ssyncset.s32 @!p0 $0xFFFFF086;
	s6 =	sadd.s32 @!p0 s3, s7;
	s7 =	simm.s32 @!p0 $0x108  }
0x21: {  	s3 =	sadd.s32 s3, s9;
	s6 =	sadd.s32 @!p0 $0x88, s6;
	s7 =	simm.s32 @p2 $0x1082  }
0x22: {  	[simem:s7], [sflag:s8] =	dma.local @!p0 [hbm:s6], $0xF7A  }
0x23: {  	s9 =	sor.u32 $0xD0000000, s2;
	s6 =	simm.s32 $0x108;
	_ =	swait.ge @!p0 [sflag:s8], $0x0  }
0x24: {  	s3 =	sadd.s32 $0x88, s3;
	s6 =	simm.s32 @!p1 $0x1082;
	[sflag:s4] =	ssyncset.s32 $0xFFFFF086  }
0x25: {  	[simem:s6], [sflag:s4] =	dma.local [hbm:s3], $0xF7A  }
0x26: {  	[smem:$0x3F9F] =	sst s1;
	(tag) =	ssettag s2;
	_ =	strace s9  }
0x27: {  	s1 =	sld [smem:$0x3FAF]  }
0x28: {  	s2 =	sld [smem:$0x3FB0]  }
0x29: {  	s4 =	sld [smem:$0x3FB2]  }
0x2a: {  	p0 =	seq.s32 s5, $0x0;
	s5 =	sld [smem:$0x3FB3]  }
0x2b: {  	s6 =	sld [smem:$0x3FB4]  }
0x2c: {  	s7 =	sld [smem:$0x3FB5]  }
0x2d: {  	s3 =	simm.s32 $0x108;
	s8 =	sld [smem:$0x3FB6]  }
0x2e: {  	s3 =	simm.s32 @!p0 $0x1082;
	s9 =	sld [smem:$0x3FB7]  }
0x2f: {  	lr =	sadd.s32 s0, s3;
	s0 =	sld [smem:$0x3FAE]  }
0x30: {  	s3 =	sld [smem:$0x3FB1]  }
0x31: {  	[smem:$0x3FBA] =	sst s10  }
0x32: {  	s10 =	sld [smem:$0x3FB8];
	_ =	sdelay $0x3  }
0x33: {  	p0 =	seq.s32 s10, $0x1;
	s10 =	sld [smem:$0x3FBA];
	_ =	sdelay $0x3  }
0x34: {  	[smem:$0x3FBA] =	sst s10  }
0x35: {  	s10 =	sld [smem:$0x3FB9];
	_ =	sdelay $0x3  }
0x36: {  	p1 =	seq.s32 s10, $0x1;
	s10 =	sld [smem:$0x3FBA];
	_ =	sdelay $0x3  }
0x37: {  	[smem:$0x3FBA] =	sst s10  }
0x38: {  	s10 =	sld [smem:$0x3FBB]  }
0x39: {  	_ = 	snop;
	(pc) =	sbr.ind lr, $3  }
0x3a: {  	_ = 	snop  }
0x3b: {  	_ = 	snop  }
0x3c: {  	p2 =	seq.s32 s10, $0x1;
	s10 =	sld [smem:$0x3FBA]  }
0x3d: {  	_ =	shalt  }
0x3e: {  	_ =	shalt  }
0x3f: {  	_ =	shalt  }
0x40: {  	_ =	shalt  }
0x41: {  	_ =	shalt  }
0x42: {  	_ =	shalt  }
0x43: {  	_ =	shalt  }
0x44: {  	_ =	shalt  }
0x45: {  	_ =	shalt  }
0x46: {  	_ =	shalt  }
0x47: {  	_ =	shalt  }
0x48: {  	_ =	shalt  }
0x49: {  	_ =	shalt  }
0x4a: {  	_ =	shalt  }
0x4b: {  	_ =	shalt  }
0x4c: {  	_ =	shalt  }
0x4d: {  	_ =	shalt  }
0x4e: {  	_ =	shalt  }
0x4f: {  	_ =	shalt  }
0x50: {  	_ =	shalt  }
0x51: {  	_ =	shalt  }
0x52: {  	_ =	shalt  }
0x53: {  	_ =	shalt  }
0x54: {  	_ =	shalt  }
0x55: {  	_ =	shalt  }
0x56: {  	_ =	shalt  }
0x57: {  	_ =	shalt  }
0x58: {  	_ =	shalt  }
0x59: {  	_ =	shalt  }
0x5a: {  	_ =	shalt  }
0x5b: {  	_ =	shalt  }
0x5c: {  	_ =	shalt  }
0x5d: {  	_ =	shalt  }
0x5e: {  	_ =	shalt  }
0x5f: {  	_ =	shalt  }
0x60: {  	_ =	shalt  }
0x61: {  	_ =	shalt  }
0x62: {  	_ =	shalt  }
0x63: {  	_ =	shalt  }
0x64: {  	_ =	shalt  }
0x65: {  	_ =	shalt  }
0x66: {  	_ =	shalt  }
0x67: {  	_ =	shalt  }
0x68: {  	_ =	shalt  }
0x69: {  	_ =	shalt  }
0x6a: {  	_ =	shalt  }
0x6b: {  	_ =	shalt  }
0x6c: {  	_ =	shalt  }
0x6d: {  	_ =	shalt  }
0x6e: {  	_ =	shalt  }
0x6f: {  	_ =	shalt  }
0x70: {  	_ =	shalt  }
0x71: {  	_ =	shalt  }
0x72: {  	_ =	shalt  }
0x73: {  	_ =	shalt  }
0x74: {  	_ =	shalt  }
0x75: {  	_ =	shalt  }
0x76: {  	_ =	shalt  }
0x77: {  	_ =	shalt  }
0x78: {  	_ =	shalt  }
0x79: {  	_ =	shalt  }
0x7a: {  	_ =	shalt  }
0x7b: {  	_ =	shalt  }
0x7c: {  	_ =	shalt  }
0x7d: {  	_ =	shalt  }
0x7e: {  	_ =	shalt  }
0x7f: {  	_ =	shalt  }
0x80: {  	_ =	shalt  }
0x81: {  	_ =	shalt  }
0x82: {  	_ =	shalt  }
0x83: {  	_ =	shalt  }
0x84: {  	_ =	shalt  }
0x85: {  	_ =	shalt  }
0x86: {  	_ =	shalt  }
0x87: {  	_ =	shalt  }
.Lfunc_end0:
.L_simem_size_0:
called_computation_lowered:
.L_overlay_start_0:
0x88: {  	s2 =	sld [smem:$0x3FD9]  }
0x89: {  	s3 =	sld [smem:$0x3FFE];
	_ =	sdelay $0x1  }
0x8a: {  	s1 =	srdreg.scid  }
0x8b: {  	s0 =	sand.u32 $0x1, s1  }
0x8c: {  	s17 =	sshll.u32 s0, $0xA;
	s2 =	sadd.s32 s3, s2  }
0x8d: {  	s2 =	sadd.s32 s2, s17  }
0x8e: {  	[smem:$0x3FC6] =	sst s2  }
0x8f: {  	_ = 	snop  }
0x90: {  	s2 =	sld [smem:$0x3FD0];
	(tm) =	ssettm $0x1  }
0x91: {  	s18 =	sld [smem:$0x3FFB];
	_ =	sdelay $0x3  }
0x92: {  	_ =	strace s18  }
0x93: {  	s3 =	sld [smem:$0x3FFC];
	_ =	sdelay $0x3  }
0x94: {  	_ =	strace s3  }
0x95: {  	s3 =	sld [smem:$0x3FFD];
	_ =	sdelay $0x3  }
0x96: {  	_ =	strace s3  }
0x97: {  	_ =	strace $0x8FFFFFFF  }
0x98: {  	s19 =	sld [smem:$0x3FDB];
	_ =	sdelay $0x1  }
0x99: {  	s4 =	simm.s32 $_scs_section_size  }
0x9a: {  	s5 =	simm.s32 $_size__tile_overlayer_lowered;
	s6 =	simm.s32 $_tile_overlayer_lowered  }
0x9b: {  	s22 =	simm.s32 $0x1BFF;
	s21 =	sshll.u32 s6, $0x1;
	s3 =	sadd.s32 s4, s19  }
0x9c: {  	s7 =	simm.s32 $0x0;
	s20 =	sshll.u32 s5, $0x1;
	s5 =	sadd.s32 s21, s3  }
0x9d: {  	[timem:s7], [sflag:s22] =	dma.local [hbm:s5], s20  }
0x9e: {  	_ =	swait.ge [sflag:s22], s20  }
0x9f: {  	s4 =	ssub.s32 $0x0, s20;
	[sflag:s22] =	ssyncset.done $0x0  }
0xa0: {  	[sflag:s22] =	ssyncadd.s32 s4;
	_ =	sdelay $0x1  }
0xa1: {  	s23 =	simm.s32 $0x1B8B  }
0xa2: {  	_ =	swait.ge [sflag:s23], $0x1  }
0xa3: {  	[sflag:s23] =	ssyncset.done $0x0  }
0xa4: {  	s25 =	simm.s32 $0x1B8E;
	s24 =	sld [smem:$0x3FFE];
	[sflag:s23] =	ssyncadd.s32 $0xFFFFFFFF  }
0xa5: {  	s26 =	simm.s32 $execute0_lowered;
	[smem:$0x3FD2] =	sst s25  }
0xa6: {  	s5 =	sshll.u32 s26, $0x1;
	_ =	strace $0x80000046;
	[dreg:$0x1] =	wrdreg $0xFFFFFFFF  }
0xa7: {  	s28 =	simm.s32 $_size_execute0_lowered;
	s3 =	sadd.s32 s3, s5;
	[dreg:$0x0] =	wrdreg $0x0  }
0xa8: {  	s5 =	sshll.u32 s28, $0x1;
	[dreg:$0x2] =	wrdreg s3  }
0xa9: {  	[dreg:$0x3] =	wrdreg s5  }
0xaa: {  	[dreg:$0x4] =	wrdreg $0xC0  }
0xab: {  	_ =	task [dreg:s7], $0x5FFFF  }
0xac: {  	[dreg:$0x1] =	wrdreg $0xFFFFFFFF  }
0xad: {  	[dreg:$0x0] =	wrdreg $0x60  }
0xae: {  	[dreg:$0x2] =	wrdreg s24  }
0xaf: {  	[dreg:$0x3] =	wrdreg s2  }
0xb0: {  	[dreg:$0x4] =	wrdreg $0x9  }
0xb1: {  	_ =	task.clear_ibuf [dreg:s7], $0x5FFFF;
	_ =	strace $0x90000046  }
0xb2: {  	s29 =	simm.s32 $0x9;
	_ =	strace $0x80000048  }
0xb3: {  	_ =	swait.ge [sflag:s29], $0x1  }
0xb4: {  	[sflag:s29] =	ssyncadd.s32 $0xFFFFFFFF  }
0xb5: {  	_ =	strace $0x90000048  }
0xb6: {  	_ =	sfence  }
0xb7: {  	s30 =	sld [smem:$0x0];
	_ =	sdelay $0x2  }
0xb8: {  	s31 =	sshll.u32 s1, $0xD;
	s1 =	sshrl.u32 s1, $0x2  }
0xb9: {  	s3 =	sand.u32 $0x4000, s31;
	s1 =	sadd.s32 s1, s30  }
0xba: {  	s0 =	sor.u32 s3, s0;
	s1 =	sshll.u32 s1, $0x11  }
0xbb: {  	s0 =	sor.u32 s1, s0  }
0xbc: {  	s0 =	sadd.s32 $0x8F2B, s0  }
0xbd: {  	[sflag:s0] =	ssyncadd.remote.s32 $0x1  }
0xbe: {  	_ =	sfence.sel $0xFFFF  }
0xbf: {  	[dreg:$0x0] =	wrdreg $0xFFFFFFFF;
	(pc) =	sbr.abs _section_cstart, $3  }
0xc0: {  	[dreg:$0x1] =	wrdreg $0xFFFFFFFF  }
0xc1: {  	_ =	task.clear_ibuf [dreg:s7], $0x2FFFF;
	_ =	strace $0x9FFFFFFF  }
0xc2: {  	(tm) =	ssettm $0x7FFFFFFF  }
0xc3: {  	_ =	shalt  }
tec
execute0_lowered:
.L_overlay_start_1:
0x0: {  	(tag) =	ssettag $0x1  }
0x1: {  	s0 =	rddreg [dreg:$0x0]  }
0x2: {  	s1 =	rddreg [dreg:$0x1];
	s3 =	simm.s32 $0x0  }
0x3: {  	s2 =	srdreg.scid;
	s5 =	stileid.u32;
	s15 =	simm.s32 $0x200  }
0x4: {  	s20 =	simm.s32 $0x1;
	s21 =	simm.s32 $0x14800;
	s18 =	simm.s32 $0x2  }
0x5: {  	s30 =	simm.s32 $0x18900;
	s23 =	simm.s32 $0x1C158;
	s24 =	simm.s32 $0x1C360  }
0x6: {  	s28 =	simm.s32 $0x1C978;
	s29 =	simm.s32 $0x0;
	[smem:$0x7FF] =	sst s3  }
0x7: {  	s2 =	sand.u32 $0x1, s2;
	s4 =	sadd.s32 $0x600, s0;
	s6 =	sshll.u32 s5, $0x1  }
0x8: {  	s5 =	sadd.s32 $0x64600, s0;
	s11 =	sadd.s32 $0x4000, s1;
	s12 =	sadd.s32 $0x8000, s1  }
0x9: {  	s13 =	sadd.s32 $0xC000, s1;
	_ =	strace $0x80000047;
	[dreg:$0x3] =	wrdreg s4  }
0xa: {  	s25 =	ssub.s32 $0x2, s2;
	s2 =	sor.u32 s2, s6;
	s4 =	simm.s32 $0x0  }
0xb: {  	v0 =	vlaneseq.u32;
	s26 =	sshrl.u32 s25, $0x1;
	s31 =	sshll.u32 s2, $0x9;
	s7 =	sshll.u32 s2, $0xC  }
0xc: {  	v0 =	vmul.u32 $0x208, v0;
	s0 =	ssub.s32 s25, s26;
	[dreg:$0x4] =	wrdreg s31;
	s8 =	sor.u32 $0xC00, s7  }
0xd: {  	s9 =	sor.u32 $0x400, s7;
	s10 =	sor.u32 $0x800, s7;
	s0 =	smax.u32 s0, $0x1  }
0xe: {  	v1 =	vadd.s32 $0x2080, v0;
	s25 =	simm.s32 $0x1C568;
	s26 =	simm.s32 $0x1C770;
	[dreg:$0x5] =	wrdreg s0  }
.LBB2_1:
0xf: {  	[dreg:$0x6] =	wrdreg s4;
	p1 =	por $0x1, $0x1;
	s0 =	simm.s32 $0x0  }
.LBB2_2:
0x10: {  	s2 =	smul.u32 $0x190000, s0  }
0x11: {  	s4 =	rddreg [dreg:$0x4]  }
0x12: {  	s2 =	sor.u32 s4, s2  }
0x13: {  	s14 =	rddreg [dreg:$0x3];
	s2 =	sshrl.u32 s2, $0x3  }
0x14: {  	s16 =	simm.s32 $0x4000;
	s17 =	simm.s32 $0x5;
	s2 =	sadd.s32 s14, s2  }
0x15: {  	[tilespmem:s29], [sflag:$0x5] =	stream.strided.gather [hbm4b:s2+s15], $0xC800, s16, s15, $0x38;
	[tilespmem:$0x1CA00] =	vst v63  }
0x16: {  	_ =	swait.ge [sflag:s17], $0xC800  }
0x17: {  	[sflag:s17] =	ssyncset.done $0x0  }
0x18: {  	s19 =	simm.s32 $0xC800;
	s22 =	simm.s32 $0x10800;
	[sflag:s17] =	ssyncadd.s32 $0xFFFF3800  }
0x19: {  	[tilespmem:s19], [sflag:$0x1] =	stream.indirect.gather [hbm4b:s5+s15], $0x20, s29, s15, $0xb8;
	[tilespmem:$0x1CA00] =	vst v63  }
0x1a: {  	p0 =	por p1, p1;
	s31 =	simm.s32 $0x0;
	s19 =	smul.u32 $0x64, s0  }
0x1b: {  	[tilespmem:s22], [sflag:$0x2] =	stream.indirect.gather [hbm4b:s5+s15], $0x20, s15, s15, $0xb8;
	[tilespmem:$0x1CA00] =	vst v63  }
.LBB2_3:
0x1c: {  	s0 =	sshll.u32 s31, $0x1  }
0x1d: {  	_ =	swait.ge [sflag:s20], $0x4000;
	s2 =	sadd.s32 s19, s0  }
0x1e: {  	[sflag:s20] =	ssyncset.done $0x0;
	p1 =	seq.s32 s2, $0x0  }
0x1f: {  	[sflag:s20] =	ssyncadd.s32 $0xFFFFC000;
	s4 =	simm.s32 @!p1 $0x3  }
0x20: {  	_ =	swait.ge @!p1 [sflag:s4], $0x400  }
0x21: {  	[sflag:s4] =	ssyncset.done @!p1 $0x0  }
0x22: {  	[sflag:s4] =	ssyncadd.s32 @!p1 $0xFFFFFC00  }
0x23: {  	_ =	swait.ge @!p1 [sflag:s4], $0x400  }
0x24: {  	[sflag:s4] =	ssyncset.done @!p1 $0x0  }
0x25: {  	[sflag:s4] =	ssyncadd.s32 @!p1 $0xFFFFFC00  }
0x26: {  	_ =	swait.ge @!p1 [sflag:s4], $0x400  }
0x27: {  	[sflag:s4] =	ssyncset.done @!p1 $0x0  }
0x28: {  	[sflag:s4] =	ssyncadd.s32 @!p1 $0xFFFFFC00  }
0x29: {  	_ =	swait.ge @!p1 [sflag:s4], $0x400  }
0x2a: {  	[sflag:s4] =	ssyncset.done @!p1 $0x0  }
0x2b: {  	[sflag:s4] =	ssyncadd.s32 @!p1 $0xFFFFFC00  }
0x2c: {  	_ =	swait.ge @!p1 [sflag:s4], $0x400  }
0x2d: {  	[sflag:s4] =	ssyncset.done @!p1 $0x0  }
0x2e: {  	[sflag:s4] =	ssyncadd.s32 @!p1 $0xFFFFFC00  }
0x2f: {  	_ =	swait.ge @!p1 [sflag:s4], $0x400  }
0x30: {  	[sflag:s4] =	ssyncset.done @!p1 $0x0  }
0x31: {  	[sflag:s4] =	ssyncadd.s32 @!p1 $0xFFFFFC00  }
0x32: {  	_ =	swait.ge @!p1 [sflag:s4], $0x400  }
0x33: {  	[sflag:s4] =	ssyncset.done @!p1 $0x0  }
0x34: {  	[sflag:s4] =	ssyncadd.s32 @!p1 $0xFFFFFC00  }
0x35: {  	_ =	swait.ge @!p1 [sflag:s4], $0x400  }
0x36: {  	[sflag:s4] =	ssyncset.done @!p1 $0x0  }
0x37: {  	[sflag:s4] =	ssyncadd.s32 @!p1 $0xFFFFFC00  }
0x38: {  	_ =	swait.ge @!p1 [sflag:s4], $0x400  }
0x39: {  	[sflag:s4] =	ssyncset.done @!p1 $0x0  }
0x3a: {  	[sflag:s4] =	ssyncadd.s32 @!p1 $0xFFFFFC00  }
0x3b: {  	_ =	swait.ge @!p1 [sflag:s4], $0x400  }
0x3c: {  	[sflag:s4] =	ssyncset.done @!p1 $0x0  }
0x3d: {  	[sflag:s4] =	ssyncadd.s32 @!p1 $0xFFFFFC00  }
0x3e: {  	_ =	swait.ge @!p1 [sflag:s4], $0x400  }
0x3f: {  	[sflag:s4] =	ssyncset.done @!p1 $0x0  }
0x40: {  	[sflag:s4] =	ssyncadd.s32 @!p1 $0xFFFFFC00  }
0x41: {  	_ =	swait.ge @!p1 [sflag:s4], $0x400  }
0x42: {  	[sflag:s4] =	ssyncset.done @!p1 $0x0  }
0x43: {  	[sflag:s4] =	ssyncadd.s32 @!p1 $0xFFFFFC00  }
0x44: {  	_ =	swait.ge @!p1 [sflag:s4], $0x400  }
0x45: {  	[sflag:s4] =	ssyncset.done @!p1 $0x0  }
0x46: {  	[sflag:s4] =	ssyncadd.s32 @!p1 $0xFFFFFC00  }
0x47: {  	_ =	swait.ge @!p1 [sflag:s4], $0x400  }
0x48: {  	[sflag:s4] =	ssyncset.done @!p1 $0x0  }
0x49: {  	[sflag:s4] =	ssyncadd.s32 @!p1 $0xFFFFFC00  }
0x4a: {  	_ =	swait.ge @!p1 [sflag:s4], $0x400  }
0x4b: {  	[sflag:s4] =	ssyncset.done @!p1 $0x0  }
0x4c: {  	[sflag:s4] =	ssyncadd.s32 @!p1 $0xFFFFFC00  }
0x4d: {  	s6 =	simm.s32 $0x3;
	_ =	swait.ge @!p1 [sflag:s4], $0x400  }
0x4e: {  	v2 =	vmov s6;
	[sflag:s4] =	ssyncset.done @!p1 $0x0  }
0x4f: {  	s14 =	simm.s32 $0xC840;
	v3 =	vmov s29;
	v2 =	vand.u32 $0x1FF, v2;
	[sflag:s4] =	ssyncadd.s32 @!p1 $0xFFFFFC00  }
0x50: {  	v3 =	vand.u32 $0x1FC, v3;
	v5 =	vadd.s32 v0, v2;
	v4 =	vld [tilespmem:s14+$0x20]  }
0x51: {  	v7 =	vadd.s32 v0, v3;
	v6 =	vld [tilespmem:s14+$0xFFFFFFC0]  }
0x52: {  	s6 =	simm.s32 $0x2  }
0x53: {  	v9 =	vmov s6  }
0x54: {  	s22 =	simm.s32 $0x1;
	v16 =	vand.u32 $0x1FE, v9  }
0x55: {  	v8 =	vmov s22;
	v12 =	vadd.s32 v0, v16;
	v9 =	vld [tilespmem:s14+$0x0];
	[tilespmem:v5+s21+$0x0] =	vst.idx.msk $0xffff, v4  }
0x56: {  	s16 =	simm.s32 $0x7;
	v8 =	vand.u32 $0x1FD, v8;
	v14 =	vadd.s32 v1, v2;
	[tilespmem:v7+s21+$0x0] =	vst.idx.msk $0xffff, v6;
	v6 =	vld [tilespmem:s14+$0x30]  }
0x57: {  	s17 =	simm.s32 $0x4;
	v11 =	vadd.s32 v0, v8;
	v10 =	vld [tilespmem:s14+$0xFFFFFFE0];
	v4 =	vmov s16  }
0x58: {  	s22 =	simm.s32 $0x5;
	v18 =	vadd.s32 v1, v3;
	v2 =	vmov s17;
	s4 =	simm.s32 $0xC8C0;
	v4 =	vand.u32 $0x1FF, v4;
	v17 =	vld [tilespmem:s14+$0xFFFFFFD0]  }
0x59: {  	v19 =	vld [tilespmem:s4+$0x20];
	s16 =	simm.s32 $0x6;
	v5 =	vand.u32 $0x1FC, v2;
	v2 =	vmov s22;
	v20 =	vadd.s32 v0, v4  }
0x5a: {  	v13 =	vld [tilespmem:s4+$0xFFFFFFC0];
	[tilespmem:v12+s21+$0x0] =	vst.idx.msk $0xffff, v9;
	v7 =	vmov s16;
	v15 =	vadd.s32 v0, v5;
	v3 =	vand.u32 $0x1FD, v2  }
0x5b: {  	v12 =	vld [tilespmem:s4+$0xFFFFFFE0];
	v2 =	vand.u32 $0x1FE, v7;
	[tilespmem:v14+s21+$0x0] =	vst.idx.msk $0xffff, v6;
	v14 =	vadd.s32 v0, v3  }
0x5c: {  	[tilespmem:v11+s21+$0x0] =	vst.idx.msk $0xffff, v10;
	v7 =	vld [tilespmem:s4+$0x0];
	v11 =	vadd.s32 v0, v2  }
0x5d: {  	s6 =	simm.s32 $0xC;
	v8 =	vadd.s32 v1, v8;
	[tilespmem:v18+s21+$0x0] =	vst.idx.msk $0xffff, v17;
	v6 =	vld [tilespmem:s14+$0xFFFFFFF0]  }
0x5e: {  	s17 =	simm.s32 $0xB;
	v10 =	vadd.s32 v1, v16;
	s16 =	simm.s32 $0x8;
	v9 =	vld [tilespmem:s14+$0x10];
	s14 =	simm.s32 $0xC8C0;
	[tilespmem:v20+s21+$0x0] =	vst.idx.msk $0xffff, v19  }
.LBB2_4:
0x5f: {  	p1 =	slt.u32 s6, $0x1FC;
	v16 =	vmov s17;
	[tilespmem:v15+s21+$0x0] =	vst.idx.msk $0xffff, v13;
	v17 =	vld [tilespmem:s4+$0x30];
	v18 =	vadd.s32 v1, v4  }
0x60: {  	v13 =	vmov s16;
	s17 =	sadd.s32 $0x1, s16;
	v19 =	vadd.s32 v1, v5;
	s4 =	sadd.s32 $0x80, s4;
	v4 =	vand.u32 $0x1FF, v16;
	v16 =	vld [tilespmem:s14+$0xFFFFFFD0];
	[tilespmem:v14+s21+$0x0] =	vst.idx.msk $0xffff, v12  }
0x61: {  	v5 =	vand.u32 $0x1FC, v13;
	v12 =	vmov s17;
	s17 =	sadd.s32 $0x2, s16;
	s16 =	smov.u32 s6;
	v20 =	vld [tilespmem:s4+$0x20];
	v21 =	vadd.s32 v0, v4;
	[tilespmem:v11+s21+$0x0] =	vst.idx.msk $0xffff, v7  }
.Ltmp0:
0x62: {  	v15 =	vadd.s32 v0, v5;
	v22 =	vand.u32 $0x1FD, v12;
	v7 =	vmov s17;
	v13 =	vld [tilespmem:s4+$0xFFFFFFC0];
	[tilespmem:v8+s21+$0x0] =	vst.idx.msk $0xffff, v6;
	(pc) =	sbr.rel @p1 .LBB2_4-.Ltmp0, $4  }
0x63: {  	v14 =	vadd.s32 v0, v22;
	v23 =	vand.u32 $0x1FE, v7;
	v12 =	vld [tilespmem:s4+$0xFFFFFFE0];
	[tilespmem:v10+s21+$0x0] =	vst.idx.msk $0xffff, v9  }
0x64: {  	v11 =	vadd.s32 v0, v23;
	v7 =	vld [tilespmem:s4+$0x0];
	[tilespmem:v18+s21+$0x0] =	vst.idx.msk $0xffff, v17  }
0x65: {  	v8 =	vadd.s32 v1, v3;
	v3 =	vmov v22;
	[tilespmem:v19+s21+$0x0] =	vst.idx.msk $0xffff, v16;
	v6 =	vld [tilespmem:s14+$0xFFFFFFF0]  }
0x66: {  	s6 =	sadd.s32 $0x4, s6;
	s17 =	sadd.s32 $0x3, s16;
	v10 =	vadd.s32 v1, v2;
	v2 =	vmov v23;
	[tilespmem:v21+s21+$0x0] =	vst.idx.msk $0xffff, v20;
	v9 =	vld [tilespmem:s14+$0x10];
	s14 =	smov.u32 s4  }
0x67: {  	_ =	sdelay $0x3  }
0x68: {  	v16 =	vmov s17;
	[tilespmem:v15+s21+$0x0] =	vst.idx.msk $0xffff, v13;
	v13 =	vld [tilespmem:s4+$0x30];
	v4 =	vadd.s32 v1, v4  }
0x69: {  	v15 =	vmov s16;
	s6 =	sadd.s32 $0x1, s16;
	v5 =	vadd.s32 v1, v5;
	s17 =	sadd.s32 $0x80, s4;
	v16 =	vand.u32 $0x1FF, v16;
	v17 =	vld [tilespmem:s14+$0xFFFFFFD0];
	[tilespmem:v14+s21+$0x0] =	vst.idx.msk $0xffff, v12  }
0x6a: {  	s22 =	sadd.s32 $0x2, s16;
	v12 =	vand.u32 $0x1FC, v15;
	v14 =	vmov s6;
	v15 =	vld [tilespmem:s17+$0x20];
	v18 =	vadd.s32 v0, v16;
	[tilespmem:v11+s21+$0x0] =	vst.idx.msk $0xffff, v7  }
0x6b: {  	v19 =	vmov s22;
	v7 =	vld [tilespmem:s17+$0xFFFFFFC0];
	v11 =	vadd.s32 v0, v12;
	v14 =	vand.u32 $0x1FD, v14;
	[tilespmem:v8+s21+$0x0] =	vst.idx.msk $0xffff, v6  }
0x6c: {  	v19 =	vand.u32 $0x1FE, v19;
	v6 =	vld [tilespmem:s17+$0xFFFFFFE0];
	v8 =	vadd.s32 v0, v14;
	[tilespmem:v10+s21+$0x0] =	vst.idx.msk $0xffff, v9  }
0x6d: {  	v9 =	vld [tilespmem:s17+$0x0];
	v10 =	vadd.s32 v0, v19;
	[tilespmem:v4+s21+$0x0] =	vst.idx.msk $0xffff, v13  }
0x6e: {  	v3 =	vadd.s32 v1, v3;
	v4 =	vld [tilespmem:s14+$0xFFFFFFF0];
	[tilespmem:v5+s21+$0x0] =	vst.idx.msk $0xffff, v17  }
0x6f: {  	v2 =	vadd.s32 v1, v2;
	v5 =	vld [tilespmem:s14+$0x10];
	[tilespmem:v18+s21+$0x0] =	vst.idx.msk $0xffff, v15  }
0x70: {  	[tilespmem:v11+s21+$0x0] =	vst.idx.msk $0xffff, v7;
	v11 =	vadd.s32 v1, v16;
	v7 =	vld [tilespmem:s17+$0x30]  }
0x71: {  	v12 =	vadd.s32 v1, v12;
	v13 =	vld [tilespmem:s17+$0xFFFFFFD0];
	[tilespmem:v8+s21+$0x0] =	vst.idx.msk $0xffff, v6  }
0x72: {  	v8 =	vadd.s32 v1, v14;
	[tilespmem:v10+s21+$0x0] =	vst.idx.msk $0xffff, v9;
	v6 =	vld [tilespmem:s17+$0xFFFFFFF0]  }
0x73: {  	[tilespmem:v3+s21+$0x0] =	vst.idx.msk $0xffff, v4;
	v3 =	vld [tilespmem:s17+$0x10];
	v4 =	vadd.s32 v1, v19  }
0x74: {  	[tilespmem:v2+s21+$0x0] =	vst.idx.msk $0xffff, v5  }
0x75: {  	[tilespmem:v11+s21+$0x0] =	vst.idx.msk $0xffff, v7  }
0x76: {  	s14 =	smin.u32 s0, $0x61;
	[tilespmem:v12+s21+$0x0] =	vst.idx.msk $0xffff, v13  }
0x77: {  	s6 =	sshll.u32 s2, $0x13;
	s4 =	sshll.u32 s14, $0x9;
	[tilespmem:v8+s21+$0x0] =	vst.idx.msk $0xffff, v6  }
0x78: {  	s16 =	simm.s32 $0xC800;
	s2 =	sor.u32 s7, s6;
	s4 =	sadd.s32 $0x400, s4;
	[tilespmem:v4+s21+$0x0] =	vst.idx.msk $0xffff, v3  }
0x79: {  	[tilespmem:s16], [sflag:$0x1] =	stream.indirect.gather [hbm4b:s5+s15], $0x20, s4, s15, $0xb8;
	[tilespmem:$0x1CA00] =	vst v63  }
0x7a: {  	s4 =	sshrl.u32 s2, $0x3  }
0x7b: {  	s2 =	sadd.s32 s1, s4  }
0x7c: {  	[hbm4b:s2+s3] =	stream.linear.scatter [tilespmem:s21], [sflag:$0x3], $0x80, $0x38;
	[tilespmem:$0x1CA00] =	vst v63  }
0x7d: {  	s22 =	simm.s32 $0x14A08;
	s17 =	sadd.s32 $0x10, s2  }
0x7e: {  	[hbm4b:s17+s3] =	stream.linear.scatter [tilespmem:s22], [sflag:$0x3], $0x80, $0x38;
	[tilespmem:$0x1CA00] =	vst v63  }
0x7f: {  	s17 =	sadd.s32 $0x20, s2;
	s22 =	simm.s32 $0x14C10  }
0x80: {  	[hbm4b:s17+s3] =	stream.linear.scatter [tilespmem:s22], [sflag:$0x3], $0x80, $0x38;
	[tilespmem:$0x1CA00] =	vst v63  }
0x81: {  	s17 =	sadd.s32 $0x30, s2;
	s22 =	simm.s32 $0x14E18  }
0x82: {  	[hbm4b:s17+s3] =	stream.linear.scatter [tilespmem:s22], [sflag:$0x3], $0x80, $0x38;
	[tilespmem:$0x1CA00] =	vst v63  }
0x83: {  	s17 =	sadd.s32 $0x40, s2;
	s22 =	simm.s32 $0x15020  }
0x84: {  	[hbm4b:s17+s3] =	stream.linear.scatter [tilespmem:s22], [sflag:$0x3], $0x80, $0x38;
	[tilespmem:$0x1CA00] =	vst v63  }
0x85: {  	s17 =	sadd.s32 $0x50, s2;
	s22 =	simm.s32 $0x15228  }
0x86: {  	[hbm4b:s17+s3] =	stream.linear.scatter [tilespmem:s22], [sflag:$0x3], $0x80, $0x38;
	[tilespmem:$0x1CA00] =	vst v63  }
0x87: {  	s16 =	sadd.s32 $0x60, s2;
	s17 =	simm.s32 $0x15430  }
0x88: {  	[hbm4b:s16+s3] =	stream.linear.scatter [tilespmem:s17], [sflag:$0x3], $0x80, $0x38;
	[tilespmem:$0x1CA00] =	vst v63  }
0x89: {  	s14 =	sor.u32 s9, s6;
	s2 =	sadd.s32 $0x70, s2;
	s22 =	simm.s32 $0x15638  }
0x8a: {  	[hbm4b:s2+s3] =	stream.linear.scatter [tilespmem:s22], [sflag:$0x3], $0x80, $0x38;
	[tilespmem:$0x1CA00] =	vst v63  }
0x8b: {  	s2 =	sshrl.u32 s14, $0x3  }
0x8c: {  	s16 =	simm.s32 $0x14880;
	s2 =	sadd.s32 s1, s2  }
0x8d: {  	[hbm4b:s2+s3] =	stream.linear.scatter [tilespmem:s16], [sflag:$0x3], $0x80, $0x38;
	[tilespmem:$0x1CA00] =	vst v63  }
0x8e: {  	s22 =	simm.s32 $0x14A88;
	s17 =	sadd.s32 $0x10, s2  }
0x8f: {  	[hbm4b:s17+s3] =	stream.linear.scatter [tilespmem:s22], [sflag:$0x3], $0x80, $0x38;
	[tilespmem:$0x1CA00] =	vst v63  }
0x90: {  	s17 =	sadd.s32 $0x20, s2;
	s22 =	simm.s32 $0x14C90  }
0x91: {  	[hbm4b:s17+s3] =	stream.linear.scatter [tilespmem:s22], [sflag:$0x3], $0x80, $0x38;
	[tilespmem:$0x1CA00] =	vst v63  }
0x92: {  	s17 =	sadd.s32 $0x30, s2;
	s22 =	simm.s32 $0x14E98  }
0x93: {  	[hbm4b:s17+s3] =	stream.linear.scatter [tilespmem:s22], [sflag:$0x3], $0x80, $0x38;
	[tilespmem:$0x1CA00] =	vst v63  }
0x94: {  	s17 =	sadd.s32 $0x40, s2;
	s22 =	simm.s32 $0x150A0  }
0x95: {  	[hbm4b:s17+s3] =	stream.linear.scatter [tilespmem:s22], [sflag:$0x3], $0x80, $0x38;
	[tilespmem:$0x1CA00] =	vst v63  }
0x96: {  	s17 =	sadd.s32 $0x50, s2;
	s22 =	simm.s32 $0x152A8  }
0x97: {  	[hbm4b:s17+s3] =	stream.linear.scatter [tilespmem:s22], [sflag:$0x3], $0x80, $0x38;
	[tilespmem:$0x1CA00] =	vst v63  }
0x98: {  	s17 =	sadd.s32 $0x60, s2;
	s22 =	simm.s32 $0x154B0  }
0x99: {  	[hbm4b:s17+s3] =	stream.linear.scatter [tilespmem:s22], [sflag:$0x3], $0x80, $0x38;
	[tilespmem:$0x1CA00] =	vst v63  }
0x9a: {  	s17 =	sadd.s32 $0x70, s2;
	s22 =	simm.s32 $0x156B8  }
0x9b: {  	[hbm4b:s17+s3] =	stream.linear.scatter [tilespmem:s22], [sflag:$0x3], $0x80, $0x38;
	[tilespmem:$0x1CA00] =	vst v63  }
0x9c: {  	s17 =	sor.u32 s10, s6  }
0x9d: {  	s14 =	sshrl.u32 s17, $0x3  }
0x9e: {  	s22 =	simm.s32 $0x14900;
	s14 =	sadd.s32 s1, s14  }
0x9f: {  	[hbm4b:s14+s3] =	stream.linear.scatter [tilespmem:s22], [sflag:$0x3], $0x80, $0x38;
	[tilespmem:$0x1CA00] =	vst v63  }
0xa0: {  	s17 =	sadd.s32 $0x10, s14;
	s22 =	simm.s32 $0x14B08  }
0xa1: {  	[hbm4b:s17+s3] =	stream.linear.scatter [tilespmem:s22], [sflag:$0x3], $0x80, $0x38;
	[tilespmem:$0x1CA00] =	vst v63  }
0xa2: {  	s17 =	sadd.s32 $0x20, s14;
	s22 =	simm.s32 $0x14D10  }
0xa3: {  	[hbm4b:s17+s3] =	stream.linear.scatter [tilespmem:s22], [sflag:$0x3], $0x80, $0x38;
	[tilespmem:$0x1CA00] =	vst v63  }
0xa4: {  	s17 =	sadd.s32 $0x30, s14;
	s22 =	simm.s32 $0x14F18  }
0xa5: {  	[hbm4b:s17+s3] =	stream.linear.scatter [tilespmem:s22], [sflag:$0x3], $0x80, $0x38;
	[tilespmem:$0x1CA00] =	vst v63  }
0xa6: {  	s17 =	sadd.s32 $0x40, s14;
	s22 =	simm.s32 $0x15120  }
0xa7: {  	[hbm4b:s17+s3] =	stream.linear.scatter [tilespmem:s22], [sflag:$0x3], $0x80, $0x38;
	[tilespmem:$0x1CA00] =	vst v63  }
0xa8: {  	s17 =	sadd.s32 $0x50, s14;
	s22 =	simm.s32 $0x15328  }
0xa9: {  	[hbm4b:s17+s3] =	stream.linear.scatter [tilespmem:s22], [sflag:$0x3], $0x80, $0x38;
	[tilespmem:$0x1CA00] =	vst v63  }
0xaa: {  	s6 =	sor.u32 s8, s6;
	s17 =	sadd.s32 $0x60, s14;
	s22 =	simm.s32 $0x15530  }
0xab: {  	[hbm4b:s17+s3] =	stream.linear.scatter [tilespmem:s22], [sflag:$0x3], $0x80, $0x38;
	[tilespmem:$0x1CA00] =	vst v63  }
0xac: {  	s6 =	sshrl.u32 s6, $0x3;
	s17 =	sadd.s32 $0x70, s14;
	s22 =	simm.s32 $0x15738  }
0xad: {  	[hbm4b:s17+s3] =	stream.linear.scatter [tilespmem:s22], [sflag:$0x3], $0x80, $0x38;
	[tilespmem:$0x1CA00] =	vst v63  }
0xae: {  	s16 =	sadd.s32 s1, s6;
	s22 =	simm.s32 $0x14980  }
0xaf: {  	[hbm4b:s16+s3] =	stream.linear.scatter [tilespmem:s22], [sflag:$0x3], $0x80, $0x38;
	[tilespmem:$0x1CA00] =	vst v63  }
0xb0: {  	s17 =	sadd.s32 $0x10, s16;
	s22 =	simm.s32 $0x14B88  }
0xb1: {  	[hbm4b:s17+s3] =	stream.linear.scatter [tilespmem:s22], [sflag:$0x3], $0x80, $0x38;
	[tilespmem:$0x1CA00] =	vst v63  }
0xb2: {  	s17 =	sadd.s32 $0x20, s16;
	s22 =	simm.s32 $0x14D90  }
0xb3: {  	[hbm4b:s17+s3] =	stream.linear.scatter [tilespmem:s22], [sflag:$0x3], $0x80, $0x38;
	[tilespmem:$0x1CA00] =	vst v63  }
0xb4: {  	s17 =	sadd.s32 $0x30, s16;
	s22 =	simm.s32 $0x14F98  }
0xb5: {  	[hbm4b:s17+s3] =	stream.linear.scatter [tilespmem:s22], [sflag:$0x3], $0x80, $0x38;
	[tilespmem:$0x1CA00] =	vst v63  }
0xb6: {  	s17 =	sadd.s32 $0x40, s16;
	s22 =	simm.s32 $0x151A0  }
0xb7: {  	[hbm4b:s17+s3] =	stream.linear.scatter [tilespmem:s22], [sflag:$0x3], $0x80, $0x38;
	[tilespmem:$0x1CA00] =	vst v63  }
0xb8: {  	s17 =	sadd.s32 $0x50, s16;
	s22 =	simm.s32 $0x153A8  }
0xb9: {  	[hbm4b:s17+s3] =	stream.linear.scatter [tilespmem:s22], [sflag:$0x3], $0x80, $0x38;
	[tilespmem:$0x1CA00] =	vst v63  }
0xba: {  	s17 =	sadd.s32 $0x60, s16;
	s22 =	simm.s32 $0x155B0  }
0xbb: {  	[hbm4b:s17+s3] =	stream.linear.scatter [tilespmem:s22], [sflag:$0x3], $0x80, $0x38;
	[tilespmem:$0x1CA00] =	vst v63  }
0xbc: {  	s17 =	sadd.s32 $0x70, s16;
	s22 =	simm.s32 $0x157B8  }
0xbd: {  	[hbm4b:s17+s3] =	stream.linear.scatter [tilespmem:s22], [sflag:$0x3], $0x80, $0x38;
	[tilespmem:$0x1CA00] =	vst v63  }
0xbe: {  	s6 =	sadd.s32 s4, s11;
	s22 =	simm.s32 $0x15840  }
0xbf: {  	[hbm4b:s6+s3] =	stream.linear.scatter [tilespmem:s22], [sflag:$0x3], $0x80, $0x38;
	[tilespmem:$0x1CA00] =	vst v63  }
0xc0: {  	s17 =	sadd.s32 $0x10, s6;
	s22 =	simm.s32 $0x15A48  }
0xc1: {  	[hbm4b:s17+s3] =	stream.linear.scatter [tilespmem:s22], [sflag:$0x3], $0x80, $0x38;
	[tilespmem:$0x1CA00] =	vst v63  }
0xc2: {  	s17 =	sadd.s32 $0x20, s6;
	s22 =	simm.s32 $0x15C50  }
0xc3: {  	[hbm4b:s17+s3] =	stream.linear.scatter [tilespmem:s22], [sflag:$0x3], $0x80, $0x38;
	[tilespmem:$0x1CA00] =	vst v63  }
0xc4: {  	s17 =	sadd.s32 $0x30, s6;
	s22 =	simm.s32 $0x15E58  }
0xc5: {  	[hbm4b:s17+s3] =	stream.linear.scatter [tilespmem:s22], [sflag:$0x3], $0x80, $0x38;
	[tilespmem:$0x1CA00] =	vst v63  }
0xc6: {  	s17 =	sadd.s32 $0x40, s6;
	s22 =	simm.s32 $0x16060  }
0xc7: {  	[hbm4b:s17+s3] =	stream.linear.scatter [tilespmem:s22], [sflag:$0x3], $0x80, $0x38;
	[tilespmem:$0x1CA00] =	vst v63  }
0xc8: {  	s17 =	sadd.s32 $0x50, s6;
	s22 =	simm.s32 $0x16268  }
0xc9: {  	[hbm4b:s17+s3] =	stream.linear.scatter [tilespmem:s22], [sflag:$0x3], $0x80, $0x38;
	[tilespmem:$0x1CA00] =	vst v63  }
0xca: {  	s17 =	sadd.s32 $0x60, s6;
	s22 =	simm.s32 $0x16470  }
0xcb: {  	[hbm4b:s17+s3] =	stream.linear.scatter [tilespmem:s22], [sflag:$0x3], $0x80, $0x38;
	[tilespmem:$0x1CA00] =	vst v63  }
0xcc: {  	s6 =	sadd.s32 $0x70, s6;
	s22 =	simm.s32 $0x16678  }
0xcd: {  	[hbm4b:s6+s3] =	stream.linear.scatter [tilespmem:s22], [sflag:$0x3], $0x80, $0x38;
	[tilespmem:$0x1CA00] =	vst v63  }
0xce: {  	s17 =	sadd.s32 $0x4000, s2;
	s22 =	simm.s32 $0x158C0  }
0xcf: {  	[hbm4b:s17+s3] =	stream.linear.scatter [tilespmem:s22], [sflag:$0x3], $0x80, $0x38;
	[tilespmem:$0x1CA00] =	vst v63  }
0xd0: {  	s17 =	sadd.s32 $0x4010, s2;
	s22 =	simm.s32 $0x15AC8  }
0xd1: {  	[hbm4b:s17+s3] =	stream.linear.scatter [tilespmem:s22], [sflag:$0x3], $0x80, $0x38;
	[tilespmem:$0x1CA00] =	vst v63  }
0xd2: {  	s17 =	sadd.s32 $0x4020, s2;
	s22 =	simm.s32 $0x15CD0  }
0xd3: {  	[hbm4b:s17+s3] =	stream.linear.scatter [tilespmem:s22], [sflag:$0x3], $0x80, $0x38;
	[tilespmem:$0x1CA00] =	vst v63  }
0xd4: {  	s17 =	sadd.s32 $0x4030, s2;
	s22 =	simm.s32 $0x15ED8  }
0xd5: {  	[hbm4b:s17+s3] =	stream.linear.scatter [tilespmem:s22], [sflag:$0x3], $0x80, $0x38;
	[tilespmem:$0x1CA00] =	vst v63  }
0xd6: {  	s17 =	sadd.s32 $0x4040, s2;
	s22 =	simm.s32 $0x160E0  }
0xd7: {  	[hbm4b:s17+s3] =	stream.linear.scatter [tilespmem:s22], [sflag:$0x3], $0x80, $0x38;
	[tilespmem:$0x1CA00] =	vst v63  }
0xd8: {  	s17 =	sadd.s32 $0x4050, s2;
	s22 =	simm.s32 $0x162E8  }
0xd9: {  	[hbm4b:s17+s3] =	stream.linear.scatter [tilespmem:s22], [sflag:$0x3], $0x80, $0x38;
	[tilespmem:$0x1CA00] =	vst v63  }
0xda: {  	s17 =	sadd.s32 $0x4060, s2;
	s22 =	simm.s32 $0x164F0  }
0xdb: {  	[hbm4b:s17+s3] =	stream.linear.scatter [tilespmem:s22], [sflag:$0x3], $0x80, $0x38;
	[tilespmem:$0x1CA00] =	vst v63  }
0xdc: {  	s17 =	sadd.s32 $0x4070, s2;
	s22 =	simm.s32 $0x166F8  }
0xdd: {  	[hbm4b:s17+s3] =	stream.linear.scatter [tilespmem:s22], [sflag:$0x3], $0x80, $0x38;
	[tilespmem:$0x1CA00] =	vst v63  }
0xde: {  	s17 =	sadd.s32 $0x4000, s14;
	s22 =	simm.s32 $0x15940  }
0xdf: {  	[hbm4b:s17+s3] =	stream.linear.scatter [tilespmem:s22], [sflag:$0x3], $0x80, $0x38;
	[tilespmem:$0x1CA00] =	vst v63  }
0xe0: {  	s17 =	sadd.s32 $0x4010, s14;
	s22 =	simm.s32 $0x15B48  }
0xe1: {  	[hbm4b:s17+s3] =	stream.linear.scatter [tilespmem:s22], [sflag:$0x3], $0x80, $0x38;
	[tilespmem:$0x1CA00] =	vst v63  }
0xe2: {  	s17 =	sadd.s32 $0x4020, s14;
	s22 =	simm.s32 $0x15D50  }
0xe3: {  	[hbm4b:s17+s3] =	stream.linear.scatter [tilespmem:s22], [sflag:$0x3], $0x80, $0x38;
	[tilespmem:$0x1CA00] =	vst v63  }
0xe4: {  	s17 =	sadd.s32 $0x4030, s14;
	s22 =	simm.s32 $0x15F58  }
0xe5: {  	[hbm4b:s17+s3] =	stream.linear.scatter [tilespmem:s22], [sflag:$0x3], $0x80, $0x38;
	[tilespmem:$0x1CA00] =	vst v63  }
0xe6: {  	s17 =	sadd.s32 $0x4040, s14;
	s22 =	simm.s32 $0x16160  }
0xe7: {  	[hbm4b:s17+s3] =	stream.linear.scatter [tilespmem:s22], [sflag:$0x3], $0x80, $0x38;
	[tilespmem:$0x1CA00] =	vst v63  }
0xe8: {  	s17 =	sadd.s32 $0x4050, s14;
	s22 =	simm.s32 $0x16368  }
0xe9: {  	[hbm4b:s17+s3] =	stream.linear.scatter [tilespmem:s22], [sflag:$0x3], $0x80, $0x38;
	[tilespmem:$0x1CA00] =	vst v63  }
0xea: {  	s17 =	sadd.s32 $0x4060, s14;
	s22 =	simm.s32 $0x16570  }
0xeb: {  	[hbm4b:s17+s3] =	stream.linear.scatter [tilespmem:s22], [sflag:$0x3], $0x80, $0x38;
	[tilespmem:$0x1CA00] =	vst v63  }
0xec: {  	s17 =	sadd.s32 $0x4070, s14;
	s22 =	simm.s32 $0x16778  }
0xed: {  	[hbm4b:s17+s3] =	stream.linear.scatter [tilespmem:s22], [sflag:$0x3], $0x80, $0x38;
	[tilespmem:$0x1CA00] =	vst v63  }
0xee: {  	s17 =	sadd.s32 $0x4000, s16;
	s22 =	simm.s32 $0x159C0  }
0xef: {  	[hbm4b:s17+s3] =	stream.linear.scatter [tilespmem:s22], [sflag:$0x3], $0x80, $0x38;
	[tilespmem:$0x1CA00] =	vst v63  }
0xf0: {  	s17 =	sadd.s32 $0x4010, s16;
	s22 =	simm.s32 $0x15BC8  }
0xf1: {  	[hbm4b:s17+s3] =	stream.linear.scatter [tilespmem:s22], [sflag:$0x3], $0x80, $0x38;
	[tilespmem:$0x1CA00] =	vst v63  }
0xf2: {  	s17 =	sadd.s32 $0x4020, s16;
	s22 =	simm.s32 $0x15DD0  }
0xf3: {  	[hbm4b:s17+s3] =	stream.linear.scatter [tilespmem:s22], [sflag:$0x3], $0x80, $0x38;
	[tilespmem:$0x1CA00] =	vst v63  }
0xf4: {  	s17 =	sadd.s32 $0x4030, s16;
	s22 =	simm.s32 $0x15FD8  }
0xf5: {  	[hbm4b:s17+s3] =	stream.linear.scatter [tilespmem:s22], [sflag:$0x3], $0x80, $0x38;
	[tilespmem:$0x1CA00] =	vst v63  }
0xf6: {  	s17 =	sadd.s32 $0x4040, s16;
	s22 =	simm.s32 $0x161E0  }
0xf7: {  	[hbm4b:s17+s3] =	stream.linear.scatter [tilespmem:s22], [sflag:$0x3], $0x80, $0x38;
	[tilespmem:$0x1CA00] =	vst v63  }
0xf8: {  	s17 =	sadd.s32 $0x4050, s16;
	s22 =	simm.s32 $0x163E8  }
0xf9: {  	[hbm4b:s17+s3] =	stream.linear.scatter [tilespmem:s22], [sflag:$0x3], $0x80, $0x38;
	[tilespmem:$0x1CA00] =	vst v63  }
0xfa: {  	s17 =	sadd.s32 $0x4060, s16;
	s22 =	simm.s32 $0x165F0  }
0xfb: {  	[hbm4b:s17+s3] =	stream.linear.scatter [tilespmem:s22], [sflag:$0x3], $0x80, $0x38;
	[tilespmem:$0x1CA00] =	vst v63  }
0xfc: {  	s17 =	sadd.s32 $0x4070, s16;
	s22 =	simm.s32 $0x167F8  }
0xfd: {  	[hbm4b:s17+s3] =	stream.linear.scatter [tilespmem:s22], [sflag:$0x3], $0x80, $0x38;
	[tilespmem:$0x1CA00] =	vst v63  }
0xfe: {  	s6 =	sadd.s32 s4, s12;
	s22 =	simm.s32 $0x16880  }
0xff: {  	[hbm4b:s6+s3] =	stream.linear.scatter [tilespmem:s22], [sflag:$0x3], $0x80, $0x38;
	[tilespmem:$0x1CA00] =	vst v63  }
0x100: {  	s17 =	sadd.s32 $0x10, s6;
	s22 =	simm.s32 $0x16A88  }
0x101: {  	[hbm4b:s17+s3] =	stream.linear.scatter [tilespmem:s22], [sflag:$0x3], $0x80, $0x38;
	[tilespmem:$0x1CA00] =	vst v63  }
0x102: {  	s17 =	sadd.s32 $0x20, s6;
	s22 =	simm.s32 $0x16C90  }
0x103: {  	[hbm4b:s17+s3] =	stream.linear.scatter [tilespmem:s22], [sflag:$0x3], $0x80, $0x38;
	[tilespmem:$0x1CA00] =	vst v63  }
0x104: {  	s17 =	sadd.s32 $0x30, s6;
	s22 =	simm.s32 $0x16E98  }
0x105: {  	[hbm4b:s17+s3] =	stream.linear.scatter [tilespmem:s22], [sflag:$0x3], $0x80, $0x38;
	[tilespmem:$0x1CA00] =	vst v63  }
0x106: {  	s17 =	sadd.s32 $0x40, s6;
	s22 =	simm.s32 $0x170A0  }
0x107: {  	[hbm4b:s17+s3] =	stream.linear.scatter [tilespmem:s22], [sflag:$0x3], $0x80, $0x38;
	[tilespmem:$0x1CA00] =	vst v63  }
0x108: {  	s17 =	sadd.s32 $0x50, s6;
	s22 =	simm.s32 $0x172A8  }
0x109: {  	[hbm4b:s17+s3] =	stream.linear.scatter [tilespmem:s22], [sflag:$0x3], $0x80, $0x38;
	[tilespmem:$0x1CA00] =	vst v63  }
0x10a: {  	s17 =	sadd.s32 $0x60, s6;
	s22 =	simm.s32 $0x174B0  }
0x10b: {  	[hbm4b:s17+s3] =	stream.linear.scatter [tilespmem:s22], [sflag:$0x3], $0x80, $0x38;
	[tilespmem:$0x1CA00] =	vst v63  }
0x10c: {  	s6 =	sadd.s32 $0x70, s6;
	s22 =	simm.s32 $0x176B8  }
0x10d: {  	[hbm4b:s6+s3] =	stream.linear.scatter [tilespmem:s22], [sflag:$0x3], $0x80, $0x38;
	[tilespmem:$0x1CA00] =	vst v63  }
0x10e: {  	s17 =	sadd.s32 $0x8000, s2;
	s22 =	simm.s32 $0x16900  }
0x10f: {  	[hbm4b:s17+s3] =	stream.linear.scatter [tilespmem:s22], [sflag:$0x3], $0x80, $0x38;
	[tilespmem:$0x1CA00] =	vst v63  }
0x110: {  	s17 =	sadd.s32 $0x8010, s2;
	s22 =	simm.s32 $0x16B08  }
0x111: {  	[hbm4b:s17+s3] =	stream.linear.scatter [tilespmem:s22], [sflag:$0x3], $0x80, $0x38;
	[tilespmem:$0x1CA00] =	vst v63  }
0x112: {  	s17 =	sadd.s32 $0x8020, s2;
	s22 =	simm.s32 $0x16D10  }
0x113: {  	[hbm4b:s17+s3] =	stream.linear.scatter [tilespmem:s22], [sflag:$0x3], $0x80, $0x38;
	[tilespmem:$0x1CA00] =	vst v63  }
0x114: {  	s17 =	sadd.s32 $0x8030, s2;
	s22 =	simm.s32 $0x16F18  }
0x115: {  	[hbm4b:s17+s3] =	stream.linear.scatter [tilespmem:s22], [sflag:$0x3], $0x80, $0x38;
	[tilespmem:$0x1CA00] =	vst v63  }
0x116: {  	s17 =	sadd.s32 $0x8040, s2;
	s22 =	simm.s32 $0x17120  }
0x117: {  	[hbm4b:s17+s3] =	stream.linear.scatter [tilespmem:s22], [sflag:$0x3], $0x80, $0x38;
	[tilespmem:$0x1CA00] =	vst v63  }
0x118: {  	s17 =	sadd.s32 $0x8050, s2;
	s22 =	simm.s32 $0x17328  }
0x119: {  	[hbm4b:s17+s3] =	stream.linear.scatter [tilespmem:s22], [sflag:$0x3], $0x80, $0x38;
	[tilespmem:$0x1CA00] =	vst v63  }
0x11a: {  	s17 =	sadd.s32 $0x8060, s2;
	s22 =	simm.s32 $0x17530  }
0x11b: {  	[hbm4b:s17+s3] =	stream.linear.scatter [tilespmem:s22], [sflag:$0x3], $0x80, $0x38;
	[tilespmem:$0x1CA00] =	vst v63  }
0x11c: {  	s17 =	sadd.s32 $0x8070, s2;
	s22 =	simm.s32 $0x17738  }
0x11d: {  	[hbm4b:s17+s3] =	stream.linear.scatter [tilespmem:s22], [sflag:$0x3], $0x80, $0x38;
	[tilespmem:$0x1CA00] =	vst v63  }
0x11e: {  	s17 =	sadd.s32 $0x8000, s14;
	s22 =	simm.s32 $0x16980  }
0x11f: {  	[hbm4b:s17+s3] =	stream.linear.scatter [tilespmem:s22], [sflag:$0x3], $0x80, $0x38;
	[tilespmem:$0x1CA00] =	vst v63  }
0x120: {  	s17 =	sadd.s32 $0x8010, s14;
	s22 =	simm.s32 $0x16B88  }
0x121: {  	[hbm4b:s17+s3] =	stream.linear.scatter [tilespmem:s22], [sflag:$0x3], $0x80, $0x38;
	[tilespmem:$0x1CA00] =	vst v63  }
0x122: {  	s17 =	sadd.s32 $0x8020, s14;
	s22 =	simm.s32 $0x16D90  }
0x123: {  	[hbm4b:s17+s3] =	stream.linear.scatter [tilespmem:s22], [sflag:$0x3], $0x80, $0x38;
	[tilespmem:$0x1CA00] =	vst v63  }
0x124: {  	s17 =	sadd.s32 $0x8030, s14;
	s22 =	simm.s32 $0x16F98  }
0x125: {  	[hbm4b:s17+s3] =	stream.linear.scatter [tilespmem:s22], [sflag:$0x3], $0x80, $0x38;
	[tilespmem:$0x1CA00] =	vst v63  }
0x126: {  	s17 =	sadd.s32 $0x8040, s14;
	s22 =	simm.s32 $0x171A0  }
0x127: {  	[hbm4b:s17+s3] =	stream.linear.scatter [tilespmem:s22], [sflag:$0x3], $0x80, $0x38;
	[tilespmem:$0x1CA00] =	vst v63  }
0x128: {  	s17 =	sadd.s32 $0x8050, s14;
	s22 =	simm.s32 $0x173A8  }
0x129: {  	[hbm4b:s17+s3] =	stream.linear.scatter [tilespmem:s22], [sflag:$0x3], $0x80, $0x38;
	[tilespmem:$0x1CA00] =	vst v63  }
0x12a: {  	s17 =	sadd.s32 $0x8060, s14;
	s22 =	simm.s32 $0x175B0  }
0x12b: {  	[hbm4b:s17+s3] =	stream.linear.scatter [tilespmem:s22], [sflag:$0x3], $0x80, $0x38;
	[tilespmem:$0x1CA00] =	vst v63  }
0x12c: {  	s17 =	sadd.s32 $0x8070, s14;
	s22 =	simm.s32 $0x177B8  }
0x12d: {  	[hbm4b:s17+s3] =	stream.linear.scatter [tilespmem:s22], [sflag:$0x3], $0x80, $0x38;
	[tilespmem:$0x1CA00] =	vst v63  }
0x12e: {  	s17 =	sadd.s32 $0x8000, s16;
	s22 =	simm.s32 $0x16A00  }
0x12f: {  	[hbm4b:s17+s3] =	stream.linear.scatter [tilespmem:s22], [sflag:$0x3], $0x80, $0x38;
	[tilespmem:$0x1CA00] =	vst v63  }
0x130: {  	s17 =	sadd.s32 $0x8010, s16;
	s22 =	simm.s32 $0x16C08  }
0x131: {  	[hbm4b:s17+s3] =	stream.linear.scatter [tilespmem:s22], [sflag:$0x3], $0x80, $0x38;
	[tilespmem:$0x1CA00] =	vst v63  }
0x132: {  	s17 =	sadd.s32 $0x8020, s16;
	s22 =	simm.s32 $0x16E10  }
0x133: {  	[hbm4b:s17+s3] =	stream.linear.scatter [tilespmem:s22], [sflag:$0x3], $0x80, $0x38;
	[tilespmem:$0x1CA00] =	vst v63  }
0x134: {  	s17 =	sadd.s32 $0x8030, s16;
	s22 =	simm.s32 $0x17018  }
0x135: {  	[hbm4b:s17+s3] =	stream.linear.scatter [tilespmem:s22], [sflag:$0x3], $0x80, $0x38;
	[tilespmem:$0x1CA00] =	vst v63  }
0x136: {  	s17 =	sadd.s32 $0x8040, s16;
	s22 =	simm.s32 $0x17220  }
0x137: {  	[hbm4b:s17+s3] =	stream.linear.scatter [tilespmem:s22], [sflag:$0x3], $0x80, $0x38;
	[tilespmem:$0x1CA00] =	vst v63  }
0x138: {  	s17 =	sadd.s32 $0x8050, s16;
	s22 =	simm.s32 $0x17428  }
0x139: {  	[hbm4b:s17+s3] =	stream.linear.scatter [tilespmem:s22], [sflag:$0x3], $0x80, $0x38;
	[tilespmem:$0x1CA00] =	vst v63  }
0x13a: {  	s17 =	sadd.s32 $0x8060, s16;
	s22 =	simm.s32 $0x17630  }
0x13b: {  	[hbm4b:s17+s3] =	stream.linear.scatter [tilespmem:s22], [sflag:$0x3], $0x80, $0x38;
	[tilespmem:$0x1CA00] =	vst v63  }
0x13c: {  	s17 =	sadd.s32 $0x8070, s16;
	s22 =	simm.s32 $0x17838  }
0x13d: {  	[hbm4b:s17+s3] =	stream.linear.scatter [tilespmem:s22], [sflag:$0x3], $0x80, $0x38;
	[tilespmem:$0x1CA00] =	vst v63  }
0x13e: {  	s4 =	sadd.s32 s4, s13;
	s22 =	simm.s32 $0x178C0  }
0x13f: {  	[hbm4b:s4+s3] =	stream.linear.scatter [tilespmem:s22], [sflag:$0x3], $0x80, $0x38;
	[tilespmem:$0x1CA00] =	vst v63  }
0x140: {  	s17 =	sadd.s32 $0x10, s4;
	s22 =	simm.s32 $0x17AC8  }
0x141: {  	[hbm4b:s17+s3] =	stream.linear.scatter [tilespmem:s22], [sflag:$0x3], $0x80, $0x38;
	[tilespmem:$0x1CA00] =	vst v63  }
0x142: {  	s17 =	sadd.s32 $0x20, s4;
	s22 =	simm.s32 $0x17CD0  }
0x143: {  	[hbm4b:s17+s3] =	stream.linear.scatter [tilespmem:s22], [sflag:$0x3], $0x80, $0x38;
	[tilespmem:$0x1CA00] =	vst v63  }
0x144: {  	s17 =	sadd.s32 $0x30, s4;
	s22 =	simm.s32 $0x17ED8  }
0x145: {  	[hbm4b:s17+s3] =	stream.linear.scatter [tilespmem:s22], [sflag:$0x3], $0x80, $0x38;
	[tilespmem:$0x1CA00] =	vst v63  }
0x146: {  	s17 =	sadd.s32 $0x40, s4;
	s22 =	simm.s32 $0x180E0  }
0x147: {  	[hbm4b:s17+s3] =	stream.linear.scatter [tilespmem:s22], [sflag:$0x3], $0x80, $0x38;
	[tilespmem:$0x1CA00] =	vst v63  }
0x148: {  	s17 =	sadd.s32 $0x50, s4;
	s22 =	simm.s32 $0x182E8  }
0x149: {  	[hbm4b:s17+s3] =	stream.linear.scatter [tilespmem:s22], [sflag:$0x3], $0x80, $0x38;
	[tilespmem:$0x1CA00] =	vst v63  }
0x14a: {  	s17 =	sadd.s32 $0x60, s4;
	s22 =	simm.s32 $0x184F0  }
0x14b: {  	[hbm4b:s17+s3] =	stream.linear.scatter [tilespmem:s22], [sflag:$0x3], $0x80, $0x38;
	[tilespmem:$0x1CA00] =	vst v63  }
0x14c: {  	s4 =	sadd.s32 $0x70, s4;
	s22 =	simm.s32 $0x186F8  }
0x14d: {  	[hbm4b:s4+s3] =	stream.linear.scatter [tilespmem:s22], [sflag:$0x3], $0x80, $0x38;
	[tilespmem:$0x1CA00] =	vst v63  }
0x14e: {  	s17 =	sadd.s32 $0xC000, s2;
	s22 =	simm.s32 $0x17940  }
0x14f: {  	[hbm4b:s17+s3] =	stream.linear.scatter [tilespmem:s22], [sflag:$0x3], $0x80, $0x38;
	[tilespmem:$0x1CA00] =	vst v63  }
0x150: {  	s17 =	sadd.s32 $0xC010, s2;
	s22 =	simm.s32 $0x17B48  }
0x151: {  	[hbm4b:s17+s3] =	stream.linear.scatter [tilespmem:s22], [sflag:$0x3], $0x80, $0x38;
	[tilespmem:$0x1CA00] =	vst v63  }
0x152: {  	s17 =	sadd.s32 $0xC020, s2;
	s22 =	simm.s32 $0x17D50  }
0x153: {  	[hbm4b:s17+s3] =	stream.linear.scatter [tilespmem:s22], [sflag:$0x3], $0x80, $0x38;
	[tilespmem:$0x1CA00] =	vst v63  }
0x154: {  	s17 =	sadd.s32 $0xC030, s2;
	s22 =	simm.s32 $0x17F58  }
0x155: {  	[hbm4b:s17+s3] =	stream.linear.scatter [tilespmem:s22], [sflag:$0x3], $0x80, $0x38;
	[tilespmem:$0x1CA00] =	vst v63  }
0x156: {  	s17 =	sadd.s32 $0xC040, s2;
	s22 =	simm.s32 $0x18160  }
0x157: {  	[hbm4b:s17+s3] =	stream.linear.scatter [tilespmem:s22], [sflag:$0x3], $0x80, $0x38;
	[tilespmem:$0x1CA00] =	vst v63  }
0x158: {  	s17 =	sadd.s32 $0xC050, s2;
	s22 =	simm.s32 $0x18368  }
0x159: {  	[hbm4b:s17+s3] =	stream.linear.scatter [tilespmem:s22], [sflag:$0x3], $0x80, $0x38;
	[tilespmem:$0x1CA00] =	vst v63  }
0x15a: {  	s17 =	sadd.s32 $0xC060, s2;
	s22 =	simm.s32 $0x18570  }
0x15b: {  	[hbm4b:s17+s3] =	stream.linear.scatter [tilespmem:s22], [sflag:$0x3], $0x80, $0x38;
	[tilespmem:$0x1CA00] =	vst v63  }
0x15c: {  	s6 =	simm.s32 $0x18778;
	s2 =	sadd.s32 $0xC070, s2  }
0x15d: {  	[hbm4b:s2+s3] =	stream.linear.scatter [tilespmem:s6], [sflag:$0x3], $0x80, $0x38;
	[tilespmem:$0x1CA00] =	vst v63  }
0x15e: {  	s17 =	sadd.s32 $0xC000, s14;
	s22 =	simm.s32 $0x179C0  }
0x15f: {  	[hbm4b:s17+s3] =	stream.linear.scatter [tilespmem:s22], [sflag:$0x3], $0x80, $0x38;
	[tilespmem:$0x1CA00] =	vst v63  }
0x160: {  	s4 =	sadd.s32 $0xC010, s14;
	s6 =	simm.s32 $0x17BC8  }
0x161: {  	[hbm4b:s4+s3] =	stream.linear.scatter [tilespmem:s6], [sflag:$0x3], $0x80, $0x38;
	[tilespmem:$0x1CA00] =	vst v63  }
0x162: {  	s17 =	sadd.s32 $0xC020, s14;
	s22 =	simm.s32 $0x17DD0  }
0x163: {  	[hbm4b:s17+s3] =	stream.linear.scatter [tilespmem:s22], [sflag:$0x3], $0x80, $0x38;
	[tilespmem:$0x1CA00] =	vst v63  }
0x164: {  	s4 =	sadd.s32 $0xC030, s14;
	s6 =	simm.s32 $0x17FD8  }
0x165: {  	[hbm4b:s4+s3] =	stream.linear.scatter [tilespmem:s6], [sflag:$0x3], $0x80, $0x38;
	[tilespmem:$0x1CA00] =	vst v63  }
0x166: {  	s17 =	sadd.s32 $0xC040, s14;
	s22 =	simm.s32 $0x181E0  }
0x167: {  	[hbm4b:s17+s3] =	stream.linear.scatter [tilespmem:s22], [sflag:$0x3], $0x80, $0x38;
	[tilespmem:$0x1CA00] =	vst v63  }
0x168: {  	s4 =	sadd.s32 $0xC050, s14;
	s6 =	simm.s32 $0x183E8  }
0x169: {  	[hbm4b:s4+s3] =	stream.linear.scatter [tilespmem:s6], [sflag:$0x3], $0x80, $0x38;
	[tilespmem:$0x1CA00] =	vst v63  }
0x16a: {  	s17 =	sadd.s32 $0xC060, s14;
	s22 =	simm.s32 $0x185F0  }
0x16b: {  	[hbm4b:s17+s3] =	stream.linear.scatter [tilespmem:s22], [sflag:$0x3], $0x80, $0x38;
	[tilespmem:$0x1CA00] =	vst v63  }
0x16c: {  	s6 =	sadd.s32 $0xC070, s14;
	s14 =	simm.s32 $0x187F8  }
0x16d: {  	[hbm4b:s6+s3] =	stream.linear.scatter [tilespmem:s14], [sflag:$0x3], $0x80, $0x38;
	[tilespmem:$0x1CA00] =	vst v63  }
0x16e: {  	s17 =	sadd.s32 $0xC000, s16;
	s22 =	simm.s32 $0x17A40  }
0x16f: {  	[hbm4b:s17+s3] =	stream.linear.scatter [tilespmem:s22], [sflag:$0x3], $0x80, $0x38;
	[tilespmem:$0x1CA00] =	vst v63  }
0x170: {  	s6 =	sadd.s32 $0xC010, s16;
	s14 =	simm.s32 $0x17C48  }
0x171: {  	[hbm4b:s6+s3] =	stream.linear.scatter [tilespmem:s14], [sflag:$0x3], $0x80, $0x38;
	[tilespmem:$0x1CA00] =	vst v63  }
0x172: {  	s17 =	sadd.s32 $0xC020, s16;
	s22 =	simm.s32 $0x17E50  }
0x173: {  	[hbm4b:s17+s3] =	stream.linear.scatter [tilespmem:s22], [sflag:$0x3], $0x80, $0x38;
	[tilespmem:$0x1CA00] =	vst v63  }
0x174: {  	s6 =	sadd.s32 $0xC030, s16;
	s14 =	simm.s32 $0x18058  }
0x175: {  	[hbm4b:s6+s3] =	stream.linear.scatter [tilespmem:s14], [sflag:$0x3], $0x80, $0x38;
	[tilespmem:$0x1CA00] =	vst v63  }
0x176: {  	s17 =	sadd.s32 $0xC040, s16;
	s22 =	simm.s32 $0x18260  }
0x177: {  	[hbm4b:s17+s3] =	stream.linear.scatter [tilespmem:s22], [sflag:$0x3], $0x80, $0x38;
	[tilespmem:$0x1CA00] =	vst v63  }
0x178: {  	s6 =	sadd.s32 $0xC050, s16;
	s14 =	simm.s32 $0x18468  }
0x179: {  	[hbm4b:s6+s3] =	stream.linear.scatter [tilespmem:s14], [sflag:$0x3], $0x80, $0x38;
	[tilespmem:$0x1CA00] =	vst v63  }
0x17a: {  	s17 =	sadd.s32 $0xC060, s16;
	s22 =	simm.s32 $0x18670  }
0x17b: {  	[hbm4b:s17+s3] =	stream.linear.scatter [tilespmem:s22], [sflag:$0x3], $0x80, $0x38;
	[tilespmem:$0x1CA00] =	vst v63  }
0x17c: {  	s4 =	sadd.s32 $0xC070, s16;
	s6 =	simm.s32 $0x18878;
	s14 =	sadd.s32 s0, s19  }
0x17d: {  	[hbm4b:s4+s3] =	stream.linear.scatter [tilespmem:s6], [sflag:$0x3], $0x80, $0x38;
	[tilespmem:$0x1CA00] =	vst v63  }
0x17e: {  	s2 =	sadd.s32 $0x1, s14;
	_ =	swait.ge [sflag:s18], $0x4000  }
0x17f: {  	p1 =	seq.s32 s2, $0x1;
	[sflag:s18] =	ssyncset.done $0x0  }
0x180: {  	s4 =	simm.s32 @!p1 $0x4;
	[sflag:s18] =	ssyncadd.s32 $0xFFFFC000  }
0x181: {  	_ =	swait.ge @!p1 [sflag:s4], $0x400  }
0x182: {  	[sflag:s4] =	ssyncset.done @!p1 $0x0  }
0x183: {  	[sflag:s4] =	ssyncadd.s32 @!p1 $0xFFFFFC00  }
0x184: {  	_ =	swait.ge @!p1 [sflag:s4], $0x400  }
0x185: {  	[sflag:s4] =	ssyncset.done @!p1 $0x0  }
0x186: {  	[sflag:s4] =	ssyncadd.s32 @!p1 $0xFFFFFC00  }
0x187: {  	_ =	swait.ge @!p1 [sflag:s4], $0x400  }
0x188: {  	[sflag:s4] =	ssyncset.done @!p1 $0x0  }
0x189: {  	[sflag:s4] =	ssyncadd.s32 @!p1 $0xFFFFFC00  }
0x18a: {  	_ =	swait.ge @!p1 [sflag:s4], $0x400  }
0x18b: {  	[sflag:s4] =	ssyncset.done @!p1 $0x0  }
0x18c: {  	[sflag:s4] =	ssyncadd.s32 @!p1 $0xFFFFFC00  }
0x18d: {  	_ =	swait.ge @!p1 [sflag:s4], $0x400  }
0x18e: {  	[sflag:s4] =	ssyncset.done @!p1 $0x0  }
0x18f: {  	[sflag:s4] =	ssyncadd.s32 @!p1 $0xFFFFFC00  }
0x190: {  	_ =	swait.ge @!p1 [sflag:s4], $0x400  }
0x191: {  	[sflag:s4] =	ssyncset.done @!p1 $0x0  }
0x192: {  	[sflag:s4] =	ssyncadd.s32 @!p1 $0xFFFFFC00  }
0x193: {  	_ =	swait.ge @!p1 [sflag:s4], $0x400  }
0x194: {  	[sflag:s4] =	ssyncset.done @!p1 $0x0  }
0x195: {  	[sflag:s4] =	ssyncadd.s32 @!p1 $0xFFFFFC00  }
0x196: {  	_ =	swait.ge @!p1 [sflag:s4], $0x400  }
0x197: {  	[sflag:s4] =	ssyncset.done @!p1 $0x0  }
0x198: {  	[sflag:s4] =	ssyncadd.s32 @!p1 $0xFFFFFC00  }
0x199: {  	_ =	swait.ge @!p1 [sflag:s4], $0x400  }
0x19a: {  	[sflag:s4] =	ssyncset.done @!p1 $0x0  }
0x19b: {  	[sflag:s4] =	ssyncadd.s32 @!p1 $0xFFFFFC00  }
0x19c: {  	_ =	swait.ge @!p1 [sflag:s4], $0x400  }
0x19d: {  	[sflag:s4] =	ssyncset.done @!p1 $0x0  }
0x19e: {  	[sflag:s4] =	ssyncadd.s32 @!p1 $0xFFFFFC00  }
0x19f: {  	_ =	swait.ge @!p1 [sflag:s4], $0x400  }
0x1a0: {  	[sflag:s4] =	ssyncset.done @!p1 $0x0  }
0x1a1: {  	[sflag:s4] =	ssyncadd.s32 @!p1 $0xFFFFFC00  }
0x1a2: {  	_ =	swait.ge @!p1 [sflag:s4], $0x400  }
0x1a3: {  	[sflag:s4] =	ssyncset.done @!p1 $0x0  }
0x1a4: {  	[sflag:s4] =	ssyncadd.s32 @!p1 $0xFFFFFC00  }
0x1a5: {  	_ =	swait.ge @!p1 [sflag:s4], $0x400  }
0x1a6: {  	[sflag:s4] =	ssyncset.done @!p1 $0x0  }
0x1a7: {  	[sflag:s4] =	ssyncadd.s32 @!p1 $0xFFFFFC00  }
0x1a8: {  	_ =	swait.ge @!p1 [sflag:s4], $0x400  }
0x1a9: {  	[sflag:s4] =	ssyncset.done @!p1 $0x0  }
0x1aa: {  	[sflag:s4] =	ssyncadd.s32 @!p1 $0xFFFFFC00  }
0x1ab: {  	_ =	swait.ge @!p1 [sflag:s4], $0x400  }
0x1ac: {  	[sflag:s4] =	ssyncset.done @!p1 $0x0  }
0x1ad: {  	[sflag:s4] =	ssyncadd.s32 @!p1 $0xFFFFFC00  }
0x1ae: {  	s16 =	simm.s32 $0x3;
	_ =	swait.ge @!p1 [sflag:s4], $0x400  }
0x1af: {  	v2 =	vmov s16;
	s17 =	simm.s32 $0x0;
	[sflag:s4] =	ssyncset.done @!p1 $0x0  }
0x1b0: {  	v2 =	vand.u32 $0x1FF, v2;
	s22 =	simm.s32 $0x10870;
	v3 =	vmov s17;
	[sflag:s4] =	ssyncadd.s32 @!p1 $0xFFFFFC00  }
0x1b1: {  	v5 =	vadd.s32 v0, v2;
	v3 =	vand.u32 $0x1FC, v3;
	v4 =	vld [tilespmem:s22+$0xFFFFFFF0]  }
0x1b2: {  	v7 =	vadd.s32 v0, v3;
	v6 =	vld [tilespmem:s22+$0xFFFFFF90]  }
0x1b3: {  	s17 =	simm.s32 $0x2  }
0x1b4: {  	v9 =	vmov s17  }
0x1b5: {  	s16 =	simm.s32 $0x1;
	v16 =	vand.u32 $0x1FE, v9  }
0x1b6: {  	v8 =	vmov s16;
	v12 =	vadd.s32 v0, v16;
	v9 =	vld [tilespmem:s22+$0xFFFFFFD0];
	[tilespmem:v5+s30+$0x0] =	vst.idx.msk $0xffff, v4  }
0x1b7: {  	v8 =	vand.u32 $0x1FD, v8;
	v14 =	vadd.s32 v1, v2;
	s6 =	simm.s32 $0x7;
	[tilespmem:v7+s30+$0x0] =	vst.idx.msk $0xffff, v6;
	v6 =	vld [tilespmem:s22+$0x0]  }
0x1b8: {  	s14 =	simm.s32 $0x4;
	v11 =	vadd.s32 v0, v8;
	v10 =	vld [tilespmem:s22+$0xFFFFFFB0];
	v4 =	vmov s6  }
0x1b9: {  	s16 =	simm.s32 $0x5;
	v2 =	vmov s14;
	v62 =	vadd.s32 v1, v3;
	s4 =	simm.s32 $0x108F0;
	v4 =	vand.u32 $0x1FF, v4;
	v17 =	vld [tilespmem:s22+$0xFFFFFFA0]  }
0x1ba: {  	s17 =	simm.s32 $0x6;
	v63 =	vld [tilespmem:s4+$0xFFFFFFF0];
	v5 =	vand.u32 $0x1FC, v2;
	v2 =	vmov s16;
	v20 =	vadd.s32 v0, v4  }
0x1bb: {  	v13 =	vld [tilespmem:s4+$0xFFFFFF90];
	[tilespmem:v12+s30+$0x0] =	vst.idx.msk $0xffff, v9;
	v7 =	vmov s17;
	v15 =	vadd.s32 v0, v5;
	v3 =	vand.u32 $0x1FD, v2  }
0x1bc: {  	v12 =	vld [tilespmem:s4+$0xFFFFFFB0];
	v2 =	vand.u32 $0x1FE, v7;
	[tilespmem:v14+s30+$0x0] =	vst.idx.msk $0xffff, v6;
	v14 =	vadd.s32 v0, v3  }
0x1bd: {  	[tilespmem:v11+s30+$0x0] =	vst.idx.msk $0xffff, v10;
	v7 =	vld [tilespmem:s4+$0xFFFFFFD0];
	v11 =	vadd.s32 v0, v2  }
0x1be: {  	v8 =	vadd.s32 v1, v8;
	s14 =	simm.s32 $0x108F0;
	[tilespmem:v62+s30+$0x0] =	vst.idx.msk $0xffff, v17;
	v6 =	vld [tilespmem:s22+$0xFFFFFFC0]  }
0x1bf: {  	s16 =	simm.s32 $0x8;
	s17 =	simm.s32 $0xB;
	s6 =	simm.s32 $0xC;
	v10 =	vadd.s32 v1, v16;
	v9 =	vld [tilespmem:s22+$0xFFFFFFE0];
	[tilespmem:v20+s30+$0x0] =	vst.idx.msk $0xffff, v63  }
.LBB2_6:
0x1c0: {  	p1 =	slt.u32 s6, $0x1FC;
	v16 =	vmov s17;
	[tilespmem:v15+s30+$0x0] =	vst.idx.msk $0xffff, v13;
	v17 =	vld [tilespmem:s4+$0x0];
	v18 =	vadd.s32 v1, v4  }
0x1c1: {  	v13 =	vmov s16;
	s17 =	sadd.s32 $0x1, s16;
	v19 =	vadd.s32 v1, v5;
	s4 =	sadd.s32 $0x80, s4;
	v4 =	vand.u32 $0x1FF, v16;
	v16 =	vld [tilespmem:s14+$0xFFFFFFA0];
	[tilespmem:v14+s30+$0x0] =	vst.idx.msk $0xffff, v12  }
0x1c2: {  	v5 =	vand.u32 $0x1FC, v13;
	v12 =	vmov s17;
	s17 =	sadd.s32 $0x2, s16;
	s16 =	smov.u32 s6;
	v20 =	vld [tilespmem:s4+$0xFFFFFFF0];
	v21 =	vadd.s32 v0, v4;
	[tilespmem:v11+s30+$0x0] =	vst.idx.msk $0xffff, v7  }
.Ltmp1:
0x1c3: {  	v15 =	vadd.s32 v0, v5;
	v22 =	vand.u32 $0x1FD, v12;
	v7 =	vmov s17;
	v13 =	vld [tilespmem:s4+$0xFFFFFF90];
	[tilespmem:v8+s30+$0x0] =	vst.idx.msk $0xffff, v6;
	(pc) =	sbr.rel @p1 .LBB2_6-.Ltmp1, $4  }
0x1c4: {  	v14 =	vadd.s32 v0, v22;
	v23 =	vand.u32 $0x1FE, v7;
	v12 =	vld [tilespmem:s4+$0xFFFFFFB0];
	[tilespmem:v10+s30+$0x0] =	vst.idx.msk $0xffff, v9  }
0x1c5: {  	v11 =	vadd.s32 v0, v23;
	v7 =	vld [tilespmem:s4+$0xFFFFFFD0];
	[tilespmem:v18+s30+$0x0] =	vst.idx.msk $0xffff, v17  }
0x1c6: {  	v8 =	vadd.s32 v1, v3;
	v3 =	vmov v22;
	[tilespmem:v19+s30+$0x0] =	vst.idx.msk $0xffff, v16;
	v6 =	vld [tilespmem:s14+$0xFFFFFFC0]  }
0x1c7: {  	s6 =	sadd.s32 $0x4, s6;
	s17 =	sadd.s32 $0x3, s16;
	v10 =	vadd.s32 v1, v2;
	v2 =	vmov v23;
	[tilespmem:v21+s30+$0x0] =	vst.idx.msk $0xffff, v20;
	v9 =	vld [tilespmem:s14+$0xFFFFFFE0];
	s14 =	smov.u32 s4  }
0x1c8: {  	_ =	sdelay $0x3  }
0x1c9: {  	v16 =	vmov s17;
	[tilespmem:v15+s30+$0x0] =	vst.idx.msk $0xffff, v13;
	v46 =	vld [tilespmem:s4+$0x0];
	v4 =	vadd.s32 v1, v4  }
0x1ca: {  	v47 =	vmov s16;
	s6 =	sadd.s32 $0x1, s16;
	v5 =	vadd.s32 v1, v5;
	s17 =	sadd.s32 $0x80, s4;
	v16 =	vand.u32 $0x1FF, v16;
	v17 =	vld [tilespmem:s14+$0xFFFFFFA0];
	[tilespmem:v14+s30+$0x0] =	vst.idx.msk $0xffff, v12  }
0x1cb: {  	s22 =	sadd.s32 $0x2, s16;
	v48 =	vand.u32 $0x1FC, v47;
	v49 =	vmov s6;
	v50 =	vld [tilespmem:s17+$0xFFFFFFF0];
	v18 =	vadd.s32 v0, v16;
	[tilespmem:v11+s30+$0x0] =	vst.idx.msk $0xffff, v7  }
0x1cc: {  	v51 =	vld [tilespmem:s17+$0xFFFFFF90];
	v19 =	vmov s22;
	v52 =	vadd.s32 v0, v48;
	v14 =	vand.u32 $0x1FD, v49;
	[tilespmem:v8+s30+$0x0] =	vst.idx.msk $0xffff, v6  }
0x1cd: {  	v53 =	vld [tilespmem:s17+$0xFFFFFFB0];
	v19 =	vand.u32 $0x1FE, v19;
	v54 =	vadd.s32 v0, v14;
	[tilespmem:v10+s30+$0x0] =	vst.idx.msk $0xffff, v9  }
0x1ce: {  	v55 =	vld [tilespmem:s17+$0xFFFFFFD0];
	v56 =	vadd.s32 v0, v19;
	[tilespmem:v4+s30+$0x0] =	vst.idx.msk $0xffff, v46  }
0x1cf: {  	v3 =	vadd.s32 v1, v3;
	v57 =	vld [tilespmem:s14+$0xFFFFFFC0];
	[tilespmem:v5+s30+$0x0] =	vst.idx.msk $0xffff, v17  }
0x1d0: {  	v2 =	vadd.s32 v1, v2;
	v58 =	vld [tilespmem:s14+$0xFFFFFFE0];
	[tilespmem:v18+s30+$0x0] =	vst.idx.msk $0xffff, v50  }
0x1d1: {  	v60 =	vadd.s32 v1, v16;
	[tilespmem:v52+s30+$0x0] =	vst.idx.msk $0xffff, v51;
	v59 =	vld [tilespmem:s17+$0x0]  }
0x1d2: {  	v12 =	vadd.s32 v1, v48;
	v61 =	vld [tilespmem:s17+$0xFFFFFFA0];
	[tilespmem:v54+s30+$0x0] =	vst.idx.msk $0xffff, v53  }
0x1d3: {  	v62 =	vadd.s32 v1, v14;
	[tilespmem:v56+s30+$0x0] =	vst.idx.msk $0xffff, v55;
	v6 =	vld [tilespmem:s17+$0xFFFFFFC0]  }
0x1d4: {  	v63 =	vadd.s32 v1, v19;
	[tilespmem:v3+s30+$0x0] =	vst.idx.msk $0xffff, v57;
	v3 =	vld [tilespmem:s17+$0xFFFFFFE0]  }
0x1d5: {  	[tilespmem:v2+s30+$0x0] =	vst.idx.msk $0xffff, v58  }
0x1d6: {  	[tilespmem:v60+s30+$0x0] =	vst.idx.msk $0xffff, v59  }
0x1d7: {  	s0 =	smin.u32 s0, $0x60;
	s6 =	sshll.u32 s2, $0x13;
	[tilespmem:v12+s30+$0x0] =	vst.idx.msk $0xffff, v61  }
0x1d8: {  	s0 =	sshll.u32 s0, $0x9;
	s16 =	sor.u32 s7, s6;
	[tilespmem:v62+s30+$0x0] =	vst.idx.msk $0xffff, v6  }
0x1d9: {  	s0 =	sadd.s32 $0x600, s0;
	s14 =	simm.s32 $0x10800;
	s4 =	sshrl.u32 s16, $0x3;
	[tilespmem:v63+s30+$0x0] =	vst.idx.msk $0xffff, v3  }
0x1da: {  	[tilespmem:s14], [sflag:$0x2] =	stream.indirect.gather [hbm4b:s5+s15], $0x20, s0, s15, $0xb8;
	[tilespmem:$0x1CA00] =	vst v63  }
0x1db: {  	s0 =	sadd.s32 s1, s4  }
0x1dc: {  	[hbm4b:s0+s3] =	stream.linear.scatter [tilespmem:s30], [sflag:$0x4], $0x80, $0x38;
	[tilespmem:$0x1CA00] =	vst v63  }
0x1dd: {  	s22 =	simm.s32 $0x18B08;
	s17 =	sadd.s32 $0x10, s0  }
0x1de: {  	[hbm4b:s17+s3] =	stream.linear.scatter [tilespmem:s22], [sflag:$0x4], $0x80, $0x38;
	[tilespmem:$0x1CA00] =	vst v63  }
0x1df: {  	s16 =	simm.s32 $0x18D10;
	s14 =	sadd.s32 $0x20, s0  }
0x1e0: {  	[hbm4b:s14+s3] =	stream.linear.scatter [tilespmem:s16], [sflag:$0x4], $0x80, $0x38;
	[tilespmem:$0x1CA00] =	vst v63  }
0x1e1: {  	s17 =	sadd.s32 $0x30, s0;
	s22 =	simm.s32 $0x18F18  }
0x1e2: {  	[hbm4b:s17+s3] =	stream.linear.scatter [tilespmem:s22], [sflag:$0x4], $0x80, $0x38;
	[tilespmem:$0x1CA00] =	vst v63  }
0x1e3: {  	s14 =	sadd.s32 $0x40, s0;
	s16 =	simm.s32 $0x19120  }
0x1e4: {  	[hbm4b:s14+s3] =	stream.linear.scatter [tilespmem:s16], [sflag:$0x4], $0x80, $0x38;
	[tilespmem:$0x1CA00] =	vst v63  }
0x1e5: {  	s17 =	sadd.s32 $0x50, s0;
	s22 =	simm.s32 $0x19328  }
0x1e6: {  	[hbm4b:s17+s3] =	stream.linear.scatter [tilespmem:s22], [sflag:$0x4], $0x80, $0x38;
	[tilespmem:$0x1CA00] =	vst v63  }
0x1e7: {  	s16 =	sadd.s32 $0x60, s0;
	s17 =	simm.s32 $0x19530  }
0x1e8: {  	[hbm4b:s16+s3] =	stream.linear.scatter [tilespmem:s17], [sflag:$0x4], $0x80, $0x38;
	[tilespmem:$0x1CA00] =	vst v63  }
0x1e9: {  	s0 =	sadd.s32 $0x70, s0;
	s14 =	sor.u32 s9, s6;
	s22 =	simm.s32 $0x19738  }
0x1ea: {  	[hbm4b:s0+s3] =	stream.linear.scatter [tilespmem:s22], [sflag:$0x4], $0x80, $0x38;
	[tilespmem:$0x1CA00] =	vst v63  }
0x1eb: {  	s0 =	sshrl.u32 s14, $0x3  }
0x1ec: {  	s16 =	simm.s32 $0x18980;
	s0 =	sadd.s32 s1, s0  }
0x1ed: {  	[hbm4b:s0+s3] =	stream.linear.scatter [tilespmem:s16], [sflag:$0x4], $0x80, $0x38;
	[tilespmem:$0x1CA00] =	vst v63  }
0x1ee: {  	s22 =	simm.s32 $0x18B88;
	s17 =	sadd.s32 $0x10, s0  }
0x1ef: {  	[hbm4b:s17+s3] =	stream.linear.scatter [tilespmem:s22], [sflag:$0x4], $0x80, $0x38;
	[tilespmem:$0x1CA00] =	vst v63  }
0x1f0: {  	s14 =	sadd.s32 $0x20, s0;
	s16 =	simm.s32 $0x18D90  }
0x1f1: {  	[hbm4b:s14+s3] =	stream.linear.scatter [tilespmem:s16], [sflag:$0x4], $0x80, $0x38;
	[tilespmem:$0x1CA00] =	vst v63  }
0x1f2: {  	s17 =	sadd.s32 $0x30, s0;
	s22 =	simm.s32 $0x18F98  }
0x1f3: {  	[hbm4b:s17+s3] =	stream.linear.scatter [tilespmem:s22], [sflag:$0x4], $0x80, $0x38;
	[tilespmem:$0x1CA00] =	vst v63  }
0x1f4: {  	s14 =	sadd.s32 $0x40, s0;
	s16 =	simm.s32 $0x191A0  }
0x1f5: {  	[hbm4b:s14+s3] =	stream.linear.scatter [tilespmem:s16], [sflag:$0x4], $0x80, $0x38;
	[tilespmem:$0x1CA00] =	vst v63  }
0x1f6: {  	s17 =	sadd.s32 $0x50, s0;
	s22 =	simm.s32 $0x193A8  }
0x1f7: {  	[hbm4b:s17+s3] =	stream.linear.scatter [tilespmem:s22], [sflag:$0x4], $0x80, $0x38;
	[tilespmem:$0x1CA00] =	vst v63  }
0x1f8: {  	s14 =	sadd.s32 $0x60, s0;
	s16 =	simm.s32 $0x195B0  }
0x1f9: {  	[hbm4b:s14+s3] =	stream.linear.scatter [tilespmem:s16], [sflag:$0x4], $0x80, $0x38;
	[tilespmem:$0x1CA00] =	vst v63  }
0x1fa: {  	s14 =	sor.u32 s10, s6  }
0x1fb: {  	s17 =	sadd.s32 $0x70, s0;
	s22 =	simm.s32 $0x197B8;
	s2 =	sshrl.u32 s14, $0x3  }
0x1fc: {  	[hbm4b:s17+s3] =	stream.linear.scatter [tilespmem:s22], [sflag:$0x4], $0x80, $0x38;
	[tilespmem:$0x1CA00] =	vst v63  }
0x1fd: {  	s16 =	simm.s32 $0x18A00;
	s2 =	sadd.s32 s1, s2  }
0x1fe: {  	[hbm4b:s2+s3] =	stream.linear.scatter [tilespmem:s16], [sflag:$0x4], $0x80, $0x38;
	[tilespmem:$0x1CA00] =	vst v63  }
0x1ff: {  	s22 =	simm.s32 $0x18C08;
	s17 =	sadd.s32 $0x10, s2  }
0x200: {  	[hbm4b:s17+s3] =	stream.linear.scatter [tilespmem:s22], [sflag:$0x4], $0x80, $0x38;
	[tilespmem:$0x1CA00] =	vst v63  }
0x201: {  	s17 =	sadd.s32 $0x20, s2;
	s22 =	simm.s32 $0x18E10  }
0x202: {  	[hbm4b:s17+s3] =	stream.linear.scatter [tilespmem:s22], [sflag:$0x4], $0x80, $0x38;
	[tilespmem:$0x1CA00] =	vst v63  }
0x203: {  	s17 =	sadd.s32 $0x30, s2;
	s22 =	simm.s32 $0x19018  }
0x204: {  	[hbm4b:s17+s3] =	stream.linear.scatter [tilespmem:s22], [sflag:$0x4], $0x80, $0x38;
	[tilespmem:$0x1CA00] =	vst v63  }
0x205: {  	s17 =	sadd.s32 $0x40, s2;
	s22 =	simm.s32 $0x19220  }
0x206: {  	[hbm4b:s17+s3] =	stream.linear.scatter [tilespmem:s22], [sflag:$0x4], $0x80, $0x38;
	[tilespmem:$0x1CA00] =	vst v63  }
0x207: {  	s17 =	sadd.s32 $0x50, s2;
	s22 =	simm.s32 $0x19428  }
0x208: {  	[hbm4b:s17+s3] =	stream.linear.scatter [tilespmem:s22], [sflag:$0x4], $0x80, $0x38;
	[tilespmem:$0x1CA00] =	vst v63  }
0x209: {  	s6 =	sor.u32 s8, s6;
	s17 =	sadd.s32 $0x60, s2;
	s22 =	simm.s32 $0x19630  }
0x20a: {  	[hbm4b:s17+s3] =	stream.linear.scatter [tilespmem:s22], [sflag:$0x4], $0x80, $0x38;
	[tilespmem:$0x1CA00] =	vst v63  }
0x20b: {  	s6 =	sshrl.u32 s6, $0x3;
	s17 =	sadd.s32 $0x70, s2;
	s22 =	simm.s32 $0x19838  }
0x20c: {  	[hbm4b:s17+s3] =	stream.linear.scatter [tilespmem:s22], [sflag:$0x4], $0x80, $0x38;
	[tilespmem:$0x1CA00] =	vst v63  }
0x20d: {  	s14 =	sadd.s32 s1, s6;
	s16 =	simm.s32 $0x18A80  }
0x20e: {  	[hbm4b:s14+s3] =	stream.linear.scatter [tilespmem:s16], [sflag:$0x4], $0x80, $0x38;
	[tilespmem:$0x1CA00] =	vst v63  }
0x20f: {  	s17 =	sadd.s32 $0x10, s14;
	s22 =	simm.s32 $0x18C88  }
0x210: {  	[hbm4b:s17+s3] =	stream.linear.scatter [tilespmem:s22], [sflag:$0x4], $0x80, $0x38;
	[tilespmem:$0x1CA00] =	vst v63  }
0x211: {  	s17 =	sadd.s32 $0x20, s14;
	s22 =	simm.s32 $0x18E90  }
0x212: {  	[hbm4b:s17+s3] =	stream.linear.scatter [tilespmem:s22], [sflag:$0x4], $0x80, $0x38;
	[tilespmem:$0x1CA00] =	vst v63  }
0x213: {  	s17 =	sadd.s32 $0x30, s14;
	s22 =	simm.s32 $0x19098  }
0x214: {  	[hbm4b:s17+s3] =	stream.linear.scatter [tilespmem:s22], [sflag:$0x4], $0x80, $0x38;
	[tilespmem:$0x1CA00] =	vst v63  }
0x215: {  	s17 =	sadd.s32 $0x40, s14;
	s22 =	simm.s32 $0x192A0  }
0x216: {  	[hbm4b:s17+s3] =	stream.linear.scatter [tilespmem:s22], [sflag:$0x4], $0x80, $0x38;
	[tilespmem:$0x1CA00] =	vst v63  }
0x217: {  	s17 =	sadd.s32 $0x50, s14;
	s22 =	simm.s32 $0x194A8  }
0x218: {  	[hbm4b:s17+s3] =	stream.linear.scatter [tilespmem:s22], [sflag:$0x4], $0x80, $0x38;
	[tilespmem:$0x1CA00] =	vst v63  }
0x219: {  	s17 =	sadd.s32 $0x60, s14;
	s22 =	simm.s32 $0x196B0  }
0x21a: {  	[hbm4b:s17+s3] =	stream.linear.scatter [tilespmem:s22], [sflag:$0x4], $0x80, $0x38;
	[tilespmem:$0x1CA00] =	vst v63  }
0x21b: {  	s16 =	sadd.s32 $0x70, s14;
	s17 =	simm.s32 $0x198B8  }
0x21c: {  	[hbm4b:s16+s3] =	stream.linear.scatter [tilespmem:s17], [sflag:$0x4], $0x80, $0x38;
	[tilespmem:$0x1CA00] =	vst v63  }
0x21d: {  	s6 =	sadd.s32 s4, s11;
	s22 =	simm.s32 $0x19940  }
0x21e: {  	[hbm4b:s6+s3] =	stream.linear.scatter [tilespmem:s22], [sflag:$0x4], $0x80, $0x38;
	[tilespmem:$0x1CA00] =	vst v63  }
0x21f: {  	s17 =	sadd.s32 $0x10, s6;
	s22 =	simm.s32 $0x19B48  }
0x220: {  	[hbm4b:s17+s3] =	stream.linear.scatter [tilespmem:s22], [sflag:$0x4], $0x80, $0x38;
	[tilespmem:$0x1CA00] =	vst v63  }
0x221: {  	s17 =	sadd.s32 $0x20, s6;
	s22 =	simm.s32 $0x19D50  }
0x222: {  	[hbm4b:s17+s3] =	stream.linear.scatter [tilespmem:s22], [sflag:$0x4], $0x80, $0x38;
	[tilespmem:$0x1CA00] =	vst v63  }
0x223: {  	s17 =	sadd.s32 $0x30, s6;
	s22 =	simm.s32 $0x19F58  }
0x224: {  	[hbm4b:s17+s3] =	stream.linear.scatter [tilespmem:s22], [sflag:$0x4], $0x80, $0x38;
	[tilespmem:$0x1CA00] =	vst v63  }
0x225: {  	s17 =	sadd.s32 $0x40, s6;
	s22 =	simm.s32 $0x1A160  }
0x226: {  	[hbm4b:s17+s3] =	stream.linear.scatter [tilespmem:s22], [sflag:$0x4], $0x80, $0x38;
	[tilespmem:$0x1CA00] =	vst v63  }
0x227: {  	s17 =	sadd.s32 $0x50, s6;
	s22 =	simm.s32 $0x1A368  }
0x228: {  	[hbm4b:s17+s3] =	stream.linear.scatter [tilespmem:s22], [sflag:$0x4], $0x80, $0x38;
	[tilespmem:$0x1CA00] =	vst v63  }
0x229: {  	s17 =	sadd.s32 $0x60, s6;
	s22 =	simm.s32 $0x1A570  }
0x22a: {  	[hbm4b:s17+s3] =	stream.linear.scatter [tilespmem:s22], [sflag:$0x4], $0x80, $0x38;
	[tilespmem:$0x1CA00] =	vst v63  }
0x22b: {  	s6 =	sadd.s32 $0x70, s6;
	s22 =	simm.s32 $0x1A778  }
0x22c: {  	[hbm4b:s6+s3] =	stream.linear.scatter [tilespmem:s22], [sflag:$0x4], $0x80, $0x38;
	[tilespmem:$0x1CA00] =	vst v63  }
0x22d: {  	s17 =	sadd.s32 $0x4000, s0;
	s22 =	simm.s32 $0x199C0  }
0x22e: {  	[hbm4b:s17+s3] =	stream.linear.scatter [tilespmem:s22], [sflag:$0x4], $0x80, $0x38;
	[tilespmem:$0x1CA00] =	vst v63  }
0x22f: {  	s17 =	sadd.s32 $0x4010, s0;
	s22 =	simm.s32 $0x19BC8  }
0x230: {  	[hbm4b:s17+s3] =	stream.linear.scatter [tilespmem:s22], [sflag:$0x4], $0x80, $0x38;
	[tilespmem:$0x1CA00] =	vst v63  }
0x231: {  	s17 =	sadd.s32 $0x4020, s0;
	s22 =	simm.s32 $0x19DD0  }
0x232: {  	[hbm4b:s17+s3] =	stream.linear.scatter [tilespmem:s22], [sflag:$0x4], $0x80, $0x38;
	[tilespmem:$0x1CA00] =	vst v63  }
0x233: {  	s17 =	sadd.s32 $0x4030, s0;
	s22 =	simm.s32 $0x19FD8  }
0x234: {  	[hbm4b:s17+s3] =	stream.linear.scatter [tilespmem:s22], [sflag:$0x4], $0x80, $0x38;
	[tilespmem:$0x1CA00] =	vst v63  }
0x235: {  	s17 =	sadd.s32 $0x4040, s0;
	s22 =	simm.s32 $0x1A1E0  }
0x236: {  	[hbm4b:s17+s3] =	stream.linear.scatter [tilespmem:s22], [sflag:$0x4], $0x80, $0x38;
	[tilespmem:$0x1CA00] =	vst v63  }
0x237: {  	s17 =	sadd.s32 $0x4050, s0;
	s22 =	simm.s32 $0x1A3E8  }
0x238: {  	[hbm4b:s17+s3] =	stream.linear.scatter [tilespmem:s22], [sflag:$0x4], $0x80, $0x38;
	[tilespmem:$0x1CA00] =	vst v63  }
0x239: {  	s17 =	sadd.s32 $0x4060, s0;
	s22 =	simm.s32 $0x1A5F0  }
0x23a: {  	[hbm4b:s17+s3] =	stream.linear.scatter [tilespmem:s22], [sflag:$0x4], $0x80, $0x38;
	[tilespmem:$0x1CA00] =	vst v63  }
0x23b: {  	s17 =	sadd.s32 $0x4070, s0;
	s22 =	simm.s32 $0x1A7F8  }
0x23c: {  	[hbm4b:s17+s3] =	stream.linear.scatter [tilespmem:s22], [sflag:$0x4], $0x80, $0x38;
	[tilespmem:$0x1CA00] =	vst v63  }
0x23d: {  	s17 =	sadd.s32 $0x4000, s2;
	s22 =	simm.s32 $0x19A40  }
0x23e: {  	[hbm4b:s17+s3] =	stream.linear.scatter [tilespmem:s22], [sflag:$0x4], $0x80, $0x38;
	[tilespmem:$0x1CA00] =	vst v63  }
0x23f: {  	s17 =	sadd.s32 $0x4010, s2;
	s22 =	simm.s32 $0x19C48  }
0x240: {  	[hbm4b:s17+s3] =	stream.linear.scatter [tilespmem:s22], [sflag:$0x4], $0x80, $0x38;
	[tilespmem:$0x1CA00] =	vst v63  }
0x241: {  	s17 =	sadd.s32 $0x4020, s2;
	s22 =	simm.s32 $0x19E50  }
0x242: {  	[hbm4b:s17+s3] =	stream.linear.scatter [tilespmem:s22], [sflag:$0x4], $0x80, $0x38;
	[tilespmem:$0x1CA00] =	vst v63  }
0x243: {  	s17 =	sadd.s32 $0x4030, s2;
	s22 =	simm.s32 $0x1A058  }
0x244: {  	[hbm4b:s17+s3] =	stream.linear.scatter [tilespmem:s22], [sflag:$0x4], $0x80, $0x38;
	[tilespmem:$0x1CA00] =	vst v63  }
0x245: {  	s17 =	sadd.s32 $0x4040, s2;
	s22 =	simm.s32 $0x1A260  }
0x246: {  	[hbm4b:s17+s3] =	stream.linear.scatter [tilespmem:s22], [sflag:$0x4], $0x80, $0x38;
	[tilespmem:$0x1CA00] =	vst v63  }
0x247: {  	s17 =	sadd.s32 $0x4050, s2;
	s22 =	simm.s32 $0x1A468  }
0x248: {  	[hbm4b:s17+s3] =	stream.linear.scatter [tilespmem:s22], [sflag:$0x4], $0x80, $0x38;
	[tilespmem:$0x1CA00] =	vst v63  }
0x249: {  	s17 =	sadd.s32 $0x4060, s2;
	s22 =	simm.s32 $0x1A670  }
0x24a: {  	[hbm4b:s17+s3] =	stream.linear.scatter [tilespmem:s22], [sflag:$0x4], $0x80, $0x38;
	[tilespmem:$0x1CA00] =	vst v63  }
0x24b: {  	s17 =	sadd.s32 $0x4070, s2;
	s22 =	simm.s32 $0x1A878  }
0x24c: {  	[hbm4b:s17+s3] =	stream.linear.scatter [tilespmem:s22], [sflag:$0x4], $0x80, $0x38;
	[tilespmem:$0x1CA00] =	vst v63  }
0x24d: {  	s17 =	sadd.s32 $0x4000, s14;
	s22 =	simm.s32 $0x19AC0  }
0x24e: {  	[hbm4b:s17+s3] =	stream.linear.scatter [tilespmem:s22], [sflag:$0x4], $0x80, $0x38;
	[tilespmem:$0x1CA00] =	vst v63  }
0x24f: {  	s17 =	sadd.s32 $0x4010, s14;
	s22 =	simm.s32 $0x19CC8  }
0x250: {  	[hbm4b:s17+s3] =	stream.linear.scatter [tilespmem:s22], [sflag:$0x4], $0x80, $0x38;
	[tilespmem:$0x1CA00] =	vst v63  }
0x251: {  	s17 =	sadd.s32 $0x4020, s14;
	s22 =	simm.s32 $0x19ED0  }
0x252: {  	[hbm4b:s17+s3] =	stream.linear.scatter [tilespmem:s22], [sflag:$0x4], $0x80, $0x38;
	[tilespmem:$0x1CA00] =	vst v63  }
0x253: {  	s17 =	sadd.s32 $0x4030, s14;
	s22 =	simm.s32 $0x1A0D8  }
0x254: {  	[hbm4b:s17+s3] =	stream.linear.scatter [tilespmem:s22], [sflag:$0x4], $0x80, $0x38;
	[tilespmem:$0x1CA00] =	vst v63  }
0x255: {  	s17 =	sadd.s32 $0x4040, s14;
	s22 =	simm.s32 $0x1A2E0  }
0x256: {  	[hbm4b:s17+s3] =	stream.linear.scatter [tilespmem:s22], [sflag:$0x4], $0x80, $0x38;
	[tilespmem:$0x1CA00] =	vst v63  }
0x257: {  	s17 =	sadd.s32 $0x4050, s14;
	s22 =	simm.s32 $0x1A4E8  }
0x258: {  	[hbm4b:s17+s3] =	stream.linear.scatter [tilespmem:s22], [sflag:$0x4], $0x80, $0x38;
	[tilespmem:$0x1CA00] =	vst v63  }
0x259: {  	s17 =	sadd.s32 $0x4060, s14;
	s22 =	simm.s32 $0x1A6F0  }
0x25a: {  	[hbm4b:s17+s3] =	stream.linear.scatter [tilespmem:s22], [sflag:$0x4], $0x80, $0x38;
	[tilespmem:$0x1CA00] =	vst v63  }
0x25b: {  	s16 =	sadd.s32 $0x4070, s14;
	s17 =	simm.s32 $0x1A8F8  }
0x25c: {  	[hbm4b:s16+s3] =	stream.linear.scatter [tilespmem:s17], [sflag:$0x4], $0x80, $0x38;
	[tilespmem:$0x1CA00] =	vst v63  }
0x25d: {  	s6 =	sadd.s32 s4, s12;
	s22 =	simm.s32 $0x1A980  }
0x25e: {  	[hbm4b:s6+s3] =	stream.linear.scatter [tilespmem:s22], [sflag:$0x4], $0x80, $0x38;
	[tilespmem:$0x1CA00] =	vst v63  }
0x25f: {  	s17 =	sadd.s32 $0x10, s6;
	s22 =	simm.s32 $0x1AB88  }
0x260: {  	[hbm4b:s17+s3] =	stream.linear.scatter [tilespmem:s22], [sflag:$0x4], $0x80, $0x38;
	[tilespmem:$0x1CA00] =	vst v63  }
0x261: {  	s17 =	sadd.s32 $0x20, s6;
	s22 =	simm.s32 $0x1AD90  }
0x262: {  	[hbm4b:s17+s3] =	stream.linear.scatter [tilespmem:s22], [sflag:$0x4], $0x80, $0x38;
	[tilespmem:$0x1CA00] =	vst v63  }
0x263: {  	s17 =	sadd.s32 $0x30, s6;
	s22 =	simm.s32 $0x1AF98  }
0x264: {  	[hbm4b:s17+s3] =	stream.linear.scatter [tilespmem:s22], [sflag:$0x4], $0x80, $0x38;
	[tilespmem:$0x1CA00] =	vst v63  }
0x265: {  	s17 =	sadd.s32 $0x40, s6;
	s22 =	simm.s32 $0x1B1A0  }
0x266: {  	[hbm4b:s17+s3] =	stream.linear.scatter [tilespmem:s22], [sflag:$0x4], $0x80, $0x38;
	[tilespmem:$0x1CA00] =	vst v63  }
0x267: {  	s17 =	sadd.s32 $0x50, s6;
	s22 =	simm.s32 $0x1B3A8  }
0x268: {  	[hbm4b:s17+s3] =	stream.linear.scatter [tilespmem:s22], [sflag:$0x4], $0x80, $0x38;
	[tilespmem:$0x1CA00] =	vst v63  }
0x269: {  	s17 =	sadd.s32 $0x60, s6;
	s22 =	simm.s32 $0x1B5B0  }
0x26a: {  	[hbm4b:s17+s3] =	stream.linear.scatter [tilespmem:s22], [sflag:$0x4], $0x80, $0x38;
	[tilespmem:$0x1CA00] =	vst v63  }
0x26b: {  	s6 =	sadd.s32 $0x70, s6;
	s22 =	simm.s32 $0x1B7B8  }
0x26c: {  	[hbm4b:s6+s3] =	stream.linear.scatter [tilespmem:s22], [sflag:$0x4], $0x80, $0x38;
	[tilespmem:$0x1CA00] =	vst v63  }
0x26d: {  	s17 =	sadd.s32 $0x8000, s0;
	s22 =	simm.s32 $0x1AA00  }
0x26e: {  	[hbm4b:s17+s3] =	stream.linear.scatter [tilespmem:s22], [sflag:$0x4], $0x80, $0x38;
	[tilespmem:$0x1CA00] =	vst v63  }
0x26f: {  	s17 =	sadd.s32 $0x8010, s0;
	s22 =	simm.s32 $0x1AC08  }
0x270: {  	[hbm4b:s17+s3] =	stream.linear.scatter [tilespmem:s22], [sflag:$0x4], $0x80, $0x38;
	[tilespmem:$0x1CA00] =	vst v63  }
0x271: {  	s17 =	sadd.s32 $0x8020, s0;
	s22 =	simm.s32 $0x1AE10  }
0x272: {  	[hbm4b:s17+s3] =	stream.linear.scatter [tilespmem:s22], [sflag:$0x4], $0x80, $0x38;
	[tilespmem:$0x1CA00] =	vst v63  }
0x273: {  	s17 =	sadd.s32 $0x8030, s0;
	s22 =	simm.s32 $0x1B018  }
0x274: {  	[hbm4b:s17+s3] =	stream.linear.scatter [tilespmem:s22], [sflag:$0x4], $0x80, $0x38;
	[tilespmem:$0x1CA00] =	vst v63  }
0x275: {  	s17 =	sadd.s32 $0x8040, s0;
	s22 =	simm.s32 $0x1B220  }
0x276: {  	[hbm4b:s17+s3] =	stream.linear.scatter [tilespmem:s22], [sflag:$0x4], $0x80, $0x38;
	[tilespmem:$0x1CA00] =	vst v63  }
0x277: {  	s17 =	sadd.s32 $0x8050, s0;
	s22 =	simm.s32 $0x1B428  }
0x278: {  	[hbm4b:s17+s3] =	stream.linear.scatter [tilespmem:s22], [sflag:$0x4], $0x80, $0x38;
	[tilespmem:$0x1CA00] =	vst v63  }
0x279: {  	s17 =	sadd.s32 $0x8060, s0;
	s22 =	simm.s32 $0x1B630  }
0x27a: {  	[hbm4b:s17+s3] =	stream.linear.scatter [tilespmem:s22], [sflag:$0x4], $0x80, $0x38;
	[tilespmem:$0x1CA00] =	vst v63  }
0x27b: {  	s17 =	sadd.s32 $0x8070, s0;
	s22 =	simm.s32 $0x1B838  }
0x27c: {  	[hbm4b:s17+s3] =	stream.linear.scatter [tilespmem:s22], [sflag:$0x4], $0x80, $0x38;
	[tilespmem:$0x1CA00] =	vst v63  }
0x27d: {  	s17 =	sadd.s32 $0x8000, s2;
	s22 =	simm.s32 $0x1AA80  }
0x27e: {  	[hbm4b:s17+s3] =	stream.linear.scatter [tilespmem:s22], [sflag:$0x4], $0x80, $0x38;
	[tilespmem:$0x1CA00] =	vst v63  }
0x27f: {  	s17 =	sadd.s32 $0x8010, s2;
	s22 =	simm.s32 $0x1AC88  }
0x280: {  	[hbm4b:s17+s3] =	stream.linear.scatter [tilespmem:s22], [sflag:$0x4], $0x80, $0x38;
	[tilespmem:$0x1CA00] =	vst v63  }
0x281: {  	s17 =	sadd.s32 $0x8020, s2;
	s22 =	simm.s32 $0x1AE90  }
0x282: {  	[hbm4b:s17+s3] =	stream.linear.scatter [tilespmem:s22], [sflag:$0x4], $0x80, $0x38;
	[tilespmem:$0x1CA00] =	vst v63  }
0x283: {  	s17 =	sadd.s32 $0x8030, s2;
	s22 =	simm.s32 $0x1B098  }
0x284: {  	[hbm4b:s17+s3] =	stream.linear.scatter [tilespmem:s22], [sflag:$0x4], $0x80, $0x38;
	[tilespmem:$0x1CA00] =	vst v63  }
0x285: {  	s17 =	sadd.s32 $0x8040, s2;
	s22 =	simm.s32 $0x1B2A0  }
0x286: {  	[hbm4b:s17+s3] =	stream.linear.scatter [tilespmem:s22], [sflag:$0x4], $0x80, $0x38;
	[tilespmem:$0x1CA00] =	vst v63  }
0x287: {  	s17 =	sadd.s32 $0x8050, s2;
	s22 =	simm.s32 $0x1B4A8  }
0x288: {  	[hbm4b:s17+s3] =	stream.linear.scatter [tilespmem:s22], [sflag:$0x4], $0x80, $0x38;
	[tilespmem:$0x1CA00] =	vst v63  }
0x289: {  	s17 =	sadd.s32 $0x8060, s2;
	s22 =	simm.s32 $0x1B6B0  }
0x28a: {  	[hbm4b:s17+s3] =	stream.linear.scatter [tilespmem:s22], [sflag:$0x4], $0x80, $0x38;
	[tilespmem:$0x1CA00] =	vst v63  }
0x28b: {  	s17 =	sadd.s32 $0x8070, s2;
	s22 =	simm.s32 $0x1B8B8  }
0x28c: {  	[hbm4b:s17+s3] =	stream.linear.scatter [tilespmem:s22], [sflag:$0x4], $0x80, $0x38;
	[tilespmem:$0x1CA00] =	vst v63  }
0x28d: {  	s17 =	sadd.s32 $0x8000, s14;
	s22 =	simm.s32 $0x1AB00  }
0x28e: {  	[hbm4b:s17+s3] =	stream.linear.scatter [tilespmem:s22], [sflag:$0x4], $0x80, $0x38;
	[tilespmem:$0x1CA00] =	vst v63  }
0x28f: {  	s17 =	sadd.s32 $0x8010, s14;
	s22 =	simm.s32 $0x1AD08  }
0x290: {  	[hbm4b:s17+s3] =	stream.linear.scatter [tilespmem:s22], [sflag:$0x4], $0x80, $0x38;
	[tilespmem:$0x1CA00] =	vst v63  }
0x291: {  	s17 =	sadd.s32 $0x8020, s14;
	s22 =	simm.s32 $0x1AF10  }
0x292: {  	[hbm4b:s17+s3] =	stream.linear.scatter [tilespmem:s22], [sflag:$0x4], $0x80, $0x38;
	[tilespmem:$0x1CA00] =	vst v63  }
0x293: {  	s17 =	sadd.s32 $0x8030, s14;
	s22 =	simm.s32 $0x1B118  }
0x294: {  	[hbm4b:s17+s3] =	stream.linear.scatter [tilespmem:s22], [sflag:$0x4], $0x80, $0x38;
	[tilespmem:$0x1CA00] =	vst v63  }
0x295: {  	s17 =	sadd.s32 $0x8040, s14;
	s22 =	simm.s32 $0x1B320  }
0x296: {  	[hbm4b:s17+s3] =	stream.linear.scatter [tilespmem:s22], [sflag:$0x4], $0x80, $0x38;
	[tilespmem:$0x1CA00] =	vst v63  }
0x297: {  	s17 =	sadd.s32 $0x8050, s14;
	s22 =	simm.s32 $0x1B528  }
0x298: {  	[hbm4b:s17+s3] =	stream.linear.scatter [tilespmem:s22], [sflag:$0x4], $0x80, $0x38;
	[tilespmem:$0x1CA00] =	vst v63  }
0x299: {  	s17 =	sadd.s32 $0x8060, s14;
	s22 =	simm.s32 $0x1B730  }
0x29a: {  	[hbm4b:s17+s3] =	stream.linear.scatter [tilespmem:s22], [sflag:$0x4], $0x80, $0x38;
	[tilespmem:$0x1CA00] =	vst v63  }
0x29b: {  	s17 =	sadd.s32 $0x8070, s14;
	s22 =	simm.s32 $0x1B938  }
0x29c: {  	[hbm4b:s17+s3] =	stream.linear.scatter [tilespmem:s22], [sflag:$0x4], $0x80, $0x38;
	[tilespmem:$0x1CA00] =	vst v63  }
0x29d: {  	s4 =	sadd.s32 s4, s13;
	s16 =	simm.s32 $0x1B9C0  }
0x29e: {  	[hbm4b:s4+s3] =	stream.linear.scatter [tilespmem:s16], [sflag:$0x4], $0x80, $0x38;
	[tilespmem:$0x1CA00] =	vst v63  }
0x29f: {  	s17 =	sadd.s32 $0x10, s4;
	s22 =	simm.s32 $0x1BBC8  }
0x2a0: {  	[hbm4b:s17+s3] =	stream.linear.scatter [tilespmem:s22], [sflag:$0x4], $0x80, $0x38;
	[tilespmem:$0x1CA00] =	vst v63  }
0x2a1: {  	s17 =	sadd.s32 $0x20, s4;
	s22 =	simm.s32 $0x1BDD0  }
0x2a2: {  	[hbm4b:s17+s3] =	stream.linear.scatter [tilespmem:s22], [sflag:$0x4], $0x80, $0x38;
	[tilespmem:$0x1CA00] =	vst v63  }
0x2a3: {  	s17 =	sadd.s32 $0x30, s4;
	s22 =	simm.s32 $0x1BFD8  }
0x2a4: {  	[hbm4b:s17+s3] =	stream.linear.scatter [tilespmem:s22], [sflag:$0x4], $0x80, $0x38;
	[tilespmem:$0x1CA00] =	vst v63  }
0x2a5: {  	s17 =	sadd.s32 $0x40, s4;
	s22 =	simm.s32 $0x1C1E0  }
0x2a6: {  	[hbm4b:s17+s3] =	stream.linear.scatter [tilespmem:s22], [sflag:$0x4], $0x80, $0x38;
	[tilespmem:$0x1CA00] =	vst v63  }
0x2a7: {  	s17 =	sadd.s32 $0x50, s4;
	s22 =	simm.s32 $0x1C3E8  }
0x2a8: {  	[hbm4b:s17+s3] =	stream.linear.scatter [tilespmem:s22], [sflag:$0x4], $0x80, $0x38;
	[tilespmem:$0x1CA00] =	vst v63  }
0x2a9: {  	s16 =	sadd.s32 $0x60, s4;
	s17 =	simm.s32 $0x1C5F0  }
0x2aa: {  	[hbm4b:s16+s3] =	stream.linear.scatter [tilespmem:s17], [sflag:$0x4], $0x80, $0x38;
	[tilespmem:$0x1CA00] =	vst v63  }
0x2ab: {  	s4 =	sadd.s32 $0x70, s4;
	s22 =	simm.s32 $0x1C7F8  }
0x2ac: {  	[hbm4b:s4+s3] =	stream.linear.scatter [tilespmem:s22], [sflag:$0x4], $0x80, $0x38;
	[tilespmem:$0x1CA00] =	vst v63  }
0x2ad: {  	s6 =	sadd.s32 $0xC000, s0;
	s16 =	simm.s32 $0x1BA40  }
0x2ae: {  	[hbm4b:s6+s3] =	stream.linear.scatter [tilespmem:s16], [sflag:$0x4], $0x80, $0x38;
	[tilespmem:$0x1CA00] =	vst v63  }
0x2af: {  	s17 =	sadd.s32 $0xC010, s0;
	s22 =	simm.s32 $0x1BC48  }
0x2b0: {  	[hbm4b:s17+s3] =	stream.linear.scatter [tilespmem:s22], [sflag:$0x4], $0x80, $0x38;
	[tilespmem:$0x1CA00] =	vst v63  }
0x2b1: {  	s6 =	sadd.s32 $0xC020, s0;
	s16 =	simm.s32 $0x1BE50  }
0x2b2: {  	[hbm4b:s6+s3] =	stream.linear.scatter [tilespmem:s16], [sflag:$0x4], $0x80, $0x38;
	[tilespmem:$0x1CA00] =	vst v63  }
0x2b3: {  	s17 =	sadd.s32 $0xC030, s0;
	s22 =	simm.s32 $0x1C058  }
0x2b4: {  	[hbm4b:s17+s3] =	stream.linear.scatter [tilespmem:s22], [sflag:$0x4], $0x80, $0x38;
	[tilespmem:$0x1CA00] =	vst v63  }
0x2b5: {  	s6 =	sadd.s32 $0xC040, s0;
	s16 =	simm.s32 $0x1C260  }
0x2b6: {  	[hbm4b:s6+s3] =	stream.linear.scatter [tilespmem:s16], [sflag:$0x4], $0x80, $0x38;
	[tilespmem:$0x1CA00] =	vst v63  }
0x2b7: {  	s17 =	sadd.s32 $0xC050, s0;
	s22 =	simm.s32 $0x1C468  }
0x2b8: {  	[hbm4b:s17+s3] =	stream.linear.scatter [tilespmem:s22], [sflag:$0x4], $0x80, $0x38;
	[tilespmem:$0x1CA00] =	vst v63  }
0x2b9: {  	s16 =	sadd.s32 $0xC060, s0;
	s17 =	simm.s32 $0x1C670  }
0x2ba: {  	[hbm4b:s16+s3] =	stream.linear.scatter [tilespmem:s17], [sflag:$0x4], $0x80, $0x38;
	[tilespmem:$0x1CA00] =	vst v63  }
0x2bb: {  	s0 =	sadd.s32 $0xC070, s0;
	s22 =	simm.s32 $0x1C878  }
0x2bc: {  	[hbm4b:s0+s3] =	stream.linear.scatter [tilespmem:s22], [sflag:$0x4], $0x80, $0x38;
	[tilespmem:$0x1CA00] =	vst v63  }
0x2bd: {  	s6 =	sadd.s32 $0xC000, s2;
	s16 =	simm.s32 $0x1BAC0  }
0x2be: {  	[hbm4b:s6+s3] =	stream.linear.scatter [tilespmem:s16], [sflag:$0x4], $0x80, $0x38;
	[tilespmem:$0x1CA00] =	vst v63  }
0x2bf: {  	s17 =	sadd.s32 $0xC010, s2;
	s22 =	simm.s32 $0x1BCC8  }
0x2c0: {  	[hbm4b:s17+s3] =	stream.linear.scatter [tilespmem:s22], [sflag:$0x4], $0x80, $0x38;
	[tilespmem:$0x1CA00] =	vst v63  }
0x2c1: {  	s6 =	sadd.s32 $0xC020, s2;
	s16 =	simm.s32 $0x1BED0  }
0x2c2: {  	[hbm4b:s6+s3] =	stream.linear.scatter [tilespmem:s16], [sflag:$0x4], $0x80, $0x38;
	[tilespmem:$0x1CA00] =	vst v63  }
0x2c3: {  	s17 =	sadd.s32 $0xC030, s2;
	s22 =	simm.s32 $0x1C0D8  }
0x2c4: {  	[hbm4b:s17+s3] =	stream.linear.scatter [tilespmem:s22], [sflag:$0x4], $0x80, $0x38;
	[tilespmem:$0x1CA00] =	vst v63  }
0x2c5: {  	s6 =	sadd.s32 $0xC040, s2;
	s16 =	simm.s32 $0x1C2E0  }
0x2c6: {  	[hbm4b:s6+s3] =	stream.linear.scatter [tilespmem:s16], [sflag:$0x4], $0x80, $0x38;
	[tilespmem:$0x1CA00] =	vst v63  }
0x2c7: {  	s17 =	sadd.s32 $0xC050, s2;
	s22 =	simm.s32 $0x1C4E8  }
0x2c8: {  	[hbm4b:s17+s3] =	stream.linear.scatter [tilespmem:s22], [sflag:$0x4], $0x80, $0x38;
	[tilespmem:$0x1CA00] =	vst v63  }
0x2c9: {  	s6 =	sadd.s32 $0xC060, s2;
	s16 =	simm.s32 $0x1C6F0  }
0x2ca: {  	[hbm4b:s6+s3] =	stream.linear.scatter [tilespmem:s16], [sflag:$0x4], $0x80, $0x38;
	[tilespmem:$0x1CA00] =	vst v63  }
0x2cb: {  	s17 =	sadd.s32 $0xC070, s2;
	s22 =	simm.s32 $0x1C8F8  }
0x2cc: {  	[hbm4b:s17+s3] =	stream.linear.scatter [tilespmem:s22], [sflag:$0x4], $0x80, $0x38;
	[tilespmem:$0x1CA00] =	vst v63  }
0x2cd: {  	s4 =	simm.s32 $0x1BB40;
	s2 =	sadd.s32 $0xC000, s14  }
0x2ce: {  	[hbm4b:s2+s3] =	stream.linear.scatter [tilespmem:s4], [sflag:$0x4], $0x80, $0x38;
	[tilespmem:$0x1CA00] =	vst v63  }
0x2cf: {  	s6 =	sadd.s32 $0xC010, s14;
	s16 =	simm.s32 $0x1BD48  }
0x2d0: {  	[hbm4b:s6+s3] =	stream.linear.scatter [tilespmem:s16], [sflag:$0x4], $0x80, $0x38;
	[tilespmem:$0x1CA00] =	vst v63  }
0x2d1: {  	s17 =	sadd.s32 $0xC020, s14;
	s22 =	simm.s32 $0x1BF50  }
0x2d2: {  	[hbm4b:s17+s3] =	stream.linear.scatter [tilespmem:s22], [sflag:$0x4], $0x80, $0x38;
	[tilespmem:$0x1CA00] =	vst v63  }
0x2d3: {  	s4 =	sadd.s32 $0xC030, s14  }
0x2d4: {  	[hbm4b:s4+s3] =	stream.linear.scatter [tilespmem:s23], [sflag:$0x4], $0x80, $0x38;
	[tilespmem:$0x1CA00] =	vst v63  }
0x2d5: {  	s31 =	sadd.s32 $0x1, s31;
	s6 =	sadd.s32 $0xC040, s14  }
0x2d6: {  	[hbm4b:s6+s3] =	stream.linear.scatter [tilespmem:s24], [sflag:$0x4], $0x80, $0x38;
	[tilespmem:$0x1CA00] =	vst v63  }
0x2d7: {  	p1 =	sne.s32 s31, $0x32;
	s16 =	sadd.s32 $0xC050, s14  }
0x2d8: {  	[hbm4b:s16+s3] =	stream.linear.scatter [tilespmem:s25], [sflag:$0x4], $0x80, $0x38;
	[tilespmem:$0x1CA00] =	vst v63  }
.Ltmp2:
0x2d9: {  	_ = 	snop;
	(pc) =	sbr.rel @p1 .LBB2_3-.Ltmp2, $4  }
0x2da: {  	s17 =	sadd.s32 $0xC060, s14  }
0x2db: {  	[hbm4b:s17+s3] =	stream.linear.scatter [tilespmem:s26], [sflag:$0x4], $0x80, $0x38;
	[tilespmem:$0x1CA00] =	vst v63  }
0x2dc: {  	s22 =	sadd.s32 $0xC070, s14  }
0x2dd: {  	[hbm4b:s22+s3] =	stream.linear.scatter [tilespmem:s28], [sflag:$0x4], $0x80, $0x38;
	[tilespmem:$0x1CA00] =	vst v63  }
0x2de: {  	s0 =	simm.s32 $0x1  }
0x2df: {  	_ =	swait.ge [sflag:s0], $0x4000  }
.Ltmp3:
0x2e0: {  	[sflag:s0] =	ssyncset.done $0x0;
	(pc) =	sbr.rel @p0 .LBB2_2-.Ltmp3, $4  }
0x2e1: {  	[sflag:s0] =	ssyncadd.s32 $0xFFFFC000  }
0x2e2: {  	_ =	swait.ge [sflag:s18], $0x4000  }
0x2e3: {  	[sflag:s18] =	ssyncset.done $0x0  }
0x2e4: {  	p1 =	por $0x0, $0x0;
	[sflag:s18] =	ssyncadd.s32 $0xFFFFC000  }
0x2e5: {  	s0 =	simm.s32 $0x3  }
0x2e6: {  	_ =	swait.ge [sflag:s0], $0x400  }
0x2e7: {  	[sflag:s0] =	ssyncset.done $0x0  }
0x2e8: {  	[sflag:s0] =	ssyncadd.s32 $0xFFFFFC00  }
0x2e9: {  	_ =	swait.ge [sflag:s0], $0x400  }
0x2ea: {  	[sflag:s0] =	ssyncset.done $0x0  }
0x2eb: {  	[sflag:s0] =	ssyncadd.s32 $0xFFFFFC00  }
0x2ec: {  	_ =	swait.ge [sflag:s0], $0x400  }
0x2ed: {  	[sflag:s0] =	ssyncset.done $0x0  }
0x2ee: {  	[sflag:s0] =	ssyncadd.s32 $0xFFFFFC00  }
0x2ef: {  	_ =	swait.ge [sflag:s0], $0x400  }
0x2f0: {  	[sflag:s0] =	ssyncset.done $0x0  }
0x2f1: {  	[sflag:s0] =	ssyncadd.s32 $0xFFFFFC00  }
0x2f2: {  	_ =	swait.ge [sflag:s0], $0x400  }
0x2f3: {  	[sflag:s0] =	ssyncset.done $0x0  }
0x2f4: {  	[sflag:s0] =	ssyncadd.s32 $0xFFFFFC00  }
0x2f5: {  	_ =	swait.ge [sflag:s0], $0x400  }
0x2f6: {  	[sflag:s0] =	ssyncset.done $0x0  }
0x2f7: {  	[sflag:s0] =	ssyncadd.s32 $0xFFFFFC00  }
0x2f8: {  	_ =	swait.ge [sflag:s0], $0x400  }
0x2f9: {  	[sflag:s0] =	ssyncset.done $0x0  }
0x2fa: {  	[sflag:s0] =	ssyncadd.s32 $0xFFFFFC00  }
0x2fb: {  	_ =	swait.ge [sflag:s0], $0x400  }
0x2fc: {  	[sflag:s0] =	ssyncset.done $0x0  }
0x2fd: {  	[sflag:s0] =	ssyncadd.s32 $0xFFFFFC00  }
0x2fe: {  	_ =	swait.ge [sflag:s0], $0x400  }
0x2ff: {  	[sflag:s0] =	ssyncset.done $0x0  }
0x300: {  	[sflag:s0] =	ssyncadd.s32 $0xFFFFFC00  }
0x301: {  	_ =	swait.ge [sflag:s0], $0x400  }
0x302: {  	[sflag:s0] =	ssyncset.done $0x0  }
0x303: {  	[sflag:s0] =	ssyncadd.s32 $0xFFFFFC00  }
0x304: {  	_ =	swait.ge [sflag:s0], $0x400  }
0x305: {  	[sflag:s0] =	ssyncset.done $0x0  }
0x306: {  	[sflag:s0] =	ssyncadd.s32 $0xFFFFFC00  }
0x307: {  	_ =	swait.ge [sflag:s0], $0x400  }
0x308: {  	[sflag:s0] =	ssyncset.done $0x0  }
0x309: {  	[sflag:s0] =	ssyncadd.s32 $0xFFFFFC00  }
0x30a: {  	_ =	swait.ge [sflag:s0], $0x400  }
0x30b: {  	[sflag:s0] =	ssyncset.done $0x0  }
0x30c: {  	[sflag:s0] =	ssyncadd.s32 $0xFFFFFC00  }
0x30d: {  	_ =	swait.ge [sflag:s0], $0x400  }
0x30e: {  	[sflag:s0] =	ssyncset.done $0x0  }
0x30f: {  	[sflag:s0] =	ssyncadd.s32 $0xFFFFFC00  }
0x310: {  	_ =	swait.ge [sflag:s0], $0x400  }
0x311: {  	[sflag:s0] =	ssyncset.done $0x0  }
0x312: {  	[sflag:s0] =	ssyncadd.s32 $0xFFFFFC00  }
0x313: {  	_ =	swait.ge [sflag:s0], $0x400  }
0x314: {  	[sflag:s0] =	ssyncset.done $0x0  }
0x315: {  	s2 =	simm.s32 $0x4;
	[sflag:s0] =	ssyncadd.s32 $0xFFFFFC00  }
0x316: {  	_ =	swait.ge [sflag:s2], $0x400  }
0x317: {  	[sflag:s2] =	ssyncset.done $0x0  }
0x318: {  	[sflag:s2] =	ssyncadd.s32 $0xFFFFFC00  }
0x319: {  	_ =	swait.ge [sflag:s2], $0x400  }
0x31a: {  	[sflag:s2] =	ssyncset.done $0x0  }
0x31b: {  	[sflag:s2] =	ssyncadd.s32 $0xFFFFFC00  }
0x31c: {  	_ =	swait.ge [sflag:s2], $0x400  }
0x31d: {  	[sflag:s2] =	ssyncset.done $0x0  }
0x31e: {  	[sflag:s2] =	ssyncadd.s32 $0xFFFFFC00  }
0x31f: {  	_ =	swait.ge [sflag:s2], $0x400  }
0x320: {  	[sflag:s2] =	ssyncset.done $0x0  }
0x321: {  	[sflag:s2] =	ssyncadd.s32 $0xFFFFFC00  }
0x322: {  	_ =	swait.ge [sflag:s2], $0x400  }
0x323: {  	[sflag:s2] =	ssyncset.done $0x0  }
0x324: {  	[sflag:s2] =	ssyncadd.s32 $0xFFFFFC00  }
0x325: {  	_ =	swait.ge [sflag:s2], $0x400  }
0x326: {  	[sflag:s2] =	ssyncset.done $0x0  }
0x327: {  	[sflag:s2] =	ssyncadd.s32 $0xFFFFFC00  }
0x328: {  	_ =	swait.ge [sflag:s2], $0x400  }
0x329: {  	[sflag:s2] =	ssyncset.done $0x0  }
0x32a: {  	[sflag:s2] =	ssyncadd.s32 $0xFFFFFC00  }
0x32b: {  	_ =	swait.ge [sflag:s2], $0x400  }
0x32c: {  	[sflag:s2] =	ssyncset.done $0x0  }
0x32d: {  	[sflag:s2] =	ssyncadd.s32 $0xFFFFFC00  }
0x32e: {  	_ =	swait.ge [sflag:s2], $0x400  }
0x32f: {  	[sflag:s2] =	ssyncset.done $0x0  }
0x330: {  	[sflag:s2] =	ssyncadd.s32 $0xFFFFFC00  }
0x331: {  	_ =	swait.ge [sflag:s2], $0x400  }
0x332: {  	[sflag:s2] =	ssyncset.done $0x0  }
0x333: {  	[sflag:s2] =	ssyncadd.s32 $0xFFFFFC00  }
0x334: {  	_ =	swait.ge [sflag:s2], $0x400  }
0x335: {  	[sflag:s2] =	ssyncset.done $0x0  }
0x336: {  	[sflag:s2] =	ssyncadd.s32 $0xFFFFFC00  }
0x337: {  	_ =	swait.ge [sflag:s2], $0x400  }
0x338: {  	[sflag:s2] =	ssyncset.done $0x0  }
0x339: {  	[sflag:s2] =	ssyncadd.s32 $0xFFFFFC00  }
0x33a: {  	_ =	swait.ge [sflag:s2], $0x400  }
0x33b: {  	[sflag:s2] =	ssyncset.done $0x0  }
0x33c: {  	[sflag:s2] =	ssyncadd.s32 $0xFFFFFC00  }
0x33d: {  	_ =	swait.ge [sflag:s2], $0x400  }
0x33e: {  	[sflag:s2] =	ssyncset.done $0x0  }
0x33f: {  	[sflag:s2] =	ssyncadd.s32 $0xFFFFFC00  }
0x340: {  	_ =	swait.ge [sflag:s2], $0x400  }
0x341: {  	[sflag:s2] =	ssyncset.done $0x0  }
0x342: {  	[sflag:s2] =	ssyncadd.s32 $0xFFFFFC00  }
0x343: {  	_ =	swait.ge [sflag:s2], $0x400  }
0x344: {  	s4 =	rddreg [dreg:$0x6]  }
0x345: {  	s31 =	rddreg [dreg:$0x5];
	s4 =	sadd.s32 $0x1, s4  }
0x346: {  	p0 =	sne.s32 s4, s31  }
.Ltmp4:
0x347: {  	_ = 	snop;
	(pc) =	sbr.rel @p0 .LBB2_1-.Ltmp4, $3  }
0x348: {  	_ =	sdelay $0x1  }
0x349: {  	[sflag:s2] =	ssyncset.done $0x0  }
0x34a: {  	[sflag:s2] =	ssyncadd.s32 $0xFFFFFC00  }
0x34b: {  	_ =	sfence.sel $0x180000  }
0x34c: {  	[bflag:$0x0] =	sbarrier.arrive $0xFFFF  }
0x34d: {  	_ =	strace $0x90000047  }
0x34e: {  	s0 =	stileid.u32;
	[bflag:$0x2] =	sbarrier.arrive $0xFFFF  }
0x34f: {  	p0 =	sne.s32 s0, $0x0;
	s0 =	rddreg [dreg:$0x2]  }
0x350: {  	s0 =	sadd.s32 @!p0 $0x100000, s0  }
0x351: {  	[sflag:s0] =	ssyncadd.tile.s32 @!p0 $0x1;
	_ =	shalt  }
.Lfunc_end2:
_tile_overlayer_lowered:
.L_overlay_start_2:
0x352: {  	(tag) =	ssettag $0x2  }
0x353: {  	s0 =	rddreg [dreg:$0x0];
	s2 =	stileid.u32  }
0x354: {  	s1 =	rddreg [dreg:$0x1];
	p0 =	sne.s32 s2, $0x0  }
0x355: {  	s3 =	rddreg [dreg:$0x2];
	[bflag:$0x3] =	sbarrier.arrive $0xFFFF;
	s2 =	simm.s32 @!p0 $0x1C05  }
0x356: {  	[timem:s3], [sflag:s2] =	dma.local @!p0 [hbm:s0], s1  }
0x357: {  	s0 =	simm.s32 @!p0 $0x5  }
0x358: {  	_ =	swait.ge @!p0 [sflag:s0], s1  }
0x359: {  	s1 =	ssub.s32 @!p0 $0x0, s1;
	[sflag:s0] =	ssyncset.done @!p0 $0x0  }
0x35a: {  	[sflag:s0] =	ssyncadd.s32 @!p0 s1  }
0x35b: {  	[bflag:$0x3] =	sbarrier.arrive $0xFFFF  }
0x35c: {  	_ =	shalt  }

</sc_bundles>
